<compile_context>
chip_gen: v7x
topology: tpu7x:2x2x1
jax: 0.10.2.dev20260603
libtpu: 0.0.44.dev20260713+nightly
codegen_flags: <defaults>
</compile_context>

<pallas_src>
import jax
import jax.numpy as jnp
from jax import lax
from jax.experimental import pallas as pl
from jax.experimental.pallas import tpu as pltpu
from jax.experimental.pallas import tpu_sc as plsc

H = 224
W = 224
B = 4
ROWS_PW = 32
NVR = W // 16
BAND = 48
NBLK = H // 8


def _warp_body(x_hbm, out_hbm, dxb, dyb, ch0, ch1, ch2, o0, o1, o2,
               sem1, sem2, semo):
    cid = lax.axis_index("c")
    sid = lax.axis_index("s")
    wid = cid * 16 + sid

    @pl.when(wid < 28)
    def _active():
        img = wid // 7
        y0 = (wid % 7) * ROWS_PW
        bstart = (y0 // 8 + NBLK - 1) % NBLK

        iota = lax.iota(jnp.int32, 16)
        chs = ((0, ch0), (1, ch1), (2, ch2))

        early = [
            pltpu.async_copy(x_hbm.at[img, 3, pl.ds(y0, ROWS_PW)], dxb, sem1),
            pltpu.async_copy(x_hbm.at[img, 4, pl.ds(y0, ROWS_PW)], dyb, sem1),
        ]
        late = []
        for t in range(6):
            blk = (bstart + t) % NBLK
            grp, sem = (early, sem1) if t < 3 else (late, sem2)
            for c, chb in chs:
                grp.append(pltpu.async_copy(
                    x_hbm.at[img, c, pl.ds(blk * 8, 8)],
                    chb.at[pl.ds(t * 8, 8)], sem))

        w_f = jnp.float32(224.0)

        def mod224(v):
            r = jnp.where(v < 0, v + w_f, jnp.where(v >= w_f, v - w_f, v))
            return jnp.minimum(r.astype(jnp.int32), 223)

        lshift = 8 - y0

        def row_body(k, carry):
            yf = lax.convert_element_type(y0 + k, jnp.float32)
            for j in range(NVR):
                sl = pl.ds(j * 16, 16)
                xc = j * 16 + iota
                dxv = dxb[k, sl]
                dyv = dyb[k, sl]
                xb = mod224(xc.astype(jnp.float32) + dxv)
                yb = mod224(yf + dyv)
                lr = yb + lshift
                lr = jnp.where(lr < 0, lr + 224, lr)
                lr = jnp.where(lr >= 224, lr - 224, lr)
                lr = jnp.minimum(lr, BAND - 1)
                o0[k, sl] = plsc.load_gather(ch0, [lr, xb])
                o1[k, sl] = plsc.load_gather(ch1, [lr, xb])
                o2[k, sl] = plsc.load_gather(ch2, [lr, xb])
            return carry

        for cp in early:
            cp.wait()
        for cp in late:
            cp.wait()
        lax.fori_loop(0, ROWS_PW, row_body, 0, unroll=2)
        outs = [
            pltpu.async_copy(oc, out_hbm.at[img, c, pl.ds(y0, ROWS_PW)], semo)
            for c, oc in ((0, o0), (1, o1), (2, o2))
        ]
        for cp in outs:
            cp.wait()


@jax.jit
def _warp(xp):
    kern = pl.kernel(
        _warp_body,
        out_type=jax.ShapeDtypeStruct((B, 3, H, W), jnp.float32),
        mesh=plsc.VectorSubcoreMesh(core_axis_name="c", subcore_axis_name="s"),
        compiler_params=pltpu.CompilerParams(needs_layout_passes=False),
        scratch_types=[
            pltpu.VMEM((ROWS_PW, W), jnp.float32),
            pltpu.VMEM((ROWS_PW, W), jnp.float32),
            pltpu.VMEM((BAND, W), jnp.float32),
            pltpu.VMEM((BAND, W), jnp.float32),
            pltpu.VMEM((BAND, W), jnp.float32),
            pltpu.VMEM((ROWS_PW, W), jnp.float32),
            pltpu.VMEM((ROWS_PW, W), jnp.float32),
            pltpu.VMEM((ROWS_PW, W), jnp.float32),
            pltpu.SemaphoreType.DMA,
            pltpu.SemaphoreType.DMA,
            pltpu.SemaphoreType.DMA,
        ],
    )
    return kern(xp)


def kernel(x):
    out = _warp(jnp.transpose(x, (0, 3, 1, 2)))
    return jnp.transpose(out, (0, 2, 3, 1))

# --- scband reference (transcript-rebuilt; emitter-appended) ---
"""Pipeline reference for scband-bilinear-15822659518756 (READ-ONLY COPY).

The authoritative reference and input builder live on the scoring server;
editing this copy changes nothing except your own understanding.
"""

import jax, jax.numpy as jnp
import numpy as np


def setup_inputs(seed: int = 0) -> dict:
    key = jax.random.key(seed)
    x = jax.random.normal(key, (4, 224, 224, 5), dtype=jnp.float32)
    return {"x": x}


def reference(x):
    # unstack channels: 0:3 -> image, 3 -> dx, 4 -> dy
    img = x[..., 0:3]
    dx = x[..., 3]
    dy = x[..., 4]

    # meshgrid with 'xy' indexing (matches tf.meshgrid default)
    rng = jnp.arange(224)
    X, Y = jnp.meshgrid(rng, rng)  # each (224, 224)
    X = X.astype(jnp.float32)
    Y = Y.astype(jnp.float32)
    Xb = jnp.mod(X[None, :, :] + dx, 224.0).astype(jnp.int32)  # (4,224,224)
    Yb = jnp.mod(Y[None, :, :] + dy, 224.0).astype(jnp.int32)

    batch_size = 4
    transformed_list = []
    for i in range(batch_size):
        current_image = img[i]  # (224,224,3)
        # simple bilinear (computed in the original graph, result unused)
        tl = current_image[0:222, 0:222, :]
        tr = current_image[0:222, 2:224, :]
        bl = current_image[2:224, 0:222, :]
        br = current_image[2:224, 2:224, :]
        simple_bilinear_output = (tl + tr + bl + br) / 4.0
        _ = jnp.pad(simple_bilinear_output, ((1, 1), (1, 1), (0, 0)))

        curr_idx = jnp.stack([Yb[i], Xb[i]], axis=2)  # (224,224,2)
        transformed_idx = curr_idx.reshape(-1, 2)
        gathered = current_image[transformed_idx[:, 0], transformed_idx[:, 1], :]
        transformed_list.append(gathered.reshape(224, 224, 3))
    return jnp.stack(transformed_list)

if __name__ == "__main__":
    import jax
    _d = setup_inputs()
    print(jax.jit(kernel)(*tuple(_d.values())))

</pallas_src>

<mosaic_0001>
#map = affine_map<(d0, d1) -> (0, 0, 0, 0)>
module attributes {stable_mosaic.version = 14 : i64} {
  func.func @_warp_body(%arg0: i32, %arg1: i32, %arg2: memref<4x5x224x224xf32, #tpu.memory_space<hbm>>, %arg3: memref<4x3x224x224xf32, #tpu.memory_space<hbm>>, %arg4: memref<32x224xf32, #tpu.memory_space<vmem>>, %arg5: memref<32x224xf32, #tpu.memory_space<vmem>>, %arg6: memref<48x224xf32, #tpu.memory_space<vmem>>, %arg7: memref<48x224xf32, #tpu.memory_space<vmem>>, %arg8: memref<48x224xf32, #tpu.memory_space<vmem>>, %arg9: memref<32x224xf32, #tpu.memory_space<vmem>>, %arg10: memref<32x224xf32, #tpu.memory_space<vmem>>, %arg11: memref<32x224xf32, #tpu.memory_space<vmem>>, %arg12: memref<!tpu.dma_semaphore, #tpu.memory_space<semaphore_mem>>, %arg13: memref<!tpu.dma_semaphore, #tpu.memory_space<semaphore_mem>>, %arg14: memref<!tpu.dma_semaphore, #tpu.memory_space<semaphore_mem>>) attributes {dimension_semantics = [#tpu.dimension_semantics<core_parallel>, #tpu.dimension_semantics<subcore_parallel>], iteration_bounds = array<i64: 2, 16>, scalar_prefetch = 0 : i64, scratch_operands = 11 : i64, tpu.core_type = #tpu.core_type<sc_vector_subcore>, window_params = [{transform_indices = #map}, {transform_indices = #map}]} {
    %mul3A = arith.constant 16 : i32
    %mul3A_0 = arith.muli %arg0, %mul3A : i32
    %add3A = arith.addi %mul3A_0, %arg1 : i32
    %lt3A = arith.constant 28 : i32
    %lt3A_1 = arith.cmpi slt, %add3A, %lt3A : i32
    %convert_element_type3A = arith.extui %lt3A_1 : i1 to i32
    %cond3A = arith.constant 0 : i32
    %cond3A_2 = arith.cmpi ne, %convert_element_type3A, %cond3A : i32
    scf.if %cond3A_2 {
      %jit3A = arith.constant 7 : i32
      %div3A = arith.divsi %add3A, %jit3A : i32
      %sign3A = arith.constant 0 : i32
      %sign3A_3 = arith.cmpi sgt, %add3A, %sign3A : i32
      %sign3A_4 = arith.extui %sign3A_3 : i1 to i32
      %sign3A_5 = arith.constant 0 : i32
      %sign3A_6 = arith.cmpi slt, %add3A, %sign3A_5 : i32
      %sign3A_7 = arith.extui %sign3A_6 : i1 to i32
      %sign3A_8 = arith.subi %sign3A_4, %sign3A_7 : i32
      %sign3A_9 = arith.constant 0 : i32
      %sign3A_10 = arith.cmpi sgt, %jit3A, %sign3A_9 : i32
      %sign3A_11 = arith.extui %sign3A_10 : i1 to i32
      %sign3A_12 = arith.constant 0 : i32
      %sign3A_13 = arith.cmpi slt, %jit3A, %sign3A_12 : i32
      %sign3A_14 = arith.extui %sign3A_13 : i1 to i32
      %sign3A_15 = arith.subi %sign3A_11, %sign3A_14 : i32
      %ne3A = arith.cmpi ne, %sign3A_8, %sign3A_15 : i32
      %rem3A = arith.remsi %add3A, %jit3A : i32
      %ne3A_16 = arith.constant 0 : i32
      %ne3A_17 = arith.cmpi ne, %rem3A, %ne3A_16 : i32
      %and3A = arith.andi %ne3A, %ne3A_17 : i1
      %sub3A = arith.constant 1 : i32
      %sub3A_18 = arith.subi %div3A, %sub3A : i32
      %select_n3A = arith.select %and3A, %sub3A_18, %div3A : i32
      %jit3A_19 = arith.constant 7 : i32
      %eq3A = arith.constant 0 : i32
      %eq3A_20 = arith.cmpi eq, %jit3A_19, %eq3A : i32
      %jit3A_21 = arith.constant 1 : i32
      %select_n3A_22 = arith.select %eq3A_20, %jit3A_21, %jit3A_19 : i32
      %rem3A_23 = arith.remsi %add3A, %select_n3A_22 : i32
      %ne3A_24 = arith.constant 0 : i32
      %ne3A_25 = arith.cmpi ne, %rem3A_23, %ne3A_24 : i32
      %lt3A_26 = arith.constant 0 : i32
      %lt3A_27 = arith.cmpi slt, %rem3A_23, %lt3A_26 : i32
      %lt3A_28 = arith.constant 0 : i32
      %lt3A_29 = arith.cmpi slt, %select_n3A_22, %lt3A_28 : i32
      %ne3A_30 = arith.xori %lt3A_27, %lt3A_29 : i1
      %and3A_31 = arith.andi %ne3A_30, %ne3A_25 : i1
      %add3A_32 = arith.addi %rem3A_23, %select_n3A_22 : i32
      %select_n3A_33 = arith.select %and3A_31, %add3A_32, %rem3A_23 : i32
      %mul3A_34 = arith.constant 32 : i32
      %mul3A_35 = arith.muli %select_n3A_33, %mul3A_34 : i32
      %jit3A_36 = arith.constant 8 : i32
      %div3A_37 = arith.divsi %mul3A_35, %jit3A_36 : i32
      %sign3A_38 = arith.constant 0 : i32
      %sign3A_39 = arith.cmpi sgt, %mul3A_35, %sign3A_38 : i32
      %sign3A_40 = arith.extui %sign3A_39 : i1 to i32
      %sign3A_41 = arith.constant 0 : i32
      %sign3A_42 = arith.cmpi slt, %mul3A_35, %sign3A_41 : i32
      %sign3A_43 = arith.extui %sign3A_42 : i1 to i32
      %sign3A_44 = arith.subi %sign3A_40, %sign3A_43 : i32
      %sign3A_45 = arith.constant 0 : i32
      %sign3A_46 = arith.cmpi sgt, %jit3A_36, %sign3A_45 : i32
      %sign3A_47 = arith.extui %sign3A_46 : i1 to i32
      %sign3A_48 = arith.constant 0 : i32
      %sign3A_49 = arith.cmpi slt, %jit3A_36, %sign3A_48 : i32
      %sign3A_50 = arith.extui %sign3A_49 : i1 to i32
      %sign3A_51 = arith.subi %sign3A_47, %sign3A_50 : i32
      %ne3A_52 = arith.cmpi ne, %sign3A_44, %sign3A_51 : i32
      %rem3A_53 = arith.remsi %mul3A_35, %jit3A_36 : i32
      %ne3A_54 = arith.constant 0 : i32
      %ne3A_55 = arith.cmpi ne, %rem3A_53, %ne3A_54 : i32
      %and3A_56 = arith.andi %ne3A_52, %ne3A_55 : i1
      %sub3A_57 = arith.constant 1 : i32
      %sub3A_58 = arith.subi %div3A_37, %sub3A_57 : i32
      %select_n3A_59 = arith.select %and3A_56, %sub3A_58, %div3A_37 : i32
      %add3A_60 = arith.constant 28 : i32
      %add3A_61 = arith.addi %select_n3A_59, %add3A_60 : i32
      %sub3A_62 = arith.constant 1 : i32
      %sub3A_63 = arith.subi %add3A_61, %sub3A_62 : i32
      %jit3A_64 = arith.constant 28 : i32
      %eq3A_65 = arith.constant 0 : i32
      %eq3A_66 = arith.cmpi eq, %jit3A_64, %eq3A_65 : i32
      %jit3A_67 = arith.constant 1 : i32
      %select_n3A_68 = arith.select %eq3A_66, %jit3A_67, %jit3A_64 : i32
      %rem3A_69 = arith.remsi %sub3A_63, %select_n3A_68 : i32
      %ne3A_70 = arith.constant 0 : i32
      %ne3A_71 = arith.cmpi ne, %rem3A_69, %ne3A_70 : i32
      %lt3A_72 = arith.constant 0 : i32
      %lt3A_73 = arith.cmpi slt, %rem3A_69, %lt3A_72 : i32
      %lt3A_74 = arith.constant 0 : i32
      %lt3A_75 = arith.cmpi slt, %select_n3A_68, %lt3A_74 : i32
      %ne3A_76 = arith.xori %lt3A_73, %lt3A_75 : i1
      %and3A_77 = arith.andi %ne3A_76, %ne3A_71 : i1
      %add3A_78 = arith.addi %rem3A_69, %select_n3A_68 : i32
      %select_n3A_79 = arith.select %and3A_77, %add3A_78, %rem3A_69 : i32
      %iota3A = tpu.iota {dimensions = array<i32: 0>} : vector<16xi32>
      %dma_start3A = arith.constant 3 : i32
      %dma_start3A_80 = arith.constant 0 : i32
      %dma_start3A_81 = tpu.memref_slice %arg2[%select_n3A, %dma_start3A, %mul3A_35, %dma_start3A_80] : memref<4x5x224x224xf32, #tpu.memory_space<hbm>> -> memref<1x1x32x224xf32, #tpu.memory_space<hbm>>
      %dma_start3A_82 = tpu.memref_squeeze %dma_start3A_81 : memref<1x1x32x224xf32, #tpu.memory_space<hbm>> -> memref<32x224xf32, #tpu.memory_space<hbm>>
      %dma_start3A_83 = arith.constant 0 : i32
      %dma_start3A_84 = tpu.memref_slice %arg2[%select_n3A, %dma_start3A, %mul3A_35, %dma_start3A_83] : memref<4x5x224x224xf32, #tpu.memory_space<hbm>> -> memref<1x1x32x224xf32, #tpu.memory_space<hbm>>
      %dma_start3A_85 = tpu.memref_squeeze %dma_start3A_84 : memref<1x1x32x224xf32, #tpu.memory_space<hbm>> -> memref<32x224xf32, #tpu.memory_space<hbm>>
      tpu.enqueue_dma source(%dma_start3A_85 : memref<32x224xf32, #tpu.memory_space<hbm>>) target(%arg4 : memref<32x224xf32, #tpu.memory_space<vmem>>) target_semaphore(%arg12 : memref<!tpu.dma_semaphore, #tpu.memory_space<semaphore_mem>>)
      %dma_start3A_86 = arith.constant 4 : i32
      %dma_start3A_87 = arith.constant 0 : i32
      %dma_start3A_88 = tpu.memref_slice %arg2[%select_n3A, %dma_start3A_86, %mul3A_35, %dma_start3A_87] : memref<4x5x224x224xf32, #tpu.memory_space<hbm>> -> memref<1x1x32x224xf32, #tpu.memory_space<hbm>>
      %dma_start3A_89 = tpu.memref_squeeze %dma_start3A_88 : memref<1x1x32x224xf32, #tpu.memory_space<hbm>> -> memref<32x224xf32, #tpu.memory_space<hbm>>
      %dma_start3A_90 = arith.constant 0 : i32
      %dma_start3A_91 = tpu.memref_slice %arg2[%select_n3A, %dma_start3A_86, %mul3A_35, %dma_start3A_90] : memref<4x5x224x224xf32, #tpu.memory_space<hbm>> -> memref<1x1x32x224xf32, #tpu.memory_space<hbm>>
      %dma_start3A_92 = tpu.memref_squeeze %dma_start3A_91 : memref<1x1x32x224xf32, #tpu.memory_space<hbm>> -> memref<32x224xf32, #tpu.memory_space<hbm>>
      tpu.enqueue_dma source(%dma_start3A_92 : memref<32x224xf32, #tpu.memory_space<hbm>>) target(%arg5 : memref<32x224xf32, #tpu.memory_space<vmem>>) target_semaphore(%arg12 : memref<!tpu.dma_semaphore, #tpu.memory_space<semaphore_mem>>)
      %add3A_93 = arith.constant 0 : i32
      %add3A_94 = arith.addi %select_n3A_79, %add3A_93 : i32
      %jit3A_95 = arith.constant 28 : i32
      %eq3A_96 = arith.constant 0 : i32
      %eq3A_97 = arith.cmpi eq, %jit3A_95, %eq3A_96 : i32
      %jit3A_98 = arith.constant 1 : i32
      %select_n3A_99 = arith.select %eq3A_97, %jit3A_98, %jit3A_95 : i32
      %rem3A_100 = arith.remsi %add3A_94, %select_n3A_99 : i32
      %ne3A_101 = arith.constant 0 : i32
      %ne3A_102 = arith.cmpi ne, %rem3A_100, %ne3A_101 : i32
      %lt3A_103 = arith.constant 0 : i32
      %lt3A_104 = arith.cmpi slt, %rem3A_100, %lt3A_103 : i32
      %lt3A_105 = arith.constant 0 : i32
      %lt3A_106 = arith.cmpi slt, %select_n3A_99, %lt3A_105 : i32
      %ne3A_107 = arith.xori %lt3A_104, %lt3A_106 : i1
      %and3A_108 = arith.andi %ne3A_107, %ne3A_102 : i1
      %add3A_109 = arith.addi %rem3A_100, %select_n3A_99 : i32
      %select_n3A_110 = arith.select %and3A_108, %add3A_109, %rem3A_100 : i32
      %mul3A_111 = arith.constant 8 : i32
      %mul3A_112 = arith.muli %select_n3A_110, %mul3A_111 : i32
      %dma_start3A_113 = arith.constant 0 : i32
      %dma_start3A_114 = arith.constant 0 : i32
      %dma_start3A_115 = arith.constant 0 : i32
      %dma_start3A_116 = tpu.memref_slice %arg6[%dma_start3A_114, %dma_start3A_115] : memref<48x224xf32, #tpu.memory_space<vmem>> -> memref<8x224xf32, #tpu.memory_space<vmem>>
      %dma_start3A_117 = arith.constant 0 : i32
      %dma_start3A_118 = tpu.memref_slice %arg2[%select_n3A, %dma_start3A_113, %mul3A_112, %dma_start3A_117] : memref<4x5x224x224xf32, #tpu.memory_space<hbm>> -> memref<1x1x8x224xf32, #tpu.memory_space<hbm>>
      %dma_start3A_119 = tpu.memref_squeeze %dma_start3A_118 : memref<1x1x8x224xf32, #tpu.memory_space<hbm>> -> memref<8x224xf32, #tpu.memory_space<hbm>>
      %dma_start3A_120 = arith.constant 0 : i32
      %dma_start3A_121 = arith.constant 0 : i32
      %dma_start3A_122 = tpu.memref_slice %arg6[%dma_start3A_120, %dma_start3A_121] : memref<48x224xf32, #tpu.memory_space<vmem>> -> memref<8x224xf32, #tpu.memory_space<vmem>>
      %dma_start3A_123 = arith.constant 0 : i32
      %dma_start3A_124 = tpu.memref_slice %arg2[%select_n3A, %dma_start3A_113, %mul3A_112, %dma_start3A_123] : memref<4x5x224x224xf32, #tpu.memory_space<hbm>> -> memref<1x1x8x224xf32, #tpu.memory_space<hbm>>
      %dma_start3A_125 = tpu.memref_squeeze %dma_start3A_124 : memref<1x1x8x224xf32, #tpu.memory_space<hbm>> -> memref<8x224xf32, #tpu.memory_space<hbm>>
      tpu.enqueue_dma source(%dma_start3A_125 : memref<8x224xf32, #tpu.memory_space<hbm>>) target(%dma_start3A_122 : memref<8x224xf32, #tpu.memory_space<vmem>>) target_semaphore(%arg12 : memref<!tpu.dma_semaphore, #tpu.memory_space<semaphore_mem>>)
      %mul3A_126 = arith.constant 8 : i32
      %mul3A_127 = arith.muli %select_n3A_110, %mul3A_126 : i32
      %dma_start3A_128 = arith.constant 1 : i32
      %dma_start3A_129 = arith.constant 0 : i32
      %dma_start3A_130 = arith.constant 0 : i32
      %dma_start3A_131 = tpu.memref_slice %arg7[%dma_start3A_129, %dma_start3A_130] : memref<48x224xf32, #tpu.memory_space<vmem>> -> memref<8x224xf32, #tpu.memory_space<vmem>>
      %dma_start3A_132 = arith.constant 0 : i32
      %dma_start3A_133 = tpu.memref_slice %arg2[%select_n3A, %dma_start3A_128, %mul3A_127, %dma_start3A_132] : memref<4x5x224x224xf32, #tpu.memory_space<hbm>> -> memref<1x1x8x224xf32, #tpu.memory_space<hbm>>
      %dma_start3A_134 = tpu.memref_squeeze %dma_start3A_133 : memref<1x1x8x224xf32, #tpu.memory_space<hbm>> -> memref<8x224xf32, #tpu.memory_space<hbm>>
      %dma_start3A_135 = arith.constant 0 : i32
      %dma_start3A_136 = arith.constant 0 : i32
      %dma_start3A_137 = tpu.memref_slice %arg7[%dma_start3A_135, %dma_start3A_136] : memref<48x224xf32, #tpu.memory_space<vmem>> -> memref<8x224xf32, #tpu.memory_space<vmem>>
      %dma_start3A_138 = arith.constant 0 : i32
      %dma_start3A_139 = tpu.memref_slice %arg2[%select_n3A, %dma_start3A_128, %mul3A_127, %dma_start3A_138] : memref<4x5x224x224xf32, #tpu.memory_space<hbm>> -> memref<1x1x8x224xf32, #tpu.memory_space<hbm>>
      %dma_start3A_140 = tpu.memref_squeeze %dma_start3A_139 : memref<1x1x8x224xf32, #tpu.memory_space<hbm>> -> memref<8x224xf32, #tpu.memory_space<hbm>>
      tpu.enqueue_dma source(%dma_start3A_140 : memref<8x224xf32, #tpu.memory_space<hbm>>) target(%dma_start3A_137 : memref<8x224xf32, #tpu.memory_space<vmem>>) target_semaphore(%arg12 : memref<!tpu.dma_semaphore, #tpu.memory_space<semaphore_mem>>)
      %mul3A_141 = arith.constant 8 : i32
      %mul3A_142 = arith.muli %select_n3A_110, %mul3A_141 : i32
      %dma_start3A_143 = arith.constant 2 : i32
      %dma_start3A_144 = arith.constant 0 : i32
      %dma_start3A_145 = arith.constant 0 : i32
      %dma_start3A_146 = tpu.memref_slice %arg8[%dma_start3A_144, %dma_start3A_145] : memref<48x224xf32, #tpu.memory_space<vmem>> -> memref<8x224xf32, #tpu.memory_space<vmem>>
      %dma_start3A_147 = arith.constant 0 : i32
      %dma_start3A_148 = tpu.memref_slice %arg2[%select_n3A, %dma_start3A_143, %mul3A_142, %dma_start3A_147] : memref<4x5x224x224xf32, #tpu.memory_space<hbm>> -> memref<1x1x8x224xf32, #tpu.memory_space<hbm>>
      %dma_start3A_149 = tpu.memref_squeeze %dma_start3A_148 : memref<1x1x8x224xf32, #tpu.memory_space<hbm>> -> memref<8x224xf32, #tpu.memory_space<hbm>>
      %dma_start3A_150 = arith.constant 0 : i32
      %dma_start3A_151 = arith.constant 0 : i32
      %dma_start3A_152 = tpu.memref_slice %arg8[%dma_start3A_150, %dma_start3A_151] : memref<48x224xf32, #tpu.memory_space<vmem>> -> memref<8x224xf32, #tpu.memory_space<vmem>>
      %dma_start3A_153 = arith.constant 0 : i32
      %dma_start3A_154 = tpu.memref_slice %arg2[%select_n3A, %dma_start3A_143, %mul3A_142, %dma_start3A_153] : memref<4x5x224x224xf32, #tpu.memory_space<hbm>> -> memref<1x1x8x224xf32, #tpu.memory_space<hbm>>
      %dma_start3A_155 = tpu.memref_squeeze %dma_start3A_154 : memref<1x1x8x224xf32, #tpu.memory_space<hbm>> -> memref<8x224xf32, #tpu.memory_space<hbm>>
      tpu.enqueue_dma source(%dma_start3A_155 : memref<8x224xf32, #tpu.memory_space<hbm>>) target(%dma_start3A_152 : memref<8x224xf32, #tpu.memory_space<vmem>>) target_semaphore(%arg12 : memref<!tpu.dma_semaphore, #tpu.memory_space<semaphore_mem>>)
      %add3A_156 = arith.constant 1 : i32
      %add3A_157 = arith.addi %select_n3A_79, %add3A_156 : i32
      %jit3A_158 = arith.constant 28 : i32
      %eq3A_159 = arith.constant 0 : i32
      %eq3A_160 = arith.cmpi eq, %jit3A_158, %eq3A_159 : i32
      %jit3A_161 = arith.constant 1 : i32
      %select_n3A_162 = arith.select %eq3A_160, %jit3A_161, %jit3A_158 : i32
      %rem3A_163 = arith.remsi %add3A_157, %select_n3A_162 : i32
      %ne3A_164 = arith.constant 0 : i32
      %ne3A_165 = arith.cmpi ne, %rem3A_163, %ne3A_164 : i32
      %lt3A_166 = arith.constant 0 : i32
      %lt3A_167 = arith.cmpi slt, %rem3A_163, %lt3A_166 : i32
      %lt3A_168 = arith.constant 0 : i32
      %lt3A_169 = arith.cmpi slt, %select_n3A_162, %lt3A_168 : i32
      %ne3A_170 = arith.xori %lt3A_167, %lt3A_169 : i1
      %and3A_171 = arith.andi %ne3A_170, %ne3A_165 : i1
      %add3A_172 = arith.addi %rem3A_163, %select_n3A_162 : i32
      %select_n3A_173 = arith.select %and3A_171, %add3A_172, %rem3A_163 : i32
      %mul3A_174 = arith.constant 8 : i32
      %mul3A_175 = arith.muli %select_n3A_173, %mul3A_174 : i32
      %dma_start3A_176 = arith.constant 0 : i32
      %dma_start3A_177 = arith.constant 8 : i32
      %dma_start3A_178 = arith.constant 0 : i32
      %dma_start3A_179 = tpu.memref_slice %arg6[%dma_start3A_177, %dma_start3A_178] : memref<48x224xf32, #tpu.memory_space<vmem>> -> memref<8x224xf32, #tpu.memory_space<vmem>>
      %dma_start3A_180 = arith.constant 0 : i32
      %dma_start3A_181 = tpu.memref_slice %arg2[%select_n3A, %dma_start3A_176, %mul3A_175, %dma_start3A_180] : memref<4x5x224x224xf32, #tpu.memory_space<hbm>> -> memref<1x1x8x224xf32, #tpu.memory_space<hbm>>
      %dma_start3A_182 = tpu.memref_squeeze %dma_start3A_181 : memref<1x1x8x224xf32, #tpu.memory_space<hbm>> -> memref<8x224xf32, #tpu.memory_space<hbm>>
      %dma_start3A_183 = arith.constant 8 : i32
      %dma_start3A_184 = arith.constant 0 : i32
      %dma_start3A_185 = tpu.memref_slice %arg6[%dma_start3A_183, %dma_start3A_184] : memref<48x224xf32, #tpu.memory_space<vmem>> -> memref<8x224xf32, #tpu.memory_space<vmem>>
      %dma_start3A_186 = arith.constant 0 : i32
      %dma_start3A_187 = tpu.memref_slice %arg2[%select_n3A, %dma_start3A_176, %mul3A_175, %dma_start3A_186] : memref<4x5x224x224xf32, #tpu.memory_space<hbm>> -> memref<1x1x8x224xf32, #tpu.memory_space<hbm>>
      %dma_start3A_188 = tpu.memref_squeeze %dma_start3A_187 : memref<1x1x8x224xf32, #tpu.memory_space<hbm>> -> memref<8x224xf32, #tpu.memory_space<hbm>>
      tpu.enqueue_dma source(%dma_start3A_188 : memref<8x224xf32, #tpu.memory_space<hbm>>) target(%dma_start3A_185 : memref<8x224xf32, #tpu.memory_space<vmem>>) target_semaphore(%arg12 : memref<!tpu.dma_semaphore, #tpu.memory_space<semaphore_mem>>)
      %mul3A_189 = arith.constant 8 : i32
      %mul3A_190 = arith.muli %select_n3A_173, %mul3A_189 : i32
      %dma_start3A_191 = arith.constant 1 : i32
      %dma_start3A_192 = arith.constant 8 : i32
      %dma_start3A_193 = arith.constant 0 : i32
      %dma_start3A_194 = tpu.memref_slice %arg7[%dma_start3A_192, %dma_start3A_193] : memref<48x224xf32, #tpu.memory_space<vmem>> -> memref<8x224xf32, #tpu.memory_space<vmem>>
      %dma_start3A_195 = arith.constant 0 : i32
      %dma_start3A_196 = tpu.memref_slice %arg2[%select_n3A, %dma_start3A_191, %mul3A_190, %dma_start3A_195] : memref<4x5x224x224xf32, #tpu.memory_space<hbm>> -> memref<1x1x8x224xf32, #tpu.memory_space<hbm>>
      %dma_start3A_197 = tpu.memref_squeeze %dma_start3A_196 : memref<1x1x8x224xf32, #tpu.memory_space<hbm>> -> memref<8x224xf32, #tpu.memory_space<hbm>>
      %dma_start3A_198 = arith.constant 8 : i32
      %dma_start3A_199 = arith.constant 0 : i32
      %dma_start3A_200 = tpu.memref_slice %arg7[%dma_start3A_198, %dma_start3A_199] : memref<48x224xf32, #tpu.memory_space<vmem>> -> memref<8x224xf32, #tpu.memory_space<vmem>>
      %dma_start3A_201 = arith.constant 0 : i32
      %dma_start3A_202 = tpu.memref_slice %arg2[%select_n3A, %dma_start3A_191, %mul3A_190, %dma_start3A_201] : memref<4x5x224x224xf32, #tpu.memory_space<hbm>> -> memref<1x1x8x224xf32, #tpu.memory_space<hbm>>
      %dma_start3A_203 = tpu.memref_squeeze %dma_start3A_202 : memref<1x1x8x224xf32, #tpu.memory_space<hbm>> -> memref<8x224xf32, #tpu.memory_space<hbm>>
      tpu.enqueue_dma source(%dma_start3A_203 : memref<8x224xf32, #tpu.memory_space<hbm>>) target(%dma_start3A_200 : memref<8x224xf32, #tpu.memory_space<vmem>>) target_semaphore(%arg12 : memref<!tpu.dma_semaphore, #tpu.memory_space<semaphore_mem>>)
      %mul3A_204 = arith.constant 8 : i32
      %mul3A_205 = arith.muli %select_n3A_173, %mul3A_204 : i32
      %dma_start3A_206 = arith.constant 2 : i32
      %dma_start3A_207 = arith.constant 8 : i32
      %dma_start3A_208 = arith.constant 0 : i32
      %dma_start3A_209 = tpu.memref_slice %arg8[%dma_start3A_207, %dma_start3A_208] : memref<48x224xf32, #tpu.memory_space<vmem>> -> memref<8x224xf32, #tpu.memory_space<vmem>>
      %dma_start3A_210 = arith.constant 0 : i32
      %dma_start3A_211 = tpu.memref_slice %arg2[%select_n3A, %dma_start3A_206, %mul3A_205, %dma_start3A_210] : memref<4x5x224x224xf32, #tpu.memory_space<hbm>> -> memref<1x1x8x224xf32, #tpu.memory_space<hbm>>
      %dma_start3A_212 = tpu.memref_squeeze %dma_start3A_211 : memref<1x1x8x224xf32, #tpu.memory_space<hbm>> -> memref<8x224xf32, #tpu.memory_space<hbm>>
      %dma_start3A_213 = arith.constant 8 : i32
      %dma_start3A_214 = arith.constant 0 : i32
      %dma_start3A_215 = tpu.memref_slice %arg8[%dma_start3A_213, %dma_start3A_214] : memref<48x224xf32, #tpu.memory_space<vmem>> -> memref<8x224xf32, #tpu.memory_space<vmem>>
      %dma_start3A_216 = arith.constant 0 : i32
      %dma_start3A_217 = tpu.memref_slice %arg2[%select_n3A, %dma_start3A_206, %mul3A_205, %dma_start3A_216] : memref<4x5x224x224xf32, #tpu.memory_space<hbm>> -> memref<1x1x8x224xf32, #tpu.memory_space<hbm>>
      %dma_start3A_218 = tpu.memref_squeeze %dma_start3A_217 : memref<1x1x8x224xf32, #tpu.memory_space<hbm>> -> memref<8x224xf32, #tpu.memory_space<hbm>>
      tpu.enqueue_dma source(%dma_start3A_218 : memref<8x224xf32, #tpu.memory_space<hbm>>) target(%dma_start3A_215 : memref<8x224xf32, #tpu.memory_space<vmem>>) target_semaphore(%arg12 : memref<!tpu.dma_semaphore, #tpu.memory_space<semaphore_mem>>)
      %add3A_219 = arith.constant 2 : i32
      %add3A_220 = arith.addi %select_n3A_79, %add3A_219 : i32
      %jit3A_221 = arith.constant 28 : i32
      %eq3A_222 = arith.constant 0 : i32
      %eq3A_223 = arith.cmpi eq, %jit3A_221, %eq3A_222 : i32
      %jit3A_224 = arith.constant 1 : i32
      %select_n3A_225 = arith.select %eq3A_223, %jit3A_224, %jit3A_221 : i32
      %rem3A_226 = arith.remsi %add3A_220, %select_n3A_225 : i32
      %ne3A_227 = arith.constant 0 : i32
      %ne3A_228 = arith.cmpi ne, %rem3A_226, %ne3A_227 : i32
      %lt3A_229 = arith.constant 0 : i32
      %lt3A_230 = arith.cmpi slt, %rem3A_226, %lt3A_229 : i32
      %lt3A_231 = arith.constant 0 : i32
      %lt3A_232 = arith.cmpi slt, %select_n3A_225, %lt3A_231 : i32
      %ne3A_233 = arith.xori %lt3A_230, %lt3A_232 : i1
      %and3A_234 = arith.andi %ne3A_233, %ne3A_228 : i1
      %add3A_235 = arith.addi %rem3A_226, %select_n3A_225 : i32
      %select_n3A_236 = arith.select %and3A_234, %add3A_235, %rem3A_226 : i32
      %mul3A_237 = arith.constant 8 : i32
      %mul3A_238 = arith.muli %select_n3A_236, %mul3A_237 : i32
      %dma_start3A_239 = arith.constant 0 : i32
      %dma_start3A_240 = arith.constant 16 : i32
      %dma_start3A_241 = arith.constant 0 : i32
      %dma_start3A_242 = tpu.memref_slice %arg6[%dma_start3A_240, %dma_start3A_241] : memref<48x224xf32, #tpu.memory_space<vmem>> -> memref<8x224xf32, #tpu.memory_space<vmem>>
      %dma_start3A_243 = arith.constant 0 : i32
      %dma_start3A_244 = tpu.memref_slice %arg2[%select_n3A, %dma_start3A_239, %mul3A_238, %dma_start3A_243] : memref<4x5x224x224xf32, #tpu.memory_space<hbm>> -> memref<1x1x8x224xf32, #tpu.memory_space<hbm>>
      %dma_start3A_245 = tpu.memref_squeeze %dma_start3A_244 : memref<1x1x8x224xf32, #tpu.memory_space<hbm>> -> memref<8x224xf32, #tpu.memory_space<hbm>>
      %dma_start3A_246 = arith.constant 16 : i32
      %dma_start3A_247 = arith.constant 0 : i32
      %dma_start3A_248 = tpu.memref_slice %arg6[%dma_start3A_246, %dma_start3A_247] : memref<48x224xf32, #tpu.memory_space<vmem>> -> memref<8x224xf32, #tpu.memory_space<vmem>>
      %dma_start3A_249 = arith.constant 0 : i32
      %dma_start3A_250 = tpu.memref_slice %arg2[%select_n3A, %dma_start3A_239, %mul3A_238, %dma_start3A_249] : memref<4x5x224x224xf32, #tpu.memory_space<hbm>> -> memref<1x1x8x224xf32, #tpu.memory_space<hbm>>
      %dma_start3A_251 = tpu.memref_squeeze %dma_start3A_250 : memref<1x1x8x224xf32, #tpu.memory_space<hbm>> -> memref<8x224xf32, #tpu.memory_space<hbm>>
      tpu.enqueue_dma source(%dma_start3A_251 : memref<8x224xf32, #tpu.memory_space<hbm>>) target(%dma_start3A_248 : memref<8x224xf32, #tpu.memory_space<vmem>>) target_semaphore(%arg12 : memref<!tpu.dma_semaphore, #tpu.memory_space<semaphore_mem>>)
      %mul3A_252 = arith.constant 8 : i32
      %mul3A_253 = arith.muli %select_n3A_236, %mul3A_252 : i32
      %dma_start3A_254 = arith.constant 1 : i32
      %dma_start3A_255 = arith.constant 16 : i32
      %dma_start3A_256 = arith.constant 0 : i32
      %dma_start3A_257 = tpu.memref_slice %arg7[%dma_start3A_255, %dma_start3A_256] : memref<48x224xf32, #tpu.memory_space<vmem>> -> memref<8x224xf32, #tpu.memory_space<vmem>>
      %dma_start3A_258 = arith.constant 0 : i32
      %dma_start3A_259 = tpu.memref_slice %arg2[%select_n3A, %dma_start3A_254, %mul3A_253, %dma_start3A_258] : memref<4x5x224x224xf32, #tpu.memory_space<hbm>> -> memref<1x1x8x224xf32, #tpu.memory_space<hbm>>
      %dma_start3A_260 = tpu.memref_squeeze %dma_start3A_259 : memref<1x1x8x224xf32, #tpu.memory_space<hbm>> -> memref<8x224xf32, #tpu.memory_space<hbm>>
      %dma_start3A_261 = arith.constant 16 : i32
      %dma_start3A_262 = arith.constant 0 : i32
      %dma_start3A_263 = tpu.memref_slice %arg7[%dma_start3A_261, %dma_start3A_262] : memref<48x224xf32, #tpu.memory_space<vmem>> -> memref<8x224xf32, #tpu.memory_space<vmem>>
      %dma_start3A_264 = arith.constant 0 : i32
      %dma_start3A_265 = tpu.memref_slice %arg2[%select_n3A, %dma_start3A_254, %mul3A_253, %dma_start3A_264] : memref<4x5x224x224xf32, #tpu.memory_space<hbm>> -> memref<1x1x8x224xf32, #tpu.memory_space<hbm>>
      %dma_start3A_266 = tpu.memref_squeeze %dma_start3A_265 : memref<1x1x8x224xf32, #tpu.memory_space<hbm>> -> memref<8x224xf32, #tpu.memory_space<hbm>>
      tpu.enqueue_dma source(%dma_start3A_266 : memref<8x224xf32, #tpu.memory_space<hbm>>) target(%dma_start3A_263 : memref<8x224xf32, #tpu.memory_space<vmem>>) target_semaphore(%arg12 : memref<!tpu.dma_semaphore, #tpu.memory_space<semaphore_mem>>)
      %mul3A_267 = arith.constant 8 : i32
      %mul3A_268 = arith.muli %select_n3A_236, %mul3A_267 : i32
      %dma_start3A_269 = arith.constant 2 : i32
      %dma_start3A_270 = arith.constant 16 : i32
      %dma_start3A_271 = arith.constant 0 : i32
      %dma_start3A_272 = tpu.memref_slice %arg8[%dma_start3A_270, %dma_start3A_271] : memref<48x224xf32, #tpu.memory_space<vmem>> -> memref<8x224xf32, #tpu.memory_space<vmem>>
      %dma_start3A_273 = arith.constant 0 : i32
      %dma_start3A_274 = tpu.memref_slice %arg2[%select_n3A, %dma_start3A_269, %mul3A_268, %dma_start3A_273] : memref<4x5x224x224xf32, #tpu.memory_space<hbm>> -> memref<1x1x8x224xf32, #tpu.memory_space<hbm>>
      %dma_start3A_275 = tpu.memref_squeeze %dma_start3A_274 : memref<1x1x8x224xf32, #tpu.memory_space<hbm>> -> memref<8x224xf32, #tpu.memory_space<hbm>>
      %dma_start3A_276 = arith.constant 16 : i32
      %dma_start3A_277 = arith.constant 0 : i32
      %dma_start3A_278 = tpu.memref_slice %arg8[%dma_start3A_276, %dma_start3A_277] : memref<48x224xf32, #tpu.memory_space<vmem>> -> memref<8x224xf32, #tpu.memory_space<vmem>>
      %dma_start3A_279 = arith.constant 0 : i32
      %dma_start3A_280 = tpu.memref_slice %arg2[%select_n3A, %dma_start3A_269, %mul3A_268, %dma_start3A_279] : memref<4x5x224x224xf32, #tpu.memory_space<hbm>> -> memref<1x1x8x224xf32, #tpu.memory_space<hbm>>
      %dma_start3A_281 = tpu.memref_squeeze %dma_start3A_280 : memref<1x1x8x224xf32, #tpu.memory_space<hbm>> -> memref<8x224xf32, #tpu.memory_space<hbm>>
      tpu.enqueue_dma source(%dma_start3A_281 : memref<8x224xf32, #tpu.memory_space<hbm>>) target(%dma_start3A_278 : memref<8x224xf32, #tpu.memory_space<vmem>>) target_semaphore(%arg12 : memref<!tpu.dma_semaphore, #tpu.memory_space<semaphore_mem>>)
      %add3A_282 = arith.constant 3 : i32
      %add3A_283 = arith.addi %select_n3A_79, %add3A_282 : i32
      %jit3A_284 = arith.constant 28 : i32
      %eq3A_285 = arith.constant 0 : i32
      %eq3A_286 = arith.cmpi eq, %jit3A_284, %eq3A_285 : i32
      %jit3A_287 = arith.constant 1 : i32
      %select_n3A_288 = arith.select %eq3A_286, %jit3A_287, %jit3A_284 : i32
      %rem3A_289 = arith.remsi %add3A_283, %select_n3A_288 : i32
      %ne3A_290 = arith.constant 0 : i32
      %ne3A_291 = arith.cmpi ne, %rem3A_289, %ne3A_290 : i32
      %lt3A_292 = arith.constant 0 : i32
      %lt3A_293 = arith.cmpi slt, %rem3A_289, %lt3A_292 : i32
      %lt3A_294 = arith.constant 0 : i32
      %lt3A_295 = arith.cmpi slt, %select_n3A_288, %lt3A_294 : i32
      %ne3A_296 = arith.xori %lt3A_293, %lt3A_295 : i1
      %and3A_297 = arith.andi %ne3A_296, %ne3A_291 : i1
      %add3A_298 = arith.addi %rem3A_289, %select_n3A_288 : i32
      %select_n3A_299 = arith.select %and3A_297, %add3A_298, %rem3A_289 : i32
      %mul3A_300 = arith.constant 8 : i32
      %mul3A_301 = arith.muli %select_n3A_299, %mul3A_300 : i32
      %dma_start3A_302 = arith.constant 0 : i32
      %dma_start3A_303 = arith.constant 24 : i32
      %dma_start3A_304 = arith.constant 0 : i32
      %dma_start3A_305 = tpu.memref_slice %arg6[%dma_start3A_303, %dma_start3A_304] : memref<48x224xf32, #tpu.memory_space<vmem>> -> memref<8x224xf32, #tpu.memory_space<vmem>>
      %dma_start3A_306 = arith.constant 0 : i32
      %dma_start3A_307 = tpu.memref_slice %arg2[%select_n3A, %dma_start3A_302, %mul3A_301, %dma_start3A_306] : memref<4x5x224x224xf32, #tpu.memory_space<hbm>> -> memref<1x1x8x224xf32, #tpu.memory_space<hbm>>
      %dma_start3A_308 = tpu.memref_squeeze %dma_start3A_307 : memref<1x1x8x224xf32, #tpu.memory_space<hbm>> -> memref<8x224xf32, #tpu.memory_space<hbm>>
      %dma_start3A_309 = arith.constant 24 : i32
      %dma_start3A_310 = arith.constant 0 : i32
      %dma_start3A_311 = tpu.memref_slice %arg6[%dma_start3A_309, %dma_start3A_310] : memref<48x224xf32, #tpu.memory_space<vmem>> -> memref<8x224xf32, #tpu.memory_space<vmem>>
      %dma_start3A_312 = arith.constant 0 : i32
      %dma_start3A_313 = tpu.memref_slice %arg2[%select_n3A, %dma_start3A_302, %mul3A_301, %dma_start3A_312] : memref<4x5x224x224xf32, #tpu.memory_space<hbm>> -> memref<1x1x8x224xf32, #tpu.memory_space<hbm>>
      %dma_start3A_314 = tpu.memref_squeeze %dma_start3A_313 : memref<1x1x8x224xf32, #tpu.memory_space<hbm>> -> memref<8x224xf32, #tpu.memory_space<hbm>>
      tpu.enqueue_dma source(%dma_start3A_314 : memref<8x224xf32, #tpu.memory_space<hbm>>) target(%dma_start3A_311 : memref<8x224xf32, #tpu.memory_space<vmem>>) target_semaphore(%arg13 : memref<!tpu.dma_semaphore, #tpu.memory_space<semaphore_mem>>)
      %mul3A_315 = arith.constant 8 : i32
      %mul3A_316 = arith.muli %select_n3A_299, %mul3A_315 : i32
      %dma_start3A_317 = arith.constant 1 : i32
      %dma_start3A_318 = arith.constant 24 : i32
      %dma_start3A_319 = arith.constant 0 : i32
      %dma_start3A_320 = tpu.memref_slice %arg7[%dma_start3A_318, %dma_start3A_319] : memref<48x224xf32, #tpu.memory_space<vmem>> -> memref<8x224xf32, #tpu.memory_space<vmem>>
      %dma_start3A_321 = arith.constant 0 : i32
      %dma_start3A_322 = tpu.memref_slice %arg2[%select_n3A, %dma_start3A_317, %mul3A_316, %dma_start3A_321] : memref<4x5x224x224xf32, #tpu.memory_space<hbm>> -> memref<1x1x8x224xf32, #tpu.memory_space<hbm>>
      %dma_start3A_323 = tpu.memref_squeeze %dma_start3A_322 : memref<1x1x8x224xf32, #tpu.memory_space<hbm>> -> memref<8x224xf32, #tpu.memory_space<hbm>>
      %dma_start3A_324 = arith.constant 24 : i32
      %dma_start3A_325 = arith.constant 0 : i32
      %dma_start3A_326 = tpu.memref_slice %arg7[%dma_start3A_324, %dma_start3A_325] : memref<48x224xf32, #tpu.memory_space<vmem>> -> memref<8x224xf32, #tpu.memory_space<vmem>>
      %dma_start3A_327 = arith.constant 0 : i32
      %dma_start3A_328 = tpu.memref_slice %arg2[%select_n3A, %dma_start3A_317, %mul3A_316, %dma_start3A_327] : memref<4x5x224x224xf32, #tpu.memory_space<hbm>> -> memref<1x1x8x224xf32, #tpu.memory_space<hbm>>
      %dma_start3A_329 = tpu.memref_squeeze %dma_start3A_328 : memref<1x1x8x224xf32, #tpu.memory_space<hbm>> -> memref<8x224xf32, #tpu.memory_space<hbm>>
      tpu.enqueue_dma source(%dma_start3A_329 : memref<8x224xf32, #tpu.memory_space<hbm>>) target(%dma_start3A_326 : memref<8x224xf32, #tpu.memory_space<vmem>>) target_semaphore(%arg13 : memref<!tpu.dma_semaphore, #tpu.memory_space<semaphore_mem>>)
      %mul3A_330 = arith.constant 8 : i32
      %mul3A_331 = arith.muli %select_n3A_299, %mul3A_330 : i32
      %dma_start3A_332 = arith.constant 2 : i32
      %dma_start3A_333 = arith.constant 24 : i32
      %dma_start3A_334 = arith.constant 0 : i32
      %dma_start3A_335 = tpu.memref_slice %arg8[%dma_start3A_333, %dma_start3A_334] : memref<48x224xf32, #tpu.memory_space<vmem>> -> memref<8x224xf32, #tpu.memory_space<vmem>>
      %dma_start3A_336 = arith.constant 0 : i32
      %dma_start3A_337 = tpu.memref_slice %arg2[%select_n3A, %dma_start3A_332, %mul3A_331, %dma_start3A_336] : memref<4x5x224x224xf32, #tpu.memory_space<hbm>> -> memref<1x1x8x224xf32, #tpu.memory_space<hbm>>
      %dma_start3A_338 = tpu.memref_squeeze %dma_start3A_337 : memref<1x1x8x224xf32, #tpu.memory_space<hbm>> -> memref<8x224xf32, #tpu.memory_space<hbm>>
      %dma_start3A_339 = arith.constant 24 : i32
      %dma_start3A_340 = arith.constant 0 : i32
      %dma_start3A_341 = tpu.memref_slice %arg8[%dma_start3A_339, %dma_start3A_340] : memref<48x224xf32, #tpu.memory_space<vmem>> -> memref<8x224xf32, #tpu.memory_space<vmem>>
      %dma_start3A_342 = arith.constant 0 : i32
      %dma_start3A_343 = tpu.memref_slice %arg2[%select_n3A, %dma_start3A_332, %mul3A_331, %dma_start3A_342] : memref<4x5x224x224xf32, #tpu.memory_space<hbm>> -> memref<1x1x8x224xf32, #tpu.memory_space<hbm>>
      %dma_start3A_344 = tpu.memref_squeeze %dma_start3A_343 : memref<1x1x8x224xf32, #tpu.memory_space<hbm>> -> memref<8x224xf32, #tpu.memory_space<hbm>>
      tpu.enqueue_dma source(%dma_start3A_344 : memref<8x224xf32, #tpu.memory_space<hbm>>) target(%dma_start3A_341 : memref<8x224xf32, #tpu.memory_space<vmem>>) target_semaphore(%arg13 : memref<!tpu.dma_semaphore, #tpu.memory_space<semaphore_mem>>)
      %add3A_345 = arith.constant 4 : i32
      %add3A_346 = arith.addi %select_n3A_79, %add3A_345 : i32
      %jit3A_347 = arith.constant 28 : i32
      %eq3A_348 = arith.constant 0 : i32
      %eq3A_349 = arith.cmpi eq, %jit3A_347, %eq3A_348 : i32
      %jit3A_350 = arith.constant 1 : i32
      %select_n3A_351 = arith.select %eq3A_349, %jit3A_350, %jit3A_347 : i32
      %rem3A_352 = arith.remsi %add3A_346, %select_n3A_351 : i32
      %ne3A_353 = arith.constant 0 : i32
      %ne3A_354 = arith.cmpi ne, %rem3A_352, %ne3A_353 : i32
      %lt3A_355 = arith.constant 0 : i32
      %lt3A_356 = arith.cmpi slt, %rem3A_352, %lt3A_355 : i32
      %lt3A_357 = arith.constant 0 : i32
      %lt3A_358 = arith.cmpi slt, %select_n3A_351, %lt3A_357 : i32
      %ne3A_359 = arith.xori %lt3A_356, %lt3A_358 : i1
      %and3A_360 = arith.andi %ne3A_359, %ne3A_354 : i1
      %add3A_361 = arith.addi %rem3A_352, %select_n3A_351 : i32
      %select_n3A_362 = arith.select %and3A_360, %add3A_361, %rem3A_352 : i32
      %mul3A_363 = arith.constant 8 : i32
      %mul3A_364 = arith.muli %select_n3A_362, %mul3A_363 : i32
      %dma_start3A_365 = arith.constant 0 : i32
      %dma_start3A_366 = arith.constant 32 : i32
      %dma_start3A_367 = arith.constant 0 : i32
      %dma_start3A_368 = tpu.memref_slice %arg6[%dma_start3A_366, %dma_start3A_367] : memref<48x224xf32, #tpu.memory_space<vmem>> -> memref<8x224xf32, #tpu.memory_space<vmem>>
      %dma_start3A_369 = arith.constant 0 : i32
      %dma_start3A_370 = tpu.memref_slice %arg2[%select_n3A, %dma_start3A_365, %mul3A_364, %dma_start3A_369] : memref<4x5x224x224xf32, #tpu.memory_space<hbm>> -> memref<1x1x8x224xf32, #tpu.memory_space<hbm>>
      %dma_start3A_371 = tpu.memref_squeeze %dma_start3A_370 : memref<1x1x8x224xf32, #tpu.memory_space<hbm>> -> memref<8x224xf32, #tpu.memory_space<hbm>>
      %dma_start3A_372 = arith.constant 32 : i32
      %dma_start3A_373 = arith.constant 0 : i32
      %dma_start3A_374 = tpu.memref_slice %arg6[%dma_start3A_372, %dma_start3A_373] : memref<48x224xf32, #tpu.memory_space<vmem>> -> memref<8x224xf32, #tpu.memory_space<vmem>>
      %dma_start3A_375 = arith.constant 0 : i32
      %dma_start3A_376 = tpu.memref_slice %arg2[%select_n3A, %dma_start3A_365, %mul3A_364, %dma_start3A_375] : memref<4x5x224x224xf32, #tpu.memory_space<hbm>> -> memref<1x1x8x224xf32, #tpu.memory_space<hbm>>
      %dma_start3A_377 = tpu.memref_squeeze %dma_start3A_376 : memref<1x1x8x224xf32, #tpu.memory_space<hbm>> -> memref<8x224xf32, #tpu.memory_space<hbm>>
      tpu.enqueue_dma source(%dma_start3A_377 : memref<8x224xf32, #tpu.memory_space<hbm>>) target(%dma_start3A_374 : memref<8x224xf32, #tpu.memory_space<vmem>>) target_semaphore(%arg13 : memref<!tpu.dma_semaphore, #tpu.memory_space<semaphore_mem>>)
      %mul3A_378 = arith.constant 8 : i32
      %mul3A_379 = arith.muli %select_n3A_362, %mul3A_378 : i32
      %dma_start3A_380 = arith.constant 1 : i32
      %dma_start3A_381 = arith.constant 32 : i32
      %dma_start3A_382 = arith.constant 0 : i32
      %dma_start3A_383 = tpu.memref_slice %arg7[%dma_start3A_381, %dma_start3A_382] : memref<48x224xf32, #tpu.memory_space<vmem>> -> memref<8x224xf32, #tpu.memory_space<vmem>>
      %dma_start3A_384 = arith.constant 0 : i32
      %dma_start3A_385 = tpu.memref_slice %arg2[%select_n3A, %dma_start3A_380, %mul3A_379, %dma_start3A_384] : memref<4x5x224x224xf32, #tpu.memory_space<hbm>> -> memref<1x1x8x224xf32, #tpu.memory_space<hbm>>
      %dma_start3A_386 = tpu.memref_squeeze %dma_start3A_385 : memref<1x1x8x224xf32, #tpu.memory_space<hbm>> -> memref<8x224xf32, #tpu.memory_space<hbm>>
      %dma_start3A_387 = arith.constant 32 : i32
      %dma_start3A_388 = arith.constant 0 : i32
      %dma_start3A_389 = tpu.memref_slice %arg7[%dma_start3A_387, %dma_start3A_388] : memref<48x224xf32, #tpu.memory_space<vmem>> -> memref<8x224xf32, #tpu.memory_space<vmem>>
      %dma_start3A_390 = arith.constant 0 : i32
      %dma_start3A_391 = tpu.memref_slice %arg2[%select_n3A, %dma_start3A_380, %mul3A_379, %dma_start3A_390] : memref<4x5x224x224xf32, #tpu.memory_space<hbm>> -> memref<1x1x8x224xf32, #tpu.memory_space<hbm>>
      %dma_start3A_392 = tpu.memref_squeeze %dma_start3A_391 : memref<1x1x8x224xf32, #tpu.memory_space<hbm>> -> memref<8x224xf32, #tpu.memory_space<hbm>>
      tpu.enqueue_dma source(%dma_start3A_392 : memref<8x224xf32, #tpu.memory_space<hbm>>) target(%dma_start3A_389 : memref<8x224xf32, #tpu.memory_space<vmem>>) target_semaphore(%arg13 : memref<!tpu.dma_semaphore, #tpu.memory_space<semaphore_mem>>)
      %mul3A_393 = arith.constant 8 : i32
      %mul3A_394 = arith.muli %select_n3A_362, %mul3A_393 : i32
      %dma_start3A_395 = arith.constant 2 : i32
      %dma_start3A_396 = arith.constant 32 : i32
      %dma_start3A_397 = arith.constant 0 : i32
      %dma_start3A_398 = tpu.memref_slice %arg8[%dma_start3A_396, %dma_start3A_397] : memref<48x224xf32, #tpu.memory_space<vmem>> -> memref<8x224xf32, #tpu.memory_space<vmem>>
      %dma_start3A_399 = arith.constant 0 : i32
      %dma_start3A_400 = tpu.memref_slice %arg2[%select_n3A, %dma_start3A_395, %mul3A_394, %dma_start3A_399] : memref<4x5x224x224xf32, #tpu.memory_space<hbm>> -> memref<1x1x8x224xf32, #tpu.memory_space<hbm>>
      %dma_start3A_401 = tpu.memref_squeeze %dma_start3A_400 : memref<1x1x8x224xf32, #tpu.memory_space<hbm>> -> memref<8x224xf32, #tpu.memory_space<hbm>>
      %dma_start3A_402 = arith.constant 32 : i32
      %dma_start3A_403 = arith.constant 0 : i32
      %dma_start3A_404 = tpu.memref_slice %arg8[%dma_start3A_402, %dma_start3A_403] : memref<48x224xf32, #tpu.memory_space<vmem>> -> memref<8x224xf32, #tpu.memory_space<vmem>>
      %dma_start3A_405 = arith.constant 0 : i32
      %dma_start3A_406 = tpu.memref_slice %arg2[%select_n3A, %dma_start3A_395, %mul3A_394, %dma_start3A_405] : memref<4x5x224x224xf32, #tpu.memory_space<hbm>> -> memref<1x1x8x224xf32, #tpu.memory_space<hbm>>
      %dma_start3A_407 = tpu.memref_squeeze %dma_start3A_406 : memref<1x1x8x224xf32, #tpu.memory_space<hbm>> -> memref<8x224xf32, #tpu.memory_space<hbm>>
      tpu.enqueue_dma source(%dma_start3A_407 : memref<8x224xf32, #tpu.memory_space<hbm>>) target(%dma_start3A_404 : memref<8x224xf32, #tpu.memory_space<vmem>>) target_semaphore(%arg13 : memref<!tpu.dma_semaphore, #tpu.memory_space<semaphore_mem>>)
      %add3A_408 = arith.constant 5 : i32
      %add3A_409 = arith.addi %select_n3A_79, %add3A_408 : i32
      %jit3A_410 = arith.constant 28 : i32
      %eq3A_411 = arith.constant 0 : i32
      %eq3A_412 = arith.cmpi eq, %jit3A_410, %eq3A_411 : i32
      %jit3A_413 = arith.constant 1 : i32
      %select_n3A_414 = arith.select %eq3A_412, %jit3A_413, %jit3A_410 : i32
      %rem3A_415 = arith.remsi %add3A_409, %select_n3A_414 : i32
      %ne3A_416 = arith.constant 0 : i32
      %ne3A_417 = arith.cmpi ne, %rem3A_415, %ne3A_416 : i32
      %lt3A_418 = arith.constant 0 : i32
      %lt3A_419 = arith.cmpi slt, %rem3A_415, %lt3A_418 : i32
      %lt3A_420 = arith.constant 0 : i32
      %lt3A_421 = arith.cmpi slt, %select_n3A_414, %lt3A_420 : i32
      %ne3A_422 = arith.xori %lt3A_419, %lt3A_421 : i1
      %and3A_423 = arith.andi %ne3A_422, %ne3A_417 : i1
      %add3A_424 = arith.addi %rem3A_415, %select_n3A_414 : i32
      %select_n3A_425 = arith.select %and3A_423, %add3A_424, %rem3A_415 : i32
      %mul3A_426 = arith.constant 8 : i32
      %mul3A_427 = arith.muli %select_n3A_425, %mul3A_426 : i32
      %dma_start3A_428 = arith.constant 0 : i32
      %dma_start3A_429 = arith.constant 40 : i32
      %dma_start3A_430 = arith.constant 0 : i32
      %dma_start3A_431 = tpu.memref_slice %arg6[%dma_start3A_429, %dma_start3A_430] : memref<48x224xf32, #tpu.memory_space<vmem>> -> memref<8x224xf32, #tpu.memory_space<vmem>>
      %dma_start3A_432 = arith.constant 0 : i32
      %dma_start3A_433 = tpu.memref_slice %arg2[%select_n3A, %dma_start3A_428, %mul3A_427, %dma_start3A_432] : memref<4x5x224x224xf32, #tpu.memory_space<hbm>> -> memref<1x1x8x224xf32, #tpu.memory_space<hbm>>
      %dma_start3A_434 = tpu.memref_squeeze %dma_start3A_433 : memref<1x1x8x224xf32, #tpu.memory_space<hbm>> -> memref<8x224xf32, #tpu.memory_space<hbm>>
      %dma_start3A_435 = arith.constant 40 : i32
      %dma_start3A_436 = arith.constant 0 : i32
      %dma_start3A_437 = tpu.memref_slice %arg6[%dma_start3A_435, %dma_start3A_436] : memref<48x224xf32, #tpu.memory_space<vmem>> -> memref<8x224xf32, #tpu.memory_space<vmem>>
      %dma_start3A_438 = arith.constant 0 : i32
      %dma_start3A_439 = tpu.memref_slice %arg2[%select_n3A, %dma_start3A_428, %mul3A_427, %dma_start3A_438] : memref<4x5x224x224xf32, #tpu.memory_space<hbm>> -> memref<1x1x8x224xf32, #tpu.memory_space<hbm>>
      %dma_start3A_440 = tpu.memref_squeeze %dma_start3A_439 : memref<1x1x8x224xf32, #tpu.memory_space<hbm>> -> memref<8x224xf32, #tpu.memory_space<hbm>>
      tpu.enqueue_dma source(%dma_start3A_440 : memref<8x224xf32, #tpu.memory_space<hbm>>) target(%dma_start3A_437 : memref<8x224xf32, #tpu.memory_space<vmem>>) target_semaphore(%arg13 : memref<!tpu.dma_semaphore, #tpu.memory_space<semaphore_mem>>)
      %mul3A_441 = arith.constant 8 : i32
      %mul3A_442 = arith.muli %select_n3A_425, %mul3A_441 : i32
      %dma_start3A_443 = arith.constant 1 : i32
      %dma_start3A_444 = arith.constant 40 : i32
      %dma_start3A_445 = arith.constant 0 : i32
      %dma_start3A_446 = tpu.memref_slice %arg7[%dma_start3A_444, %dma_start3A_445] : memref<48x224xf32, #tpu.memory_space<vmem>> -> memref<8x224xf32, #tpu.memory_space<vmem>>
      %dma_start3A_447 = arith.constant 0 : i32
      %dma_start3A_448 = tpu.memref_slice %arg2[%select_n3A, %dma_start3A_443, %mul3A_442, %dma_start3A_447] : memref<4x5x224x224xf32, #tpu.memory_space<hbm>> -> memref<1x1x8x224xf32, #tpu.memory_space<hbm>>
      %dma_start3A_449 = tpu.memref_squeeze %dma_start3A_448 : memref<1x1x8x224xf32, #tpu.memory_space<hbm>> -> memref<8x224xf32, #tpu.memory_space<hbm>>
      %dma_start3A_450 = arith.constant 40 : i32
      %dma_start3A_451 = arith.constant 0 : i32
      %dma_start3A_452 = tpu.memref_slice %arg7[%dma_start3A_450, %dma_start3A_451] : memref<48x224xf32, #tpu.memory_space<vmem>> -> memref<8x224xf32, #tpu.memory_space<vmem>>
      %dma_start3A_453 = arith.constant 0 : i32
      %dma_start3A_454 = tpu.memref_slice %arg2[%select_n3A, %dma_start3A_443, %mul3A_442, %dma_start3A_453] : memref<4x5x224x224xf32, #tpu.memory_space<hbm>> -> memref<1x1x8x224xf32, #tpu.memory_space<hbm>>
      %dma_start3A_455 = tpu.memref_squeeze %dma_start3A_454 : memref<1x1x8x224xf32, #tpu.memory_space<hbm>> -> memref<8x224xf32, #tpu.memory_space<hbm>>
      tpu.enqueue_dma source(%dma_start3A_455 : memref<8x224xf32, #tpu.memory_space<hbm>>) target(%dma_start3A_452 : memref<8x224xf32, #tpu.memory_space<vmem>>) target_semaphore(%arg13 : memref<!tpu.dma_semaphore, #tpu.memory_space<semaphore_mem>>)
      %mul3A_456 = arith.constant 8 : i32
      %mul3A_457 = arith.muli %select_n3A_425, %mul3A_456 : i32
      %dma_start3A_458 = arith.constant 2 : i32
      %dma_start3A_459 = arith.constant 40 : i32
      %dma_start3A_460 = arith.constant 0 : i32
      %dma_start3A_461 = tpu.memref_slice %arg8[%dma_start3A_459, %dma_start3A_460] : memref<48x224xf32, #tpu.memory_space<vmem>> -> memref<8x224xf32, #tpu.memory_space<vmem>>
      %dma_start3A_462 = arith.constant 0 : i32
      %dma_start3A_463 = tpu.memref_slice %arg2[%select_n3A, %dma_start3A_458, %mul3A_457, %dma_start3A_462] : memref<4x5x224x224xf32, #tpu.memory_space<hbm>> -> memref<1x1x8x224xf32, #tpu.memory_space<hbm>>
      %dma_start3A_464 = tpu.memref_squeeze %dma_start3A_463 : memref<1x1x8x224xf32, #tpu.memory_space<hbm>> -> memref<8x224xf32, #tpu.memory_space<hbm>>
      %dma_start3A_465 = arith.constant 40 : i32
      %dma_start3A_466 = arith.constant 0 : i32
      %dma_start3A_467 = tpu.memref_slice %arg8[%dma_start3A_465, %dma_start3A_466] : memref<48x224xf32, #tpu.memory_space<vmem>> -> memref<8x224xf32, #tpu.memory_space<vmem>>
      %dma_start3A_468 = arith.constant 0 : i32
      %dma_start3A_469 = tpu.memref_slice %arg2[%select_n3A, %dma_start3A_458, %mul3A_457, %dma_start3A_468] : memref<4x5x224x224xf32, #tpu.memory_space<hbm>> -> memref<1x1x8x224xf32, #tpu.memory_space<hbm>>
      %dma_start3A_470 = tpu.memref_squeeze %dma_start3A_469 : memref<1x1x8x224xf32, #tpu.memory_space<hbm>> -> memref<8x224xf32, #tpu.memory_space<hbm>>
      tpu.enqueue_dma source(%dma_start3A_470 : memref<8x224xf32, #tpu.memory_space<hbm>>) target(%dma_start3A_467 : memref<8x224xf32, #tpu.memory_space<vmem>>) target_semaphore(%arg13 : memref<!tpu.dma_semaphore, #tpu.memory_space<semaphore_mem>>)
      %sub3A_471 = arith.constant 8 : i32
      %sub3A_472 = arith.subi %sub3A_471, %mul3A_35 : i32
      %dma_wait3A = arith.constant 3 : i32
      %dma_wait3A_473 = arith.constant 0 : i32
      %dma_wait3A_474 = tpu.memref_slice %arg2[%select_n3A, %dma_wait3A, %mul3A_35, %dma_wait3A_473] : memref<4x5x224x224xf32, #tpu.memory_space<hbm>> -> memref<1x1x32x224xf32, #tpu.memory_space<hbm>>
      %dma_wait3A_475 = tpu.memref_squeeze %dma_wait3A_474 : memref<1x1x32x224xf32, #tpu.memory_space<hbm>> -> memref<32x224xf32, #tpu.memory_space<hbm>>
      %dma_wait3A_476 = arith.constant 0 : i32
      %dma_wait3A_477 = tpu.memref_slice %arg2[%select_n3A, %dma_wait3A, %mul3A_35, %dma_wait3A_476] : memref<4x5x224x224xf32, #tpu.memory_space<hbm>> -> memref<1x1x32x224xf32, #tpu.memory_space<hbm>>
      %dma_wait3A_478 = tpu.memref_squeeze %dma_wait3A_477 : memref<1x1x32x224xf32, #tpu.memory_space<hbm>> -> memref<32x224xf32, #tpu.memory_space<hbm>>
      tpu.wait_dma2 semaphore(%arg12 : memref<!tpu.dma_semaphore, #tpu.memory_space<semaphore_mem>>) src(%dma_wait3A_478 : memref<32x224xf32, #tpu.memory_space<hbm>>) dst(%arg4 : memref<32x224xf32, #tpu.memory_space<vmem>>)
      %dma_wait3A_479 = arith.constant 4 : i32
      %dma_wait3A_480 = arith.constant 0 : i32
      %dma_wait3A_481 = tpu.memref_slice %arg2[%select_n3A, %dma_wait3A_479, %mul3A_35, %dma_wait3A_480] : memref<4x5x224x224xf32, #tpu.memory_space<hbm>> -> memref<1x1x32x224xf32, #tpu.memory_space<hbm>>
      %dma_wait3A_482 = tpu.memref_squeeze %dma_wait3A_481 : memref<1x1x32x224xf32, #tpu.memory_space<hbm>> -> memref<32x224xf32, #tpu.memory_space<hbm>>
      %dma_wait3A_483 = arith.constant 0 : i32
      %dma_wait3A_484 = tpu.memref_slice %arg2[%select_n3A, %dma_wait3A_479, %mul3A_35, %dma_wait3A_483] : memref<4x5x224x224xf32, #tpu.memory_space<hbm>> -> memref<1x1x32x224xf32, #tpu.memory_space<hbm>>
      %dma_wait3A_485 = tpu.memref_squeeze %dma_wait3A_484 : memref<1x1x32x224xf32, #tpu.memory_space<hbm>> -> memref<32x224xf32, #tpu.memory_space<hbm>>
      tpu.wait_dma2 semaphore(%arg12 : memref<!tpu.dma_semaphore, #tpu.memory_space<semaphore_mem>>) src(%dma_wait3A_485 : memref<32x224xf32, #tpu.memory_space<hbm>>) dst(%arg5 : memref<32x224xf32, #tpu.memory_space<vmem>>)
      %dma_wait3A_486 = arith.constant 0 : i32
      %dma_wait3A_487 = arith.constant 0 : i32
      %dma_wait3A_488 = arith.constant 0 : i32
      %dma_wait3A_489 = tpu.memref_slice %arg6[%dma_wait3A_487, %dma_wait3A_488] : memref<48x224xf32, #tpu.memory_space<vmem>> -> memref<8x224xf32, #tpu.memory_space<vmem>>
      %dma_wait3A_490 = arith.constant 0 : i32
      %dma_wait3A_491 = tpu.memref_slice %arg2[%select_n3A, %dma_wait3A_486, %mul3A_112, %dma_wait3A_490] : memref<4x5x224x224xf32, #tpu.memory_space<hbm>> -> memref<1x1x8x224xf32, #tpu.memory_space<hbm>>
      %dma_wait3A_492 = tpu.memref_squeeze %dma_wait3A_491 : memref<1x1x8x224xf32, #tpu.memory_space<hbm>> -> memref<8x224xf32, #tpu.memory_space<hbm>>
      %dma_wait3A_493 = arith.constant 0 : i32
      %dma_wait3A_494 = arith.constant 0 : i32
      %dma_wait3A_495 = tpu.memref_slice %arg6[%dma_wait3A_493, %dma_wait3A_494] : memref<48x224xf32, #tpu.memory_space<vmem>> -> memref<8x224xf32, #tpu.memory_space<vmem>>
      %dma_wait3A_496 = arith.constant 0 : i32
      %dma_wait3A_497 = tpu.memref_slice %arg2[%select_n3A, %dma_wait3A_486, %mul3A_112, %dma_wait3A_496] : memref<4x5x224x224xf32, #tpu.memory_space<hbm>> -> memref<1x1x8x224xf32, #tpu.memory_space<hbm>>
      %dma_wait3A_498 = tpu.memref_squeeze %dma_wait3A_497 : memref<1x1x8x224xf32, #tpu.memory_space<hbm>> -> memref<8x224xf32, #tpu.memory_space<hbm>>
      tpu.wait_dma2 semaphore(%arg12 : memref<!tpu.dma_semaphore, #tpu.memory_space<semaphore_mem>>) src(%dma_wait3A_498 : memref<8x224xf32, #tpu.memory_space<hbm>>) dst(%dma_wait3A_495 : memref<8x224xf32, #tpu.memory_space<vmem>>)
      %dma_wait3A_499 = arith.constant 1 : i32
      %dma_wait3A_500 = arith.constant 0 : i32
      %dma_wait3A_501 = arith.constant 0 : i32
      %dma_wait3A_502 = tpu.memref_slice %arg7[%dma_wait3A_500, %dma_wait3A_501] : memref<48x224xf32, #tpu.memory_space<vmem>> -> memref<8x224xf32, #tpu.memory_space<vmem>>
      %dma_wait3A_503 = arith.constant 0 : i32
      %dma_wait3A_504 = tpu.memref_slice %arg2[%select_n3A, %dma_wait3A_499, %mul3A_127, %dma_wait3A_503] : memref<4x5x224x224xf32, #tpu.memory_space<hbm>> -> memref<1x1x8x224xf32, #tpu.memory_space<hbm>>
      %dma_wait3A_505 = tpu.memref_squeeze %dma_wait3A_504 : memref<1x1x8x224xf32, #tpu.memory_space<hbm>> -> memref<8x224xf32, #tpu.memory_space<hbm>>
      %dma_wait3A_506 = arith.constant 0 : i32
      %dma_wait3A_507 = arith.constant 0 : i32
      %dma_wait3A_508 = tpu.memref_slice %arg7[%dma_wait3A_506, %dma_wait3A_507] : memref<48x224xf32, #tpu.memory_space<vmem>> -> memref<8x224xf32, #tpu.memory_space<vmem>>
      %dma_wait3A_509 = arith.constant 0 : i32
      %dma_wait3A_510 = tpu.memref_slice %arg2[%select_n3A, %dma_wait3A_499, %mul3A_127, %dma_wait3A_509] : memref<4x5x224x224xf32, #tpu.memory_space<hbm>> -> memref<1x1x8x224xf32, #tpu.memory_space<hbm>>
      %dma_wait3A_511 = tpu.memref_squeeze %dma_wait3A_510 : memref<1x1x8x224xf32, #tpu.memory_space<hbm>> -> memref<8x224xf32, #tpu.memory_space<hbm>>
      tpu.wait_dma2 semaphore(%arg12 : memref<!tpu.dma_semaphore, #tpu.memory_space<semaphore_mem>>) src(%dma_wait3A_511 : memref<8x224xf32, #tpu.memory_space<hbm>>) dst(%dma_wait3A_508 : memref<8x224xf32, #tpu.memory_space<vmem>>)
      %dma_wait3A_512 = arith.constant 2 : i32
      %dma_wait3A_513 = arith.constant 0 : i32
      %dma_wait3A_514 = arith.constant 0 : i32
      %dma_wait3A_515 = tpu.memref_slice %arg8[%dma_wait3A_513, %dma_wait3A_514] : memref<48x224xf32, #tpu.memory_space<vmem>> -> memref<8x224xf32, #tpu.memory_space<vmem>>
      %dma_wait3A_516 = arith.constant 0 : i32
      %dma_wait3A_517 = tpu.memref_slice %arg2[%select_n3A, %dma_wait3A_512, %mul3A_142, %dma_wait3A_516] : memref<4x5x224x224xf32, #tpu.memory_space<hbm>> -> memref<1x1x8x224xf32, #tpu.memory_space<hbm>>
      %dma_wait3A_518 = tpu.memref_squeeze %dma_wait3A_517 : memref<1x1x8x224xf32, #tpu.memory_space<hbm>> -> memref<8x224xf32, #tpu.memory_space<hbm>>
      %dma_wait3A_519 = arith.constant 0 : i32
      %dma_wait3A_520 = arith.constant 0 : i32
      %dma_wait3A_521 = tpu.memref_slice %arg8[%dma_wait3A_519, %dma_wait3A_520] : memref<48x224xf32, #tpu.memory_space<vmem>> -> memref<8x224xf32, #tpu.memory_space<vmem>>
      %dma_wait3A_522 = arith.constant 0 : i32
      %dma_wait3A_523 = tpu.memref_slice %arg2[%select_n3A, %dma_wait3A_512, %mul3A_142, %dma_wait3A_522] : memref<4x5x224x224xf32, #tpu.memory_space<hbm>> -> memref<1x1x8x224xf32, #tpu.memory_space<hbm>>
      %dma_wait3A_524 = tpu.memref_squeeze %dma_wait3A_523 : memref<1x1x8x224xf32, #tpu.memory_space<hbm>> -> memref<8x224xf32, #tpu.memory_space<hbm>>
      tpu.wait_dma2 semaphore(%arg12 : memref<!tpu.dma_semaphore, #tpu.memory_space<semaphore_mem>>) src(%dma_wait3A_524 : memref<8x224xf32, #tpu.memory_space<hbm>>) dst(%dma_wait3A_521 : memref<8x224xf32, #tpu.memory_space<vmem>>)
      %dma_wait3A_525 = arith.constant 0 : i32
      %dma_wait3A_526 = arith.constant 8 : i32
      %dma_wait3A_527 = arith.constant 0 : i32
      %dma_wait3A_528 = tpu.memref_slice %arg6[%dma_wait3A_526, %dma_wait3A_527] : memref<48x224xf32, #tpu.memory_space<vmem>> -> memref<8x224xf32, #tpu.memory_space<vmem>>
      %dma_wait3A_529 = arith.constant 0 : i32
      %dma_wait3A_530 = tpu.memref_slice %arg2[%select_n3A, %dma_wait3A_525, %mul3A_175, %dma_wait3A_529] : memref<4x5x224x224xf32, #tpu.memory_space<hbm>> -> memref<1x1x8x224xf32, #tpu.memory_space<hbm>>
      %dma_wait3A_531 = tpu.memref_squeeze %dma_wait3A_530 : memref<1x1x8x224xf32, #tpu.memory_space<hbm>> -> memref<8x224xf32, #tpu.memory_space<hbm>>
      %dma_wait3A_532 = arith.constant 8 : i32
      %dma_wait3A_533 = arith.constant 0 : i32
      %dma_wait3A_534 = tpu.memref_slice %arg6[%dma_wait3A_532, %dma_wait3A_533] : memref<48x224xf32, #tpu.memory_space<vmem>> -> memref<8x224xf32, #tpu.memory_space<vmem>>
      %dma_wait3A_535 = arith.constant 0 : i32
      %dma_wait3A_536 = tpu.memref_slice %arg2[%select_n3A, %dma_wait3A_525, %mul3A_175, %dma_wait3A_535] : memref<4x5x224x224xf32, #tpu.memory_space<hbm>> -> memref<1x1x8x224xf32, #tpu.memory_space<hbm>>
      %dma_wait3A_537 = tpu.memref_squeeze %dma_wait3A_536 : memref<1x1x8x224xf32, #tpu.memory_space<hbm>> -> memref<8x224xf32, #tpu.memory_space<hbm>>
      tpu.wait_dma2 semaphore(%arg12 : memref<!tpu.dma_semaphore, #tpu.memory_space<semaphore_mem>>) src(%dma_wait3A_537 : memref<8x224xf32, #tpu.memory_space<hbm>>) dst(%dma_wait3A_534 : memref<8x224xf32, #tpu.memory_space<vmem>>)
      %dma_wait3A_538 = arith.constant 1 : i32
      %dma_wait3A_539 = arith.constant 8 : i32
      %dma_wait3A_540 = arith.constant 0 : i32
      %dma_wait3A_541 = tpu.memref_slice %arg7[%dma_wait3A_539, %dma_wait3A_540] : memref<48x224xf32, #tpu.memory_space<vmem>> -> memref<8x224xf32, #tpu.memory_space<vmem>>
      %dma_wait3A_542 = arith.constant 0 : i32
      %dma_wait3A_543 = tpu.memref_slice %arg2[%select_n3A, %dma_wait3A_538, %mul3A_190, %dma_wait3A_542] : memref<4x5x224x224xf32, #tpu.memory_space<hbm>> -> memref<1x1x8x224xf32, #tpu.memory_space<hbm>>
      %dma_wait3A_544 = tpu.memref_squeeze %dma_wait3A_543 : memref<1x1x8x224xf32, #tpu.memory_space<hbm>> -> memref<8x224xf32, #tpu.memory_space<hbm>>
      %dma_wait3A_545 = arith.constant 8 : i32
      %dma_wait3A_546 = arith.constant 0 : i32
      %dma_wait3A_547 = tpu.memref_slice %arg7[%dma_wait3A_545, %dma_wait3A_546] : memref<48x224xf32, #tpu.memory_space<vmem>> -> memref<8x224xf32, #tpu.memory_space<vmem>>
      %dma_wait3A_548 = arith.constant 0 : i32
      %dma_wait3A_549 = tpu.memref_slice %arg2[%select_n3A, %dma_wait3A_538, %mul3A_190, %dma_wait3A_548] : memref<4x5x224x224xf32, #tpu.memory_space<hbm>> -> memref<1x1x8x224xf32, #tpu.memory_space<hbm>>
      %dma_wait3A_550 = tpu.memref_squeeze %dma_wait3A_549 : memref<1x1x8x224xf32, #tpu.memory_space<hbm>> -> memref<8x224xf32, #tpu.memory_space<hbm>>
      tpu.wait_dma2 semaphore(%arg12 : memref<!tpu.dma_semaphore, #tpu.memory_space<semaphore_mem>>) src(%dma_wait3A_550 : memref<8x224xf32, #tpu.memory_space<hbm>>) dst(%dma_wait3A_547 : memref<8x224xf32, #tpu.memory_space<vmem>>)
      %dma_wait3A_551 = arith.constant 2 : i32
      %dma_wait3A_552 = arith.constant 8 : i32
      %dma_wait3A_553 = arith.constant 0 : i32
      %dma_wait3A_554 = tpu.memref_slice %arg8[%dma_wait3A_552, %dma_wait3A_553] : memref<48x224xf32, #tpu.memory_space<vmem>> -> memref<8x224xf32, #tpu.memory_space<vmem>>
      %dma_wait3A_555 = arith.constant 0 : i32
      %dma_wait3A_556 = tpu.memref_slice %arg2[%select_n3A, %dma_wait3A_551, %mul3A_205, %dma_wait3A_555] : memref<4x5x224x224xf32, #tpu.memory_space<hbm>> -> memref<1x1x8x224xf32, #tpu.memory_space<hbm>>
      %dma_wait3A_557 = tpu.memref_squeeze %dma_wait3A_556 : memref<1x1x8x224xf32, #tpu.memory_space<hbm>> -> memref<8x224xf32, #tpu.memory_space<hbm>>
      %dma_wait3A_558 = arith.constant 8 : i32
      %dma_wait3A_559 = arith.constant 0 : i32
      %dma_wait3A_560 = tpu.memref_slice %arg8[%dma_wait3A_558, %dma_wait3A_559] : memref<48x224xf32, #tpu.memory_space<vmem>> -> memref<8x224xf32, #tpu.memory_space<vmem>>
      %dma_wait3A_561 = arith.constant 0 : i32
      %dma_wait3A_562 = tpu.memref_slice %arg2[%select_n3A, %dma_wait3A_551, %mul3A_205, %dma_wait3A_561] : memref<4x5x224x224xf32, #tpu.memory_space<hbm>> -> memref<1x1x8x224xf32, #tpu.memory_space<hbm>>
      %dma_wait3A_563 = tpu.memref_squeeze %dma_wait3A_562 : memref<1x1x8x224xf32, #tpu.memory_space<hbm>> -> memref<8x224xf32, #tpu.memory_space<hbm>>
      tpu.wait_dma2 semaphore(%arg12 : memref<!tpu.dma_semaphore, #tpu.memory_space<semaphore_mem>>) src(%dma_wait3A_563 : memref<8x224xf32, #tpu.memory_space<hbm>>) dst(%dma_wait3A_560 : memref<8x224xf32, #tpu.memory_space<vmem>>)
      %dma_wait3A_564 = arith.constant 0 : i32
      %dma_wait3A_565 = arith.constant 16 : i32
      %dma_wait3A_566 = arith.constant 0 : i32
      %dma_wait3A_567 = tpu.memref_slice %arg6[%dma_wait3A_565, %dma_wait3A_566] : memref<48x224xf32, #tpu.memory_space<vmem>> -> memref<8x224xf32, #tpu.memory_space<vmem>>
      %dma_wait3A_568 = arith.constant 0 : i32
      %dma_wait3A_569 = tpu.memref_slice %arg2[%select_n3A, %dma_wait3A_564, %mul3A_238, %dma_wait3A_568] : memref<4x5x224x224xf32, #tpu.memory_space<hbm>> -> memref<1x1x8x224xf32, #tpu.memory_space<hbm>>
      %dma_wait3A_570 = tpu.memref_squeeze %dma_wait3A_569 : memref<1x1x8x224xf32, #tpu.memory_space<hbm>> -> memref<8x224xf32, #tpu.memory_space<hbm>>
      %dma_wait3A_571 = arith.constant 16 : i32
      %dma_wait3A_572 = arith.constant 0 : i32
      %dma_wait3A_573 = tpu.memref_slice %arg6[%dma_wait3A_571, %dma_wait3A_572] : memref<48x224xf32, #tpu.memory_space<vmem>> -> memref<8x224xf32, #tpu.memory_space<vmem>>
      %dma_wait3A_574 = arith.constant 0 : i32
      %dma_wait3A_575 = tpu.memref_slice %arg2[%select_n3A, %dma_wait3A_564, %mul3A_238, %dma_wait3A_574] : memref<4x5x224x224xf32, #tpu.memory_space<hbm>> -> memref<1x1x8x224xf32, #tpu.memory_space<hbm>>
      %dma_wait3A_576 = tpu.memref_squeeze %dma_wait3A_575 : memref<1x1x8x224xf32, #tpu.memory_space<hbm>> -> memref<8x224xf32, #tpu.memory_space<hbm>>
      tpu.wait_dma2 semaphore(%arg12 : memref<!tpu.dma_semaphore, #tpu.memory_space<semaphore_mem>>) src(%dma_wait3A_576 : memref<8x224xf32, #tpu.memory_space<hbm>>) dst(%dma_wait3A_573 : memref<8x224xf32, #tpu.memory_space<vmem>>)
      %dma_wait3A_577 = arith.constant 1 : i32
      %dma_wait3A_578 = arith.constant 16 : i32
      %dma_wait3A_579 = arith.constant 0 : i32
      %dma_wait3A_580 = tpu.memref_slice %arg7[%dma_wait3A_578, %dma_wait3A_579] : memref<48x224xf32, #tpu.memory_space<vmem>> -> memref<8x224xf32, #tpu.memory_space<vmem>>
      %dma_wait3A_581 = arith.constant 0 : i32
      %dma_wait3A_582 = tpu.memref_slice %arg2[%select_n3A, %dma_wait3A_577, %mul3A_253, %dma_wait3A_581] : memref<4x5x224x224xf32, #tpu.memory_space<hbm>> -> memref<1x1x8x224xf32, #tpu.memory_space<hbm>>
      %dma_wait3A_583 = tpu.memref_squeeze %dma_wait3A_582 : memref<1x1x8x224xf32, #tpu.memory_space<hbm>> -> memref<8x224xf32, #tpu.memory_space<hbm>>
      %dma_wait3A_584 = arith.constant 16 : i32
      %dma_wait3A_585 = arith.constant 0 : i32
      %dma_wait3A_586 = tpu.memref_slice %arg7[%dma_wait3A_584, %dma_wait3A_585] : memref<48x224xf32, #tpu.memory_space<vmem>> -> memref<8x224xf32, #tpu.memory_space<vmem>>
      %dma_wait3A_587 = arith.constant 0 : i32
      %dma_wait3A_588 = tpu.memref_slice %arg2[%select_n3A, %dma_wait3A_577, %mul3A_253, %dma_wait3A_587] : memref<4x5x224x224xf32, #tpu.memory_space<hbm>> -> memref<1x1x8x224xf32, #tpu.memory_space<hbm>>
      %dma_wait3A_589 = tpu.memref_squeeze %dma_wait3A_588 : memref<1x1x8x224xf32, #tpu.memory_space<hbm>> -> memref<8x224xf32, #tpu.memory_space<hbm>>
      tpu.wait_dma2 semaphore(%arg12 : memref<!tpu.dma_semaphore, #tpu.memory_space<semaphore_mem>>) src(%dma_wait3A_589 : memref<8x224xf32, #tpu.memory_space<hbm>>) dst(%dma_wait3A_586 : memref<8x224xf32, #tpu.memory_space<vmem>>)
      %dma_wait3A_590 = arith.constant 2 : i32
      %dma_wait3A_591 = arith.constant 16 : i32
      %dma_wait3A_592 = arith.constant 0 : i32
      %dma_wait3A_593 = tpu.memref_slice %arg8[%dma_wait3A_591, %dma_wait3A_592] : memref<48x224xf32, #tpu.memory_space<vmem>> -> memref<8x224xf32, #tpu.memory_space<vmem>>
      %dma_wait3A_594 = arith.constant 0 : i32
      %dma_wait3A_595 = tpu.memref_slice %arg2[%select_n3A, %dma_wait3A_590, %mul3A_268, %dma_wait3A_594] : memref<4x5x224x224xf32, #tpu.memory_space<hbm>> -> memref<1x1x8x224xf32, #tpu.memory_space<hbm>>
      %dma_wait3A_596 = tpu.memref_squeeze %dma_wait3A_595 : memref<1x1x8x224xf32, #tpu.memory_space<hbm>> -> memref<8x224xf32, #tpu.memory_space<hbm>>
      %dma_wait3A_597 = arith.constant 16 : i32
      %dma_wait3A_598 = arith.constant 0 : i32
      %dma_wait3A_599 = tpu.memref_slice %arg8[%dma_wait3A_597, %dma_wait3A_598] : memref<48x224xf32, #tpu.memory_space<vmem>> -> memref<8x224xf32, #tpu.memory_space<vmem>>
      %dma_wait3A_600 = arith.constant 0 : i32
      %dma_wait3A_601 = tpu.memref_slice %arg2[%select_n3A, %dma_wait3A_590, %mul3A_268, %dma_wait3A_600] : memref<4x5x224x224xf32, #tpu.memory_space<hbm>> -> memref<1x1x8x224xf32, #tpu.memory_space<hbm>>
      %dma_wait3A_602 = tpu.memref_squeeze %dma_wait3A_601 : memref<1x1x8x224xf32, #tpu.memory_space<hbm>> -> memref<8x224xf32, #tpu.memory_space<hbm>>
      tpu.wait_dma2 semaphore(%arg12 : memref<!tpu.dma_semaphore, #tpu.memory_space<semaphore_mem>>) src(%dma_wait3A_602 : memref<8x224xf32, #tpu.memory_space<hbm>>) dst(%dma_wait3A_599 : memref<8x224xf32, #tpu.memory_space<vmem>>)
      %dma_wait3A_603 = arith.constant 0 : i32
      %dma_wait3A_604 = arith.constant 24 : i32
      %dma_wait3A_605 = arith.constant 0 : i32
      %dma_wait3A_606 = tpu.memref_slice %arg6[%dma_wait3A_604, %dma_wait3A_605] : memref<48x224xf32, #tpu.memory_space<vmem>> -> memref<8x224xf32, #tpu.memory_space<vmem>>
      %dma_wait3A_607 = arith.constant 0 : i32
      %dma_wait3A_608 = tpu.memref_slice %arg2[%select_n3A, %dma_wait3A_603, %mul3A_301, %dma_wait3A_607] : memref<4x5x224x224xf32, #tpu.memory_space<hbm>> -> memref<1x1x8x224xf32, #tpu.memory_space<hbm>>
      %dma_wait3A_609 = tpu.memref_squeeze %dma_wait3A_608 : memref<1x1x8x224xf32, #tpu.memory_space<hbm>> -> memref<8x224xf32, #tpu.memory_space<hbm>>
      %dma_wait3A_610 = arith.constant 24 : i32
      %dma_wait3A_611 = arith.constant 0 : i32
      %dma_wait3A_612 = tpu.memref_slice %arg6[%dma_wait3A_610, %dma_wait3A_611] : memref<48x224xf32, #tpu.memory_space<vmem>> -> memref<8x224xf32, #tpu.memory_space<vmem>>
      %dma_wait3A_613 = arith.constant 0 : i32
      %dma_wait3A_614 = tpu.memref_slice %arg2[%select_n3A, %dma_wait3A_603, %mul3A_301, %dma_wait3A_613] : memref<4x5x224x224xf32, #tpu.memory_space<hbm>> -> memref<1x1x8x224xf32, #tpu.memory_space<hbm>>
      %dma_wait3A_615 = tpu.memref_squeeze %dma_wait3A_614 : memref<1x1x8x224xf32, #tpu.memory_space<hbm>> -> memref<8x224xf32, #tpu.memory_space<hbm>>
      tpu.wait_dma2 semaphore(%arg13 : memref<!tpu.dma_semaphore, #tpu.memory_space<semaphore_mem>>) src(%dma_wait3A_615 : memref<8x224xf32, #tpu.memory_space<hbm>>) dst(%dma_wait3A_612 : memref<8x224xf32, #tpu.memory_space<vmem>>)
      %dma_wait3A_616 = arith.constant 1 : i32
      %dma_wait3A_617 = arith.constant 24 : i32
      %dma_wait3A_618 = arith.constant 0 : i32
      %dma_wait3A_619 = tpu.memref_slice %arg7[%dma_wait3A_617, %dma_wait3A_618] : memref<48x224xf32, #tpu.memory_space<vmem>> -> memref<8x224xf32, #tpu.memory_space<vmem>>
      %dma_wait3A_620 = arith.constant 0 : i32
      %dma_wait3A_621 = tpu.memref_slice %arg2[%select_n3A, %dma_wait3A_616, %mul3A_316, %dma_wait3A_620] : memref<4x5x224x224xf32, #tpu.memory_space<hbm>> -> memref<1x1x8x224xf32, #tpu.memory_space<hbm>>
      %dma_wait3A_622 = tpu.memref_squeeze %dma_wait3A_621 : memref<1x1x8x224xf32, #tpu.memory_space<hbm>> -> memref<8x224xf32, #tpu.memory_space<hbm>>
      %dma_wait3A_623 = arith.constant 24 : i32
      %dma_wait3A_624 = arith.constant 0 : i32
      %dma_wait3A_625 = tpu.memref_slice %arg7[%dma_wait3A_623, %dma_wait3A_624] : memref<48x224xf32, #tpu.memory_space<vmem>> -> memref<8x224xf32, #tpu.memory_space<vmem>>
      %dma_wait3A_626 = arith.constant 0 : i32
      %dma_wait3A_627 = tpu.memref_slice %arg2[%select_n3A, %dma_wait3A_616, %mul3A_316, %dma_wait3A_626] : memref<4x5x224x224xf32, #tpu.memory_space<hbm>> -> memref<1x1x8x224xf32, #tpu.memory_space<hbm>>
      %dma_wait3A_628 = tpu.memref_squeeze %dma_wait3A_627 : memref<1x1x8x224xf32, #tpu.memory_space<hbm>> -> memref<8x224xf32, #tpu.memory_space<hbm>>
      tpu.wait_dma2 semaphore(%arg13 : memref<!tpu.dma_semaphore, #tpu.memory_space<semaphore_mem>>) src(%dma_wait3A_628 : memref<8x224xf32, #tpu.memory_space<hbm>>) dst(%dma_wait3A_625 : memref<8x224xf32, #tpu.memory_space<vmem>>)
      %dma_wait3A_629 = arith.constant 2 : i32
      %dma_wait3A_630 = arith.constant 24 : i32
      %dma_wait3A_631 = arith.constant 0 : i32
      %dma_wait3A_632 = tpu.memref_slice %arg8[%dma_wait3A_630, %dma_wait3A_631] : memref<48x224xf32, #tpu.memory_space<vmem>> -> memref<8x224xf32, #tpu.memory_space<vmem>>
      %dma_wait3A_633 = arith.constant 0 : i32
      %dma_wait3A_634 = tpu.memref_slice %arg2[%select_n3A, %dma_wait3A_629, %mul3A_331, %dma_wait3A_633] : memref<4x5x224x224xf32, #tpu.memory_space<hbm>> -> memref<1x1x8x224xf32, #tpu.memory_space<hbm>>
      %dma_wait3A_635 = tpu.memref_squeeze %dma_wait3A_634 : memref<1x1x8x224xf32, #tpu.memory_space<hbm>> -> memref<8x224xf32, #tpu.memory_space<hbm>>
      %dma_wait3A_636 = arith.constant 24 : i32
      %dma_wait3A_637 = arith.constant 0 : i32
      %dma_wait3A_638 = tpu.memref_slice %arg8[%dma_wait3A_636, %dma_wait3A_637] : memref<48x224xf32, #tpu.memory_space<vmem>> -> memref<8x224xf32, #tpu.memory_space<vmem>>
      %dma_wait3A_639 = arith.constant 0 : i32
      %dma_wait3A_640 = tpu.memref_slice %arg2[%select_n3A, %dma_wait3A_629, %mul3A_331, %dma_wait3A_639] : memref<4x5x224x224xf32, #tpu.memory_space<hbm>> -> memref<1x1x8x224xf32, #tpu.memory_space<hbm>>
      %dma_wait3A_641 = tpu.memref_squeeze %dma_wait3A_640 : memref<1x1x8x224xf32, #tpu.memory_space<hbm>> -> memref<8x224xf32, #tpu.memory_space<hbm>>
      tpu.wait_dma2 semaphore(%arg13 : memref<!tpu.dma_semaphore, #tpu.memory_space<semaphore_mem>>) src(%dma_wait3A_641 : memref<8x224xf32, #tpu.memory_space<hbm>>) dst(%dma_wait3A_638 : memref<8x224xf32, #tpu.memory_space<vmem>>)
      %dma_wait3A_642 = arith.constant 0 : i32
      %dma_wait3A_643 = arith.constant 32 : i32
      %dma_wait3A_644 = arith.constant 0 : i32
      %dma_wait3A_645 = tpu.memref_slice %arg6[%dma_wait3A_643, %dma_wait3A_644] : memref<48x224xf32, #tpu.memory_space<vmem>> -> memref<8x224xf32, #tpu.memory_space<vmem>>
      %dma_wait3A_646 = arith.constant 0 : i32
      %dma_wait3A_647 = tpu.memref_slice %arg2[%select_n3A, %dma_wait3A_642, %mul3A_364, %dma_wait3A_646] : memref<4x5x224x224xf32, #tpu.memory_space<hbm>> -> memref<1x1x8x224xf32, #tpu.memory_space<hbm>>
      %dma_wait3A_648 = tpu.memref_squeeze %dma_wait3A_647 : memref<1x1x8x224xf32, #tpu.memory_space<hbm>> -> memref<8x224xf32, #tpu.memory_space<hbm>>
      %dma_wait3A_649 = arith.constant 32 : i32
      %dma_wait3A_650 = arith.constant 0 : i32
      %dma_wait3A_651 = tpu.memref_slice %arg6[%dma_wait3A_649, %dma_wait3A_650] : memref<48x224xf32, #tpu.memory_space<vmem>> -> memref<8x224xf32, #tpu.memory_space<vmem>>
      %dma_wait3A_652 = arith.constant 0 : i32
      %dma_wait3A_653 = tpu.memref_slice %arg2[%select_n3A, %dma_wait3A_642, %mul3A_364, %dma_wait3A_652] : memref<4x5x224x224xf32, #tpu.memory_space<hbm>> -> memref<1x1x8x224xf32, #tpu.memory_space<hbm>>
      %dma_wait3A_654 = tpu.memref_squeeze %dma_wait3A_653 : memref<1x1x8x224xf32, #tpu.memory_space<hbm>> -> memref<8x224xf32, #tpu.memory_space<hbm>>
      tpu.wait_dma2 semaphore(%arg13 : memref<!tpu.dma_semaphore, #tpu.memory_space<semaphore_mem>>) src(%dma_wait3A_654 : memref<8x224xf32, #tpu.memory_space<hbm>>) dst(%dma_wait3A_651 : memref<8x224xf32, #tpu.memory_space<vmem>>)
      %dma_wait3A_655 = arith.constant 1 : i32
      %dma_wait3A_656 = arith.constant 32 : i32
      %dma_wait3A_657 = arith.constant 0 : i32
      %dma_wait3A_658 = tpu.memref_slice %arg7[%dma_wait3A_656, %dma_wait3A_657] : memref<48x224xf32, #tpu.memory_space<vmem>> -> memref<8x224xf32, #tpu.memory_space<vmem>>
      %dma_wait3A_659 = arith.constant 0 : i32
      %dma_wait3A_660 = tpu.memref_slice %arg2[%select_n3A, %dma_wait3A_655, %mul3A_379, %dma_wait3A_659] : memref<4x5x224x224xf32, #tpu.memory_space<hbm>> -> memref<1x1x8x224xf32, #tpu.memory_space<hbm>>
      %dma_wait3A_661 = tpu.memref_squeeze %dma_wait3A_660 : memref<1x1x8x224xf32, #tpu.memory_space<hbm>> -> memref<8x224xf32, #tpu.memory_space<hbm>>
      %dma_wait3A_662 = arith.constant 32 : i32
      %dma_wait3A_663 = arith.constant 0 : i32
      %dma_wait3A_664 = tpu.memref_slice %arg7[%dma_wait3A_662, %dma_wait3A_663] : memref<48x224xf32, #tpu.memory_space<vmem>> -> memref<8x224xf32, #tpu.memory_space<vmem>>
      %dma_wait3A_665 = arith.constant 0 : i32
      %dma_wait3A_666 = tpu.memref_slice %arg2[%select_n3A, %dma_wait3A_655, %mul3A_379, %dma_wait3A_665] : memref<4x5x224x224xf32, #tpu.memory_space<hbm>> -> memref<1x1x8x224xf32, #tpu.memory_space<hbm>>
      %dma_wait3A_667 = tpu.memref_squeeze %dma_wait3A_666 : memref<1x1x8x224xf32, #tpu.memory_space<hbm>> -> memref<8x224xf32, #tpu.memory_space<hbm>>
      tpu.wait_dma2 semaphore(%arg13 : memref<!tpu.dma_semaphore, #tpu.memory_space<semaphore_mem>>) src(%dma_wait3A_667 : memref<8x224xf32, #tpu.memory_space<hbm>>) dst(%dma_wait3A_664 : memref<8x224xf32, #tpu.memory_space<vmem>>)
      %dma_wait3A_668 = arith.constant 2 : i32
      %dma_wait3A_669 = arith.constant 32 : i32
      %dma_wait3A_670 = arith.constant 0 : i32
      %dma_wait3A_671 = tpu.memref_slice %arg8[%dma_wait3A_669, %dma_wait3A_670] : memref<48x224xf32, #tpu.memory_space<vmem>> -> memref<8x224xf32, #tpu.memory_space<vmem>>
      %dma_wait3A_672 = arith.constant 0 : i32
      %dma_wait3A_673 = tpu.memref_slice %arg2[%select_n3A, %dma_wait3A_668, %mul3A_394, %dma_wait3A_672] : memref<4x5x224x224xf32, #tpu.memory_space<hbm>> -> memref<1x1x8x224xf32, #tpu.memory_space<hbm>>
      %dma_wait3A_674 = tpu.memref_squeeze %dma_wait3A_673 : memref<1x1x8x224xf32, #tpu.memory_space<hbm>> -> memref<8x224xf32, #tpu.memory_space<hbm>>
      %dma_wait3A_675 = arith.constant 32 : i32
      %dma_wait3A_676 = arith.constant 0 : i32
      %dma_wait3A_677 = tpu.memref_slice %arg8[%dma_wait3A_675, %dma_wait3A_676] : memref<48x224xf32, #tpu.memory_space<vmem>> -> memref<8x224xf32, #tpu.memory_space<vmem>>
      %dma_wait3A_678 = arith.constant 0 : i32
      %dma_wait3A_679 = tpu.memref_slice %arg2[%select_n3A, %dma_wait3A_668, %mul3A_394, %dma_wait3A_678] : memref<4x5x224x224xf32, #tpu.memory_space<hbm>> -> memref<1x1x8x224xf32, #tpu.memory_space<hbm>>
      %dma_wait3A_680 = tpu.memref_squeeze %dma_wait3A_679 : memref<1x1x8x224xf32, #tpu.memory_space<hbm>> -> memref<8x224xf32, #tpu.memory_space<hbm>>
      tpu.wait_dma2 semaphore(%arg13 : memref<!tpu.dma_semaphore, #tpu.memory_space<semaphore_mem>>) src(%dma_wait3A_680 : memref<8x224xf32, #tpu.memory_space<hbm>>) dst(%dma_wait3A_677 : memref<8x224xf32, #tpu.memory_space<vmem>>)
      %dma_wait3A_681 = arith.constant 0 : i32
      %dma_wait3A_682 = arith.constant 40 : i32
      %dma_wait3A_683 = arith.constant 0 : i32
      %dma_wait3A_684 = tpu.memref_slice %arg6[%dma_wait3A_682, %dma_wait3A_683] : memref<48x224xf32, #tpu.memory_space<vmem>> -> memref<8x224xf32, #tpu.memory_space<vmem>>
      %dma_wait3A_685 = arith.constant 0 : i32
      %dma_wait3A_686 = tpu.memref_slice %arg2[%select_n3A, %dma_wait3A_681, %mul3A_427, %dma_wait3A_685] : memref<4x5x224x224xf32, #tpu.memory_space<hbm>> -> memref<1x1x8x224xf32, #tpu.memory_space<hbm>>
      %dma_wait3A_687 = tpu.memref_squeeze %dma_wait3A_686 : memref<1x1x8x224xf32, #tpu.memory_space<hbm>> -> memref<8x224xf32, #tpu.memory_space<hbm>>
      %dma_wait3A_688 = arith.constant 40 : i32
      %dma_wait3A_689 = arith.constant 0 : i32
      %dma_wait3A_690 = tpu.memref_slice %arg6[%dma_wait3A_688, %dma_wait3A_689] : memref<48x224xf32, #tpu.memory_space<vmem>> -> memref<8x224xf32, #tpu.memory_space<vmem>>
      %dma_wait3A_691 = arith.constant 0 : i32
      %dma_wait3A_692 = tpu.memref_slice %arg2[%select_n3A, %dma_wait3A_681, %mul3A_427, %dma_wait3A_691] : memref<4x5x224x224xf32, #tpu.memory_space<hbm>> -> memref<1x1x8x224xf32, #tpu.memory_space<hbm>>
      %dma_wait3A_693 = tpu.memref_squeeze %dma_wait3A_692 : memref<1x1x8x224xf32, #tpu.memory_space<hbm>> -> memref<8x224xf32, #tpu.memory_space<hbm>>
      tpu.wait_dma2 semaphore(%arg13 : memref<!tpu.dma_semaphore, #tpu.memory_space<semaphore_mem>>) src(%dma_wait3A_693 : memref<8x224xf32, #tpu.memory_space<hbm>>) dst(%dma_wait3A_690 : memref<8x224xf32, #tpu.memory_space<vmem>>)
      %dma_wait3A_694 = arith.constant 1 : i32
      %dma_wait3A_695 = arith.constant 40 : i32
      %dma_wait3A_696 = arith.constant 0 : i32
      %dma_wait3A_697 = tpu.memref_slice %arg7[%dma_wait3A_695, %dma_wait3A_696] : memref<48x224xf32, #tpu.memory_space<vmem>> -> memref<8x224xf32, #tpu.memory_space<vmem>>
      %dma_wait3A_698 = arith.constant 0 : i32
      %dma_wait3A_699 = tpu.memref_slice %arg2[%select_n3A, %dma_wait3A_694, %mul3A_442, %dma_wait3A_698] : memref<4x5x224x224xf32, #tpu.memory_space<hbm>> -> memref<1x1x8x224xf32, #tpu.memory_space<hbm>>
      %dma_wait3A_700 = tpu.memref_squeeze %dma_wait3A_699 : memref<1x1x8x224xf32, #tpu.memory_space<hbm>> -> memref<8x224xf32, #tpu.memory_space<hbm>>
      %dma_wait3A_701 = arith.constant 40 : i32
      %dma_wait3A_702 = arith.constant 0 : i32
      %dma_wait3A_703 = tpu.memref_slice %arg7[%dma_wait3A_701, %dma_wait3A_702] : memref<48x224xf32, #tpu.memory_space<vmem>> -> memref<8x224xf32, #tpu.memory_space<vmem>>
      %dma_wait3A_704 = arith.constant 0 : i32
      %dma_wait3A_705 = tpu.memref_slice %arg2[%select_n3A, %dma_wait3A_694, %mul3A_442, %dma_wait3A_704] : memref<4x5x224x224xf32, #tpu.memory_space<hbm>> -> memref<1x1x8x224xf32, #tpu.memory_space<hbm>>
      %dma_wait3A_706 = tpu.memref_squeeze %dma_wait3A_705 : memref<1x1x8x224xf32, #tpu.memory_space<hbm>> -> memref<8x224xf32, #tpu.memory_space<hbm>>
      tpu.wait_dma2 semaphore(%arg13 : memref<!tpu.dma_semaphore, #tpu.memory_space<semaphore_mem>>) src(%dma_wait3A_706 : memref<8x224xf32, #tpu.memory_space<hbm>>) dst(%dma_wait3A_703 : memref<8x224xf32, #tpu.memory_space<vmem>>)
      %dma_wait3A_707 = arith.constant 2 : i32
      %dma_wait3A_708 = arith.constant 40 : i32
      %dma_wait3A_709 = arith.constant 0 : i32
      %dma_wait3A_710 = tpu.memref_slice %arg8[%dma_wait3A_708, %dma_wait3A_709] : memref<48x224xf32, #tpu.memory_space<vmem>> -> memref<8x224xf32, #tpu.memory_space<vmem>>
      %dma_wait3A_711 = arith.constant 0 : i32
      %dma_wait3A_712 = tpu.memref_slice %arg2[%select_n3A, %dma_wait3A_707, %mul3A_457, %dma_wait3A_711] : memref<4x5x224x224xf32, #tpu.memory_space<hbm>> -> memref<1x1x8x224xf32, #tpu.memory_space<hbm>>
      %dma_wait3A_713 = tpu.memref_squeeze %dma_wait3A_712 : memref<1x1x8x224xf32, #tpu.memory_space<hbm>> -> memref<8x224xf32, #tpu.memory_space<hbm>>
      %dma_wait3A_714 = arith.constant 40 : i32
      %dma_wait3A_715 = arith.constant 0 : i32
      %dma_wait3A_716 = tpu.memref_slice %arg8[%dma_wait3A_714, %dma_wait3A_715] : memref<48x224xf32, #tpu.memory_space<vmem>> -> memref<8x224xf32, #tpu.memory_space<vmem>>
      %dma_wait3A_717 = arith.constant 0 : i32
      %dma_wait3A_718 = tpu.memref_slice %arg2[%select_n3A, %dma_wait3A_707, %mul3A_457, %dma_wait3A_717] : memref<4x5x224x224xf32, #tpu.memory_space<hbm>> -> memref<1x1x8x224xf32, #tpu.memory_space<hbm>>
      %dma_wait3A_719 = tpu.memref_squeeze %dma_wait3A_718 : memref<1x1x8x224xf32, #tpu.memory_space<hbm>> -> memref<8x224xf32, #tpu.memory_space<hbm>>
      tpu.wait_dma2 semaphore(%arg13 : memref<!tpu.dma_semaphore, #tpu.memory_space<semaphore_mem>>) src(%dma_wait3A_719 : memref<8x224xf32, #tpu.memory_space<hbm>>) dst(%dma_wait3A_716 : memref<8x224xf32, #tpu.memory_space<vmem>>)
      %scan3A = arith.constant 0 : i32
      %scan3A_720 = arith.constant 2.240000e+02 : f32
      %scan3A_721 = arith.constant 0 : i32
      %scan3A_722 = arith.constant 32 : i32
      %scan3A_723 = arith.addi %scan3A_721, %scan3A_722 : i32
      %scan3A_724 = arith.constant 2 : i32
      scf.for %scan3A_768 = %scan3A_721 to %scan3A_723 step %scan3A_724  : i32 {
        %add3A_769 = arith.addi %mul3A_35, %scan3A_768 : i32
        %convert_element_type3A_770 = arith.sitofp %add3A_769 : i32 to f32
        %add3A_771 = arith.constant 0 : i32
        %add3A_772 = vector.broadcast %add3A_771 : i32 to vector<16xi32>
        %add3A_773 = arith.addi %add3A_772, %iota3A : vector<16xi32>
        %get3A = arith.index_cast %scan3A_768 : i32 to index
        %get3A_774 = arith.constant 0 : index
        %get3A_775 = tpu.vector_load %arg4[%get3A, %get3A_774] {strides = array<i32>} : memref<32x224xf32, #tpu.memory_space<vmem>>, vector<16xf32>,
        %get3A_776 = arith.index_cast %scan3A_768 : i32 to index
        %get3A_777 = arith.constant 0 : index
        %get3A_778 = tpu.vector_load %arg5[%get3A_776, %get3A_777] {strides = array<i32>} : memref<32x224xf32, #tpu.memory_space<vmem>>, vector<16xf32>,
        %convert_element_type3A_779 = arith.sitofp %add3A_773 : vector<16xi32> to vector<16xf32>
        %add3A_780 = arith.addf %convert_element_type3A_779, %get3A_775 : vector<16xf32>
        %lt3A_781 = arith.constant 0.000000e+00 : f32
        %lt3A_782 = vector.broadcast %lt3A_781 : f32 to vector<16xf32>
        %lt3A_783 = arith.cmpf olt, %add3A_780, %lt3A_782 : vector<16xf32>
        %add3A_784 = vector.broadcast %scan3A_720 : f32 to vector<16xf32>
        %add3A_785 = arith.addf %add3A_780, %add3A_784 : vector<16xf32>
        %ge3A = vector.broadcast %scan3A_720 : f32 to vector<16xf32>
        %ge3A_786 = arith.cmpf oge, %add3A_780, %ge3A : vector<16xf32>
        %sub3A_787 = vector.broadcast %scan3A_720 : f32 to vector<16xf32>
        %sub3A_788 = arith.subf %add3A_780, %sub3A_787 : vector<16xf32>
        %select_n3A_789 = arith.select %ge3A_786, %sub3A_788, %add3A_780 : vector<16xi1>, vector<16xf32>
        %select_n3A_790 = arith.select %lt3A_783, %add3A_785, %select_n3A_789 : vector<16xi1>, vector<16xf32>
        %convert_element_type3A_791 = arith.fptosi %select_n3A_790 : vector<16xf32> to vector<16xi32>
        %min3A = arith.constant 223 : i32
        %min3A_792 = vector.broadcast %min3A : i32 to vector<16xi32>
        %min3A_793 = arith.minsi %convert_element_type3A_791, %min3A_792 : vector<16xi32>
        %add3A_794 = vector.broadcast %convert_element_type3A_770 : f32 to vector<16xf32>
        %add3A_795 = arith.addf %add3A_794, %get3A_778 : vector<16xf32>
        %lt3A_796 = arith.constant 0.000000e+00 : f32
        %lt3A_797 = vector.broadcast %lt3A_796 : f32 to vector<16xf32>
        %lt3A_798 = arith.cmpf olt, %add3A_795, %lt3A_797 : vector<16xf32>
        %add3A_799 = vector.broadcast %scan3A_720 : f32 to vector<16xf32>
        %add3A_800 = arith.addf %add3A_795, %add3A_799 : vector<16xf32>
        %ge3A_801 = vector.broadcast %scan3A_720 : f32 to vector<16xf32>
        %ge3A_802 = arith.cmpf oge, %add3A_795, %ge3A_801 : vector<16xf32>
        %sub3A_803 = vector.broadcast %scan3A_720 : f32 to vector<16xf32>
        %sub3A_804 = arith.subf %add3A_795, %sub3A_803 : vector<16xf32>
        %select_n3A_805 = arith.select %ge3A_802, %sub3A_804, %add3A_795 : vector<16xi1>, vector<16xf32>
        %select_n3A_806 = arith.select %lt3A_798, %add3A_800, %select_n3A_805 : vector<16xi1>, vector<16xf32>
        %convert_element_type3A_807 = arith.fptosi %select_n3A_806 : vector<16xf32> to vector<16xi32>
        %min3A_808 = arith.constant 223 : i32
        %min3A_809 = vector.broadcast %min3A_808 : i32 to vector<16xi32>
        %min3A_810 = arith.minsi %convert_element_type3A_807, %min3A_809 : vector<16xi32>
        %add3A_811 = vector.broadcast %sub3A_472 : i32 to vector<16xi32>
        %add3A_812 = arith.addi %min3A_810, %add3A_811 : vector<16xi32>
        %lt3A_813 = arith.constant 0 : i32
        %lt3A_814 = vector.broadcast %lt3A_813 : i32 to vector<16xi32>
        %lt3A_815 = arith.cmpi slt, %add3A_812, %lt3A_814 : vector<16xi32>
        %add3A_816 = arith.constant 224 : i32
        %add3A_817 = vector.broadcast %add3A_816 : i32 to vector<16xi32>
        %add3A_818 = arith.addi %add3A_812, %add3A_817 : vector<16xi32>
        %select_n3A_819 = arith.select %lt3A_815, %add3A_818, %add3A_812 : vector<16xi1>, vector<16xi32>
        %ge3A_820 = arith.constant 224 : i32
        %ge3A_821 = vector.broadcast %ge3A_820 : i32 to vector<16xi32>
        %ge3A_822 = arith.cmpi sge, %select_n3A_819, %ge3A_821 : vector<16xi32>
        %sub3A_823 = arith.constant 224 : i32
        %sub3A_824 = vector.broadcast %sub3A_823 : i32 to vector<16xi32>
        %sub3A_825 = arith.subi %select_n3A_819, %sub3A_824 : vector<16xi32>
        %select_n3A_826 = arith.select %ge3A_822, %sub3A_825, %select_n3A_819 : vector<16xi1>, vector<16xi32>
        %min3A_827 = arith.constant 47 : i32
        %min3A_828 = vector.broadcast %min3A_827 : i32 to vector<16xi32>
        %min3A_829 = arith.minsi %select_n3A_826, %min3A_828 : vector<16xi32>
        %gather3A = tpu.vector_load_idx %arg6[%min3A_829, %min3A_793] : memref<48x224xf32, #tpu.memory_space<vmem>>[vector<16xi32>, vector<16xi32>], vector<16xf32>,
        %swap3A = arith.index_cast %scan3A_768 : i32 to index
        %swap3A_830 = arith.constant 0 : index
        %swap3A_831 = tpu.vector_load %arg9[%swap3A, %swap3A_830] {strides = array<i32>} : memref<32x224xf32, #tpu.memory_space<vmem>>, vector<16xf32>,
        tpu.vector_store %arg9[%swap3A, %swap3A_830], %gather3A {strides = array<i32>} : memref<32x224xf32, #tpu.memory_space<vmem>>, vector<16xf32>,
        %gather3A_832 = tpu.vector_load_idx %arg7[%min3A_829, %min3A_793] : memref<48x224xf32, #tpu.memory_space<vmem>>[vector<16xi32>, vector<16xi32>], vector<16xf32>,
        %swap3A_833 = arith.index_cast %scan3A_768 : i32 to index
        %swap3A_834 = arith.constant 0 : index
        %swap3A_835 = tpu.vector_load %arg10[%swap3A_833, %swap3A_834] {strides = array<i32>} : memref<32x224xf32, #tpu.memory_space<vmem>>, vector<16xf32>,
        tpu.vector_store %arg10[%swap3A_833, %swap3A_834], %gather3A_832 {strides = array<i32>} : memref<32x224xf32, #tpu.memory_space<vmem>>, vector<16xf32>,
        %gather3A_836 = tpu.vector_load_idx %arg8[%min3A_829, %min3A_793] : memref<48x224xf32, #tpu.memory_space<vmem>>[vector<16xi32>, vector<16xi32>], vector<16xf32>,
        %swap3A_837 = arith.index_cast %scan3A_768 : i32 to index
        %swap3A_838 = arith.constant 0 : index
        %swap3A_839 = tpu.vector_load %arg11[%swap3A_837, %swap3A_838] {strides = array<i32>} : memref<32x224xf32, #tpu.memory_space<vmem>>, vector<16xf32>,
        tpu.vector_store %arg11[%swap3A_837, %swap3A_838], %gather3A_836 {strides = array<i32>} : memref<32x224xf32, #tpu.memory_space<vmem>>, vector<16xf32>,
        %add3A_840 = arith.constant 16 : i32
        %add3A_841 = vector.broadcast %add3A_840 : i32 to vector<16xi32>
        %add3A_842 = arith.addi %add3A_841, %iota3A : vector<16xi32>
        %get3A_843 = arith.index_cast %scan3A_768 : i32 to index
        %get3A_844 = arith.constant 16 : index
        %get3A_845 = tpu.vector_load %arg4[%get3A_843, %get3A_844] {strides = array<i32>} : memref<32x224xf32, #tpu.memory_space<vmem>>, vector<16xf32>,
        %get3A_846 = arith.index_cast %scan3A_768 : i32 to index
        %get3A_847 = arith.constant 16 : index
        %get3A_848 = tpu.vector_load %arg5[%get3A_846, %get3A_847] {strides = array<i32>} : memref<32x224xf32, #tpu.memory_space<vmem>>, vector<16xf32>,
        %convert_element_type3A_849 = arith.sitofp %add3A_842 : vector<16xi32> to vector<16xf32>
        %add3A_850 = arith.addf %convert_element_type3A_849, %get3A_845 : vector<16xf32>
        %lt3A_851 = arith.constant 0.000000e+00 : f32
        %lt3A_852 = vector.broadcast %lt3A_851 : f32 to vector<16xf32>
        %lt3A_853 = arith.cmpf olt, %add3A_850, %lt3A_852 : vector<16xf32>
        %add3A_854 = vector.broadcast %scan3A_720 : f32 to vector<16xf32>
        %add3A_855 = arith.addf %add3A_850, %add3A_854 : vector<16xf32>
        %ge3A_856 = vector.broadcast %scan3A_720 : f32 to vector<16xf32>
        %ge3A_857 = arith.cmpf oge, %add3A_850, %ge3A_856 : vector<16xf32>
        %sub3A_858 = vector.broadcast %scan3A_720 : f32 to vector<16xf32>
        %sub3A_859 = arith.subf %add3A_850, %sub3A_858 : vector<16xf32>
        %select_n3A_860 = arith.select %ge3A_857, %sub3A_859, %add3A_850 : vector<16xi1>, vector<16xf32>
        %select_n3A_861 = arith.select %lt3A_853, %add3A_855, %select_n3A_860 : vector<16xi1>, vector<16xf32>
        %convert_element_type3A_862 = arith.fptosi %select_n3A_861 : vector<16xf32> to vector<16xi32>
        %min3A_863 = arith.constant 223 : i32
        %min3A_864 = vector.broadcast %min3A_863 : i32 to vector<16xi32>
        %min3A_865 = arith.minsi %convert_element_type3A_862, %min3A_864 : vector<16xi32>
        %add3A_866 = vector.broadcast %convert_element_type3A_770 : f32 to vector<16xf32>
        %add3A_867 = arith.addf %add3A_866, %get3A_848 : vector<16xf32>
        %lt3A_868 = arith.constant 0.000000e+00 : f32
        %lt3A_869 = vector.broadcast %lt3A_868 : f32 to vector<16xf32>
        %lt3A_870 = arith.cmpf olt, %add3A_867, %lt3A_869 : vector<16xf32>
        %add3A_871 = vector.broadcast %scan3A_720 : f32 to vector<16xf32>
        %add3A_872 = arith.addf %add3A_867, %add3A_871 : vector<16xf32>
        %ge3A_873 = vector.broadcast %scan3A_720 : f32 to vector<16xf32>
        %ge3A_874 = arith.cmpf oge, %add3A_867, %ge3A_873 : vector<16xf32>
        %sub3A_875 = vector.broadcast %scan3A_720 : f32 to vector<16xf32>
        %sub3A_876 = arith.subf %add3A_867, %sub3A_875 : vector<16xf32>
        %select_n3A_877 = arith.select %ge3A_874, %sub3A_876, %add3A_867 : vector<16xi1>, vector<16xf32>
        %select_n3A_878 = arith.select %lt3A_870, %add3A_872, %select_n3A_877 : vector<16xi1>, vector<16xf32>
        %convert_element_type3A_879 = arith.fptosi %select_n3A_878 : vector<16xf32> to vector<16xi32>
        %min3A_880 = arith.constant 223 : i32
        %min3A_881 = vector.broadcast %min3A_880 : i32 to vector<16xi32>
        %min3A_882 = arith.minsi %convert_element_type3A_879, %min3A_881 : vector<16xi32>
        %add3A_883 = vector.broadcast %sub3A_472 : i32 to vector<16xi32>
        %add3A_884 = arith.addi %min3A_882, %add3A_883 : vector<16xi32>
        %lt3A_885 = arith.constant 0 : i32
        %lt3A_886 = vector.broadcast %lt3A_885 : i32 to vector<16xi32>
        %lt3A_887 = arith.cmpi slt, %add3A_884, %lt3A_886 : vector<16xi32>
        %add3A_888 = arith.constant 224 : i32
        %add3A_889 = vector.broadcast %add3A_888 : i32 to vector<16xi32>
        %add3A_890 = arith.addi %add3A_884, %add3A_889 : vector<16xi32>
        %select_n3A_891 = arith.select %lt3A_887, %add3A_890, %add3A_884 : vector<16xi1>, vector<16xi32>
        %ge3A_892 = arith.constant 224 : i32
        %ge3A_893 = vector.broadcast %ge3A_892 : i32 to vector<16xi32>
        %ge3A_894 = arith.cmpi sge, %select_n3A_891, %ge3A_893 : vector<16xi32>
        %sub3A_895 = arith.constant 224 : i32
        %sub3A_896 = vector.broadcast %sub3A_895 : i32 to vector<16xi32>
        %sub3A_897 = arith.subi %select_n3A_891, %sub3A_896 : vector<16xi32>
        %select_n3A_898 = arith.select %ge3A_894, %sub3A_897, %select_n3A_891 : vector<16xi1>, vector<16xi32>
        %min3A_899 = arith.constant 47 : i32
        %min3A_900 = vector.broadcast %min3A_899 : i32 to vector<16xi32>
        %min3A_901 = arith.minsi %select_n3A_898, %min3A_900 : vector<16xi32>
        %gather3A_902 = tpu.vector_load_idx %arg6[%min3A_901, %min3A_865] : memref<48x224xf32, #tpu.memory_space<vmem>>[vector<16xi32>, vector<16xi32>], vector<16xf32>,
        %swap3A_903 = arith.index_cast %scan3A_768 : i32 to index
        %swap3A_904 = arith.constant 16 : index
        %swap3A_905 = tpu.vector_load %arg9[%swap3A_903, %swap3A_904] {strides = array<i32>} : memref<32x224xf32, #tpu.memory_space<vmem>>, vector<16xf32>,
        tpu.vector_store %arg9[%swap3A_903, %swap3A_904], %gather3A_902 {strides = array<i32>} : memref<32x224xf32, #tpu.memory_space<vmem>>, vector<16xf32>,
        %gather3A_906 = tpu.vector_load_idx %arg7[%min3A_901, %min3A_865] : memref<48x224xf32, #tpu.memory_space<vmem>>[vector<16xi32>, vector<16xi32>], vector<16xf32>,
        %swap3A_907 = arith.index_cast %scan3A_768 : i32 to index
        %swap3A_908 = arith.constant 16 : index
        %swap3A_909 = tpu.vector_load %arg10[%swap3A_907, %swap3A_908] {strides = array<i32>} : memref<32x224xf32, #tpu.memory_space<vmem>>, vector<16xf32>,
        tpu.vector_store %arg10[%swap3A_907, %swap3A_908], %gather3A_906 {strides = array<i32>} : memref<32x224xf32, #tpu.memory_space<vmem>>, vector<16xf32>,
        %gather3A_910 = tpu.vector_load_idx %arg8[%min3A_901, %min3A_865] : memref<48x224xf32, #tpu.memory_space<vmem>>[vector<16xi32>, vector<16xi32>], vector<16xf32>,
        %swap3A_911 = arith.index_cast %scan3A_768 : i32 to index
        %swap3A_912 = arith.constant 16 : index
        %swap3A_913 = tpu.vector_load %arg11[%swap3A_911, %swap3A_912] {strides = array<i32>} : memref<32x224xf32, #tpu.memory_space<vmem>>, vector<16xf32>,
        tpu.vector_store %arg11[%swap3A_911, %swap3A_912], %gather3A_910 {strides = array<i32>} : memref<32x224xf32, #tpu.memory_space<vmem>>, vector<16xf32>,
        %add3A_914 = arith.constant 32 : i32
        %add3A_915 = vector.broadcast %add3A_914 : i32 to vector<16xi32>
        %add3A_916 = arith.addi %add3A_915, %iota3A : vector<16xi32>
        %get3A_917 = arith.index_cast %scan3A_768 : i32 to index
        %get3A_918 = arith.constant 32 : index
        %get3A_919 = tpu.vector_load %arg4[%get3A_917, %get3A_918] {strides = array<i32>} : memref<32x224xf32, #tpu.memory_space<vmem>>, vector<16xf32>,
        %get3A_920 = arith.index_cast %scan3A_768 : i32 to index
        %get3A_921 = arith.constant 32 : index
        %get3A_922 = tpu.vector_load %arg5[%get3A_920, %get3A_921] {strides = array<i32>} : memref<32x224xf32, #tpu.memory_space<vmem>>, vector<16xf32>,
        %convert_element_type3A_923 = arith.sitofp %add3A_916 : vector<16xi32> to vector<16xf32>
        %add3A_924 = arith.addf %convert_element_type3A_923, %get3A_919 : vector<16xf32>
        %lt3A_925 = arith.constant 0.000000e+00 : f32
        %lt3A_926 = vector.broadcast %lt3A_925 : f32 to vector<16xf32>
        %lt3A_927 = arith.cmpf olt, %add3A_924, %lt3A_926 : vector<16xf32>
        %add3A_928 = vector.broadcast %scan3A_720 : f32 to vector<16xf32>
        %add3A_929 = arith.addf %add3A_924, %add3A_928 : vector<16xf32>
        %ge3A_930 = vector.broadcast %scan3A_720 : f32 to vector<16xf32>
        %ge3A_931 = arith.cmpf oge, %add3A_924, %ge3A_930 : vector<16xf32>
        %sub3A_932 = vector.broadcast %scan3A_720 : f32 to vector<16xf32>
        %sub3A_933 = arith.subf %add3A_924, %sub3A_932 : vector<16xf32>
        %select_n3A_934 = arith.select %ge3A_931, %sub3A_933, %add3A_924 : vector<16xi1>, vector<16xf32>
        %select_n3A_935 = arith.select %lt3A_927, %add3A_929, %select_n3A_934 : vector<16xi1>, vector<16xf32>
        %convert_element_type3A_936 = arith.fptosi %select_n3A_935 : vector<16xf32> to vector<16xi32>
        %min3A_937 = arith.constant 223 : i32
        %min3A_938 = vector.broadcast %min3A_937 : i32 to vector<16xi32>
        %min3A_939 = arith.minsi %convert_element_type3A_936, %min3A_938 : vector<16xi32>
        %add3A_940 = vector.broadcast %convert_element_type3A_770 : f32 to vector<16xf32>
        %add3A_941 = arith.addf %add3A_940, %get3A_922 : vector<16xf32>
        %lt3A_942 = arith.constant 0.000000e+00 : f32
        %lt3A_943 = vector.broadcast %lt3A_942 : f32 to vector<16xf32>
        %lt3A_944 = arith.cmpf olt, %add3A_941, %lt3A_943 : vector<16xf32>
        %add3A_945 = vector.broadcast %scan3A_720 : f32 to vector<16xf32>
        %add3A_946 = arith.addf %add3A_941, %add3A_945 : vector<16xf32>
        %ge3A_947 = vector.broadcast %scan3A_720 : f32 to vector<16xf32>
        %ge3A_948 = arith.cmpf oge, %add3A_941, %ge3A_947 : vector<16xf32>
        %sub3A_949 = vector.broadcast %scan3A_720 : f32 to vector<16xf32>
        %sub3A_950 = arith.subf %add3A_941, %sub3A_949 : vector<16xf32>
        %select_n3A_951 = arith.select %ge3A_948, %sub3A_950, %add3A_941 : vector<16xi1>, vector<16xf32>
        %select_n3A_952 = arith.select %lt3A_944, %add3A_946, %select_n3A_951 : vector<16xi1>, vector<16xf32>
        %convert_element_type3A_953 = arith.fptosi %select_n3A_952 : vector<16xf32> to vector<16xi32>
        %min3A_954 = arith.constant 223 : i32
        %min3A_955 = vector.broadcast %min3A_954 : i32 to vector<16xi32>
        %min3A_956 = arith.minsi %convert_element_type3A_953, %min3A_955 : vector<16xi32>
        %add3A_957 = vector.broadcast %sub3A_472 : i32 to vector<16xi32>
        %add3A_958 = arith.addi %min3A_956, %add3A_957 : vector<16xi32>
        %lt3A_959 = arith.constant 0 : i32
        %lt3A_960 = vector.broadcast %lt3A_959 : i32 to vector<16xi32>
        %lt3A_961 = arith.cmpi slt, %add3A_958, %lt3A_960 : vector<16xi32>
        %add3A_962 = arith.constant 224 : i32
        %add3A_963 = vector.broadcast %add3A_962 : i32 to vector<16xi32>
        %add3A_964 = arith.addi %add3A_958, %add3A_963 : vector<16xi32>
        %select_n3A_965 = arith.select %lt3A_961, %add3A_964, %add3A_958 : vector<16xi1>, vector<16xi32>
        %ge3A_966 = arith.constant 224 : i32
        %ge3A_967 = vector.broadcast %ge3A_966 : i32 to vector<16xi32>
        %ge3A_968 = arith.cmpi sge, %select_n3A_965, %ge3A_967 : vector<16xi32>
        %sub3A_969 = arith.constant 224 : i32
        %sub3A_970 = vector.broadcast %sub3A_969 : i32 to vector<16xi32>
        %sub3A_971 = arith.subi %select_n3A_965, %sub3A_970 : vector<16xi32>
        %select_n3A_972 = arith.select %ge3A_968, %sub3A_971, %select_n3A_965 : vector<16xi1>, vector<16xi32>
        %min3A_973 = arith.constant 47 : i32
        %min3A_974 = vector.broadcast %min3A_973 : i32 to vector<16xi32>
        %min3A_975 = arith.minsi %select_n3A_972, %min3A_974 : vector<16xi32>
        %gather3A_976 = tpu.vector_load_idx %arg6[%min3A_975, %min3A_939] : memref<48x224xf32, #tpu.memory_space<vmem>>[vector<16xi32>, vector<16xi32>], vector<16xf32>,
        %swap3A_977 = arith.index_cast %scan3A_768 : i32 to index
        %swap3A_978 = arith.constant 32 : index
        %swap3A_979 = tpu.vector_load %arg9[%swap3A_977, %swap3A_978] {strides = array<i32>} : memref<32x224xf32, #tpu.memory_space<vmem>>, vector<16xf32>,
        tpu.vector_store %arg9[%swap3A_977, %swap3A_978], %gather3A_976 {strides = array<i32>} : memref<32x224xf32, #tpu.memory_space<vmem>>, vector<16xf32>,
        %gather3A_980 = tpu.vector_load_idx %arg7[%min3A_975, %min3A_939] : memref<48x224xf32, #tpu.memory_space<vmem>>[vector<16xi32>, vector<16xi32>], vector<16xf32>,
        %swap3A_981 = arith.index_cast %scan3A_768 : i32 to index
        %swap3A_982 = arith.constant 32 : index
        %swap3A_983 = tpu.vector_load %arg10[%swap3A_981, %swap3A_982] {strides = array<i32>} : memref<32x224xf32, #tpu.memory_space<vmem>>, vector<16xf32>,
        tpu.vector_store %arg10[%swap3A_981, %swap3A_982], %gather3A_980 {strides = array<i32>} : memref<32x224xf32, #tpu.memory_space<vmem>>, vector<16xf32>,
        %gather3A_984 = tpu.vector_load_idx %arg8[%min3A_975, %min3A_939] : memref<48x224xf32, #tpu.memory_space<vmem>>[vector<16xi32>, vector<16xi32>], vector<16xf32>,
        %swap3A_985 = arith.index_cast %scan3A_768 : i32 to index
        %swap3A_986 = arith.constant 32 : index
        %swap3A_987 = tpu.vector_load %arg11[%swap3A_985, %swap3A_986] {strides = array<i32>} : memref<32x224xf32, #tpu.memory_space<vmem>>, vector<16xf32>,
        tpu.vector_store %arg11[%swap3A_985, %swap3A_986], %gather3A_984 {strides = array<i32>} : memref<32x224xf32, #tpu.memory_space<vmem>>, vector<16xf32>,
        %add3A_988 = arith.constant 48 : i32
        %add3A_989 = vector.broadcast %add3A_988 : i32 to vector<16xi32>
        %add3A_990 = arith.addi %add3A_989, %iota3A : vector<16xi32>
        %get3A_991 = arith.index_cast %scan3A_768 : i32 to index
        %get3A_992 = arith.constant 48 : index
        %get3A_993 = tpu.vector_load %arg4[%get3A_991, %get3A_992] {strides = array<i32>} : memref<32x224xf32, #tpu.memory_space<vmem>>, vector<16xf32>,
        %get3A_994 = arith.index_cast %scan3A_768 : i32 to index
        %get3A_995 = arith.constant 48 : index
        %get3A_996 = tpu.vector_load %arg5[%get3A_994, %get3A_995] {strides = array<i32>} : memref<32x224xf32, #tpu.memory_space<vmem>>, vector<16xf32>,
        %convert_element_type3A_997 = arith.sitofp %add3A_990 : vector<16xi32> to vector<16xf32>
        %add3A_998 = arith.addf %convert_element_type3A_997, %get3A_993 : vector<16xf32>
        %lt3A_999 = arith.constant 0.000000e+00 : f32
        %lt3A_1000 = vector.broadcast %lt3A_999 : f32 to vector<16xf32>
        %lt3A_1001 = arith.cmpf olt, %add3A_998, %lt3A_1000 : vector<16xf32>
        %add3A_1002 = vector.broadcast %scan3A_720 : f32 to vector<16xf32>
        %add3A_1003 = arith.addf %add3A_998, %add3A_1002 : vector<16xf32>
        %ge3A_1004 = vector.broadcast %scan3A_720 : f32 to vector<16xf32>
        %ge3A_1005 = arith.cmpf oge, %add3A_998, %ge3A_1004 : vector<16xf32>
        %sub3A_1006 = vector.broadcast %scan3A_720 : f32 to vector<16xf32>
        %sub3A_1007 = arith.subf %add3A_998, %sub3A_1006 : vector<16xf32>
        %select_n3A_1008 = arith.select %ge3A_1005, %sub3A_1007, %add3A_998 : vector<16xi1>, vector<16xf32>
        %select_n3A_1009 = arith.select %lt3A_1001, %add3A_1003, %select_n3A_1008 : vector<16xi1>, vector<16xf32>
        %convert_element_type3A_1010 = arith.fptosi %select_n3A_1009 : vector<16xf32> to vector<16xi32>
        %min3A_1011 = arith.constant 223 : i32
        %min3A_1012 = vector.broadcast %min3A_1011 : i32 to vector<16xi32>
        %min3A_1013 = arith.minsi %convert_element_type3A_1010, %min3A_1012 : vector<16xi32>
        %add3A_1014 = vector.broadcast %convert_element_type3A_770 : f32 to vector<16xf32>
        %add3A_1015 = arith.addf %add3A_1014, %get3A_996 : vector<16xf32>
        %lt3A_1016 = arith.constant 0.000000e+00 : f32
        %lt3A_1017 = vector.broadcast %lt3A_1016 : f32 to vector<16xf32>
        %lt3A_1018 = arith.cmpf olt, %add3A_1015, %lt3A_1017 : vector<16xf32>
        %add3A_1019 = vector.broadcast %scan3A_720 : f32 to vector<16xf32>
        %add3A_1020 = arith.addf %add3A_1015, %add3A_1019 : vector<16xf32>
        %ge3A_1021 = vector.broadcast %scan3A_720 : f32 to vector<16xf32>
        %ge3A_1022 = arith.cmpf oge, %add3A_1015, %ge3A_1021 : vector<16xf32>
        %sub3A_1023 = vector.broadcast %scan3A_720 : f32 to vector<16xf32>
        %sub3A_1024 = arith.subf %add3A_1015, %sub3A_1023 : vector<16xf32>
        %select_n3A_1025 = arith.select %ge3A_1022, %sub3A_1024, %add3A_1015 : vector<16xi1>, vector<16xf32>
        %select_n3A_1026 = arith.select %lt3A_1018, %add3A_1020, %select_n3A_1025 : vector<16xi1>, vector<16xf32>
        %convert_element_type3A_1027 = arith.fptosi %select_n3A_1026 : vector<16xf32> to vector<16xi32>
        %min3A_1028 = arith.constant 223 : i32
        %min3A_1029 = vector.broadcast %min3A_1028 : i32 to vector<16xi32>
        %min3A_1030 = arith.minsi %convert_element_type3A_1027, %min3A_1029 : vector<16xi32>
        %add3A_1031 = vector.broadcast %sub3A_472 : i32 to vector<16xi32>
        %add3A_1032 = arith.addi %min3A_1030, %add3A_1031 : vector<16xi32>
        %lt3A_1033 = arith.constant 0 : i32
        %lt3A_1034 = vector.broadcast %lt3A_1033 : i32 to vector<16xi32>
        %lt3A_1035 = arith.cmpi slt, %add3A_1032, %lt3A_1034 : vector<16xi32>
        %add3A_1036 = arith.constant 224 : i32
        %add3A_1037 = vector.broadcast %add3A_1036 : i32 to vector<16xi32>
        %add3A_1038 = arith.addi %add3A_1032, %add3A_1037 : vector<16xi32>
        %select_n3A_1039 = arith.select %lt3A_1035, %add3A_1038, %add3A_1032 : vector<16xi1>, vector<16xi32>
        %ge3A_1040 = arith.constant 224 : i32
        %ge3A_1041 = vector.broadcast %ge3A_1040 : i32 to vector<16xi32>
        %ge3A_1042 = arith.cmpi sge, %select_n3A_1039, %ge3A_1041 : vector<16xi32>
        %sub3A_1043 = arith.constant 224 : i32
        %sub3A_1044 = vector.broadcast %sub3A_1043 : i32 to vector<16xi32>
        %sub3A_1045 = arith.subi %select_n3A_1039, %sub3A_1044 : vector<16xi32>
        %select_n3A_1046 = arith.select %ge3A_1042, %sub3A_1045, %select_n3A_1039 : vector<16xi1>, vector<16xi32>
        %min3A_1047 = arith.constant 47 : i32
        %min3A_1048 = vector.broadcast %min3A_1047 : i32 to vector<16xi32>
        %min3A_1049 = arith.minsi %select_n3A_1046, %min3A_1048 : vector<16xi32>
        %gather3A_1050 = tpu.vector_load_idx %arg6[%min3A_1049, %min3A_1013] : memref<48x224xf32, #tpu.memory_space<vmem>>[vector<16xi32>, vector<16xi32>], vector<16xf32>,
        %swap3A_1051 = arith.index_cast %scan3A_768 : i32 to index
        %swap3A_1052 = arith.constant 48 : index
        %swap3A_1053 = tpu.vector_load %arg9[%swap3A_1051, %swap3A_1052] {strides = array<i32>} : memref<32x224xf32, #tpu.memory_space<vmem>>, vector<16xf32>,
        tpu.vector_store %arg9[%swap3A_1051, %swap3A_1052], %gather3A_1050 {strides = array<i32>} : memref<32x224xf32, #tpu.memory_space<vmem>>, vector<16xf32>,
        %gather3A_1054 = tpu.vector_load_idx %arg7[%min3A_1049, %min3A_1013] : memref<48x224xf32, #tpu.memory_space<vmem>>[vector<16xi32>, vector<16xi32>], vector<16xf32>,
        %swap3A_1055 = arith.index_cast %scan3A_768 : i32 to index
        %swap3A_1056 = arith.constant 48 : index
        %swap3A_1057 = tpu.vector_load %arg10[%swap3A_1055, %swap3A_1056] {strides = array<i32>} : memref<32x224xf32, #tpu.memory_space<vmem>>, vector<16xf32>,
        tpu.vector_store %arg10[%swap3A_1055, %swap3A_1056], %gather3A_1054 {strides = array<i32>} : memref<32x224xf32, #tpu.memory_space<vmem>>, vector<16xf32>,
        %gather3A_1058 = tpu.vector_load_idx %arg8[%min3A_1049, %min3A_1013] : memref<48x224xf32, #tpu.memory_space<vmem>>[vector<16xi32>, vector<16xi32>], vector<16xf32>,
        %swap3A_1059 = arith.index_cast %scan3A_768 : i32 to index
        %swap3A_1060 = arith.constant 48 : index
        %swap3A_1061 = tpu.vector_load %arg11[%swap3A_1059, %swap3A_1060] {strides = array<i32>} : memref<32x224xf32, #tpu.memory_space<vmem>>, vector<16xf32>,
        tpu.vector_store %arg11[%swap3A_1059, %swap3A_1060], %gather3A_1058 {strides = array<i32>} : memref<32x224xf32, #tpu.memory_space<vmem>>, vector<16xf32>,
        %add3A_1062 = arith.constant 64 : i32
        %add3A_1063 = vector.broadcast %add3A_1062 : i32 to vector<16xi32>
        %add3A_1064 = arith.addi %add3A_1063, %iota3A : vector<16xi32>
        %get3A_1065 = arith.index_cast %scan3A_768 : i32 to index
        %get3A_1066 = arith.constant 64 : index
        %get3A_1067 = tpu.vector_load %arg4[%get3A_1065, %get3A_1066] {strides = array<i32>} : memref<32x224xf32, #tpu.memory_space<vmem>>, vector<16xf32>,
        %get3A_1068 = arith.index_cast %scan3A_768 : i32 to index
        %get3A_1069 = arith.constant 64 : index
        %get3A_1070 = tpu.vector_load %arg5[%get3A_1068, %get3A_1069] {strides = array<i32>} : memref<32x224xf32, #tpu.memory_space<vmem>>, vector<16xf32>,
        %convert_element_type3A_1071 = arith.sitofp %add3A_1064 : vector<16xi32> to vector<16xf32>
        %add3A_1072 = arith.addf %convert_element_type3A_1071, %get3A_1067 : vector<16xf32>
        %lt3A_1073 = arith.constant 0.000000e+00 : f32
        %lt3A_1074 = vector.broadcast %lt3A_1073 : f32 to vector<16xf32>
        %lt3A_1075 = arith.cmpf olt, %add3A_1072, %lt3A_1074 : vector<16xf32>
        %add3A_1076 = vector.broadcast %scan3A_720 : f32 to vector<16xf32>
        %add3A_1077 = arith.addf %add3A_1072, %add3A_1076 : vector<16xf32>
        %ge3A_1078 = vector.broadcast %scan3A_720 : f32 to vector<16xf32>
        %ge3A_1079 = arith.cmpf oge, %add3A_1072, %ge3A_1078 : vector<16xf32>
        %sub3A_1080 = vector.broadcast %scan3A_720 : f32 to vector<16xf32>
        %sub3A_1081 = arith.subf %add3A_1072, %sub3A_1080 : vector<16xf32>
        %select_n3A_1082 = arith.select %ge3A_1079, %sub3A_1081, %add3A_1072 : vector<16xi1>, vector<16xf32>
        %select_n3A_1083 = arith.select %lt3A_1075, %add3A_1077, %select_n3A_1082 : vector<16xi1>, vector<16xf32>
        %convert_element_type3A_1084 = arith.fptosi %select_n3A_1083 : vector<16xf32> to vector<16xi32>
        %min3A_1085 = arith.constant 223 : i32
        %min3A_1086 = vector.broadcast %min3A_1085 : i32 to vector<16xi32>
        %min3A_1087 = arith.minsi %convert_element_type3A_1084, %min3A_1086 : vector<16xi32>
        %add3A_1088 = vector.broadcast %convert_element_type3A_770 : f32 to vector<16xf32>
        %add3A_1089 = arith.addf %add3A_1088, %get3A_1070 : vector<16xf32>
        %lt3A_1090 = arith.constant 0.000000e+00 : f32
        %lt3A_1091 = vector.broadcast %lt3A_1090 : f32 to vector<16xf32>
        %lt3A_1092 = arith.cmpf olt, %add3A_1089, %lt3A_1091 : vector<16xf32>
        %add3A_1093 = vector.broadcast %scan3A_720 : f32 to vector<16xf32>
        %add3A_1094 = arith.addf %add3A_1089, %add3A_1093 : vector<16xf32>
        %ge3A_1095 = vector.broadcast %scan3A_720 : f32 to vector<16xf32>
        %ge3A_1096 = arith.cmpf oge, %add3A_1089, %ge3A_1095 : vector<16xf32>
        %sub3A_1097 = vector.broadcast %scan3A_720 : f32 to vector<16xf32>
        %sub3A_1098 = arith.subf %add3A_1089, %sub3A_1097 : vector<16xf32>
        %select_n3A_1099 = arith.select %ge3A_1096, %sub3A_1098, %add3A_1089 : vector<16xi1>, vector<16xf32>
        %select_n3A_1100 = arith.select %lt3A_1092, %add3A_1094, %select_n3A_1099 : vector<16xi1>, vector<16xf32>
        %convert_element_type3A_1101 = arith.fptosi %select_n3A_1100 : vector<16xf32> to vector<16xi32>
        %min3A_1102 = arith.constant 223 : i32
        %min3A_1103 = vector.broadcast %min3A_1102 : i32 to vector<16xi32>
        %min3A_1104 = arith.minsi %convert_element_type3A_1101, %min3A_1103 : vector<16xi32>
        %add3A_1105 = vector.broadcast %sub3A_472 : i32 to vector<16xi32>
        %add3A_1106 = arith.addi %min3A_1104, %add3A_1105 : vector<16xi32>
        %lt3A_1107 = arith.constant 0 : i32
        %lt3A_1108 = vector.broadcast %lt3A_1107 : i32 to vector<16xi32>
        %lt3A_1109 = arith.cmpi slt, %add3A_1106, %lt3A_1108 : vector<16xi32>
        %add3A_1110 = arith.constant 224 : i32
        %add3A_1111 = vector.broadcast %add3A_1110 : i32 to vector<16xi32>
        %add3A_1112 = arith.addi %add3A_1106, %add3A_1111 : vector<16xi32>
        %select_n3A_1113 = arith.select %lt3A_1109, %add3A_1112, %add3A_1106 : vector<16xi1>, vector<16xi32>
        %ge3A_1114 = arith.constant 224 : i32
        %ge3A_1115 = vector.broadcast %ge3A_1114 : i32 to vector<16xi32>
        %ge3A_1116 = arith.cmpi sge, %select_n3A_1113, %ge3A_1115 : vector<16xi32>
        %sub3A_1117 = arith.constant 224 : i32
        %sub3A_1118 = vector.broadcast %sub3A_1117 : i32 to vector<16xi32>
        %sub3A_1119 = arith.subi %select_n3A_1113, %sub3A_1118 : vector<16xi32>
        %select_n3A_1120 = arith.select %ge3A_1116, %sub3A_1119, %select_n3A_1113 : vector<16xi1>, vector<16xi32>
        %min3A_1121 = arith.constant 47 : i32
        %min3A_1122 = vector.broadcast %min3A_1121 : i32 to vector<16xi32>
        %min3A_1123 = arith.minsi %select_n3A_1120, %min3A_1122 : vector<16xi32>
        %gather3A_1124 = tpu.vector_load_idx %arg6[%min3A_1123, %min3A_1087] : memref<48x224xf32, #tpu.memory_space<vmem>>[vector<16xi32>, vector<16xi32>], vector<16xf32>,
        %swap3A_1125 = arith.index_cast %scan3A_768 : i32 to index
        %swap3A_1126 = arith.constant 64 : index
        %swap3A_1127 = tpu.vector_load %arg9[%swap3A_1125, %swap3A_1126] {strides = array<i32>} : memref<32x224xf32, #tpu.memory_space<vmem>>, vector<16xf32>,
        tpu.vector_store %arg9[%swap3A_1125, %swap3A_1126], %gather3A_1124 {strides = array<i32>} : memref<32x224xf32, #tpu.memory_space<vmem>>, vector<16xf32>,
        %gather3A_1128 = tpu.vector_load_idx %arg7[%min3A_1123, %min3A_1087] : memref<48x224xf32, #tpu.memory_space<vmem>>[vector<16xi32>, vector<16xi32>], vector<16xf32>,
        %swap3A_1129 = arith.index_cast %scan3A_768 : i32 to index
        %swap3A_1130 = arith.constant 64 : index
        %swap3A_1131 = tpu.vector_load %arg10[%swap3A_1129, %swap3A_1130] {strides = array<i32>} : memref<32x224xf32, #tpu.memory_space<vmem>>, vector<16xf32>,
        tpu.vector_store %arg10[%swap3A_1129, %swap3A_1130], %gather3A_1128 {strides = array<i32>} : memref<32x224xf32, #tpu.memory_space<vmem>>, vector<16xf32>,
        %gather3A_1132 = tpu.vector_load_idx %arg8[%min3A_1123, %min3A_1087] : memref<48x224xf32, #tpu.memory_space<vmem>>[vector<16xi32>, vector<16xi32>], vector<16xf32>,
        %swap3A_1133 = arith.index_cast %scan3A_768 : i32 to index
        %swap3A_1134 = arith.constant 64 : index
        %swap3A_1135 = tpu.vector_load %arg11[%swap3A_1133, %swap3A_1134] {strides = array<i32>} : memref<32x224xf32, #tpu.memory_space<vmem>>, vector<16xf32>,
        tpu.vector_store %arg11[%swap3A_1133, %swap3A_1134], %gather3A_1132 {strides = array<i32>} : memref<32x224xf32, #tpu.memory_space<vmem>>, vector<16xf32>,
        %add3A_1136 = arith.constant 80 : i32
        %add3A_1137 = vector.broadcast %add3A_1136 : i32 to vector<16xi32>
        %add3A_1138 = arith.addi %add3A_1137, %iota3A : vector<16xi32>
        %get3A_1139 = arith.index_cast %scan3A_768 : i32 to index
        %get3A_1140 = arith.constant 80 : index
        %get3A_1141 = tpu.vector_load %arg4[%get3A_1139, %get3A_1140] {strides = array<i32>} : memref<32x224xf32, #tpu.memory_space<vmem>>, vector<16xf32>,
        %get3A_1142 = arith.index_cast %scan3A_768 : i32 to index
        %get3A_1143 = arith.constant 80 : index
        %get3A_1144 = tpu.vector_load %arg5[%get3A_1142, %get3A_1143] {strides = array<i32>} : memref<32x224xf32, #tpu.memory_space<vmem>>, vector<16xf32>,
        %convert_element_type3A_1145 = arith.sitofp %add3A_1138 : vector<16xi32> to vector<16xf32>
        %add3A_1146 = arith.addf %convert_element_type3A_1145, %get3A_1141 : vector<16xf32>
        %lt3A_1147 = arith.constant 0.000000e+00 : f32
        %lt3A_1148 = vector.broadcast %lt3A_1147 : f32 to vector<16xf32>
        %lt3A_1149 = arith.cmpf olt, %add3A_1146, %lt3A_1148 : vector<16xf32>
        %add3A_1150 = vector.broadcast %scan3A_720 : f32 to vector<16xf32>
        %add3A_1151 = arith.addf %add3A_1146, %add3A_1150 : vector<16xf32>
        %ge3A_1152 = vector.broadcast %scan3A_720 : f32 to vector<16xf32>
        %ge3A_1153 = arith.cmpf oge, %add3A_1146, %ge3A_1152 : vector<16xf32>
        %sub3A_1154 = vector.broadcast %scan3A_720 : f32 to vector<16xf32>
        %sub3A_1155 = arith.subf %add3A_1146, %sub3A_1154 : vector<16xf32>
        %select_n3A_1156 = arith.select %ge3A_1153, %sub3A_1155, %add3A_1146 : vector<16xi1>, vector<16xf32>
        %select_n3A_1157 = arith.select %lt3A_1149, %add3A_1151, %select_n3A_1156 : vector<16xi1>, vector<16xf32>
        %convert_element_type3A_1158 = arith.fptosi %select_n3A_1157 : vector<16xf32> to vector<16xi32>
        %min3A_1159 = arith.constant 223 : i32
        %min3A_1160 = vector.broadcast %min3A_1159 : i32 to vector<16xi32>
        %min3A_1161 = arith.minsi %convert_element_type3A_1158, %min3A_1160 : vector<16xi32>
        %add3A_1162 = vector.broadcast %convert_element_type3A_770 : f32 to vector<16xf32>
        %add3A_1163 = arith.addf %add3A_1162, %get3A_1144 : vector<16xf32>
        %lt3A_1164 = arith.constant 0.000000e+00 : f32
        %lt3A_1165 = vector.broadcast %lt3A_1164 : f32 to vector<16xf32>
        %lt3A_1166 = arith.cmpf olt, %add3A_1163, %lt3A_1165 : vector<16xf32>
        %add3A_1167 = vector.broadcast %scan3A_720 : f32 to vector<16xf32>
        %add3A_1168 = arith.addf %add3A_1163, %add3A_1167 : vector<16xf32>
        %ge3A_1169 = vector.broadcast %scan3A_720 : f32 to vector<16xf32>
        %ge3A_1170 = arith.cmpf oge, %add3A_1163, %ge3A_1169 : vector<16xf32>
        %sub3A_1171 = vector.broadcast %scan3A_720 : f32 to vector<16xf32>
        %sub3A_1172 = arith.subf %add3A_1163, %sub3A_1171 : vector<16xf32>
        %select_n3A_1173 = arith.select %ge3A_1170, %sub3A_1172, %add3A_1163 : vector<16xi1>, vector<16xf32>
        %select_n3A_1174 = arith.select %lt3A_1166, %add3A_1168, %select_n3A_1173 : vector<16xi1>, vector<16xf32>
        %convert_element_type3A_1175 = arith.fptosi %select_n3A_1174 : vector<16xf32> to vector<16xi32>
        %min3A_1176 = arith.constant 223 : i32
        %min3A_1177 = vector.broadcast %min3A_1176 : i32 to vector<16xi32>
        %min3A_1178 = arith.minsi %convert_element_type3A_1175, %min3A_1177 : vector<16xi32>
        %add3A_1179 = vector.broadcast %sub3A_472 : i32 to vector<16xi32>
        %add3A_1180 = arith.addi %min3A_1178, %add3A_1179 : vector<16xi32>
        %lt3A_1181 = arith.constant 0 : i32
        %lt3A_1182 = vector.broadcast %lt3A_1181 : i32 to vector<16xi32>
        %lt3A_1183 = arith.cmpi slt, %add3A_1180, %lt3A_1182 : vector<16xi32>
        %add3A_1184 = arith.constant 224 : i32
        %add3A_1185 = vector.broadcast %add3A_1184 : i32 to vector<16xi32>
        %add3A_1186 = arith.addi %add3A_1180, %add3A_1185 : vector<16xi32>
        %select_n3A_1187 = arith.select %lt3A_1183, %add3A_1186, %add3A_1180 : vector<16xi1>, vector<16xi32>
        %ge3A_1188 = arith.constant 224 : i32
        %ge3A_1189 = vector.broadcast %ge3A_1188 : i32 to vector<16xi32>
        %ge3A_1190 = arith.cmpi sge, %select_n3A_1187, %ge3A_1189 : vector<16xi32>
        %sub3A_1191 = arith.constant 224 : i32
        %sub3A_1192 = vector.broadcast %sub3A_1191 : i32 to vector<16xi32>
        %sub3A_1193 = arith.subi %select_n3A_1187, %sub3A_1192 : vector<16xi32>
        %select_n3A_1194 = arith.select %ge3A_1190, %sub3A_1193, %select_n3A_1187 : vector<16xi1>, vector<16xi32>
        %min3A_1195 = arith.constant 47 : i32
        %min3A_1196 = vector.broadcast %min3A_1195 : i32 to vector<16xi32>
        %min3A_1197 = arith.minsi %select_n3A_1194, %min3A_1196 : vector<16xi32>
        %gather3A_1198 = tpu.vector_load_idx %arg6[%min3A_1197, %min3A_1161] : memref<48x224xf32, #tpu.memory_space<vmem>>[vector<16xi32>, vector<16xi32>], vector<16xf32>,
        %swap3A_1199 = arith.index_cast %scan3A_768 : i32 to index
        %swap3A_1200 = arith.constant 80 : index
        %swap3A_1201 = tpu.vector_load %arg9[%swap3A_1199, %swap3A_1200] {strides = array<i32>} : memref<32x224xf32, #tpu.memory_space<vmem>>, vector<16xf32>,
        tpu.vector_store %arg9[%swap3A_1199, %swap3A_1200], %gather3A_1198 {strides = array<i32>} : memref<32x224xf32, #tpu.memory_space<vmem>>, vector<16xf32>,
        %gather3A_1202 = tpu.vector_load_idx %arg7[%min3A_1197, %min3A_1161] : memref<48x224xf32, #tpu.memory_space<vmem>>[vector<16xi32>, vector<16xi32>], vector<16xf32>,
        %swap3A_1203 = arith.index_cast %scan3A_768 : i32 to index
        %swap3A_1204 = arith.constant 80 : index
        %swap3A_1205 = tpu.vector_load %arg10[%swap3A_1203, %swap3A_1204] {strides = array<i32>} : memref<32x224xf32, #tpu.memory_space<vmem>>, vector<16xf32>,
        tpu.vector_store %arg10[%swap3A_1203, %swap3A_1204], %gather3A_1202 {strides = array<i32>} : memref<32x224xf32, #tpu.memory_space<vmem>>, vector<16xf32>,
        %gather3A_1206 = tpu.vector_load_idx %arg8[%min3A_1197, %min3A_1161] : memref<48x224xf32, #tpu.memory_space<vmem>>[vector<16xi32>, vector<16xi32>], vector<16xf32>,
        %swap3A_1207 = arith.index_cast %scan3A_768 : i32 to index
        %swap3A_1208 = arith.constant 80 : index
        %swap3A_1209 = tpu.vector_load %arg11[%swap3A_1207, %swap3A_1208] {strides = array<i32>} : memref<32x224xf32, #tpu.memory_space<vmem>>, vector<16xf32>,
        tpu.vector_store %arg11[%swap3A_1207, %swap3A_1208], %gather3A_1206 {strides = array<i32>} : memref<32x224xf32, #tpu.memory_space<vmem>>, vector<16xf32>,
        %add3A_1210 = arith.constant 96 : i32
        %add3A_1211 = vector.broadcast %add3A_1210 : i32 to vector<16xi32>
        %add3A_1212 = arith.addi %add3A_1211, %iota3A : vector<16xi32>
        %get3A_1213 = arith.index_cast %scan3A_768 : i32 to index
        %get3A_1214 = arith.constant 96 : index
        %get3A_1215 = tpu.vector_load %arg4[%get3A_1213, %get3A_1214] {strides = array<i32>} : memref<32x224xf32, #tpu.memory_space<vmem>>, vector<16xf32>,
        %get3A_1216 = arith.index_cast %scan3A_768 : i32 to index
        %get3A_1217 = arith.constant 96 : index
        %get3A_1218 = tpu.vector_load %arg5[%get3A_1216, %get3A_1217] {strides = array<i32>} : memref<32x224xf32, #tpu.memory_space<vmem>>, vector<16xf32>,
        %convert_element_type3A_1219 = arith.sitofp %add3A_1212 : vector<16xi32> to vector<16xf32>
        %add3A_1220 = arith.addf %convert_element_type3A_1219, %get3A_1215 : vector<16xf32>
        %lt3A_1221 = arith.constant 0.000000e+00 : f32
        %lt3A_1222 = vector.broadcast %lt3A_1221 : f32 to vector<16xf32>
        %lt3A_1223 = arith.cmpf olt, %add3A_1220, %lt3A_1222 : vector<16xf32>
        %add3A_1224 = vector.broadcast %scan3A_720 : f32 to vector<16xf32>
        %add3A_1225 = arith.addf %add3A_1220, %add3A_1224 : vector<16xf32>
        %ge3A_1226 = vector.broadcast %scan3A_720 : f32 to vector<16xf32>
        %ge3A_1227 = arith.cmpf oge, %add3A_1220, %ge3A_1226 : vector<16xf32>
        %sub3A_1228 = vector.broadcast %scan3A_720 : f32 to vector<16xf32>
        %sub3A_1229 = arith.subf %add3A_1220, %sub3A_1228 : vector<16xf32>
        %select_n3A_1230 = arith.select %ge3A_1227, %sub3A_1229, %add3A_1220 : vector<16xi1>, vector<16xf32>
        %select_n3A_1231 = arith.select %lt3A_1223, %add3A_1225, %select_n3A_1230 : vector<16xi1>, vector<16xf32>
        %convert_element_type3A_1232 = arith.fptosi %select_n3A_1231 : vector<16xf32> to vector<16xi32>
        %min3A_1233 = arith.constant 223 : i32
        %min3A_1234 = vector.broadcast %min3A_1233 : i32 to vector<16xi32>
        %min3A_1235 = arith.minsi %convert_element_type3A_1232, %min3A_1234 : vector<16xi32>
        %add3A_1236 = vector.broadcast %convert_element_type3A_770 : f32 to vector<16xf32>
        %add3A_1237 = arith.addf %add3A_1236, %get3A_1218 : vector<16xf32>
        %lt3A_1238 = arith.constant 0.000000e+00 : f32
        %lt3A_1239 = vector.broadcast %lt3A_1238 : f32 to vector<16xf32>
        %lt3A_1240 = arith.cmpf olt, %add3A_1237, %lt3A_1239 : vector<16xf32>
        %add3A_1241 = vector.broadcast %scan3A_720 : f32 to vector<16xf32>
        %add3A_1242 = arith.addf %add3A_1237, %add3A_1241 : vector<16xf32>
        %ge3A_1243 = vector.broadcast %scan3A_720 : f32 to vector<16xf32>
        %ge3A_1244 = arith.cmpf oge, %add3A_1237, %ge3A_1243 : vector<16xf32>
        %sub3A_1245 = vector.broadcast %scan3A_720 : f32 to vector<16xf32>
        %sub3A_1246 = arith.subf %add3A_1237, %sub3A_1245 : vector<16xf32>
        %select_n3A_1247 = arith.select %ge3A_1244, %sub3A_1246, %add3A_1237 : vector<16xi1>, vector<16xf32>
        %select_n3A_1248 = arith.select %lt3A_1240, %add3A_1242, %select_n3A_1247 : vector<16xi1>, vector<16xf32>
        %convert_element_type3A_1249 = arith.fptosi %select_n3A_1248 : vector<16xf32> to vector<16xi32>
        %min3A_1250 = arith.constant 223 : i32
        %min3A_1251 = vector.broadcast %min3A_1250 : i32 to vector<16xi32>
        %min3A_1252 = arith.minsi %convert_element_type3A_1249, %min3A_1251 : vector<16xi32>
        %add3A_1253 = vector.broadcast %sub3A_472 : i32 to vector<16xi32>
        %add3A_1254 = arith.addi %min3A_1252, %add3A_1253 : vector<16xi32>
        %lt3A_1255 = arith.constant 0 : i32
        %lt3A_1256 = vector.broadcast %lt3A_1255 : i32 to vector<16xi32>
        %lt3A_1257 = arith.cmpi slt, %add3A_1254, %lt3A_1256 : vector<16xi32>
        %add3A_1258 = arith.constant 224 : i32
        %add3A_1259 = vector.broadcast %add3A_1258 : i32 to vector<16xi32>
        %add3A_1260 = arith.addi %add3A_1254, %add3A_1259 : vector<16xi32>
        %select_n3A_1261 = arith.select %lt3A_1257, %add3A_1260, %add3A_1254 : vector<16xi1>, vector<16xi32>
        %ge3A_1262 = arith.constant 224 : i32
        %ge3A_1263 = vector.broadcast %ge3A_1262 : i32 to vector<16xi32>
        %ge3A_1264 = arith.cmpi sge, %select_n3A_1261, %ge3A_1263 : vector<16xi32>
        %sub3A_1265 = arith.constant 224 : i32
        %sub3A_1266 = vector.broadcast %sub3A_1265 : i32 to vector<16xi32>
        %sub3A_1267 = arith.subi %select_n3A_1261, %sub3A_1266 : vector<16xi32>
        %select_n3A_1268 = arith.select %ge3A_1264, %sub3A_1267, %select_n3A_1261 : vector<16xi1>, vector<16xi32>
        %min3A_1269 = arith.constant 47 : i32
        %min3A_1270 = vector.broadcast %min3A_1269 : i32 to vector<16xi32>
        %min3A_1271 = arith.minsi %select_n3A_1268, %min3A_1270 : vector<16xi32>
        %gather3A_1272 = tpu.vector_load_idx %arg6[%min3A_1271, %min3A_1235] : memref<48x224xf32, #tpu.memory_space<vmem>>[vector<16xi32>, vector<16xi32>], vector<16xf32>,
        %swap3A_1273 = arith.index_cast %scan3A_768 : i32 to index
        %swap3A_1274 = arith.constant 96 : index
        %swap3A_1275 = tpu.vector_load %arg9[%swap3A_1273, %swap3A_1274] {strides = array<i32>} : memref<32x224xf32, #tpu.memory_space<vmem>>, vector<16xf32>,
        tpu.vector_store %arg9[%swap3A_1273, %swap3A_1274], %gather3A_1272 {strides = array<i32>} : memref<32x224xf32, #tpu.memory_space<vmem>>, vector<16xf32>,
        %gather3A_1276 = tpu.vector_load_idx %arg7[%min3A_1271, %min3A_1235] : memref<48x224xf32, #tpu.memory_space<vmem>>[vector<16xi32>, vector<16xi32>], vector<16xf32>,
        %swap3A_1277 = arith.index_cast %scan3A_768 : i32 to index
        %swap3A_1278 = arith.constant 96 : index
        %swap3A_1279 = tpu.vector_load %arg10[%swap3A_1277, %swap3A_1278] {strides = array<i32>} : memref<32x224xf32, #tpu.memory_space<vmem>>, vector<16xf32>,
        tpu.vector_store %arg10[%swap3A_1277, %swap3A_1278], %gather3A_1276 {strides = array<i32>} : memref<32x224xf32, #tpu.memory_space<vmem>>, vector<16xf32>,
        %gather3A_1280 = tpu.vector_load_idx %arg8[%min3A_1271, %min3A_1235] : memref<48x224xf32, #tpu.memory_space<vmem>>[vector<16xi32>, vector<16xi32>], vector<16xf32>,
        %swap3A_1281 = arith.index_cast %scan3A_768 : i32 to index
        %swap3A_1282 = arith.constant 96 : index
        %swap3A_1283 = tpu.vector_load %arg11[%swap3A_1281, %swap3A_1282] {strides = array<i32>} : memref<32x224xf32, #tpu.memory_space<vmem>>, vector<16xf32>,
        tpu.vector_store %arg11[%swap3A_1281, %swap3A_1282], %gather3A_1280 {strides = array<i32>} : memref<32x224xf32, #tpu.memory_space<vmem>>, vector<16xf32>,
        %add3A_1284 = arith.constant 112 : i32
        %add3A_1285 = vector.broadcast %add3A_1284 : i32 to vector<16xi32>
        %add3A_1286 = arith.addi %add3A_1285, %iota3A : vector<16xi32>
        %get3A_1287 = arith.index_cast %scan3A_768 : i32 to index
        %get3A_1288 = arith.constant 112 : index
        %get3A_1289 = tpu.vector_load %arg4[%get3A_1287, %get3A_1288] {strides = array<i32>} : memref<32x224xf32, #tpu.memory_space<vmem>>, vector<16xf32>,
        %get3A_1290 = arith.index_cast %scan3A_768 : i32 to index
        %get3A_1291 = arith.constant 112 : index
        %get3A_1292 = tpu.vector_load %arg5[%get3A_1290, %get3A_1291] {strides = array<i32>} : memref<32x224xf32, #tpu.memory_space<vmem>>, vector<16xf32>,
        %convert_element_type3A_1293 = arith.sitofp %add3A_1286 : vector<16xi32> to vector<16xf32>
        %add3A_1294 = arith.addf %convert_element_type3A_1293, %get3A_1289 : vector<16xf32>
        %lt3A_1295 = arith.constant 0.000000e+00 : f32
        %lt3A_1296 = vector.broadcast %lt3A_1295 : f32 to vector<16xf32>
        %lt3A_1297 = arith.cmpf olt, %add3A_1294, %lt3A_1296 : vector<16xf32>
        %add3A_1298 = vector.broadcast %scan3A_720 : f32 to vector<16xf32>
        %add3A_1299 = arith.addf %add3A_1294, %add3A_1298 : vector<16xf32>
        %ge3A_1300 = vector.broadcast %scan3A_720 : f32 to vector<16xf32>
        %ge3A_1301 = arith.cmpf oge, %add3A_1294, %ge3A_1300 : vector<16xf32>
        %sub3A_1302 = vector.broadcast %scan3A_720 : f32 to vector<16xf32>
        %sub3A_1303 = arith.subf %add3A_1294, %sub3A_1302 : vector<16xf32>
        %select_n3A_1304 = arith.select %ge3A_1301, %sub3A_1303, %add3A_1294 : vector<16xi1>, vector<16xf32>
        %select_n3A_1305 = arith.select %lt3A_1297, %add3A_1299, %select_n3A_1304 : vector<16xi1>, vector<16xf32>
        %convert_element_type3A_1306 = arith.fptosi %select_n3A_1305 : vector<16xf32> to vector<16xi32>
        %min3A_1307 = arith.constant 223 : i32
        %min3A_1308 = vector.broadcast %min3A_1307 : i32 to vector<16xi32>
        %min3A_1309 = arith.minsi %convert_element_type3A_1306, %min3A_1308 : vector<16xi32>
        %add3A_1310 = vector.broadcast %convert_element_type3A_770 : f32 to vector<16xf32>
        %add3A_1311 = arith.addf %add3A_1310, %get3A_1292 : vector<16xf32>
        %lt3A_1312 = arith.constant 0.000000e+00 : f32
        %lt3A_1313 = vector.broadcast %lt3A_1312 : f32 to vector<16xf32>
        %lt3A_1314 = arith.cmpf olt, %add3A_1311, %lt3A_1313 : vector<16xf32>
        %add3A_1315 = vector.broadcast %scan3A_720 : f32 to vector<16xf32>
        %add3A_1316 = arith.addf %add3A_1311, %add3A_1315 : vector<16xf32>
        %ge3A_1317 = vector.broadcast %scan3A_720 : f32 to vector<16xf32>
        %ge3A_1318 = arith.cmpf oge, %add3A_1311, %ge3A_1317 : vector<16xf32>
        %sub3A_1319 = vector.broadcast %scan3A_720 : f32 to vector<16xf32>
        %sub3A_1320 = arith.subf %add3A_1311, %sub3A_1319 : vector<16xf32>
        %select_n3A_1321 = arith.select %ge3A_1318, %sub3A_1320, %add3A_1311 : vector<16xi1>, vector<16xf32>
        %select_n3A_1322 = arith.select %lt3A_1314, %add3A_1316, %select_n3A_1321 : vector<16xi1>, vector<16xf32>
        %convert_element_type3A_1323 = arith.fptosi %select_n3A_1322 : vector<16xf32> to vector<16xi32>
        %min3A_1324 = arith.constant 223 : i32
        %min3A_1325 = vector.broadcast %min3A_1324 : i32 to vector<16xi32>
        %min3A_1326 = arith.minsi %convert_element_type3A_1323, %min3A_1325 : vector<16xi32>
        %add3A_1327 = vector.broadcast %sub3A_472 : i32 to vector<16xi32>
        %add3A_1328 = arith.addi %min3A_1326, %add3A_1327 : vector<16xi32>
        %lt3A_1329 = arith.constant 0 : i32
        %lt3A_1330 = vector.broadcast %lt3A_1329 : i32 to vector<16xi32>
        %lt3A_1331 = arith.cmpi slt, %add3A_1328, %lt3A_1330 : vector<16xi32>
        %add3A_1332 = arith.constant 224 : i32
        %add3A_1333 = vector.broadcast %add3A_1332 : i32 to vector<16xi32>
        %add3A_1334 = arith.addi %add3A_1328, %add3A_1333 : vector<16xi32>
        %select_n3A_1335 = arith.select %lt3A_1331, %add3A_1334, %add3A_1328 : vector<16xi1>, vector<16xi32>
        %ge3A_1336 = arith.constant 224 : i32
        %ge3A_1337 = vector.broadcast %ge3A_1336 : i32 to vector<16xi32>
        %ge3A_1338 = arith.cmpi sge, %select_n3A_1335, %ge3A_1337 : vector<16xi32>
        %sub3A_1339 = arith.constant 224 : i32
        %sub3A_1340 = vector.broadcast %sub3A_1339 : i32 to vector<16xi32>
        %sub3A_1341 = arith.subi %select_n3A_1335, %sub3A_1340 : vector<16xi32>
        %select_n3A_1342 = arith.select %ge3A_1338, %sub3A_1341, %select_n3A_1335 : vector<16xi1>, vector<16xi32>
        %min3A_1343 = arith.constant 47 : i32
        %min3A_1344 = vector.broadcast %min3A_1343 : i32 to vector<16xi32>
        %min3A_1345 = arith.minsi %select_n3A_1342, %min3A_1344 : vector<16xi32>
        %gather3A_1346 = tpu.vector_load_idx %arg6[%min3A_1345, %min3A_1309] : memref<48x224xf32, #tpu.memory_space<vmem>>[vector<16xi32>, vector<16xi32>], vector<16xf32>,
        %swap3A_1347 = arith.index_cast %scan3A_768 : i32 to index
        %swap3A_1348 = arith.constant 112 : index
        %swap3A_1349 = tpu.vector_load %arg9[%swap3A_1347, %swap3A_1348] {strides = array<i32>} : memref<32x224xf32, #tpu.memory_space<vmem>>, vector<16xf32>,
        tpu.vector_store %arg9[%swap3A_1347, %swap3A_1348], %gather3A_1346 {strides = array<i32>} : memref<32x224xf32, #tpu.memory_space<vmem>>, vector<16xf32>,
        %gather3A_1350 = tpu.vector_load_idx %arg7[%min3A_1345, %min3A_1309] : memref<48x224xf32, #tpu.memory_space<vmem>>[vector<16xi32>, vector<16xi32>], vector<16xf32>,
        %swap3A_1351 = arith.index_cast %scan3A_768 : i32 to index
        %swap3A_1352 = arith.constant 112 : index
        %swap3A_1353 = tpu.vector_load %arg10[%swap3A_1351, %swap3A_1352] {strides = array<i32>} : memref<32x224xf32, #tpu.memory_space<vmem>>, vector<16xf32>,
        tpu.vector_store %arg10[%swap3A_1351, %swap3A_1352], %gather3A_1350 {strides = array<i32>} : memref<32x224xf32, #tpu.memory_space<vmem>>, vector<16xf32>,
        %gather3A_1354 = tpu.vector_load_idx %arg8[%min3A_1345, %min3A_1309] : memref<48x224xf32, #tpu.memory_space<vmem>>[vector<16xi32>, vector<16xi32>], vector<16xf32>,
        %swap3A_1355 = arith.index_cast %scan3A_768 : i32 to index
        %swap3A_1356 = arith.constant 112 : index
        %swap3A_1357 = tpu.vector_load %arg11[%swap3A_1355, %swap3A_1356] {strides = array<i32>} : memref<32x224xf32, #tpu.memory_space<vmem>>, vector<16xf32>,
        tpu.vector_store %arg11[%swap3A_1355, %swap3A_1356], %gather3A_1354 {strides = array<i32>} : memref<32x224xf32, #tpu.memory_space<vmem>>, vector<16xf32>,
        %add3A_1358 = arith.constant 128 : i32
        %add3A_1359 = vector.broadcast %add3A_1358 : i32 to vector<16xi32>
        %add3A_1360 = arith.addi %add3A_1359, %iota3A : vector<16xi32>
        %get3A_1361 = arith.index_cast %scan3A_768 : i32 to index
        %get3A_1362 = arith.constant 128 : index
        %get3A_1363 = tpu.vector_load %arg4[%get3A_1361, %get3A_1362] {strides = array<i32>} : memref<32x224xf32, #tpu.memory_space<vmem>>, vector<16xf32>,
        %get3A_1364 = arith.index_cast %scan3A_768 : i32 to index
        %get3A_1365 = arith.constant 128 : index
        %get3A_1366 = tpu.vector_load %arg5[%get3A_1364, %get3A_1365] {strides = array<i32>} : memref<32x224xf32, #tpu.memory_space<vmem>>, vector<16xf32>,
        %convert_element_type3A_1367 = arith.sitofp %add3A_1360 : vector<16xi32> to vector<16xf32>
        %add3A_1368 = arith.addf %convert_element_type3A_1367, %get3A_1363 : vector<16xf32>
        %lt3A_1369 = arith.constant 0.000000e+00 : f32
        %lt3A_1370 = vector.broadcast %lt3A_1369 : f32 to vector<16xf32>
        %lt3A_1371 = arith.cmpf olt, %add3A_1368, %lt3A_1370 : vector<16xf32>
        %add3A_1372 = vector.broadcast %scan3A_720 : f32 to vector<16xf32>
        %add3A_1373 = arith.addf %add3A_1368, %add3A_1372 : vector<16xf32>
        %ge3A_1374 = vector.broadcast %scan3A_720 : f32 to vector<16xf32>
        %ge3A_1375 = arith.cmpf oge, %add3A_1368, %ge3A_1374 : vector<16xf32>
        %sub3A_1376 = vector.broadcast %scan3A_720 : f32 to vector<16xf32>
        %sub3A_1377 = arith.subf %add3A_1368, %sub3A_1376 : vector<16xf32>
        %select_n3A_1378 = arith.select %ge3A_1375, %sub3A_1377, %add3A_1368 : vector<16xi1>, vector<16xf32>
        %select_n3A_1379 = arith.select %lt3A_1371, %add3A_1373, %select_n3A_1378 : vector<16xi1>, vector<16xf32>
        %convert_element_type3A_1380 = arith.fptosi %select_n3A_1379 : vector<16xf32> to vector<16xi32>
        %min3A_1381 = arith.constant 223 : i32
        %min3A_1382 = vector.broadcast %min3A_1381 : i32 to vector<16xi32>
        %min3A_1383 = arith.minsi %convert_element_type3A_1380, %min3A_1382 : vector<16xi32>
        %add3A_1384 = vector.broadcast %convert_element_type3A_770 : f32 to vector<16xf32>
        %add3A_1385 = arith.addf %add3A_1384, %get3A_1366 : vector<16xf32>
        %lt3A_1386 = arith.constant 0.000000e+00 : f32
        %lt3A_1387 = vector.broadcast %lt3A_1386 : f32 to vector<16xf32>
        %lt3A_1388 = arith.cmpf olt, %add3A_1385, %lt3A_1387 : vector<16xf32>
        %add3A_1389 = vector.broadcast %scan3A_720 : f32 to vector<16xf32>
        %add3A_1390 = arith.addf %add3A_1385, %add3A_1389 : vector<16xf32>
        %ge3A_1391 = vector.broadcast %scan3A_720 : f32 to vector<16xf32>
        %ge3A_1392 = arith.cmpf oge, %add3A_1385, %ge3A_1391 : vector<16xf32>
        %sub3A_1393 = vector.broadcast %scan3A_720 : f32 to vector<16xf32>
        %sub3A_1394 = arith.subf %add3A_1385, %sub3A_1393 : vector<16xf32>
        %select_n3A_1395 = arith.select %ge3A_1392, %sub3A_1394, %add3A_1385 : vector<16xi1>, vector<16xf32>
        %select_n3A_1396 = arith.select %lt3A_1388, %add3A_1390, %select_n3A_1395 : vector<16xi1>, vector<16xf32>
        %convert_element_type3A_1397 = arith.fptosi %select_n3A_1396 : vector<16xf32> to vector<16xi32>
        %min3A_1398 = arith.constant 223 : i32
        %min3A_1399 = vector.broadcast %min3A_1398 : i32 to vector<16xi32>
        %min3A_1400 = arith.minsi %convert_element_type3A_1397, %min3A_1399 : vector<16xi32>
        %add3A_1401 = vector.broadcast %sub3A_472 : i32 to vector<16xi32>
        %add3A_1402 = arith.addi %min3A_1400, %add3A_1401 : vector<16xi32>
        %lt3A_1403 = arith.constant 0 : i32
        %lt3A_1404 = vector.broadcast %lt3A_1403 : i32 to vector<16xi32>
        %lt3A_1405 = arith.cmpi slt, %add3A_1402, %lt3A_1404 : vector<16xi32>
        %add3A_1406 = arith.constant 224 : i32
        %add3A_1407 = vector.broadcast %add3A_1406 : i32 to vector<16xi32>
        %add3A_1408 = arith.addi %add3A_1402, %add3A_1407 : vector<16xi32>
        %select_n3A_1409 = arith.select %lt3A_1405, %add3A_1408, %add3A_1402 : vector<16xi1>, vector<16xi32>
        %ge3A_1410 = arith.constant 224 : i32
        %ge3A_1411 = vector.broadcast %ge3A_1410 : i32 to vector<16xi32>
        %ge3A_1412 = arith.cmpi sge, %select_n3A_1409, %ge3A_1411 : vector<16xi32>
        %sub3A_1413 = arith.constant 224 : i32
        %sub3A_1414 = vector.broadcast %sub3A_1413 : i32 to vector<16xi32>
        %sub3A_1415 = arith.subi %select_n3A_1409, %sub3A_1414 : vector<16xi32>
        %select_n3A_1416 = arith.select %ge3A_1412, %sub3A_1415, %select_n3A_1409 : vector<16xi1>, vector<16xi32>
        %min3A_1417 = arith.constant 47 : i32
        %min3A_1418 = vector.broadcast %min3A_1417 : i32 to vector<16xi32>
        %min3A_1419 = arith.minsi %select_n3A_1416, %min3A_1418 : vector<16xi32>
        %gather3A_1420 = tpu.vector_load_idx %arg6[%min3A_1419, %min3A_1383] : memref<48x224xf32, #tpu.memory_space<vmem>>[vector<16xi32>, vector<16xi32>], vector<16xf32>,
        %swap3A_1421 = arith.index_cast %scan3A_768 : i32 to index
        %swap3A_1422 = arith.constant 128 : index
        %swap3A_1423 = tpu.vector_load %arg9[%swap3A_1421, %swap3A_1422] {strides = array<i32>} : memref<32x224xf32, #tpu.memory_space<vmem>>, vector<16xf32>,
        tpu.vector_store %arg9[%swap3A_1421, %swap3A_1422], %gather3A_1420 {strides = array<i32>} : memref<32x224xf32, #tpu.memory_space<vmem>>, vector<16xf32>,
        %gather3A_1424 = tpu.vector_load_idx %arg7[%min3A_1419, %min3A_1383] : memref<48x224xf32, #tpu.memory_space<vmem>>[vector<16xi32>, vector<16xi32>], vector<16xf32>,
        %swap3A_1425 = arith.index_cast %scan3A_768 : i32 to index
        %swap3A_1426 = arith.constant 128 : index
        %swap3A_1427 = tpu.vector_load %arg10[%swap3A_1425, %swap3A_1426] {strides = array<i32>} : memref<32x224xf32, #tpu.memory_space<vmem>>, vector<16xf32>,
        tpu.vector_store %arg10[%swap3A_1425, %swap3A_1426], %gather3A_1424 {strides = array<i32>} : memref<32x224xf32, #tpu.memory_space<vmem>>, vector<16xf32>,
        %gather3A_1428 = tpu.vector_load_idx %arg8[%min3A_1419, %min3A_1383] : memref<48x224xf32, #tpu.memory_space<vmem>>[vector<16xi32>, vector<16xi32>], vector<16xf32>,
        %swap3A_1429 = arith.index_cast %scan3A_768 : i32 to index
        %swap3A_1430 = arith.constant 128 : index
        %swap3A_1431 = tpu.vector_load %arg11[%swap3A_1429, %swap3A_1430] {strides = array<i32>} : memref<32x224xf32, #tpu.memory_space<vmem>>, vector<16xf32>,
        tpu.vector_store %arg11[%swap3A_1429, %swap3A_1430], %gather3A_1428 {strides = array<i32>} : memref<32x224xf32, #tpu.memory_space<vmem>>, vector<16xf32>,
        %add3A_1432 = arith.constant 144 : i32
        %add3A_1433 = vector.broadcast %add3A_1432 : i32 to vector<16xi32>
        %add3A_1434 = arith.addi %add3A_1433, %iota3A : vector<16xi32>
        %get3A_1435 = arith.index_cast %scan3A_768 : i32 to index
        %get3A_1436 = arith.constant 144 : index
        %get3A_1437 = tpu.vector_load %arg4[%get3A_1435, %get3A_1436] {strides = array<i32>} : memref<32x224xf32, #tpu.memory_space<vmem>>, vector<16xf32>,
        %get3A_1438 = arith.index_cast %scan3A_768 : i32 to index
        %get3A_1439 = arith.constant 144 : index
        %get3A_1440 = tpu.vector_load %arg5[%get3A_1438, %get3A_1439] {strides = array<i32>} : memref<32x224xf32, #tpu.memory_space<vmem>>, vector<16xf32>,
        %convert_element_type3A_1441 = arith.sitofp %add3A_1434 : vector<16xi32> to vector<16xf32>
        %add3A_1442 = arith.addf %convert_element_type3A_1441, %get3A_1437 : vector<16xf32>
        %lt3A_1443 = arith.constant 0.000000e+00 : f32
        %lt3A_1444 = vector.broadcast %lt3A_1443 : f32 to vector<16xf32>
        %lt3A_1445 = arith.cmpf olt, %add3A_1442, %lt3A_1444 : vector<16xf32>
        %add3A_1446 = vector.broadcast %scan3A_720 : f32 to vector<16xf32>
        %add3A_1447 = arith.addf %add3A_1442, %add3A_1446 : vector<16xf32>
        %ge3A_1448 = vector.broadcast %scan3A_720 : f32 to vector<16xf32>
        %ge3A_1449 = arith.cmpf oge, %add3A_1442, %ge3A_1448 : vector<16xf32>
        %sub3A_1450 = vector.broadcast %scan3A_720 : f32 to vector<16xf32>
        %sub3A_1451 = arith.subf %add3A_1442, %sub3A_1450 : vector<16xf32>
        %select_n3A_1452 = arith.select %ge3A_1449, %sub3A_1451, %add3A_1442 : vector<16xi1>, vector<16xf32>
        %select_n3A_1453 = arith.select %lt3A_1445, %add3A_1447, %select_n3A_1452 : vector<16xi1>, vector<16xf32>
        %convert_element_type3A_1454 = arith.fptosi %select_n3A_1453 : vector<16xf32> to vector<16xi32>
        %min3A_1455 = arith.constant 223 : i32
        %min3A_1456 = vector.broadcast %min3A_1455 : i32 to vector<16xi32>
        %min3A_1457 = arith.minsi %convert_element_type3A_1454, %min3A_1456 : vector<16xi32>
        %add3A_1458 = vector.broadcast %convert_element_type3A_770 : f32 to vector<16xf32>
        %add3A_1459 = arith.addf %add3A_1458, %get3A_1440 : vector<16xf32>
        %lt3A_1460 = arith.constant 0.000000e+00 : f32
        %lt3A_1461 = vector.broadcast %lt3A_1460 : f32 to vector<16xf32>
        %lt3A_1462 = arith.cmpf olt, %add3A_1459, %lt3A_1461 : vector<16xf32>
        %add3A_1463 = vector.broadcast %scan3A_720 : f32 to vector<16xf32>
        %add3A_1464 = arith.addf %add3A_1459, %add3A_1463 : vector<16xf32>
        %ge3A_1465 = vector.broadcast %scan3A_720 : f32 to vector<16xf32>
        %ge3A_1466 = arith.cmpf oge, %add3A_1459, %ge3A_1465 : vector<16xf32>
        %sub3A_1467 = vector.broadcast %scan3A_720 : f32 to vector<16xf32>
        %sub3A_1468 = arith.subf %add3A_1459, %sub3A_1467 : vector<16xf32>
        %select_n3A_1469 = arith.select %ge3A_1466, %sub3A_1468, %add3A_1459 : vector<16xi1>, vector<16xf32>
        %select_n3A_1470 = arith.select %lt3A_1462, %add3A_1464, %select_n3A_1469 : vector<16xi1>, vector<16xf32>
        %convert_element_type3A_1471 = arith.fptosi %select_n3A_1470 : vector<16xf32> to vector<16xi32>
        %min3A_1472 = arith.constant 223 : i32
        %min3A_1473 = vector.broadcast %min3A_1472 : i32 to vector<16xi32>
        %min3A_1474 = arith.minsi %convert_element_type3A_1471, %min3A_1473 : vector<16xi32>
        %add3A_1475 = vector.broadcast %sub3A_472 : i32 to vector<16xi32>
        %add3A_1476 = arith.addi %min3A_1474, %add3A_1475 : vector<16xi32>
        %lt3A_1477 = arith.constant 0 : i32
        %lt3A_1478 = vector.broadcast %lt3A_1477 : i32 to vector<16xi32>
        %lt3A_1479 = arith.cmpi slt, %add3A_1476, %lt3A_1478 : vector<16xi32>
        %add3A_1480 = arith.constant 224 : i32
        %add3A_1481 = vector.broadcast %add3A_1480 : i32 to vector<16xi32>
        %add3A_1482 = arith.addi %add3A_1476, %add3A_1481 : vector<16xi32>
        %select_n3A_1483 = arith.select %lt3A_1479, %add3A_1482, %add3A_1476 : vector<16xi1>, vector<16xi32>
        %ge3A_1484 = arith.constant 224 : i32
        %ge3A_1485 = vector.broadcast %ge3A_1484 : i32 to vector<16xi32>
        %ge3A_1486 = arith.cmpi sge, %select_n3A_1483, %ge3A_1485 : vector<16xi32>
        %sub3A_1487 = arith.constant 224 : i32
        %sub3A_1488 = vector.broadcast %sub3A_1487 : i32 to vector<16xi32>
        %sub3A_1489 = arith.subi %select_n3A_1483, %sub3A_1488 : vector<16xi32>
        %select_n3A_1490 = arith.select %ge3A_1486, %sub3A_1489, %select_n3A_1483 : vector<16xi1>, vector<16xi32>
        %min3A_1491 = arith.constant 47 : i32
        %min3A_1492 = vector.broadcast %min3A_1491 : i32 to vector<16xi32>
        %min3A_1493 = arith.minsi %select_n3A_1490, %min3A_1492 : vector<16xi32>
        %gather3A_1494 = tpu.vector_load_idx %arg6[%min3A_1493, %min3A_1457] : memref<48x224xf32, #tpu.memory_space<vmem>>[vector<16xi32>, vector<16xi32>], vector<16xf32>,
        %swap3A_1495 = arith.index_cast %scan3A_768 : i32 to index
        %swap3A_1496 = arith.constant 144 : index
        %swap3A_1497 = tpu.vector_load %arg9[%swap3A_1495, %swap3A_1496] {strides = array<i32>} : memref<32x224xf32, #tpu.memory_space<vmem>>, vector<16xf32>,
        tpu.vector_store %arg9[%swap3A_1495, %swap3A_1496], %gather3A_1494 {strides = array<i32>} : memref<32x224xf32, #tpu.memory_space<vmem>>, vector<16xf32>,
        %gather3A_1498 = tpu.vector_load_idx %arg7[%min3A_1493, %min3A_1457] : memref<48x224xf32, #tpu.memory_space<vmem>>[vector<16xi32>, vector<16xi32>], vector<16xf32>,
        %swap3A_1499 = arith.index_cast %scan3A_768 : i32 to index
        %swap3A_1500 = arith.constant 144 : index
        %swap3A_1501 = tpu.vector_load %arg10[%swap3A_1499, %swap3A_1500] {strides = array<i32>} : memref<32x224xf32, #tpu.memory_space<vmem>>, vector<16xf32>,
        tpu.vector_store %arg10[%swap3A_1499, %swap3A_1500], %gather3A_1498 {strides = array<i32>} : memref<32x224xf32, #tpu.memory_space<vmem>>, vector<16xf32>,
        %gather3A_1502 = tpu.vector_load_idx %arg8[%min3A_1493, %min3A_1457] : memref<48x224xf32, #tpu.memory_space<vmem>>[vector<16xi32>, vector<16xi32>], vector<16xf32>,
        %swap3A_1503 = arith.index_cast %scan3A_768 : i32 to index
        %swap3A_1504 = arith.constant 144 : index
        %swap3A_1505 = tpu.vector_load %arg11[%swap3A_1503, %swap3A_1504] {strides = array<i32>} : memref<32x224xf32, #tpu.memory_space<vmem>>, vector<16xf32>,
        tpu.vector_store %arg11[%swap3A_1503, %swap3A_1504], %gather3A_1502 {strides = array<i32>} : memref<32x224xf32, #tpu.memory_space<vmem>>, vector<16xf32>,
        %add3A_1506 = arith.constant 160 : i32
        %add3A_1507 = vector.broadcast %add3A_1506 : i32 to vector<16xi32>
        %add3A_1508 = arith.addi %add3A_1507, %iota3A : vector<16xi32>
        %get3A_1509 = arith.index_cast %scan3A_768 : i32 to index
        %get3A_1510 = arith.constant 160 : index
        %get3A_1511 = tpu.vector_load %arg4[%get3A_1509, %get3A_1510] {strides = array<i32>} : memref<32x224xf32, #tpu.memory_space<vmem>>, vector<16xf32>,
        %get3A_1512 = arith.index_cast %scan3A_768 : i32 to index
        %get3A_1513 = arith.constant 160 : index
        %get3A_1514 = tpu.vector_load %arg5[%get3A_1512, %get3A_1513] {strides = array<i32>} : memref<32x224xf32, #tpu.memory_space<vmem>>, vector<16xf32>,
        %convert_element_type3A_1515 = arith.sitofp %add3A_1508 : vector<16xi32> to vector<16xf32>
        %add3A_1516 = arith.addf %convert_element_type3A_1515, %get3A_1511 : vector<16xf32>
        %lt3A_1517 = arith.constant 0.000000e+00 : f32
        %lt3A_1518 = vector.broadcast %lt3A_1517 : f32 to vector<16xf32>
        %lt3A_1519 = arith.cmpf olt, %add3A_1516, %lt3A_1518 : vector<16xf32>
        %add3A_1520 = vector.broadcast %scan3A_720 : f32 to vector<16xf32>
        %add3A_1521 = arith.addf %add3A_1516, %add3A_1520 : vector<16xf32>
        %ge3A_1522 = vector.broadcast %scan3A_720 : f32 to vector<16xf32>
        %ge3A_1523 = arith.cmpf oge, %add3A_1516, %ge3A_1522 : vector<16xf32>
        %sub3A_1524 = vector.broadcast %scan3A_720 : f32 to vector<16xf32>
        %sub3A_1525 = arith.subf %add3A_1516, %sub3A_1524 : vector<16xf32>
        %select_n3A_1526 = arith.select %ge3A_1523, %sub3A_1525, %add3A_1516 : vector<16xi1>, vector<16xf32>
        %select_n3A_1527 = arith.select %lt3A_1519, %add3A_1521, %select_n3A_1526 : vector<16xi1>, vector<16xf32>
        %convert_element_type3A_1528 = arith.fptosi %select_n3A_1527 : vector<16xf32> to vector<16xi32>
        %min3A_1529 = arith.constant 223 : i32
        %min3A_1530 = vector.broadcast %min3A_1529 : i32 to vector<16xi32>
        %min3A_1531 = arith.minsi %convert_element_type3A_1528, %min3A_1530 : vector<16xi32>
        %add3A_1532 = vector.broadcast %convert_element_type3A_770 : f32 to vector<16xf32>
        %add3A_1533 = arith.addf %add3A_1532, %get3A_1514 : vector<16xf32>
        %lt3A_1534 = arith.constant 0.000000e+00 : f32
        %lt3A_1535 = vector.broadcast %lt3A_1534 : f32 to vector<16xf32>
        %lt3A_1536 = arith.cmpf olt, %add3A_1533, %lt3A_1535 : vector<16xf32>
        %add3A_1537 = vector.broadcast %scan3A_720 : f32 to vector<16xf32>
        %add3A_1538 = arith.addf %add3A_1533, %add3A_1537 : vector<16xf32>
        %ge3A_1539 = vector.broadcast %scan3A_720 : f32 to vector<16xf32>
        %ge3A_1540 = arith.cmpf oge, %add3A_1533, %ge3A_1539 : vector<16xf32>
        %sub3A_1541 = vector.broadcast %scan3A_720 : f32 to vector<16xf32>
        %sub3A_1542 = arith.subf %add3A_1533, %sub3A_1541 : vector<16xf32>
        %select_n3A_1543 = arith.select %ge3A_1540, %sub3A_1542, %add3A_1533 : vector<16xi1>, vector<16xf32>
        %select_n3A_1544 = arith.select %lt3A_1536, %add3A_1538, %select_n3A_1543 : vector<16xi1>, vector<16xf32>
        %convert_element_type3A_1545 = arith.fptosi %select_n3A_1544 : vector<16xf32> to vector<16xi32>
        %min3A_1546 = arith.constant 223 : i32
        %min3A_1547 = vector.broadcast %min3A_1546 : i32 to vector<16xi32>
        %min3A_1548 = arith.minsi %convert_element_type3A_1545, %min3A_1547 : vector<16xi32>
        %add3A_1549 = vector.broadcast %sub3A_472 : i32 to vector<16xi32>
        %add3A_1550 = arith.addi %min3A_1548, %add3A_1549 : vector<16xi32>
        %lt3A_1551 = arith.constant 0 : i32
        %lt3A_1552 = vector.broadcast %lt3A_1551 : i32 to vector<16xi32>
        %lt3A_1553 = arith.cmpi slt, %add3A_1550, %lt3A_1552 : vector<16xi32>
        %add3A_1554 = arith.constant 224 : i32
        %add3A_1555 = vector.broadcast %add3A_1554 : i32 to vector<16xi32>
        %add3A_1556 = arith.addi %add3A_1550, %add3A_1555 : vector<16xi32>
        %select_n3A_1557 = arith.select %lt3A_1553, %add3A_1556, %add3A_1550 : vector<16xi1>, vector<16xi32>
        %ge3A_1558 = arith.constant 224 : i32
        %ge3A_1559 = vector.broadcast %ge3A_1558 : i32 to vector<16xi32>
        %ge3A_1560 = arith.cmpi sge, %select_n3A_1557, %ge3A_1559 : vector<16xi32>
        %sub3A_1561 = arith.constant 224 : i32
        %sub3A_1562 = vector.broadcast %sub3A_1561 : i32 to vector<16xi32>
        %sub3A_1563 = arith.subi %select_n3A_1557, %sub3A_1562 : vector<16xi32>
        %select_n3A_1564 = arith.select %ge3A_1560, %sub3A_1563, %select_n3A_1557 : vector<16xi1>, vector<16xi32>
        %min3A_1565 = arith.constant 47 : i32
        %min3A_1566 = vector.broadcast %min3A_1565 : i32 to vector<16xi32>
        %min3A_1567 = arith.minsi %select_n3A_1564, %min3A_1566 : vector<16xi32>
        %gather3A_1568 = tpu.vector_load_idx %arg6[%min3A_1567, %min3A_1531] : memref<48x224xf32, #tpu.memory_space<vmem>>[vector<16xi32>, vector<16xi32>], vector<16xf32>,
        %swap3A_1569 = arith.index_cast %scan3A_768 : i32 to index
        %swap3A_1570 = arith.constant 160 : index
        %swap3A_1571 = tpu.vector_load %arg9[%swap3A_1569, %swap3A_1570] {strides = array<i32>} : memref<32x224xf32, #tpu.memory_space<vmem>>, vector<16xf32>,
        tpu.vector_store %arg9[%swap3A_1569, %swap3A_1570], %gather3A_1568 {strides = array<i32>} : memref<32x224xf32, #tpu.memory_space<vmem>>, vector<16xf32>,
        %gather3A_1572 = tpu.vector_load_idx %arg7[%min3A_1567, %min3A_1531] : memref<48x224xf32, #tpu.memory_space<vmem>>[vector<16xi32>, vector<16xi32>], vector<16xf32>,
        %swap3A_1573 = arith.index_cast %scan3A_768 : i32 to index
        %swap3A_1574 = arith.constant 160 : index
        %swap3A_1575 = tpu.vector_load %arg10[%swap3A_1573, %swap3A_1574] {strides = array<i32>} : memref<32x224xf32, #tpu.memory_space<vmem>>, vector<16xf32>,
        tpu.vector_store %arg10[%swap3A_1573, %swap3A_1574], %gather3A_1572 {strides = array<i32>} : memref<32x224xf32, #tpu.memory_space<vmem>>, vector<16xf32>,
        %gather3A_1576 = tpu.vector_load_idx %arg8[%min3A_1567, %min3A_1531] : memref<48x224xf32, #tpu.memory_space<vmem>>[vector<16xi32>, vector<16xi32>], vector<16xf32>,
        %swap3A_1577 = arith.index_cast %scan3A_768 : i32 to index
        %swap3A_1578 = arith.constant 160 : index
        %swap3A_1579 = tpu.vector_load %arg11[%swap3A_1577, %swap3A_1578] {strides = array<i32>} : memref<32x224xf32, #tpu.memory_space<vmem>>, vector<16xf32>,
        tpu.vector_store %arg11[%swap3A_1577, %swap3A_1578], %gather3A_1576 {strides = array<i32>} : memref<32x224xf32, #tpu.memory_space<vmem>>, vector<16xf32>,
        %add3A_1580 = arith.constant 176 : i32
        %add3A_1581 = vector.broadcast %add3A_1580 : i32 to vector<16xi32>
        %add3A_1582 = arith.addi %add3A_1581, %iota3A : vector<16xi32>
        %get3A_1583 = arith.index_cast %scan3A_768 : i32 to index
        %get3A_1584 = arith.constant 176 : index
        %get3A_1585 = tpu.vector_load %arg4[%get3A_1583, %get3A_1584] {strides = array<i32>} : memref<32x224xf32, #tpu.memory_space<vmem>>, vector<16xf32>,
        %get3A_1586 = arith.index_cast %scan3A_768 : i32 to index
        %get3A_1587 = arith.constant 176 : index
        %get3A_1588 = tpu.vector_load %arg5[%get3A_1586, %get3A_1587] {strides = array<i32>} : memref<32x224xf32, #tpu.memory_space<vmem>>, vector<16xf32>,
        %convert_element_type3A_1589 = arith.sitofp %add3A_1582 : vector<16xi32> to vector<16xf32>
        %add3A_1590 = arith.addf %convert_element_type3A_1589, %get3A_1585 : vector<16xf32>
        %lt3A_1591 = arith.constant 0.000000e+00 : f32
        %lt3A_1592 = vector.broadcast %lt3A_1591 : f32 to vector<16xf32>
        %lt3A_1593 = arith.cmpf olt, %add3A_1590, %lt3A_1592 : vector<16xf32>
        %add3A_1594 = vector.broadcast %scan3A_720 : f32 to vector<16xf32>
        %add3A_1595 = arith.addf %add3A_1590, %add3A_1594 : vector<16xf32>
        %ge3A_1596 = vector.broadcast %scan3A_720 : f32 to vector<16xf32>
        %ge3A_1597 = arith.cmpf oge, %add3A_1590, %ge3A_1596 : vector<16xf32>
        %sub3A_1598 = vector.broadcast %scan3A_720 : f32 to vector<16xf32>
        %sub3A_1599 = arith.subf %add3A_1590, %sub3A_1598 : vector<16xf32>
        %select_n3A_1600 = arith.select %ge3A_1597, %sub3A_1599, %add3A_1590 : vector<16xi1>, vector<16xf32>
        %select_n3A_1601 = arith.select %lt3A_1593, %add3A_1595, %select_n3A_1600 : vector<16xi1>, vector<16xf32>
        %convert_element_type3A_1602 = arith.fptosi %select_n3A_1601 : vector<16xf32> to vector<16xi32>
        %min3A_1603 = arith.constant 223 : i32
        %min3A_1604 = vector.broadcast %min3A_1603 : i32 to vector<16xi32>
        %min3A_1605 = arith.minsi %convert_element_type3A_1602, %min3A_1604 : vector<16xi32>
        %add3A_1606 = vector.broadcast %convert_element_type3A_770 : f32 to vector<16xf32>
        %add3A_1607 = arith.addf %add3A_1606, %get3A_1588 : vector<16xf32>
        %lt3A_1608 = arith.constant 0.000000e+00 : f32
        %lt3A_1609 = vector.broadcast %lt3A_1608 : f32 to vector<16xf32>
        %lt3A_1610 = arith.cmpf olt, %add3A_1607, %lt3A_1609 : vector<16xf32>
        %add3A_1611 = vector.broadcast %scan3A_720 : f32 to vector<16xf32>
        %add3A_1612 = arith.addf %add3A_1607, %add3A_1611 : vector<16xf32>
        %ge3A_1613 = vector.broadcast %scan3A_720 : f32 to vector<16xf32>
        %ge3A_1614 = arith.cmpf oge, %add3A_1607, %ge3A_1613 : vector<16xf32>
        %sub3A_1615 = vector.broadcast %scan3A_720 : f32 to vector<16xf32>
        %sub3A_1616 = arith.subf %add3A_1607, %sub3A_1615 : vector<16xf32>
        %select_n3A_1617 = arith.select %ge3A_1614, %sub3A_1616, %add3A_1607 : vector<16xi1>, vector<16xf32>
        %select_n3A_1618 = arith.select %lt3A_1610, %add3A_1612, %select_n3A_1617 : vector<16xi1>, vector<16xf32>
        %convert_element_type3A_1619 = arith.fptosi %select_n3A_1618 : vector<16xf32> to vector<16xi32>
        %min3A_1620 = arith.constant 223 : i32
        %min3A_1621 = vector.broadcast %min3A_1620 : i32 to vector<16xi32>
        %min3A_1622 = arith.minsi %convert_element_type3A_1619, %min3A_1621 : vector<16xi32>
        %add3A_1623 = vector.broadcast %sub3A_472 : i32 to vector<16xi32>
        %add3A_1624 = arith.addi %min3A_1622, %add3A_1623 : vector<16xi32>
        %lt3A_1625 = arith.constant 0 : i32
        %lt3A_1626 = vector.broadcast %lt3A_1625 : i32 to vector<16xi32>
        %lt3A_1627 = arith.cmpi slt, %add3A_1624, %lt3A_1626 : vector<16xi32>
        %add3A_1628 = arith.constant 224 : i32
        %add3A_1629 = vector.broadcast %add3A_1628 : i32 to vector<16xi32>
        %add3A_1630 = arith.addi %add3A_1624, %add3A_1629 : vector<16xi32>
        %select_n3A_1631 = arith.select %lt3A_1627, %add3A_1630, %add3A_1624 : vector<16xi1>, vector<16xi32>
        %ge3A_1632 = arith.constant 224 : i32
        %ge3A_1633 = vector.broadcast %ge3A_1632 : i32 to vector<16xi32>
        %ge3A_1634 = arith.cmpi sge, %select_n3A_1631, %ge3A_1633 : vector<16xi32>
        %sub3A_1635 = arith.constant 224 : i32
        %sub3A_1636 = vector.broadcast %sub3A_1635 : i32 to vector<16xi32>
        %sub3A_1637 = arith.subi %select_n3A_1631, %sub3A_1636 : vector<16xi32>
        %select_n3A_1638 = arith.select %ge3A_1634, %sub3A_1637, %select_n3A_1631 : vector<16xi1>, vector<16xi32>
        %min3A_1639 = arith.constant 47 : i32
        %min3A_1640 = vector.broadcast %min3A_1639 : i32 to vector<16xi32>
        %min3A_1641 = arith.minsi %select_n3A_1638, %min3A_1640 : vector<16xi32>
        %gather3A_1642 = tpu.vector_load_idx %arg6[%min3A_1641, %min3A_1605] : memref<48x224xf32, #tpu.memory_space<vmem>>[vector<16xi32>, vector<16xi32>], vector<16xf32>,
        %swap3A_1643 = arith.index_cast %scan3A_768 : i32 to index
        %swap3A_1644 = arith.constant 176 : index
        %swap3A_1645 = tpu.vector_load %arg9[%swap3A_1643, %swap3A_1644] {strides = array<i32>} : memref<32x224xf32, #tpu.memory_space<vmem>>, vector<16xf32>,
        tpu.vector_store %arg9[%swap3A_1643, %swap3A_1644], %gather3A_1642 {strides = array<i32>} : memref<32x224xf32, #tpu.memory_space<vmem>>, vector<16xf32>,
        %gather3A_1646 = tpu.vector_load_idx %arg7[%min3A_1641, %min3A_1605] : memref<48x224xf32, #tpu.memory_space<vmem>>[vector<16xi32>, vector<16xi32>], vector<16xf32>,
        %swap3A_1647 = arith.index_cast %scan3A_768 : i32 to index
        %swap3A_1648 = arith.constant 176 : index
        %swap3A_1649 = tpu.vector_load %arg10[%swap3A_1647, %swap3A_1648] {strides = array<i32>} : memref<32x224xf32, #tpu.memory_space<vmem>>, vector<16xf32>,
        tpu.vector_store %arg10[%swap3A_1647, %swap3A_1648], %gather3A_1646 {strides = array<i32>} : memref<32x224xf32, #tpu.memory_space<vmem>>, vector<16xf32>,
        %gather3A_1650 = tpu.vector_load_idx %arg8[%min3A_1641, %min3A_1605] : memref<48x224xf32, #tpu.memory_space<vmem>>[vector<16xi32>, vector<16xi32>], vector<16xf32>,
        %swap3A_1651 = arith.index_cast %scan3A_768 : i32 to index
        %swap3A_1652 = arith.constant 176 : index
        %swap3A_1653 = tpu.vector_load %arg11[%swap3A_1651, %swap3A_1652] {strides = array<i32>} : memref<32x224xf32, #tpu.memory_space<vmem>>, vector<16xf32>,
        tpu.vector_store %arg11[%swap3A_1651, %swap3A_1652], %gather3A_1650 {strides = array<i32>} : memref<32x224xf32, #tpu.memory_space<vmem>>, vector<16xf32>,
        %add3A_1654 = arith.constant 192 : i32
        %add3A_1655 = vector.broadcast %add3A_1654 : i32 to vector<16xi32>
        %add3A_1656 = arith.addi %add3A_1655, %iota3A : vector<16xi32>
        %get3A_1657 = arith.index_cast %scan3A_768 : i32 to index
        %get3A_1658 = arith.constant 192 : index
        %get3A_1659 = tpu.vector_load %arg4[%get3A_1657, %get3A_1658] {strides = array<i32>} : memref<32x224xf32, #tpu.memory_space<vmem>>, vector<16xf32>,
        %get3A_1660 = arith.index_cast %scan3A_768 : i32 to index
        %get3A_1661 = arith.constant 192 : index
        %get3A_1662 = tpu.vector_load %arg5[%get3A_1660, %get3A_1661] {strides = array<i32>} : memref<32x224xf32, #tpu.memory_space<vmem>>, vector<16xf32>,
        %convert_element_type3A_1663 = arith.sitofp %add3A_1656 : vector<16xi32> to vector<16xf32>
        %add3A_1664 = arith.addf %convert_element_type3A_1663, %get3A_1659 : vector<16xf32>
        %lt3A_1665 = arith.constant 0.000000e+00 : f32
        %lt3A_1666 = vector.broadcast %lt3A_1665 : f32 to vector<16xf32>
        %lt3A_1667 = arith.cmpf olt, %add3A_1664, %lt3A_1666 : vector<16xf32>
        %add3A_1668 = vector.broadcast %scan3A_720 : f32 to vector<16xf32>
        %add3A_1669 = arith.addf %add3A_1664, %add3A_1668 : vector<16xf32>
        %ge3A_1670 = vector.broadcast %scan3A_720 : f32 to vector<16xf32>
        %ge3A_1671 = arith.cmpf oge, %add3A_1664, %ge3A_1670 : vector<16xf32>
        %sub3A_1672 = vector.broadcast %scan3A_720 : f32 to vector<16xf32>
        %sub3A_1673 = arith.subf %add3A_1664, %sub3A_1672 : vector<16xf32>
        %select_n3A_1674 = arith.select %ge3A_1671, %sub3A_1673, %add3A_1664 : vector<16xi1>, vector<16xf32>
        %select_n3A_1675 = arith.select %lt3A_1667, %add3A_1669, %select_n3A_1674 : vector<16xi1>, vector<16xf32>
        %convert_element_type3A_1676 = arith.fptosi %select_n3A_1675 : vector<16xf32> to vector<16xi32>
        %min3A_1677 = arith.constant 223 : i32
        %min3A_1678 = vector.broadcast %min3A_1677 : i32 to vector<16xi32>
        %min3A_1679 = arith.minsi %convert_element_type3A_1676, %min3A_1678 : vector<16xi32>
        %add3A_1680 = vector.broadcast %convert_element_type3A_770 : f32 to vector<16xf32>
        %add3A_1681 = arith.addf %add3A_1680, %get3A_1662 : vector<16xf32>
        %lt3A_1682 = arith.constant 0.000000e+00 : f32
        %lt3A_1683 = vector.broadcast %lt3A_1682 : f32 to vector<16xf32>
        %lt3A_1684 = arith.cmpf olt, %add3A_1681, %lt3A_1683 : vector<16xf32>
        %add3A_1685 = vector.broadcast %scan3A_720 : f32 to vector<16xf32>
        %add3A_1686 = arith.addf %add3A_1681, %add3A_1685 : vector<16xf32>
        %ge3A_1687 = vector.broadcast %scan3A_720 : f32 to vector<16xf32>
        %ge3A_1688 = arith.cmpf oge, %add3A_1681, %ge3A_1687 : vector<16xf32>
        %sub3A_1689 = vector.broadcast %scan3A_720 : f32 to vector<16xf32>
        %sub3A_1690 = arith.subf %add3A_1681, %sub3A_1689 : vector<16xf32>
        %select_n3A_1691 = arith.select %ge3A_1688, %sub3A_1690, %add3A_1681 : vector<16xi1>, vector<16xf32>
        %select_n3A_1692 = arith.select %lt3A_1684, %add3A_1686, %select_n3A_1691 : vector<16xi1>, vector<16xf32>
        %convert_element_type3A_1693 = arith.fptosi %select_n3A_1692 : vector<16xf32> to vector<16xi32>
        %min3A_1694 = arith.constant 223 : i32
        %min3A_1695 = vector.broadcast %min3A_1694 : i32 to vector<16xi32>
        %min3A_1696 = arith.minsi %convert_element_type3A_1693, %min3A_1695 : vector<16xi32>
        %add3A_1697 = vector.broadcast %sub3A_472 : i32 to vector<16xi32>
        %add3A_1698 = arith.addi %min3A_1696, %add3A_1697 : vector<16xi32>
        %lt3A_1699 = arith.constant 0 : i32
        %lt3A_1700 = vector.broadcast %lt3A_1699 : i32 to vector<16xi32>
        %lt3A_1701 = arith.cmpi slt, %add3A_1698, %lt3A_1700 : vector<16xi32>
        %add3A_1702 = arith.constant 224 : i32
        %add3A_1703 = vector.broadcast %add3A_1702 : i32 to vector<16xi32>
        %add3A_1704 = arith.addi %add3A_1698, %add3A_1703 : vector<16xi32>
        %select_n3A_1705 = arith.select %lt3A_1701, %add3A_1704, %add3A_1698 : vector<16xi1>, vector<16xi32>
        %ge3A_1706 = arith.constant 224 : i32
        %ge3A_1707 = vector.broadcast %ge3A_1706 : i32 to vector<16xi32>
        %ge3A_1708 = arith.cmpi sge, %select_n3A_1705, %ge3A_1707 : vector<16xi32>
        %sub3A_1709 = arith.constant 224 : i32
        %sub3A_1710 = vector.broadcast %sub3A_1709 : i32 to vector<16xi32>
        %sub3A_1711 = arith.subi %select_n3A_1705, %sub3A_1710 : vector<16xi32>
        %select_n3A_1712 = arith.select %ge3A_1708, %sub3A_1711, %select_n3A_1705 : vector<16xi1>, vector<16xi32>
        %min3A_1713 = arith.constant 47 : i32
        %min3A_1714 = vector.broadcast %min3A_1713 : i32 to vector<16xi32>
        %min3A_1715 = arith.minsi %select_n3A_1712, %min3A_1714 : vector<16xi32>
        %gather3A_1716 = tpu.vector_load_idx %arg6[%min3A_1715, %min3A_1679] : memref<48x224xf32, #tpu.memory_space<vmem>>[vector<16xi32>, vector<16xi32>], vector<16xf32>,
        %swap3A_1717 = arith.index_cast %scan3A_768 : i32 to index
        %swap3A_1718 = arith.constant 192 : index
        %swap3A_1719 = tpu.vector_load %arg9[%swap3A_1717, %swap3A_1718] {strides = array<i32>} : memref<32x224xf32, #tpu.memory_space<vmem>>, vector<16xf32>,
        tpu.vector_store %arg9[%swap3A_1717, %swap3A_1718], %gather3A_1716 {strides = array<i32>} : memref<32x224xf32, #tpu.memory_space<vmem>>, vector<16xf32>,
        %gather3A_1720 = tpu.vector_load_idx %arg7[%min3A_1715, %min3A_1679] : memref<48x224xf32, #tpu.memory_space<vmem>>[vector<16xi32>, vector<16xi32>], vector<16xf32>,
        %swap3A_1721 = arith.index_cast %scan3A_768 : i32 to index
        %swap3A_1722 = arith.constant 192 : index
        %swap3A_1723 = tpu.vector_load %arg10[%swap3A_1721, %swap3A_1722] {strides = array<i32>} : memref<32x224xf32, #tpu.memory_space<vmem>>, vector<16xf32>,
        tpu.vector_store %arg10[%swap3A_1721, %swap3A_1722], %gather3A_1720 {strides = array<i32>} : memref<32x224xf32, #tpu.memory_space<vmem>>, vector<16xf32>,
        %gather3A_1724 = tpu.vector_load_idx %arg8[%min3A_1715, %min3A_1679] : memref<48x224xf32, #tpu.memory_space<vmem>>[vector<16xi32>, vector<16xi32>], vector<16xf32>,
        %swap3A_1725 = arith.index_cast %scan3A_768 : i32 to index
        %swap3A_1726 = arith.constant 192 : index
        %swap3A_1727 = tpu.vector_load %arg11[%swap3A_1725, %swap3A_1726] {strides = array<i32>} : memref<32x224xf32, #tpu.memory_space<vmem>>, vector<16xf32>,
        tpu.vector_store %arg11[%swap3A_1725, %swap3A_1726], %gather3A_1724 {strides = array<i32>} : memref<32x224xf32, #tpu.memory_space<vmem>>, vector<16xf32>,
        %add3A_1728 = arith.constant 208 : i32
        %add3A_1729 = vector.broadcast %add3A_1728 : i32 to vector<16xi32>
        %add3A_1730 = arith.addi %add3A_1729, %iota3A : vector<16xi32>
        %get3A_1731 = arith.index_cast %scan3A_768 : i32 to index
        %get3A_1732 = arith.constant 208 : index
        %get3A_1733 = tpu.vector_load %arg4[%get3A_1731, %get3A_1732] {strides = array<i32>} : memref<32x224xf32, #tpu.memory_space<vmem>>, vector<16xf32>,
        %get3A_1734 = arith.index_cast %scan3A_768 : i32 to index
        %get3A_1735 = arith.constant 208 : index
        %get3A_1736 = tpu.vector_load %arg5[%get3A_1734, %get3A_1735] {strides = array<i32>} : memref<32x224xf32, #tpu.memory_space<vmem>>, vector<16xf32>,
        %convert_element_type3A_1737 = arith.sitofp %add3A_1730 : vector<16xi32> to vector<16xf32>
        %add3A_1738 = arith.addf %convert_element_type3A_1737, %get3A_1733 : vector<16xf32>
        %lt3A_1739 = arith.constant 0.000000e+00 : f32
        %lt3A_1740 = vector.broadcast %lt3A_1739 : f32 to vector<16xf32>
        %lt3A_1741 = arith.cmpf olt, %add3A_1738, %lt3A_1740 : vector<16xf32>
        %add3A_1742 = vector.broadcast %scan3A_720 : f32 to vector<16xf32>
        %add3A_1743 = arith.addf %add3A_1738, %add3A_1742 : vector<16xf32>
        %ge3A_1744 = vector.broadcast %scan3A_720 : f32 to vector<16xf32>
        %ge3A_1745 = arith.cmpf oge, %add3A_1738, %ge3A_1744 : vector<16xf32>
        %sub3A_1746 = vector.broadcast %scan3A_720 : f32 to vector<16xf32>
        %sub3A_1747 = arith.subf %add3A_1738, %sub3A_1746 : vector<16xf32>
        %select_n3A_1748 = arith.select %ge3A_1745, %sub3A_1747, %add3A_1738 : vector<16xi1>, vector<16xf32>
        %select_n3A_1749 = arith.select %lt3A_1741, %add3A_1743, %select_n3A_1748 : vector<16xi1>, vector<16xf32>
        %convert_element_type3A_1750 = arith.fptosi %select_n3A_1749 : vector<16xf32> to vector<16xi32>
        %min3A_1751 = arith.constant 223 : i32
        %min3A_1752 = vector.broadcast %min3A_1751 : i32 to vector<16xi32>
        %min3A_1753 = arith.minsi %convert_element_type3A_1750, %min3A_1752 : vector<16xi32>
        %add3A_1754 = vector.broadcast %convert_element_type3A_770 : f32 to vector<16xf32>
        %add3A_1755 = arith.addf %add3A_1754, %get3A_1736 : vector<16xf32>
        %lt3A_1756 = arith.constant 0.000000e+00 : f32
        %lt3A_1757 = vector.broadcast %lt3A_1756 : f32 to vector<16xf32>
        %lt3A_1758 = arith.cmpf olt, %add3A_1755, %lt3A_1757 : vector<16xf32>
        %add3A_1759 = vector.broadcast %scan3A_720 : f32 to vector<16xf32>
        %add3A_1760 = arith.addf %add3A_1755, %add3A_1759 : vector<16xf32>
        %ge3A_1761 = vector.broadcast %scan3A_720 : f32 to vector<16xf32>
        %ge3A_1762 = arith.cmpf oge, %add3A_1755, %ge3A_1761 : vector<16xf32>
        %sub3A_1763 = vector.broadcast %scan3A_720 : f32 to vector<16xf32>
        %sub3A_1764 = arith.subf %add3A_1755, %sub3A_1763 : vector<16xf32>
        %select_n3A_1765 = arith.select %ge3A_1762, %sub3A_1764, %add3A_1755 : vector<16xi1>, vector<16xf32>
        %select_n3A_1766 = arith.select %lt3A_1758, %add3A_1760, %select_n3A_1765 : vector<16xi1>, vector<16xf32>
        %convert_element_type3A_1767 = arith.fptosi %select_n3A_1766 : vector<16xf32> to vector<16xi32>
        %min3A_1768 = arith.constant 223 : i32
        %min3A_1769 = vector.broadcast %min3A_1768 : i32 to vector<16xi32>
        %min3A_1770 = arith.minsi %convert_element_type3A_1767, %min3A_1769 : vector<16xi32>
        %add3A_1771 = vector.broadcast %sub3A_472 : i32 to vector<16xi32>
        %add3A_1772 = arith.addi %min3A_1770, %add3A_1771 : vector<16xi32>
        %lt3A_1773 = arith.constant 0 : i32
        %lt3A_1774 = vector.broadcast %lt3A_1773 : i32 to vector<16xi32>
        %lt3A_1775 = arith.cmpi slt, %add3A_1772, %lt3A_1774 : vector<16xi32>
        %add3A_1776 = arith.constant 224 : i32
        %add3A_1777 = vector.broadcast %add3A_1776 : i32 to vector<16xi32>
        %add3A_1778 = arith.addi %add3A_1772, %add3A_1777 : vector<16xi32>
        %select_n3A_1779 = arith.select %lt3A_1775, %add3A_1778, %add3A_1772 : vector<16xi1>, vector<16xi32>
        %ge3A_1780 = arith.constant 224 : i32
        %ge3A_1781 = vector.broadcast %ge3A_1780 : i32 to vector<16xi32>
        %ge3A_1782 = arith.cmpi sge, %select_n3A_1779, %ge3A_1781 : vector<16xi32>
        %sub3A_1783 = arith.constant 224 : i32
        %sub3A_1784 = vector.broadcast %sub3A_1783 : i32 to vector<16xi32>
        %sub3A_1785 = arith.subi %select_n3A_1779, %sub3A_1784 : vector<16xi32>
        %select_n3A_1786 = arith.select %ge3A_1782, %sub3A_1785, %select_n3A_1779 : vector<16xi1>, vector<16xi32>
        %min3A_1787 = arith.constant 47 : i32
        %min3A_1788 = vector.broadcast %min3A_1787 : i32 to vector<16xi32>
        %min3A_1789 = arith.minsi %select_n3A_1786, %min3A_1788 : vector<16xi32>
        %gather3A_1790 = tpu.vector_load_idx %arg6[%min3A_1789, %min3A_1753] : memref<48x224xf32, #tpu.memory_space<vmem>>[vector<16xi32>, vector<16xi32>], vector<16xf32>,
        %swap3A_1791 = arith.index_cast %scan3A_768 : i32 to index
        %swap3A_1792 = arith.constant 208 : index
        %swap3A_1793 = tpu.vector_load %arg9[%swap3A_1791, %swap3A_1792] {strides = array<i32>} : memref<32x224xf32, #tpu.memory_space<vmem>>, vector<16xf32>,
        tpu.vector_store %arg9[%swap3A_1791, %swap3A_1792], %gather3A_1790 {strides = array<i32>} : memref<32x224xf32, #tpu.memory_space<vmem>>, vector<16xf32>,
        %gather3A_1794 = tpu.vector_load_idx %arg7[%min3A_1789, %min3A_1753] : memref<48x224xf32, #tpu.memory_space<vmem>>[vector<16xi32>, vector<16xi32>], vector<16xf32>,
        %swap3A_1795 = arith.index_cast %scan3A_768 : i32 to index
        %swap3A_1796 = arith.constant 208 : index
        %swap3A_1797 = tpu.vector_load %arg10[%swap3A_1795, %swap3A_1796] {strides = array<i32>} : memref<32x224xf32, #tpu.memory_space<vmem>>, vector<16xf32>,
        tpu.vector_store %arg10[%swap3A_1795, %swap3A_1796], %gather3A_1794 {strides = array<i32>} : memref<32x224xf32, #tpu.memory_space<vmem>>, vector<16xf32>,
        %gather3A_1798 = tpu.vector_load_idx %arg8[%min3A_1789, %min3A_1753] : memref<48x224xf32, #tpu.memory_space<vmem>>[vector<16xi32>, vector<16xi32>], vector<16xf32>,
        %swap3A_1799 = arith.index_cast %scan3A_768 : i32 to index
        %swap3A_1800 = arith.constant 208 : index
        %swap3A_1801 = tpu.vector_load %arg11[%swap3A_1799, %swap3A_1800] {strides = array<i32>} : memref<32x224xf32, #tpu.memory_space<vmem>>, vector<16xf32>,
        tpu.vector_store %arg11[%swap3A_1799, %swap3A_1800], %gather3A_1798 {strides = array<i32>} : memref<32x224xf32, #tpu.memory_space<vmem>>, vector<16xf32>,
        %scan3A_1802 = arith.constant 1 : i32
        %scan3A_1803 = arith.addi %scan3A_768, %scan3A_1802 : i32
        %add3A_1804 = arith.addi %mul3A_35, %scan3A_1803 : i32
        %convert_element_type3A_1805 = arith.sitofp %add3A_1804 : i32 to f32
        %add3A_1806 = arith.constant 0 : i32
        %add3A_1807 = vector.broadcast %add3A_1806 : i32 to vector<16xi32>
        %add3A_1808 = arith.addi %add3A_1807, %iota3A : vector<16xi32>
        %get3A_1809 = arith.index_cast %scan3A_1803 : i32 to index
        %get3A_1810 = arith.constant 0 : index
        %get3A_1811 = tpu.vector_load %arg4[%get3A_1809, %get3A_1810] {strides = array<i32>} : memref<32x224xf32, #tpu.memory_space<vmem>>, vector<16xf32>,
        %get3A_1812 = arith.index_cast %scan3A_1803 : i32 to index
        %get3A_1813 = arith.constant 0 : index
        %get3A_1814 = tpu.vector_load %arg5[%get3A_1812, %get3A_1813] {strides = array<i32>} : memref<32x224xf32, #tpu.memory_space<vmem>>, vector<16xf32>,
        %convert_element_type3A_1815 = arith.sitofp %add3A_1808 : vector<16xi32> to vector<16xf32>
        %add3A_1816 = arith.addf %convert_element_type3A_1815, %get3A_1811 : vector<16xf32>
        %lt3A_1817 = arith.constant 0.000000e+00 : f32
        %lt3A_1818 = vector.broadcast %lt3A_1817 : f32 to vector<16xf32>
        %lt3A_1819 = arith.cmpf olt, %add3A_1816, %lt3A_1818 : vector<16xf32>
        %add3A_1820 = vector.broadcast %scan3A_720 : f32 to vector<16xf32>
        %add3A_1821 = arith.addf %add3A_1816, %add3A_1820 : vector<16xf32>
        %ge3A_1822 = vector.broadcast %scan3A_720 : f32 to vector<16xf32>
        %ge3A_1823 = arith.cmpf oge, %add3A_1816, %ge3A_1822 : vector<16xf32>
        %sub3A_1824 = vector.broadcast %scan3A_720 : f32 to vector<16xf32>
        %sub3A_1825 = arith.subf %add3A_1816, %sub3A_1824 : vector<16xf32>
        %select_n3A_1826 = arith.select %ge3A_1823, %sub3A_1825, %add3A_1816 : vector<16xi1>, vector<16xf32>
        %select_n3A_1827 = arith.select %lt3A_1819, %add3A_1821, %select_n3A_1826 : vector<16xi1>, vector<16xf32>
        %convert_element_type3A_1828 = arith.fptosi %select_n3A_1827 : vector<16xf32> to vector<16xi32>
        %min3A_1829 = arith.constant 223 : i32
        %min3A_1830 = vector.broadcast %min3A_1829 : i32 to vector<16xi32>
        %min3A_1831 = arith.minsi %convert_element_type3A_1828, %min3A_1830 : vector<16xi32>
        %add3A_1832 = vector.broadcast %convert_element_type3A_1805 : f32 to vector<16xf32>
        %add3A_1833 = arith.addf %add3A_1832, %get3A_1814 : vector<16xf32>
        %lt3A_1834 = arith.constant 0.000000e+00 : f32
        %lt3A_1835 = vector.broadcast %lt3A_1834 : f32 to vector<16xf32>
        %lt3A_1836 = arith.cmpf olt, %add3A_1833, %lt3A_1835 : vector<16xf32>
        %add3A_1837 = vector.broadcast %scan3A_720 : f32 to vector<16xf32>
        %add3A_1838 = arith.addf %add3A_1833, %add3A_1837 : vector<16xf32>
        %ge3A_1839 = vector.broadcast %scan3A_720 : f32 to vector<16xf32>
        %ge3A_1840 = arith.cmpf oge, %add3A_1833, %ge3A_1839 : vector<16xf32>
        %sub3A_1841 = vector.broadcast %scan3A_720 : f32 to vector<16xf32>
        %sub3A_1842 = arith.subf %add3A_1833, %sub3A_1841 : vector<16xf32>
        %select_n3A_1843 = arith.select %ge3A_1840, %sub3A_1842, %add3A_1833 : vector<16xi1>, vector<16xf32>
        %select_n3A_1844 = arith.select %lt3A_1836, %add3A_1838, %select_n3A_1843 : vector<16xi1>, vector<16xf32>
        %convert_element_type3A_1845 = arith.fptosi %select_n3A_1844 : vector<16xf32> to vector<16xi32>
        %min3A_1846 = arith.constant 223 : i32
        %min3A_1847 = vector.broadcast %min3A_1846 : i32 to vector<16xi32>
        %min3A_1848 = arith.minsi %convert_element_type3A_1845, %min3A_1847 : vector<16xi32>
        %add3A_1849 = vector.broadcast %sub3A_472 : i32 to vector<16xi32>
        %add3A_1850 = arith.addi %min3A_1848, %add3A_1849 : vector<16xi32>
        %lt3A_1851 = arith.constant 0 : i32
        %lt3A_1852 = vector.broadcast %lt3A_1851 : i32 to vector<16xi32>
        %lt3A_1853 = arith.cmpi slt, %add3A_1850, %lt3A_1852 : vector<16xi32>
        %add3A_1854 = arith.constant 224 : i32
        %add3A_1855 = vector.broadcast %add3A_1854 : i32 to vector<16xi32>
        %add3A_1856 = arith.addi %add3A_1850, %add3A_1855 : vector<16xi32>
        %select_n3A_1857 = arith.select %lt3A_1853, %add3A_1856, %add3A_1850 : vector<16xi1>, vector<16xi32>
        %ge3A_1858 = arith.constant 224 : i32
        %ge3A_1859 = vector.broadcast %ge3A_1858 : i32 to vector<16xi32>
        %ge3A_1860 = arith.cmpi sge, %select_n3A_1857, %ge3A_1859 : vector<16xi32>
        %sub3A_1861 = arith.constant 224 : i32
        %sub3A_1862 = vector.broadcast %sub3A_1861 : i32 to vector<16xi32>
        %sub3A_1863 = arith.subi %select_n3A_1857, %sub3A_1862 : vector<16xi32>
        %select_n3A_1864 = arith.select %ge3A_1860, %sub3A_1863, %select_n3A_1857 : vector<16xi1>, vector<16xi32>
        %min3A_1865 = arith.constant 47 : i32
        %min3A_1866 = vector.broadcast %min3A_1865 : i32 to vector<16xi32>
        %min3A_1867 = arith.minsi %select_n3A_1864, %min3A_1866 : vector<16xi32>
        %gather3A_1868 = tpu.vector_load_idx %arg6[%min3A_1867, %min3A_1831] : memref<48x224xf32, #tpu.memory_space<vmem>>[vector<16xi32>, vector<16xi32>], vector<16xf32>,
        %swap3A_1869 = arith.index_cast %scan3A_1803 : i32 to index
        %swap3A_1870 = arith.constant 0 : index
        %swap3A_1871 = tpu.vector_load %arg9[%swap3A_1869, %swap3A_1870] {strides = array<i32>} : memref<32x224xf32, #tpu.memory_space<vmem>>, vector<16xf32>,
        tpu.vector_store %arg9[%swap3A_1869, %swap3A_1870], %gather3A_1868 {strides = array<i32>} : memref<32x224xf32, #tpu.memory_space<vmem>>, vector<16xf32>,
        %gather3A_1872 = tpu.vector_load_idx %arg7[%min3A_1867, %min3A_1831] : memref<48x224xf32, #tpu.memory_space<vmem>>[vector<16xi32>, vector<16xi32>], vector<16xf32>,
        %swap3A_1873 = arith.index_cast %scan3A_1803 : i32 to index
        %swap3A_1874 = arith.constant 0 : index
        %swap3A_1875 = tpu.vector_load %arg10[%swap3A_1873, %swap3A_1874] {strides = array<i32>} : memref<32x224xf32, #tpu.memory_space<vmem>>, vector<16xf32>,
        tpu.vector_store %arg10[%swap3A_1873, %swap3A_1874], %gather3A_1872 {strides = array<i32>} : memref<32x224xf32, #tpu.memory_space<vmem>>, vector<16xf32>,
        %gather3A_1876 = tpu.vector_load_idx %arg8[%min3A_1867, %min3A_1831] : memref<48x224xf32, #tpu.memory_space<vmem>>[vector<16xi32>, vector<16xi32>], vector<16xf32>,
        %swap3A_1877 = arith.index_cast %scan3A_1803 : i32 to index
        %swap3A_1878 = arith.constant 0 : index
        %swap3A_1879 = tpu.vector_load %arg11[%swap3A_1877, %swap3A_1878] {strides = array<i32>} : memref<32x224xf32, #tpu.memory_space<vmem>>, vector<16xf32>,
        tpu.vector_store %arg11[%swap3A_1877, %swap3A_1878], %gather3A_1876 {strides = array<i32>} : memref<32x224xf32, #tpu.memory_space<vmem>>, vector<16xf32>,
        %add3A_1880 = arith.constant 16 : i32
        %add3A_1881 = vector.broadcast %add3A_1880 : i32 to vector<16xi32>
        %add3A_1882 = arith.addi %add3A_1881, %iota3A : vector<16xi32>
        %get3A_1883 = arith.index_cast %scan3A_1803 : i32 to index
        %get3A_1884 = arith.constant 16 : index
        %get3A_1885 = tpu.vector_load %arg4[%get3A_1883, %get3A_1884] {strides = array<i32>} : memref<32x224xf32, #tpu.memory_space<vmem>>, vector<16xf32>,
        %get3A_1886 = arith.index_cast %scan3A_1803 : i32 to index
        %get3A_1887 = arith.constant 16 : index
        %get3A_1888 = tpu.vector_load %arg5[%get3A_1886, %get3A_1887] {strides = array<i32>} : memref<32x224xf32, #tpu.memory_space<vmem>>, vector<16xf32>,
        %convert_element_type3A_1889 = arith.sitofp %add3A_1882 : vector<16xi32> to vector<16xf32>
        %add3A_1890 = arith.addf %convert_element_type3A_1889, %get3A_1885 : vector<16xf32>
        %lt3A_1891 = arith.constant 0.000000e+00 : f32
        %lt3A_1892 = vector.broadcast %lt3A_1891 : f32 to vector<16xf32>
        %lt3A_1893 = arith.cmpf olt, %add3A_1890, %lt3A_1892 : vector<16xf32>
        %add3A_1894 = vector.broadcast %scan3A_720 : f32 to vector<16xf32>
        %add3A_1895 = arith.addf %add3A_1890, %add3A_1894 : vector<16xf32>
        %ge3A_1896 = vector.broadcast %scan3A_720 : f32 to vector<16xf32>
        %ge3A_1897 = arith.cmpf oge, %add3A_1890, %ge3A_1896 : vector<16xf32>
        %sub3A_1898 = vector.broadcast %scan3A_720 : f32 to vector<16xf32>
        %sub3A_1899 = arith.subf %add3A_1890, %sub3A_1898 : vector<16xf32>
        %select_n3A_1900 = arith.select %ge3A_1897, %sub3A_1899, %add3A_1890 : vector<16xi1>, vector<16xf32>
        %select_n3A_1901 = arith.select %lt3A_1893, %add3A_1895, %select_n3A_1900 : vector<16xi1>, vector<16xf32>
        %convert_element_type3A_1902 = arith.fptosi %select_n3A_1901 : vector<16xf32> to vector<16xi32>
        %min3A_1903 = arith.constant 223 : i32
        %min3A_1904 = vector.broadcast %min3A_1903 : i32 to vector<16xi32>
        %min3A_1905 = arith.minsi %convert_element_type3A_1902, %min3A_1904 : vector<16xi32>
        %add3A_1906 = vector.broadcast %convert_element_type3A_1805 : f32 to vector<16xf32>
        %add3A_1907 = arith.addf %add3A_1906, %get3A_1888 : vector<16xf32>
        %lt3A_1908 = arith.constant 0.000000e+00 : f32
        %lt3A_1909 = vector.broadcast %lt3A_1908 : f32 to vector<16xf32>
        %lt3A_1910 = arith.cmpf olt, %add3A_1907, %lt3A_1909 : vector<16xf32>
        %add3A_1911 = vector.broadcast %scan3A_720 : f32 to vector<16xf32>
        %add3A_1912 = arith.addf %add3A_1907, %add3A_1911 : vector<16xf32>
        %ge3A_1913 = vector.broadcast %scan3A_720 : f32 to vector<16xf32>
        %ge3A_1914 = arith.cmpf oge, %add3A_1907, %ge3A_1913 : vector<16xf32>
        %sub3A_1915 = vector.broadcast %scan3A_720 : f32 to vector<16xf32>
        %sub3A_1916 = arith.subf %add3A_1907, %sub3A_1915 : vector<16xf32>
        %select_n3A_1917 = arith.select %ge3A_1914, %sub3A_1916, %add3A_1907 : vector<16xi1>, vector<16xf32>
        %select_n3A_1918 = arith.select %lt3A_1910, %add3A_1912, %select_n3A_1917 : vector<16xi1>, vector<16xf32>
        %convert_element_type3A_1919 = arith.fptosi %select_n3A_1918 : vector<16xf32> to vector<16xi32>
        %min3A_1920 = arith.constant 223 : i32
        %min3A_1921 = vector.broadcast %min3A_1920 : i32 to vector<16xi32>
        %min3A_1922 = arith.minsi %convert_element_type3A_1919, %min3A_1921 : vector<16xi32>
        %add3A_1923 = vector.broadcast %sub3A_472 : i32 to vector<16xi32>
        %add3A_1924 = arith.addi %min3A_1922, %add3A_1923 : vector<16xi32>
        %lt3A_1925 = arith.constant 0 : i32
        %lt3A_1926 = vector.broadcast %lt3A_1925 : i32 to vector<16xi32>
        %lt3A_1927 = arith.cmpi slt, %add3A_1924, %lt3A_1926 : vector<16xi32>
        %add3A_1928 = arith.constant 224 : i32
        %add3A_1929 = vector.broadcast %add3A_1928 : i32 to vector<16xi32>
        %add3A_1930 = arith.addi %add3A_1924, %add3A_1929 : vector<16xi32>
        %select_n3A_1931 = arith.select %lt3A_1927, %add3A_1930, %add3A_1924 : vector<16xi1>, vector<16xi32>
        %ge3A_1932 = arith.constant 224 : i32
        %ge3A_1933 = vector.broadcast %ge3A_1932 : i32 to vector<16xi32>
        %ge3A_1934 = arith.cmpi sge, %select_n3A_1931, %ge3A_1933 : vector<16xi32>
        %sub3A_1935 = arith.constant 224 : i32
        %sub3A_1936 = vector.broadcast %sub3A_1935 : i32 to vector<16xi32>
        %sub3A_1937 = arith.subi %select_n3A_1931, %sub3A_1936 : vector<16xi32>
        %select_n3A_1938 = arith.select %ge3A_1934, %sub3A_1937, %select_n3A_1931 : vector<16xi1>, vector<16xi32>
        %min3A_1939 = arith.constant 47 : i32
        %min3A_1940 = vector.broadcast %min3A_1939 : i32 to vector<16xi32>
        %min3A_1941 = arith.minsi %select_n3A_1938, %min3A_1940 : vector<16xi32>
        %gather3A_1942 = tpu.vector_load_idx %arg6[%min3A_1941, %min3A_1905] : memref<48x224xf32, #tpu.memory_space<vmem>>[vector<16xi32>, vector<16xi32>], vector<16xf32>,
        %swap3A_1943 = arith.index_cast %scan3A_1803 : i32 to index
        %swap3A_1944 = arith.constant 16 : index
        %swap3A_1945 = tpu.vector_load %arg9[%swap3A_1943, %swap3A_1944] {strides = array<i32>} : memref<32x224xf32, #tpu.memory_space<vmem>>, vector<16xf32>,
        tpu.vector_store %arg9[%swap3A_1943, %swap3A_1944], %gather3A_1942 {strides = array<i32>} : memref<32x224xf32, #tpu.memory_space<vmem>>, vector<16xf32>,
        %gather3A_1946 = tpu.vector_load_idx %arg7[%min3A_1941, %min3A_1905] : memref<48x224xf32, #tpu.memory_space<vmem>>[vector<16xi32>, vector<16xi32>], vector<16xf32>,
        %swap3A_1947 = arith.index_cast %scan3A_1803 : i32 to index
        %swap3A_1948 = arith.constant 16 : index
        %swap3A_1949 = tpu.vector_load %arg10[%swap3A_1947, %swap3A_1948] {strides = array<i32>} : memref<32x224xf32, #tpu.memory_space<vmem>>, vector<16xf32>,
        tpu.vector_store %arg10[%swap3A_1947, %swap3A_1948], %gather3A_1946 {strides = array<i32>} : memref<32x224xf32, #tpu.memory_space<vmem>>, vector<16xf32>,
        %gather3A_1950 = tpu.vector_load_idx %arg8[%min3A_1941, %min3A_1905] : memref<48x224xf32, #tpu.memory_space<vmem>>[vector<16xi32>, vector<16xi32>], vector<16xf32>,
        %swap3A_1951 = arith.index_cast %scan3A_1803 : i32 to index
        %swap3A_1952 = arith.constant 16 : index
        %swap3A_1953 = tpu.vector_load %arg11[%swap3A_1951, %swap3A_1952] {strides = array<i32>} : memref<32x224xf32, #tpu.memory_space<vmem>>, vector<16xf32>,
        tpu.vector_store %arg11[%swap3A_1951, %swap3A_1952], %gather3A_1950 {strides = array<i32>} : memref<32x224xf32, #tpu.memory_space<vmem>>, vector<16xf32>,
        %add3A_1954 = arith.constant 32 : i32
        %add3A_1955 = vector.broadcast %add3A_1954 : i32 to vector<16xi32>
        %add3A_1956 = arith.addi %add3A_1955, %iota3A : vector<16xi32>
        %get3A_1957 = arith.index_cast %scan3A_1803 : i32 to index
        %get3A_1958 = arith.constant 32 : index
        %get3A_1959 = tpu.vector_load %arg4[%get3A_1957, %get3A_1958] {strides = array<i32>} : memref<32x224xf32, #tpu.memory_space<vmem>>, vector<16xf32>,
        %get3A_1960 = arith.index_cast %scan3A_1803 : i32 to index
        %get3A_1961 = arith.constant 32 : index
        %get3A_1962 = tpu.vector_load %arg5[%get3A_1960, %get3A_1961] {strides = array<i32>} : memref<32x224xf32, #tpu.memory_space<vmem>>, vector<16xf32>,
        %convert_element_type3A_1963 = arith.sitofp %add3A_1956 : vector<16xi32> to vector<16xf32>
        %add3A_1964 = arith.addf %convert_element_type3A_1963, %get3A_1959 : vector<16xf32>
        %lt3A_1965 = arith.constant 0.000000e+00 : f32
        %lt3A_1966 = vector.broadcast %lt3A_1965 : f32 to vector<16xf32>
        %lt3A_1967 = arith.cmpf olt, %add3A_1964, %lt3A_1966 : vector<16xf32>
        %add3A_1968 = vector.broadcast %scan3A_720 : f32 to vector<16xf32>
        %add3A_1969 = arith.addf %add3A_1964, %add3A_1968 : vector<16xf32>
        %ge3A_1970 = vector.broadcast %scan3A_720 : f32 to vector<16xf32>
        %ge3A_1971 = arith.cmpf oge, %add3A_1964, %ge3A_1970 : vector<16xf32>
        %sub3A_1972 = vector.broadcast %scan3A_720 : f32 to vector<16xf32>
        %sub3A_1973 = arith.subf %add3A_1964, %sub3A_1972 : vector<16xf32>
        %select_n3A_1974 = arith.select %ge3A_1971, %sub3A_1973, %add3A_1964 : vector<16xi1>, vector<16xf32>
        %select_n3A_1975 = arith.select %lt3A_1967, %add3A_1969, %select_n3A_1974 : vector<16xi1>, vector<16xf32>
        %convert_element_type3A_1976 = arith.fptosi %select_n3A_1975 : vector<16xf32> to vector<16xi32>
        %min3A_1977 = arith.constant 223 : i32
        %min3A_1978 = vector.broadcast %min3A_1977 : i32 to vector<16xi32>
        %min3A_1979 = arith.minsi %convert_element_type3A_1976, %min3A_1978 : vector<16xi32>
        %add3A_1980 = vector.broadcast %convert_element_type3A_1805 : f32 to vector<16xf32>
        %add3A_1981 = arith.addf %add3A_1980, %get3A_1962 : vector<16xf32>
        %lt3A_1982 = arith.constant 0.000000e+00 : f32
        %lt3A_1983 = vector.broadcast %lt3A_1982 : f32 to vector<16xf32>
        %lt3A_1984 = arith.cmpf olt, %add3A_1981, %lt3A_1983 : vector<16xf32>
        %add3A_1985 = vector.broadcast %scan3A_720 : f32 to vector<16xf32>
        %add3A_1986 = arith.addf %add3A_1981, %add3A_1985 : vector<16xf32>
        %ge3A_1987 = vector.broadcast %scan3A_720 : f32 to vector<16xf32>
        %ge3A_1988 = arith.cmpf oge, %add3A_1981, %ge3A_1987 : vector<16xf32>
        %sub3A_1989 = vector.broadcast %scan3A_720 : f32 to vector<16xf32>
        %sub3A_1990 = arith.subf %add3A_1981, %sub3A_1989 : vector<16xf32>
        %select_n3A_1991 = arith.select %ge3A_1988, %sub3A_1990, %add3A_1981 : vector<16xi1>, vector<16xf32>
        %select_n3A_1992 = arith.select %lt3A_1984, %add3A_1986, %select_n3A_1991 : vector<16xi1>, vector<16xf32>
        %convert_element_type3A_1993 = arith.fptosi %select_n3A_1992 : vector<16xf32> to vector<16xi32>
        %min3A_1994 = arith.constant 223 : i32
        %min3A_1995 = vector.broadcast %min3A_1994 : i32 to vector<16xi32>
        %min3A_1996 = arith.minsi %convert_element_type3A_1993, %min3A_1995 : vector<16xi32>
        %add3A_1997 = vector.broadcast %sub3A_472 : i32 to vector<16xi32>
        %add3A_1998 = arith.addi %min3A_1996, %add3A_1997 : vector<16xi32>
        %lt3A_1999 = arith.constant 0 : i32
        %lt3A_2000 = vector.broadcast %lt3A_1999 : i32 to vector<16xi32>
        %lt3A_2001 = arith.cmpi slt, %add3A_1998, %lt3A_2000 : vector<16xi32>
        %add3A_2002 = arith.constant 224 : i32
        %add3A_2003 = vector.broadcast %add3A_2002 : i32 to vector<16xi32>
        %add3A_2004 = arith.addi %add3A_1998, %add3A_2003 : vector<16xi32>
        %select_n3A_2005 = arith.select %lt3A_2001, %add3A_2004, %add3A_1998 : vector<16xi1>, vector<16xi32>
        %ge3A_2006 = arith.constant 224 : i32
        %ge3A_2007 = vector.broadcast %ge3A_2006 : i32 to vector<16xi32>
        %ge3A_2008 = arith.cmpi sge, %select_n3A_2005, %ge3A_2007 : vector<16xi32>
        %sub3A_2009 = arith.constant 224 : i32
        %sub3A_2010 = vector.broadcast %sub3A_2009 : i32 to vector<16xi32>
        %sub3A_2011 = arith.subi %select_n3A_2005, %sub3A_2010 : vector<16xi32>
        %select_n3A_2012 = arith.select %ge3A_2008, %sub3A_2011, %select_n3A_2005 : vector<16xi1>, vector<16xi32>
        %min3A_2013 = arith.constant 47 : i32
        %min3A_2014 = vector.broadcast %min3A_2013 : i32 to vector<16xi32>
        %min3A_2015 = arith.minsi %select_n3A_2012, %min3A_2014 : vector<16xi32>
        %gather3A_2016 = tpu.vector_load_idx %arg6[%min3A_2015, %min3A_1979] : memref<48x224xf32, #tpu.memory_space<vmem>>[vector<16xi32>, vector<16xi32>], vector<16xf32>,
        %swap3A_2017 = arith.index_cast %scan3A_1803 : i32 to index
        %swap3A_2018 = arith.constant 32 : index
        %swap3A_2019 = tpu.vector_load %arg9[%swap3A_2017, %swap3A_2018] {strides = array<i32>} : memref<32x224xf32, #tpu.memory_space<vmem>>, vector<16xf32>,
        tpu.vector_store %arg9[%swap3A_2017, %swap3A_2018], %gather3A_2016 {strides = array<i32>} : memref<32x224xf32, #tpu.memory_space<vmem>>, vector<16xf32>,
        %gather3A_2020 = tpu.vector_load_idx %arg7[%min3A_2015, %min3A_1979] : memref<48x224xf32, #tpu.memory_space<vmem>>[vector<16xi32>, vector<16xi32>], vector<16xf32>,
        %swap3A_2021 = arith.index_cast %scan3A_1803 : i32 to index
        %swap3A_2022 = arith.constant 32 : index
        %swap3A_2023 = tpu.vector_load %arg10[%swap3A_2021, %swap3A_2022] {strides = array<i32>} : memref<32x224xf32, #tpu.memory_space<vmem>>, vector<16xf32>,
        tpu.vector_store %arg10[%swap3A_2021, %swap3A_2022], %gather3A_2020 {strides = array<i32>} : memref<32x224xf32, #tpu.memory_space<vmem>>, vector<16xf32>,
        %gather3A_2024 = tpu.vector_load_idx %arg8[%min3A_2015, %min3A_1979] : memref<48x224xf32, #tpu.memory_space<vmem>>[vector<16xi32>, vector<16xi32>], vector<16xf32>,
        %swap3A_2025 = arith.index_cast %scan3A_1803 : i32 to index
        %swap3A_2026 = arith.constant 32 : index
        %swap3A_2027 = tpu.vector_load %arg11[%swap3A_2025, %swap3A_2026] {strides = array<i32>} : memref<32x224xf32, #tpu.memory_space<vmem>>, vector<16xf32>,
        tpu.vector_store %arg11[%swap3A_2025, %swap3A_2026], %gather3A_2024 {strides = array<i32>} : memref<32x224xf32, #tpu.memory_space<vmem>>, vector<16xf32>,
        %add3A_2028 = arith.constant 48 : i32
        %add3A_2029 = vector.broadcast %add3A_2028 : i32 to vector<16xi32>
        %add3A_2030 = arith.addi %add3A_2029, %iota3A : vector<16xi32>
        %get3A_2031 = arith.index_cast %scan3A_1803 : i32 to index
        %get3A_2032 = arith.constant 48 : index
        %get3A_2033 = tpu.vector_load %arg4[%get3A_2031, %get3A_2032] {strides = array<i32>} : memref<32x224xf32, #tpu.memory_space<vmem>>, vector<16xf32>,
        %get3A_2034 = arith.index_cast %scan3A_1803 : i32 to index
        %get3A_2035 = arith.constant 48 : index
        %get3A_2036 = tpu.vector_load %arg5[%get3A_2034, %get3A_2035] {strides = array<i32>} : memref<32x224xf32, #tpu.memory_space<vmem>>, vector<16xf32>,
        %convert_element_type3A_2037 = arith.sitofp %add3A_2030 : vector<16xi32> to vector<16xf32>
        %add3A_2038 = arith.addf %convert_element_type3A_2037, %get3A_2033 : vector<16xf32>
        %lt3A_2039 = arith.constant 0.000000e+00 : f32
        %lt3A_2040 = vector.broadcast %lt3A_2039 : f32 to vector<16xf32>
        %lt3A_2041 = arith.cmpf olt, %add3A_2038, %lt3A_2040 : vector<16xf32>
        %add3A_2042 = vector.broadcast %scan3A_720 : f32 to vector<16xf32>
        %add3A_2043 = arith.addf %add3A_2038, %add3A_2042 : vector<16xf32>
        %ge3A_2044 = vector.broadcast %scan3A_720 : f32 to vector<16xf32>
        %ge3A_2045 = arith.cmpf oge, %add3A_2038, %ge3A_2044 : vector<16xf32>
        %sub3A_2046 = vector.broadcast %scan3A_720 : f32 to vector<16xf32>
        %sub3A_2047 = arith.subf %add3A_2038, %sub3A_2046 : vector<16xf32>
        %select_n3A_2048 = arith.select %ge3A_2045, %sub3A_2047, %add3A_2038 : vector<16xi1>, vector<16xf32>
        %select_n3A_2049 = arith.select %lt3A_2041, %add3A_2043, %select_n3A_2048 : vector<16xi1>, vector<16xf32>
        %convert_element_type3A_2050 = arith.fptosi %select_n3A_2049 : vector<16xf32> to vector<16xi32>
        %min3A_2051 = arith.constant 223 : i32
        %min3A_2052 = vector.broadcast %min3A_2051 : i32 to vector<16xi32>
        %min3A_2053 = arith.minsi %convert_element_type3A_2050, %min3A_2052 : vector<16xi32>
        %add3A_2054 = vector.broadcast %convert_element_type3A_1805 : f32 to vector<16xf32>
        %add3A_2055 = arith.addf %add3A_2054, %get3A_2036 : vector<16xf32>
        %lt3A_2056 = arith.constant 0.000000e+00 : f32
        %lt3A_2057 = vector.broadcast %lt3A_2056 : f32 to vector<16xf32>
        %lt3A_2058 = arith.cmpf olt, %add3A_2055, %lt3A_2057 : vector<16xf32>
        %add3A_2059 = vector.broadcast %scan3A_720 : f32 to vector<16xf32>
        %add3A_2060 = arith.addf %add3A_2055, %add3A_2059 : vector<16xf32>
        %ge3A_2061 = vector.broadcast %scan3A_720 : f32 to vector<16xf32>
        %ge3A_2062 = arith.cmpf oge, %add3A_2055, %ge3A_2061 : vector<16xf32>
        %sub3A_2063 = vector.broadcast %scan3A_720 : f32 to vector<16xf32>
        %sub3A_2064 = arith.subf %add3A_2055, %sub3A_2063 : vector<16xf32>
        %select_n3A_2065 = arith.select %ge3A_2062, %sub3A_2064, %add3A_2055 : vector<16xi1>, vector<16xf32>
        %select_n3A_2066 = arith.select %lt3A_2058, %add3A_2060, %select_n3A_2065 : vector<16xi1>, vector<16xf32>
        %convert_element_type3A_2067 = arith.fptosi %select_n3A_2066 : vector<16xf32> to vector<16xi32>
        %min3A_2068 = arith.constant 223 : i32
        %min3A_2069 = vector.broadcast %min3A_2068 : i32 to vector<16xi32>
        %min3A_2070 = arith.minsi %convert_element_type3A_2067, %min3A_2069 : vector<16xi32>
        %add3A_2071 = vector.broadcast %sub3A_472 : i32 to vector<16xi32>
        %add3A_2072 = arith.addi %min3A_2070, %add3A_2071 : vector<16xi32>
        %lt3A_2073 = arith.constant 0 : i32
        %lt3A_2074 = vector.broadcast %lt3A_2073 : i32 to vector<16xi32>
        %lt3A_2075 = arith.cmpi slt, %add3A_2072, %lt3A_2074 : vector<16xi32>
        %add3A_2076 = arith.constant 224 : i32
        %add3A_2077 = vector.broadcast %add3A_2076 : i32 to vector<16xi32>
        %add3A_2078 = arith.addi %add3A_2072, %add3A_2077 : vector<16xi32>
        %select_n3A_2079 = arith.select %lt3A_2075, %add3A_2078, %add3A_2072 : vector<16xi1>, vector<16xi32>
        %ge3A_2080 = arith.constant 224 : i32
        %ge3A_2081 = vector.broadcast %ge3A_2080 : i32 to vector<16xi32>
        %ge3A_2082 = arith.cmpi sge, %select_n3A_2079, %ge3A_2081 : vector<16xi32>
        %sub3A_2083 = arith.constant 224 : i32
        %sub3A_2084 = vector.broadcast %sub3A_2083 : i32 to vector<16xi32>
        %sub3A_2085 = arith.subi %select_n3A_2079, %sub3A_2084 : vector<16xi32>
        %select_n3A_2086 = arith.select %ge3A_2082, %sub3A_2085, %select_n3A_2079 : vector<16xi1>, vector<16xi32>
        %min3A_2087 = arith.constant 47 : i32
        %min3A_2088 = vector.broadcast %min3A_2087 : i32 to vector<16xi32>
        %min3A_2089 = arith.minsi %select_n3A_2086, %min3A_2088 : vector<16xi32>
        %gather3A_2090 = tpu.vector_load_idx %arg6[%min3A_2089, %min3A_2053] : memref<48x224xf32, #tpu.memory_space<vmem>>[vector<16xi32>, vector<16xi32>], vector<16xf32>,
        %swap3A_2091 = arith.index_cast %scan3A_1803 : i32 to index
        %swap3A_2092 = arith.constant 48 : index
        %swap3A_2093 = tpu.vector_load %arg9[%swap3A_2091, %swap3A_2092] {strides = array<i32>} : memref<32x224xf32, #tpu.memory_space<vmem>>, vector<16xf32>,
        tpu.vector_store %arg9[%swap3A_2091, %swap3A_2092], %gather3A_2090 {strides = array<i32>} : memref<32x224xf32, #tpu.memory_space<vmem>>, vector<16xf32>,
        %gather3A_2094 = tpu.vector_load_idx %arg7[%min3A_2089, %min3A_2053] : memref<48x224xf32, #tpu.memory_space<vmem>>[vector<16xi32>, vector<16xi32>], vector<16xf32>,
        %swap3A_2095 = arith.index_cast %scan3A_1803 : i32 to index
        %swap3A_2096 = arith.constant 48 : index
        %swap3A_2097 = tpu.vector_load %arg10[%swap3A_2095, %swap3A_2096] {strides = array<i32>} : memref<32x224xf32, #tpu.memory_space<vmem>>, vector<16xf32>,
        tpu.vector_store %arg10[%swap3A_2095, %swap3A_2096], %gather3A_2094 {strides = array<i32>} : memref<32x224xf32, #tpu.memory_space<vmem>>, vector<16xf32>,
        %gather3A_2098 = tpu.vector_load_idx %arg8[%min3A_2089, %min3A_2053] : memref<48x224xf32, #tpu.memory_space<vmem>>[vector<16xi32>, vector<16xi32>], vector<16xf32>,
        %swap3A_2099 = arith.index_cast %scan3A_1803 : i32 to index
        %swap3A_2100 = arith.constant 48 : index
        %swap3A_2101 = tpu.vector_load %arg11[%swap3A_2099, %swap3A_2100] {strides = array<i32>} : memref<32x224xf32, #tpu.memory_space<vmem>>, vector<16xf32>,
        tpu.vector_store %arg11[%swap3A_2099, %swap3A_2100], %gather3A_2098 {strides = array<i32>} : memref<32x224xf32, #tpu.memory_space<vmem>>, vector<16xf32>,
        %add3A_2102 = arith.constant 64 : i32
        %add3A_2103 = vector.broadcast %add3A_2102 : i32 to vector<16xi32>
        %add3A_2104 = arith.addi %add3A_2103, %iota3A : vector<16xi32>
        %get3A_2105 = arith.index_cast %scan3A_1803 : i32 to index
        %get3A_2106 = arith.constant 64 : index
        %get3A_2107 = tpu.vector_load %arg4[%get3A_2105, %get3A_2106] {strides = array<i32>} : memref<32x224xf32, #tpu.memory_space<vmem>>, vector<16xf32>,
        %get3A_2108 = arith.index_cast %scan3A_1803 : i32 to index
        %get3A_2109 = arith.constant 64 : index
        %get3A_2110 = tpu.vector_load %arg5[%get3A_2108, %get3A_2109] {strides = array<i32>} : memref<32x224xf32, #tpu.memory_space<vmem>>, vector<16xf32>,
        %convert_element_type3A_2111 = arith.sitofp %add3A_2104 : vector<16xi32> to vector<16xf32>
        %add3A_2112 = arith.addf %convert_element_type3A_2111, %get3A_2107 : vector<16xf32>
        %lt3A_2113 = arith.constant 0.000000e+00 : f32
        %lt3A_2114 = vector.broadcast %lt3A_2113 : f32 to vector<16xf32>
        %lt3A_2115 = arith.cmpf olt, %add3A_2112, %lt3A_2114 : vector<16xf32>
        %add3A_2116 = vector.broadcast %scan3A_720 : f32 to vector<16xf32>
        %add3A_2117 = arith.addf %add3A_2112, %add3A_2116 : vector<16xf32>
        %ge3A_2118 = vector.broadcast %scan3A_720 : f32 to vector<16xf32>
        %ge3A_2119 = arith.cmpf oge, %add3A_2112, %ge3A_2118 : vector<16xf32>
        %sub3A_2120 = vector.broadcast %scan3A_720 : f32 to vector<16xf32>
        %sub3A_2121 = arith.subf %add3A_2112, %sub3A_2120 : vector<16xf32>
        %select_n3A_2122 = arith.select %ge3A_2119, %sub3A_2121, %add3A_2112 : vector<16xi1>, vector<16xf32>
        %select_n3A_2123 = arith.select %lt3A_2115, %add3A_2117, %select_n3A_2122 : vector<16xi1>, vector<16xf32>
        %convert_element_type3A_2124 = arith.fptosi %select_n3A_2123 : vector<16xf32> to vector<16xi32>
        %min3A_2125 = arith.constant 223 : i32
        %min3A_2126 = vector.broadcast %min3A_2125 : i32 to vector<16xi32>
        %min3A_2127 = arith.minsi %convert_element_type3A_2124, %min3A_2126 : vector<16xi32>
        %add3A_2128 = vector.broadcast %convert_element_type3A_1805 : f32 to vector<16xf32>
        %add3A_2129 = arith.addf %add3A_2128, %get3A_2110 : vector<16xf32>
        %lt3A_2130 = arith.constant 0.000000e+00 : f32
        %lt3A_2131 = vector.broadcast %lt3A_2130 : f32 to vector<16xf32>
        %lt3A_2132 = arith.cmpf olt, %add3A_2129, %lt3A_2131 : vector<16xf32>
        %add3A_2133 = vector.broadcast %scan3A_720 : f32 to vector<16xf32>
        %add3A_2134 = arith.addf %add3A_2129, %add3A_2133 : vector<16xf32>
        %ge3A_2135 = vector.broadcast %scan3A_720 : f32 to vector<16xf32>
        %ge3A_2136 = arith.cmpf oge, %add3A_2129, %ge3A_2135 : vector<16xf32>
        %sub3A_2137 = vector.broadcast %scan3A_720 : f32 to vector<16xf32>
        %sub3A_2138 = arith.subf %add3A_2129, %sub3A_2137 : vector<16xf32>
        %select_n3A_2139 = arith.select %ge3A_2136, %sub3A_2138, %add3A_2129 : vector<16xi1>, vector<16xf32>
        %select_n3A_2140 = arith.select %lt3A_2132, %add3A_2134, %select_n3A_2139 : vector<16xi1>, vector<16xf32>
        %convert_element_type3A_2141 = arith.fptosi %select_n3A_2140 : vector<16xf32> to vector<16xi32>
        %min3A_2142 = arith.constant 223 : i32
        %min3A_2143 = vector.broadcast %min3A_2142 : i32 to vector<16xi32>
        %min3A_2144 = arith.minsi %convert_element_type3A_2141, %min3A_2143 : vector<16xi32>
        %add3A_2145 = vector.broadcast %sub3A_472 : i32 to vector<16xi32>
        %add3A_2146 = arith.addi %min3A_2144, %add3A_2145 : vector<16xi32>
        %lt3A_2147 = arith.constant 0 : i32
        %lt3A_2148 = vector.broadcast %lt3A_2147 : i32 to vector<16xi32>
        %lt3A_2149 = arith.cmpi slt, %add3A_2146, %lt3A_2148 : vector<16xi32>
        %add3A_2150 = arith.constant 224 : i32
        %add3A_2151 = vector.broadcast %add3A_2150 : i32 to vector<16xi32>
        %add3A_2152 = arith.addi %add3A_2146, %add3A_2151 : vector<16xi32>
        %select_n3A_2153 = arith.select %lt3A_2149, %add3A_2152, %add3A_2146 : vector<16xi1>, vector<16xi32>
        %ge3A_2154 = arith.constant 224 : i32
        %ge3A_2155 = vector.broadcast %ge3A_2154 : i32 to vector<16xi32>
        %ge3A_2156 = arith.cmpi sge, %select_n3A_2153, %ge3A_2155 : vector<16xi32>
        %sub3A_2157 = arith.constant 224 : i32
        %sub3A_2158 = vector.broadcast %sub3A_2157 : i32 to vector<16xi32>
        %sub3A_2159 = arith.subi %select_n3A_2153, %sub3A_2158 : vector<16xi32>
        %select_n3A_2160 = arith.select %ge3A_2156, %sub3A_2159, %select_n3A_2153 : vector<16xi1>, vector<16xi32>
        %min3A_2161 = arith.constant 47 : i32
        %min3A_2162 = vector.broadcast %min3A_2161 : i32 to vector<16xi32>
        %min3A_2163 = arith.minsi %select_n3A_2160, %min3A_2162 : vector<16xi32>
        %gather3A_2164 = tpu.vector_load_idx %arg6[%min3A_2163, %min3A_2127] : memref<48x224xf32, #tpu.memory_space<vmem>>[vector<16xi32>, vector<16xi32>], vector<16xf32>,
        %swap3A_2165 = arith.index_cast %scan3A_1803 : i32 to index
        %swap3A_2166 = arith.constant 64 : index
        %swap3A_2167 = tpu.vector_load %arg9[%swap3A_2165, %swap3A_2166] {strides = array<i32>} : memref<32x224xf32, #tpu.memory_space<vmem>>, vector<16xf32>,
        tpu.vector_store %arg9[%swap3A_2165, %swap3A_2166], %gather3A_2164 {strides = array<i32>} : memref<32x224xf32, #tpu.memory_space<vmem>>, vector<16xf32>,
        %gather3A_2168 = tpu.vector_load_idx %arg7[%min3A_2163, %min3A_2127] : memref<48x224xf32, #tpu.memory_space<vmem>>[vector<16xi32>, vector<16xi32>], vector<16xf32>,
        %swap3A_2169 = arith.index_cast %scan3A_1803 : i32 to index
        %swap3A_2170 = arith.constant 64 : index
        %swap3A_2171 = tpu.vector_load %arg10[%swap3A_2169, %swap3A_2170] {strides = array<i32>} : memref<32x224xf32, #tpu.memory_space<vmem>>, vector<16xf32>,
        tpu.vector_store %arg10[%swap3A_2169, %swap3A_2170], %gather3A_2168 {strides = array<i32>} : memref<32x224xf32, #tpu.memory_space<vmem>>, vector<16xf32>,
        %gather3A_2172 = tpu.vector_load_idx %arg8[%min3A_2163, %min3A_2127] : memref<48x224xf32, #tpu.memory_space<vmem>>[vector<16xi32>, vector<16xi32>], vector<16xf32>,
        %swap3A_2173 = arith.index_cast %scan3A_1803 : i32 to index
        %swap3A_2174 = arith.constant 64 : index
        %swap3A_2175 = tpu.vector_load %arg11[%swap3A_2173, %swap3A_2174] {strides = array<i32>} : memref<32x224xf32, #tpu.memory_space<vmem>>, vector<16xf32>,
        tpu.vector_store %arg11[%swap3A_2173, %swap3A_2174], %gather3A_2172 {strides = array<i32>} : memref<32x224xf32, #tpu.memory_space<vmem>>, vector<16xf32>,
        %add3A_2176 = arith.constant 80 : i32
        %add3A_2177 = vector.broadcast %add3A_2176 : i32 to vector<16xi32>
        %add3A_2178 = arith.addi %add3A_2177, %iota3A : vector<16xi32>
        %get3A_2179 = arith.index_cast %scan3A_1803 : i32 to index
        %get3A_2180 = arith.constant 80 : index
        %get3A_2181 = tpu.vector_load %arg4[%get3A_2179, %get3A_2180] {strides = array<i32>} : memref<32x224xf32, #tpu.memory_space<vmem>>, vector<16xf32>,
        %get3A_2182 = arith.index_cast %scan3A_1803 : i32 to index
        %get3A_2183 = arith.constant 80 : index
        %get3A_2184 = tpu.vector_load %arg5[%get3A_2182, %get3A_2183] {strides = array<i32>} : memref<32x224xf32, #tpu.memory_space<vmem>>, vector<16xf32>,
        %convert_element_type3A_2185 = arith.sitofp %add3A_2178 : vector<16xi32> to vector<16xf32>
        %add3A_2186 = arith.addf %convert_element_type3A_2185, %get3A_2181 : vector<16xf32>
        %lt3A_2187 = arith.constant 0.000000e+00 : f32
        %lt3A_2188 = vector.broadcast %lt3A_2187 : f32 to vector<16xf32>
        %lt3A_2189 = arith.cmpf olt, %add3A_2186, %lt3A_2188 : vector<16xf32>
        %add3A_2190 = vector.broadcast %scan3A_720 : f32 to vector<16xf32>
        %add3A_2191 = arith.addf %add3A_2186, %add3A_2190 : vector<16xf32>
        %ge3A_2192 = vector.broadcast %scan3A_720 : f32 to vector<16xf32>
        %ge3A_2193 = arith.cmpf oge, %add3A_2186, %ge3A_2192 : vector<16xf32>
        %sub3A_2194 = vector.broadcast %scan3A_720 : f32 to vector<16xf32>
        %sub3A_2195 = arith.subf %add3A_2186, %sub3A_2194 : vector<16xf32>
        %select_n3A_2196 = arith.select %ge3A_2193, %sub3A_2195, %add3A_2186 : vector<16xi1>, vector<16xf32>
        %select_n3A_2197 = arith.select %lt3A_2189, %add3A_2191, %select_n3A_2196 : vector<16xi1>, vector<16xf32>
        %convert_element_type3A_2198 = arith.fptosi %select_n3A_2197 : vector<16xf32> to vector<16xi32>
        %min3A_2199 = arith.constant 223 : i32
        %min3A_2200 = vector.broadcast %min3A_2199 : i32 to vector<16xi32>
        %min3A_2201 = arith.minsi %convert_element_type3A_2198, %min3A_2200 : vector<16xi32>
        %add3A_2202 = vector.broadcast %convert_element_type3A_1805 : f32 to vector<16xf32>
        %add3A_2203 = arith.addf %add3A_2202, %get3A_2184 : vector<16xf32>
        %lt3A_2204 = arith.constant 0.000000e+00 : f32
        %lt3A_2205 = vector.broadcast %lt3A_2204 : f32 to vector<16xf32>
        %lt3A_2206 = arith.cmpf olt, %add3A_2203, %lt3A_2205 : vector<16xf32>
        %add3A_2207 = vector.broadcast %scan3A_720 : f32 to vector<16xf32>
        %add3A_2208 = arith.addf %add3A_2203, %add3A_2207 : vector<16xf32>
        %ge3A_2209 = vector.broadcast %scan3A_720 : f32 to vector<16xf32>
        %ge3A_2210 = arith.cmpf oge, %add3A_2203, %ge3A_2209 : vector<16xf32>
        %sub3A_2211 = vector.broadcast %scan3A_720 : f32 to vector<16xf32>
        %sub3A_2212 = arith.subf %add3A_2203, %sub3A_2211 : vector<16xf32>
        %select_n3A_2213 = arith.select %ge3A_2210, %sub3A_2212, %add3A_2203 : vector<16xi1>, vector<16xf32>
        %select_n3A_2214 = arith.select %lt3A_2206, %add3A_2208, %select_n3A_2213 : vector<16xi1>, vector<16xf32>
        %convert_element_type3A_2215 = arith.fptosi %select_n3A_2214 : vector<16xf32> to vector<16xi32>
        %min3A_2216 = arith.constant 223 : i32
        %min3A_2217 = vector.broadcast %min3A_2216 : i32 to vector<16xi32>
        %min3A_2218 = arith.minsi %convert_element_type3A_2215, %min3A_2217 : vector<16xi32>
        %add3A_2219 = vector.broadcast %sub3A_472 : i32 to vector<16xi32>
        %add3A_2220 = arith.addi %min3A_2218, %add3A_2219 : vector<16xi32>
        %lt3A_2221 = arith.constant 0 : i32
        %lt3A_2222 = vector.broadcast %lt3A_2221 : i32 to vector<16xi32>
        %lt3A_2223 = arith.cmpi slt, %add3A_2220, %lt3A_2222 : vector<16xi32>
        %add3A_2224 = arith.constant 224 : i32
        %add3A_2225 = vector.broadcast %add3A_2224 : i32 to vector<16xi32>
        %add3A_2226 = arith.addi %add3A_2220, %add3A_2225 : vector<16xi32>
        %select_n3A_2227 = arith.select %lt3A_2223, %add3A_2226, %add3A_2220 : vector<16xi1>, vector<16xi32>
        %ge3A_2228 = arith.constant 224 : i32
        %ge3A_2229 = vector.broadcast %ge3A_2228 : i32 to vector<16xi32>
        %ge3A_2230 = arith.cmpi sge, %select_n3A_2227, %ge3A_2229 : vector<16xi32>
        %sub3A_2231 = arith.constant 224 : i32
        %sub3A_2232 = vector.broadcast %sub3A_2231 : i32 to vector<16xi32>
        %sub3A_2233 = arith.subi %select_n3A_2227, %sub3A_2232 : vector<16xi32>
        %select_n3A_2234 = arith.select %ge3A_2230, %sub3A_2233, %select_n3A_2227 : vector<16xi1>, vector<16xi32>
        %min3A_2235 = arith.constant 47 : i32
        %min3A_2236 = vector.broadcast %min3A_2235 : i32 to vector<16xi32>
        %min3A_2237 = arith.minsi %select_n3A_2234, %min3A_2236 : vector<16xi32>
        %gather3A_2238 = tpu.vector_load_idx %arg6[%min3A_2237, %min3A_2201] : memref<48x224xf32, #tpu.memory_space<vmem>>[vector<16xi32>, vector<16xi32>], vector<16xf32>,
        %swap3A_2239 = arith.index_cast %scan3A_1803 : i32 to index
        %swap3A_2240 = arith.constant 80 : index
        %swap3A_2241 = tpu.vector_load %arg9[%swap3A_2239, %swap3A_2240] {strides = array<i32>} : memref<32x224xf32, #tpu.memory_space<vmem>>, vector<16xf32>,
        tpu.vector_store %arg9[%swap3A_2239, %swap3A_2240], %gather3A_2238 {strides = array<i32>} : memref<32x224xf32, #tpu.memory_space<vmem>>, vector<16xf32>,
        %gather3A_2242 = tpu.vector_load_idx %arg7[%min3A_2237, %min3A_2201] : memref<48x224xf32, #tpu.memory_space<vmem>>[vector<16xi32>, vector<16xi32>], vector<16xf32>,
        %swap3A_2243 = arith.index_cast %scan3A_1803 : i32 to index
        %swap3A_2244 = arith.constant 80 : index
        %swap3A_2245 = tpu.vector_load %arg10[%swap3A_2243, %swap3A_2244] {strides = array<i32>} : memref<32x224xf32, #tpu.memory_space<vmem>>, vector<16xf32>,
        tpu.vector_store %arg10[%swap3A_2243, %swap3A_2244], %gather3A_2242 {strides = array<i32>} : memref<32x224xf32, #tpu.memory_space<vmem>>, vector<16xf32>,
        %gather3A_2246 = tpu.vector_load_idx %arg8[%min3A_2237, %min3A_2201] : memref<48x224xf32, #tpu.memory_space<vmem>>[vector<16xi32>, vector<16xi32>], vector<16xf32>,
        %swap3A_2247 = arith.index_cast %scan3A_1803 : i32 to index
        %swap3A_2248 = arith.constant 80 : index
        %swap3A_2249 = tpu.vector_load %arg11[%swap3A_2247, %swap3A_2248] {strides = array<i32>} : memref<32x224xf32, #tpu.memory_space<vmem>>, vector<16xf32>,
        tpu.vector_store %arg11[%swap3A_2247, %swap3A_2248], %gather3A_2246 {strides = array<i32>} : memref<32x224xf32, #tpu.memory_space<vmem>>, vector<16xf32>,
        %add3A_2250 = arith.constant 96 : i32
        %add3A_2251 = vector.broadcast %add3A_2250 : i32 to vector<16xi32>
        %add3A_2252 = arith.addi %add3A_2251, %iota3A : vector<16xi32>
        %get3A_2253 = arith.index_cast %scan3A_1803 : i32 to index
        %get3A_2254 = arith.constant 96 : index
        %get3A_2255 = tpu.vector_load %arg4[%get3A_2253, %get3A_2254] {strides = array<i32>} : memref<32x224xf32, #tpu.memory_space<vmem>>, vector<16xf32>,
        %get3A_2256 = arith.index_cast %scan3A_1803 : i32 to index
        %get3A_2257 = arith.constant 96 : index
        %get3A_2258 = tpu.vector_load %arg5[%get3A_2256, %get3A_2257] {strides = array<i32>} : memref<32x224xf32, #tpu.memory_space<vmem>>, vector<16xf32>,
        %convert_element_type3A_2259 = arith.sitofp %add3A_2252 : vector<16xi32> to vector<16xf32>
        %add3A_2260 = arith.addf %convert_element_type3A_2259, %get3A_2255 : vector<16xf32>
        %lt3A_2261 = arith.constant 0.000000e+00 : f32
        %lt3A_2262 = vector.broadcast %lt3A_2261 : f32 to vector<16xf32>
        %lt3A_2263 = arith.cmpf olt, %add3A_2260, %lt3A_2262 : vector<16xf32>
        %add3A_2264 = vector.broadcast %scan3A_720 : f32 to vector<16xf32>
        %add3A_2265 = arith.addf %add3A_2260, %add3A_2264 : vector<16xf32>
        %ge3A_2266 = vector.broadcast %scan3A_720 : f32 to vector<16xf32>
        %ge3A_2267 = arith.cmpf oge, %add3A_2260, %ge3A_2266 : vector<16xf32>
        %sub3A_2268 = vector.broadcast %scan3A_720 : f32 to vector<16xf32>
        %sub3A_2269 = arith.subf %add3A_2260, %sub3A_2268 : vector<16xf32>
        %select_n3A_2270 = arith.select %ge3A_2267, %sub3A_2269, %add3A_2260 : vector<16xi1>, vector<16xf32>
        %select_n3A_2271 = arith.select %lt3A_2263, %add3A_2265, %select_n3A_2270 : vector<16xi1>, vector<16xf32>
        %convert_element_type3A_2272 = arith.fptosi %select_n3A_2271 : vector<16xf32> to vector<16xi32>
        %min3A_2273 = arith.constant 223 : i32
        %min3A_2274 = vector.broadcast %min3A_2273 : i32 to vector<16xi32>
        %min3A_2275 = arith.minsi %convert_element_type3A_2272, %min3A_2274 : vector<16xi32>
        %add3A_2276 = vector.broadcast %convert_element_type3A_1805 : f32 to vector<16xf32>
        %add3A_2277 = arith.addf %add3A_2276, %get3A_2258 : vector<16xf32>
        %lt3A_2278 = arith.constant 0.000000e+00 : f32
        %lt3A_2279 = vector.broadcast %lt3A_2278 : f32 to vector<16xf32>
        %lt3A_2280 = arith.cmpf olt, %add3A_2277, %lt3A_2279 : vector<16xf32>
        %add3A_2281 = vector.broadcast %scan3A_720 : f32 to vector<16xf32>
        %add3A_2282 = arith.addf %add3A_2277, %add3A_2281 : vector<16xf32>
        %ge3A_2283 = vector.broadcast %scan3A_720 : f32 to vector<16xf32>
        %ge3A_2284 = arith.cmpf oge, %add3A_2277, %ge3A_2283 : vector<16xf32>
        %sub3A_2285 = vector.broadcast %scan3A_720 : f32 to vector<16xf32>
        %sub3A_2286 = arith.subf %add3A_2277, %sub3A_2285 : vector<16xf32>
        %select_n3A_2287 = arith.select %ge3A_2284, %sub3A_2286, %add3A_2277 : vector<16xi1>, vector<16xf32>
        %select_n3A_2288 = arith.select %lt3A_2280, %add3A_2282, %select_n3A_2287 : vector<16xi1>, vector<16xf32>
        %convert_element_type3A_2289 = arith.fptosi %select_n3A_2288 : vector<16xf32> to vector<16xi32>
        %min3A_2290 = arith.constant 223 : i32
        %min3A_2291 = vector.broadcast %min3A_2290 : i32 to vector<16xi32>
        %min3A_2292 = arith.minsi %convert_element_type3A_2289, %min3A_2291 : vector<16xi32>
        %add3A_2293 = vector.broadcast %sub3A_472 : i32 to vector<16xi32>
        %add3A_2294 = arith.addi %min3A_2292, %add3A_2293 : vector<16xi32>
        %lt3A_2295 = arith.constant 0 : i32
        %lt3A_2296 = vector.broadcast %lt3A_2295 : i32 to vector<16xi32>
        %lt3A_2297 = arith.cmpi slt, %add3A_2294, %lt3A_2296 : vector<16xi32>
        %add3A_2298 = arith.constant 224 : i32
        %add3A_2299 = vector.broadcast %add3A_2298 : i32 to vector<16xi32>
        %add3A_2300 = arith.addi %add3A_2294, %add3A_2299 : vector<16xi32>
        %select_n3A_2301 = arith.select %lt3A_2297, %add3A_2300, %add3A_2294 : vector<16xi1>, vector<16xi32>
        %ge3A_2302 = arith.constant 224 : i32
        %ge3A_2303 = vector.broadcast %ge3A_2302 : i32 to vector<16xi32>
        %ge3A_2304 = arith.cmpi sge, %select_n3A_2301, %ge3A_2303 : vector<16xi32>
        %sub3A_2305 = arith.constant 224 : i32
        %sub3A_2306 = vector.broadcast %sub3A_2305 : i32 to vector<16xi32>
        %sub3A_2307 = arith.subi %select_n3A_2301, %sub3A_2306 : vector<16xi32>
        %select_n3A_2308 = arith.select %ge3A_2304, %sub3A_2307, %select_n3A_2301 : vector<16xi1>, vector<16xi32>
        %min3A_2309 = arith.constant 47 : i32
        %min3A_2310 = vector.broadcast %min3A_2309 : i32 to vector<16xi32>
        %min3A_2311 = arith.minsi %select_n3A_2308, %min3A_2310 : vector<16xi32>
        %gather3A_2312 = tpu.vector_load_idx %arg6[%min3A_2311, %min3A_2275] : memref<48x224xf32, #tpu.memory_space<vmem>>[vector<16xi32>, vector<16xi32>], vector<16xf32>,
        %swap3A_2313 = arith.index_cast %scan3A_1803 : i32 to index
        %swap3A_2314 = arith.constant 96 : index
        %swap3A_2315 = tpu.vector_load %arg9[%swap3A_2313, %swap3A_2314] {strides = array<i32>} : memref<32x224xf32, #tpu.memory_space<vmem>>, vector<16xf32>,
        tpu.vector_store %arg9[%swap3A_2313, %swap3A_2314], %gather3A_2312 {strides = array<i32>} : memref<32x224xf32, #tpu.memory_space<vmem>>, vector<16xf32>,
        %gather3A_2316 = tpu.vector_load_idx %arg7[%min3A_2311, %min3A_2275] : memref<48x224xf32, #tpu.memory_space<vmem>>[vector<16xi32>, vector<16xi32>], vector<16xf32>,
        %swap3A_2317 = arith.index_cast %scan3A_1803 : i32 to index
        %swap3A_2318 = arith.constant 96 : index
        %swap3A_2319 = tpu.vector_load %arg10[%swap3A_2317, %swap3A_2318] {strides = array<i32>} : memref<32x224xf32, #tpu.memory_space<vmem>>, vector<16xf32>,
        tpu.vector_store %arg10[%swap3A_2317, %swap3A_2318], %gather3A_2316 {strides = array<i32>} : memref<32x224xf32, #tpu.memory_space<vmem>>, vector<16xf32>,
        %gather3A_2320 = tpu.vector_load_idx %arg8[%min3A_2311, %min3A_2275] : memref<48x224xf32, #tpu.memory_space<vmem>>[vector<16xi32>, vector<16xi32>], vector<16xf32>,
        %swap3A_2321 = arith.index_cast %scan3A_1803 : i32 to index
        %swap3A_2322 = arith.constant 96 : index
        %swap3A_2323 = tpu.vector_load %arg11[%swap3A_2321, %swap3A_2322] {strides = array<i32>} : memref<32x224xf32, #tpu.memory_space<vmem>>, vector<16xf32>,
        tpu.vector_store %arg11[%swap3A_2321, %swap3A_2322], %gather3A_2320 {strides = array<i32>} : memref<32x224xf32, #tpu.memory_space<vmem>>, vector<16xf32>,
        %add3A_2324 = arith.constant 112 : i32
        %add3A_2325 = vector.broadcast %add3A_2324 : i32 to vector<16xi32>
        %add3A_2326 = arith.addi %add3A_2325, %iota3A : vector<16xi32>
        %get3A_2327 = arith.index_cast %scan3A_1803 : i32 to index
        %get3A_2328 = arith.constant 112 : index
        %get3A_2329 = tpu.vector_load %arg4[%get3A_2327, %get3A_2328] {strides = array<i32>} : memref<32x224xf32, #tpu.memory_space<vmem>>, vector<16xf32>,
        %get3A_2330 = arith.index_cast %scan3A_1803 : i32 to index
        %get3A_2331 = arith.constant 112 : index
        %get3A_2332 = tpu.vector_load %arg5[%get3A_2330, %get3A_2331] {strides = array<i32>} : memref<32x224xf32, #tpu.memory_space<vmem>>, vector<16xf32>,
        %convert_element_type3A_2333 = arith.sitofp %add3A_2326 : vector<16xi32> to vector<16xf32>
        %add3A_2334 = arith.addf %convert_element_type3A_2333, %get3A_2329 : vector<16xf32>
        %lt3A_2335 = arith.constant 0.000000e+00 : f32
        %lt3A_2336 = vector.broadcast %lt3A_2335 : f32 to vector<16xf32>
        %lt3A_2337 = arith.cmpf olt, %add3A_2334, %lt3A_2336 : vector<16xf32>
        %add3A_2338 = vector.broadcast %scan3A_720 : f32 to vector<16xf32>
        %add3A_2339 = arith.addf %add3A_2334, %add3A_2338 : vector<16xf32>
        %ge3A_2340 = vector.broadcast %scan3A_720 : f32 to vector<16xf32>
        %ge3A_2341 = arith.cmpf oge, %add3A_2334, %ge3A_2340 : vector<16xf32>
        %sub3A_2342 = vector.broadcast %scan3A_720 : f32 to vector<16xf32>
        %sub3A_2343 = arith.subf %add3A_2334, %sub3A_2342 : vector<16xf32>
        %select_n3A_2344 = arith.select %ge3A_2341, %sub3A_2343, %add3A_2334 : vector<16xi1>, vector<16xf32>
        %select_n3A_2345 = arith.select %lt3A_2337, %add3A_2339, %select_n3A_2344 : vector<16xi1>, vector<16xf32>
        %convert_element_type3A_2346 = arith.fptosi %select_n3A_2345 : vector<16xf32> to vector<16xi32>
        %min3A_2347 = arith.constant 223 : i32
        %min3A_2348 = vector.broadcast %min3A_2347 : i32 to vector<16xi32>
        %min3A_2349 = arith.minsi %convert_element_type3A_2346, %min3A_2348 : vector<16xi32>
        %add3A_2350 = vector.broadcast %convert_element_type3A_1805 : f32 to vector<16xf32>
        %add3A_2351 = arith.addf %add3A_2350, %get3A_2332 : vector<16xf32>
        %lt3A_2352 = arith.constant 0.000000e+00 : f32
        %lt3A_2353 = vector.broadcast %lt3A_2352 : f32 to vector<16xf32>
        %lt3A_2354 = arith.cmpf olt, %add3A_2351, %lt3A_2353 : vector<16xf32>
        %add3A_2355 = vector.broadcast %scan3A_720 : f32 to vector<16xf32>
        %add3A_2356 = arith.addf %add3A_2351, %add3A_2355 : vector<16xf32>
        %ge3A_2357 = vector.broadcast %scan3A_720 : f32 to vector<16xf32>
        %ge3A_2358 = arith.cmpf oge, %add3A_2351, %ge3A_2357 : vector<16xf32>
        %sub3A_2359 = vector.broadcast %scan3A_720 : f32 to vector<16xf32>
        %sub3A_2360 = arith.subf %add3A_2351, %sub3A_2359 : vector<16xf32>
        %select_n3A_2361 = arith.select %ge3A_2358, %sub3A_2360, %add3A_2351 : vector<16xi1>, vector<16xf32>
        %select_n3A_2362 = arith.select %lt3A_2354, %add3A_2356, %select_n3A_2361 : vector<16xi1>, vector<16xf32>
        %convert_element_type3A_2363 = arith.fptosi %select_n3A_2362 : vector<16xf32> to vector<16xi32>
        %min3A_2364 = arith.constant 223 : i32
        %min3A_2365 = vector.broadcast %min3A_2364 : i32 to vector<16xi32>
        %min3A_2366 = arith.minsi %convert_element_type3A_2363, %min3A_2365 : vector<16xi32>
        %add3A_2367 = vector.broadcast %sub3A_472 : i32 to vector<16xi32>
        %add3A_2368 = arith.addi %min3A_2366, %add3A_2367 : vector<16xi32>
        %lt3A_2369 = arith.constant 0 : i32
        %lt3A_2370 = vector.broadcast %lt3A_2369 : i32 to vector<16xi32>
        %lt3A_2371 = arith.cmpi slt, %add3A_2368, %lt3A_2370 : vector<16xi32>
        %add3A_2372 = arith.constant 224 : i32
        %add3A_2373 = vector.broadcast %add3A_2372 : i32 to vector<16xi32>
        %add3A_2374 = arith.addi %add3A_2368, %add3A_2373 : vector<16xi32>
        %select_n3A_2375 = arith.select %lt3A_2371, %add3A_2374, %add3A_2368 : vector<16xi1>, vector<16xi32>
        %ge3A_2376 = arith.constant 224 : i32
        %ge3A_2377 = vector.broadcast %ge3A_2376 : i32 to vector<16xi32>
        %ge3A_2378 = arith.cmpi sge, %select_n3A_2375, %ge3A_2377 : vector<16xi32>
        %sub3A_2379 = arith.constant 224 : i32
        %sub3A_2380 = vector.broadcast %sub3A_2379 : i32 to vector<16xi32>
        %sub3A_2381 = arith.subi %select_n3A_2375, %sub3A_2380 : vector<16xi32>
        %select_n3A_2382 = arith.select %ge3A_2378, %sub3A_2381, %select_n3A_2375 : vector<16xi1>, vector<16xi32>
        %min3A_2383 = arith.constant 47 : i32
        %min3A_2384 = vector.broadcast %min3A_2383 : i32 to vector<16xi32>
        %min3A_2385 = arith.minsi %select_n3A_2382, %min3A_2384 : vector<16xi32>
        %gather3A_2386 = tpu.vector_load_idx %arg6[%min3A_2385, %min3A_2349] : memref<48x224xf32, #tpu.memory_space<vmem>>[vector<16xi32>, vector<16xi32>], vector<16xf32>,
        %swap3A_2387 = arith.index_cast %scan3A_1803 : i32 to index
        %swap3A_2388 = arith.constant 112 : index
        %swap3A_2389 = tpu.vector_load %arg9[%swap3A_2387, %swap3A_2388] {strides = array<i32>} : memref<32x224xf32, #tpu.memory_space<vmem>>, vector<16xf32>,
        tpu.vector_store %arg9[%swap3A_2387, %swap3A_2388], %gather3A_2386 {strides = array<i32>} : memref<32x224xf32, #tpu.memory_space<vmem>>, vector<16xf32>,
        %gather3A_2390 = tpu.vector_load_idx %arg7[%min3A_2385, %min3A_2349] : memref<48x224xf32, #tpu.memory_space<vmem>>[vector<16xi32>, vector<16xi32>], vector<16xf32>,
        %swap3A_2391 = arith.index_cast %scan3A_1803 : i32 to index
        %swap3A_2392 = arith.constant 112 : index
        %swap3A_2393 = tpu.vector_load %arg10[%swap3A_2391, %swap3A_2392] {strides = array<i32>} : memref<32x224xf32, #tpu.memory_space<vmem>>, vector<16xf32>,
        tpu.vector_store %arg10[%swap3A_2391, %swap3A_2392], %gather3A_2390 {strides = array<i32>} : memref<32x224xf32, #tpu.memory_space<vmem>>, vector<16xf32>,
        %gather3A_2394 = tpu.vector_load_idx %arg8[%min3A_2385, %min3A_2349] : memref<48x224xf32, #tpu.memory_space<vmem>>[vector<16xi32>, vector<16xi32>], vector<16xf32>,
        %swap3A_2395 = arith.index_cast %scan3A_1803 : i32 to index
        %swap3A_2396 = arith.constant 112 : index
        %swap3A_2397 = tpu.vector_load %arg11[%swap3A_2395, %swap3A_2396] {strides = array<i32>} : memref<32x224xf32, #tpu.memory_space<vmem>>, vector<16xf32>,
        tpu.vector_store %arg11[%swap3A_2395, %swap3A_2396], %gather3A_2394 {strides = array<i32>} : memref<32x224xf32, #tpu.memory_space<vmem>>, vector<16xf32>,
        %add3A_2398 = arith.constant 128 : i32
        %add3A_2399 = vector.broadcast %add3A_2398 : i32 to vector<16xi32>
        %add3A_2400 = arith.addi %add3A_2399, %iota3A : vector<16xi32>
        %get3A_2401 = arith.index_cast %scan3A_1803 : i32 to index
        %get3A_2402 = arith.constant 128 : index
        %get3A_2403 = tpu.vector_load %arg4[%get3A_2401, %get3A_2402] {strides = array<i32>} : memref<32x224xf32, #tpu.memory_space<vmem>>, vector<16xf32>,
        %get3A_2404 = arith.index_cast %scan3A_1803 : i32 to index
        %get3A_2405 = arith.constant 128 : index
        %get3A_2406 = tpu.vector_load %arg5[%get3A_2404, %get3A_2405] {strides = array<i32>} : memref<32x224xf32, #tpu.memory_space<vmem>>, vector<16xf32>,
        %convert_element_type3A_2407 = arith.sitofp %add3A_2400 : vector<16xi32> to vector<16xf32>
        %add3A_2408 = arith.addf %convert_element_type3A_2407, %get3A_2403 : vector<16xf32>
        %lt3A_2409 = arith.constant 0.000000e+00 : f32
        %lt3A_2410 = vector.broadcast %lt3A_2409 : f32 to vector<16xf32>
        %lt3A_2411 = arith.cmpf olt, %add3A_2408, %lt3A_2410 : vector<16xf32>
        %add3A_2412 = vector.broadcast %scan3A_720 : f32 to vector<16xf32>
        %add3A_2413 = arith.addf %add3A_2408, %add3A_2412 : vector<16xf32>
        %ge3A_2414 = vector.broadcast %scan3A_720 : f32 to vector<16xf32>
        %ge3A_2415 = arith.cmpf oge, %add3A_2408, %ge3A_2414 : vector<16xf32>
        %sub3A_2416 = vector.broadcast %scan3A_720 : f32 to vector<16xf32>
        %sub3A_2417 = arith.subf %add3A_2408, %sub3A_2416 : vector<16xf32>
        %select_n3A_2418 = arith.select %ge3A_2415, %sub3A_2417, %add3A_2408 : vector<16xi1>, vector<16xf32>
        %select_n3A_2419 = arith.select %lt3A_2411, %add3A_2413, %select_n3A_2418 : vector<16xi1>, vector<16xf32>
        %convert_element_type3A_2420 = arith.fptosi %select_n3A_2419 : vector<16xf32> to vector<16xi32>
        %min3A_2421 = arith.constant 223 : i32
        %min3A_2422 = vector.broadcast %min3A_2421 : i32 to vector<16xi32>
        %min3A_2423 = arith.minsi %convert_element_type3A_2420, %min3A_2422 : vector<16xi32>
        %add3A_2424 = vector.broadcast %convert_element_type3A_1805 : f32 to vector<16xf32>
        %add3A_2425 = arith.addf %add3A_2424, %get3A_2406 : vector<16xf32>
        %lt3A_2426 = arith.constant 0.000000e+00 : f32
        %lt3A_2427 = vector.broadcast %lt3A_2426 : f32 to vector<16xf32>
        %lt3A_2428 = arith.cmpf olt, %add3A_2425, %lt3A_2427 : vector<16xf32>
        %add3A_2429 = vector.broadcast %scan3A_720 : f32 to vector<16xf32>
        %add3A_2430 = arith.addf %add3A_2425, %add3A_2429 : vector<16xf32>
        %ge3A_2431 = vector.broadcast %scan3A_720 : f32 to vector<16xf32>
        %ge3A_2432 = arith.cmpf oge, %add3A_2425, %ge3A_2431 : vector<16xf32>
        %sub3A_2433 = vector.broadcast %scan3A_720 : f32 to vector<16xf32>
        %sub3A_2434 = arith.subf %add3A_2425, %sub3A_2433 : vector<16xf32>
        %select_n3A_2435 = arith.select %ge3A_2432, %sub3A_2434, %add3A_2425 : vector<16xi1>, vector<16xf32>
        %select_n3A_2436 = arith.select %lt3A_2428, %add3A_2430, %select_n3A_2435 : vector<16xi1>, vector<16xf32>
        %convert_element_type3A_2437 = arith.fptosi %select_n3A_2436 : vector<16xf32> to vector<16xi32>
        %min3A_2438 = arith.constant 223 : i32
        %min3A_2439 = vector.broadcast %min3A_2438 : i32 to vector<16xi32>
        %min3A_2440 = arith.minsi %convert_element_type3A_2437, %min3A_2439 : vector<16xi32>
        %add3A_2441 = vector.broadcast %sub3A_472 : i32 to vector<16xi32>
        %add3A_2442 = arith.addi %min3A_2440, %add3A_2441 : vector<16xi32>
        %lt3A_2443 = arith.constant 0 : i32
        %lt3A_2444 = vector.broadcast %lt3A_2443 : i32 to vector<16xi32>
        %lt3A_2445 = arith.cmpi slt, %add3A_2442, %lt3A_2444 : vector<16xi32>
        %add3A_2446 = arith.constant 224 : i32
        %add3A_2447 = vector.broadcast %add3A_2446 : i32 to vector<16xi32>
        %add3A_2448 = arith.addi %add3A_2442, %add3A_2447 : vector<16xi32>
        %select_n3A_2449 = arith.select %lt3A_2445, %add3A_2448, %add3A_2442 : vector<16xi1>, vector<16xi32>
        %ge3A_2450 = arith.constant 224 : i32
        %ge3A_2451 = vector.broadcast %ge3A_2450 : i32 to vector<16xi32>
        %ge3A_2452 = arith.cmpi sge, %select_n3A_2449, %ge3A_2451 : vector<16xi32>
        %sub3A_2453 = arith.constant 224 : i32
        %sub3A_2454 = vector.broadcast %sub3A_2453 : i32 to vector<16xi32>
        %sub3A_2455 = arith.subi %select_n3A_2449, %sub3A_2454 : vector<16xi32>
        %select_n3A_2456 = arith.select %ge3A_2452, %sub3A_2455, %select_n3A_2449 : vector<16xi1>, vector<16xi32>
        %min3A_2457 = arith.constant 47 : i32
        %min3A_2458 = vector.broadcast %min3A_2457 : i32 to vector<16xi32>
        %min3A_2459 = arith.minsi %select_n3A_2456, %min3A_2458 : vector<16xi32>
        %gather3A_2460 = tpu.vector_load_idx %arg6[%min3A_2459, %min3A_2423] : memref<48x224xf32, #tpu.memory_space<vmem>>[vector<16xi32>, vector<16xi32>], vector<16xf32>,
        %swap3A_2461 = arith.index_cast %scan3A_1803 : i32 to index
        %swap3A_2462 = arith.constant 128 : index
        %swap3A_2463 = tpu.vector_load %arg9[%swap3A_2461, %swap3A_2462] {strides = array<i32>} : memref<32x224xf32, #tpu.memory_space<vmem>>, vector<16xf32>,
        tpu.vector_store %arg9[%swap3A_2461, %swap3A_2462], %gather3A_2460 {strides = array<i32>} : memref<32x224xf32, #tpu.memory_space<vmem>>, vector<16xf32>,
        %gather3A_2464 = tpu.vector_load_idx %arg7[%min3A_2459, %min3A_2423] : memref<48x224xf32, #tpu.memory_space<vmem>>[vector<16xi32>, vector<16xi32>], vector<16xf32>,
        %swap3A_2465 = arith.index_cast %scan3A_1803 : i32 to index
        %swap3A_2466 = arith.constant 128 : index
        %swap3A_2467 = tpu.vector_load %arg10[%swap3A_2465, %swap3A_2466] {strides = array<i32>} : memref<32x224xf32, #tpu.memory_space<vmem>>, vector<16xf32>,
        tpu.vector_store %arg10[%swap3A_2465, %swap3A_2466], %gather3A_2464 {strides = array<i32>} : memref<32x224xf32, #tpu.memory_space<vmem>>, vector<16xf32>,
        %gather3A_2468 = tpu.vector_load_idx %arg8[%min3A_2459, %min3A_2423] : memref<48x224xf32, #tpu.memory_space<vmem>>[vector<16xi32>, vector<16xi32>], vector<16xf32>,
        %swap3A_2469 = arith.index_cast %scan3A_1803 : i32 to index
        %swap3A_2470 = arith.constant 128 : index
        %swap3A_2471 = tpu.vector_load %arg11[%swap3A_2469, %swap3A_2470] {strides = array<i32>} : memref<32x224xf32, #tpu.memory_space<vmem>>, vector<16xf32>,
        tpu.vector_store %arg11[%swap3A_2469, %swap3A_2470], %gather3A_2468 {strides = array<i32>} : memref<32x224xf32, #tpu.memory_space<vmem>>, vector<16xf32>,
        %add3A_2472 = arith.constant 144 : i32
        %add3A_2473 = vector.broadcast %add3A_2472 : i32 to vector<16xi32>
        %add3A_2474 = arith.addi %add3A_2473, %iota3A : vector<16xi32>
        %get3A_2475 = arith.index_cast %scan3A_1803 : i32 to index
        %get3A_2476 = arith.constant 144 : index
        %get3A_2477 = tpu.vector_load %arg4[%get3A_2475, %get3A_2476] {strides = array<i32>} : memref<32x224xf32, #tpu.memory_space<vmem>>, vector<16xf32>,
        %get3A_2478 = arith.index_cast %scan3A_1803 : i32 to index
        %get3A_2479 = arith.constant 144 : index
        %get3A_2480 = tpu.vector_load %arg5[%get3A_2478, %get3A_2479] {strides = array<i32>} : memref<32x224xf32, #tpu.memory_space<vmem>>, vector<16xf32>,
        %convert_element_type3A_2481 = arith.sitofp %add3A_2474 : vector<16xi32> to vector<16xf32>
        %add3A_2482 = arith.addf %convert_element_type3A_2481, %get3A_2477 : vector<16xf32>
        %lt3A_2483 = arith.constant 0.000000e+00 : f32
        %lt3A_2484 = vector.broadcast %lt3A_2483 : f32 to vector<16xf32>
        %lt3A_2485 = arith.cmpf olt, %add3A_2482, %lt3A_2484 : vector<16xf32>
        %add3A_2486 = vector.broadcast %scan3A_720 : f32 to vector<16xf32>
        %add3A_2487 = arith.addf %add3A_2482, %add3A_2486 : vector<16xf32>
        %ge3A_2488 = vector.broadcast %scan3A_720 : f32 to vector<16xf32>
        %ge3A_2489 = arith.cmpf oge, %add3A_2482, %ge3A_2488 : vector<16xf32>
        %sub3A_2490 = vector.broadcast %scan3A_720 : f32 to vector<16xf32>
        %sub3A_2491 = arith.subf %add3A_2482, %sub3A_2490 : vector<16xf32>
        %select_n3A_2492 = arith.select %ge3A_2489, %sub3A_2491, %add3A_2482 : vector<16xi1>, vector<16xf32>
        %select_n3A_2493 = arith.select %lt3A_2485, %add3A_2487, %select_n3A_2492 : vector<16xi1>, vector<16xf32>
        %convert_element_type3A_2494 = arith.fptosi %select_n3A_2493 : vector<16xf32> to vector<16xi32>
        %min3A_2495 = arith.constant 223 : i32
        %min3A_2496 = vector.broadcast %min3A_2495 : i32 to vector<16xi32>
        %min3A_2497 = arith.minsi %convert_element_type3A_2494, %min3A_2496 : vector<16xi32>
        %add3A_2498 = vector.broadcast %convert_element_type3A_1805 : f32 to vector<16xf32>
        %add3A_2499 = arith.addf %add3A_2498, %get3A_2480 : vector<16xf32>
        %lt3A_2500 = arith.constant 0.000000e+00 : f32
        %lt3A_2501 = vector.broadcast %lt3A_2500 : f32 to vector<16xf32>
        %lt3A_2502 = arith.cmpf olt, %add3A_2499, %lt3A_2501 : vector<16xf32>
        %add3A_2503 = vector.broadcast %scan3A_720 : f32 to vector<16xf32>
        %add3A_2504 = arith.addf %add3A_2499, %add3A_2503 : vector<16xf32>
        %ge3A_2505 = vector.broadcast %scan3A_720 : f32 to vector<16xf32>
        %ge3A_2506 = arith.cmpf oge, %add3A_2499, %ge3A_2505 : vector<16xf32>
        %sub3A_2507 = vector.broadcast %scan3A_720 : f32 to vector<16xf32>
        %sub3A_2508 = arith.subf %add3A_2499, %sub3A_2507 : vector<16xf32>
        %select_n3A_2509 = arith.select %ge3A_2506, %sub3A_2508, %add3A_2499 : vector<16xi1>, vector<16xf32>
        %select_n3A_2510 = arith.select %lt3A_2502, %add3A_2504, %select_n3A_2509 : vector<16xi1>, vector<16xf32>
        %convert_element_type3A_2511 = arith.fptosi %select_n3A_2510 : vector<16xf32> to vector<16xi32>
        %min3A_2512 = arith.constant 223 : i32
        %min3A_2513 = vector.broadcast %min3A_2512 : i32 to vector<16xi32>
        %min3A_2514 = arith.minsi %convert_element_type3A_2511, %min3A_2513 : vector<16xi32>
        %add3A_2515 = vector.broadcast %sub3A_472 : i32 to vector<16xi32>
        %add3A_2516 = arith.addi %min3A_2514, %add3A_2515 : vector<16xi32>
        %lt3A_2517 = arith.constant 0 : i32
        %lt3A_2518 = vector.broadcast %lt3A_2517 : i32 to vector<16xi32>
        %lt3A_2519 = arith.cmpi slt, %add3A_2516, %lt3A_2518 : vector<16xi32>
        %add3A_2520 = arith.constant 224 : i32
        %add3A_2521 = vector.broadcast %add3A_2520 : i32 to vector<16xi32>
        %add3A_2522 = arith.addi %add3A_2516, %add3A_2521 : vector<16xi32>
        %select_n3A_2523 = arith.select %lt3A_2519, %add3A_2522, %add3A_2516 : vector<16xi1>, vector<16xi32>
        %ge3A_2524 = arith.constant 224 : i32
        %ge3A_2525 = vector.broadcast %ge3A_2524 : i32 to vector<16xi32>
        %ge3A_2526 = arith.cmpi sge, %select_n3A_2523, %ge3A_2525 : vector<16xi32>
        %sub3A_2527 = arith.constant 224 : i32
        %sub3A_2528 = vector.broadcast %sub3A_2527 : i32 to vector<16xi32>
        %sub3A_2529 = arith.subi %select_n3A_2523, %sub3A_2528 : vector<16xi32>
        %select_n3A_2530 = arith.select %ge3A_2526, %sub3A_2529, %select_n3A_2523 : vector<16xi1>, vector<16xi32>
        %min3A_2531 = arith.constant 47 : i32
        %min3A_2532 = vector.broadcast %min3A_2531 : i32 to vector<16xi32>
        %min3A_2533 = arith.minsi %select_n3A_2530, %min3A_2532 : vector<16xi32>
        %gather3A_2534 = tpu.vector_load_idx %arg6[%min3A_2533, %min3A_2497] : memref<48x224xf32, #tpu.memory_space<vmem>>[vector<16xi32>, vector<16xi32>], vector<16xf32>,
        %swap3A_2535 = arith.index_cast %scan3A_1803 : i32 to index
        %swap3A_2536 = arith.constant 144 : index
        %swap3A_2537 = tpu.vector_load %arg9[%swap3A_2535, %swap3A_2536] {strides = array<i32>} : memref<32x224xf32, #tpu.memory_space<vmem>>, vector<16xf32>,
        tpu.vector_store %arg9[%swap3A_2535, %swap3A_2536], %gather3A_2534 {strides = array<i32>} : memref<32x224xf32, #tpu.memory_space<vmem>>, vector<16xf32>,
        %gather3A_2538 = tpu.vector_load_idx %arg7[%min3A_2533, %min3A_2497] : memref<48x224xf32, #tpu.memory_space<vmem>>[vector<16xi32>, vector<16xi32>], vector<16xf32>,
        %swap3A_2539 = arith.index_cast %scan3A_1803 : i32 to index
        %swap3A_2540 = arith.constant 144 : index
        %swap3A_2541 = tpu.vector_load %arg10[%swap3A_2539, %swap3A_2540] {strides = array<i32>} : memref<32x224xf32, #tpu.memory_space<vmem>>, vector<16xf32>,
        tpu.vector_store %arg10[%swap3A_2539, %swap3A_2540], %gather3A_2538 {strides = array<i32>} : memref<32x224xf32, #tpu.memory_space<vmem>>, vector<16xf32>,
        %gather3A_2542 = tpu.vector_load_idx %arg8[%min3A_2533, %min3A_2497] : memref<48x224xf32, #tpu.memory_space<vmem>>[vector<16xi32>, vector<16xi32>], vector<16xf32>,
        %swap3A_2543 = arith.index_cast %scan3A_1803 : i32 to index
        %swap3A_2544 = arith.constant 144 : index
        %swap3A_2545 = tpu.vector_load %arg11[%swap3A_2543, %swap3A_2544] {strides = array<i32>} : memref<32x224xf32, #tpu.memory_space<vmem>>, vector<16xf32>,
        tpu.vector_store %arg11[%swap3A_2543, %swap3A_2544], %gather3A_2542 {strides = array<i32>} : memref<32x224xf32, #tpu.memory_space<vmem>>, vector<16xf32>,
        %add3A_2546 = arith.constant 160 : i32
        %add3A_2547 = vector.broadcast %add3A_2546 : i32 to vector<16xi32>
        %add3A_2548 = arith.addi %add3A_2547, %iota3A : vector<16xi32>
        %get3A_2549 = arith.index_cast %scan3A_1803 : i32 to index
        %get3A_2550 = arith.constant 160 : index
        %get3A_2551 = tpu.vector_load %arg4[%get3A_2549, %get3A_2550] {strides = array<i32>} : memref<32x224xf32, #tpu.memory_space<vmem>>, vector<16xf32>,
        %get3A_2552 = arith.index_cast %scan3A_1803 : i32 to index
        %get3A_2553 = arith.constant 160 : index
        %get3A_2554 = tpu.vector_load %arg5[%get3A_2552, %get3A_2553] {strides = array<i32>} : memref<32x224xf32, #tpu.memory_space<vmem>>, vector<16xf32>,
        %convert_element_type3A_2555 = arith.sitofp %add3A_2548 : vector<16xi32> to vector<16xf32>
        %add3A_2556 = arith.addf %convert_element_type3A_2555, %get3A_2551 : vector<16xf32>
        %lt3A_2557 = arith.constant 0.000000e+00 : f32
        %lt3A_2558 = vector.broadcast %lt3A_2557 : f32 to vector<16xf32>
        %lt3A_2559 = arith.cmpf olt, %add3A_2556, %lt3A_2558 : vector<16xf32>
        %add3A_2560 = vector.broadcast %scan3A_720 : f32 to vector<16xf32>
        %add3A_2561 = arith.addf %add3A_2556, %add3A_2560 : vector<16xf32>
        %ge3A_2562 = vector.broadcast %scan3A_720 : f32 to vector<16xf32>
        %ge3A_2563 = arith.cmpf oge, %add3A_2556, %ge3A_2562 : vector<16xf32>
        %sub3A_2564 = vector.broadcast %scan3A_720 : f32 to vector<16xf32>
        %sub3A_2565 = arith.subf %add3A_2556, %sub3A_2564 : vector<16xf32>
        %select_n3A_2566 = arith.select %ge3A_2563, %sub3A_2565, %add3A_2556 : vector<16xi1>, vector<16xf32>
        %select_n3A_2567 = arith.select %lt3A_2559, %add3A_2561, %select_n3A_2566 : vector<16xi1>, vector<16xf32>
        %convert_element_type3A_2568 = arith.fptosi %select_n3A_2567 : vector<16xf32> to vector<16xi32>
        %min3A_2569 = arith.constant 223 : i32
        %min3A_2570 = vector.broadcast %min3A_2569 : i32 to vector<16xi32>
        %min3A_2571 = arith.minsi %convert_element_type3A_2568, %min3A_2570 : vector<16xi32>
        %add3A_2572 = vector.broadcast %convert_element_type3A_1805 : f32 to vector<16xf32>
        %add3A_2573 = arith.addf %add3A_2572, %get3A_2554 : vector<16xf32>
        %lt3A_2574 = arith.constant 0.000000e+00 : f32
        %lt3A_2575 = vector.broadcast %lt3A_2574 : f32 to vector<16xf32>
        %lt3A_2576 = arith.cmpf olt, %add3A_2573, %lt3A_2575 : vector<16xf32>
        %add3A_2577 = vector.broadcast %scan3A_720 : f32 to vector<16xf32>
        %add3A_2578 = arith.addf %add3A_2573, %add3A_2577 : vector<16xf32>
        %ge3A_2579 = vector.broadcast %scan3A_720 : f32 to vector<16xf32>
        %ge3A_2580 = arith.cmpf oge, %add3A_2573, %ge3A_2579 : vector<16xf32>
        %sub3A_2581 = vector.broadcast %scan3A_720 : f32 to vector<16xf32>
        %sub3A_2582 = arith.subf %add3A_2573, %sub3A_2581 : vector<16xf32>
        %select_n3A_2583 = arith.select %ge3A_2580, %sub3A_2582, %add3A_2573 : vector<16xi1>, vector<16xf32>
        %select_n3A_2584 = arith.select %lt3A_2576, %add3A_2578, %select_n3A_2583 : vector<16xi1>, vector<16xf32>
        %convert_element_type3A_2585 = arith.fptosi %select_n3A_2584 : vector<16xf32> to vector<16xi32>
        %min3A_2586 = arith.constant 223 : i32
        %min3A_2587 = vector.broadcast %min3A_2586 : i32 to vector<16xi32>
        %min3A_2588 = arith.minsi %convert_element_type3A_2585, %min3A_2587 : vector<16xi32>
        %add3A_2589 = vector.broadcast %sub3A_472 : i32 to vector<16xi32>
        %add3A_2590 = arith.addi %min3A_2588, %add3A_2589 : vector<16xi32>
        %lt3A_2591 = arith.constant 0 : i32
        %lt3A_2592 = vector.broadcast %lt3A_2591 : i32 to vector<16xi32>
        %lt3A_2593 = arith.cmpi slt, %add3A_2590, %lt3A_2592 : vector<16xi32>
        %add3A_2594 = arith.constant 224 : i32
        %add3A_2595 = vector.broadcast %add3A_2594 : i32 to vector<16xi32>
        %add3A_2596 = arith.addi %add3A_2590, %add3A_2595 : vector<16xi32>
        %select_n3A_2597 = arith.select %lt3A_2593, %add3A_2596, %add3A_2590 : vector<16xi1>, vector<16xi32>
        %ge3A_2598 = arith.constant 224 : i32
        %ge3A_2599 = vector.broadcast %ge3A_2598 : i32 to vector<16xi32>
        %ge3A_2600 = arith.cmpi sge, %select_n3A_2597, %ge3A_2599 : vector<16xi32>
        %sub3A_2601 = arith.constant 224 : i32
        %sub3A_2602 = vector.broadcast %sub3A_2601 : i32 to vector<16xi32>
        %sub3A_2603 = arith.subi %select_n3A_2597, %sub3A_2602 : vector<16xi32>
        %select_n3A_2604 = arith.select %ge3A_2600, %sub3A_2603, %select_n3A_2597 : vector<16xi1>, vector<16xi32>
        %min3A_2605 = arith.constant 47 : i32
        %min3A_2606 = vector.broadcast %min3A_2605 : i32 to vector<16xi32>
        %min3A_2607 = arith.minsi %select_n3A_2604, %min3A_2606 : vector<16xi32>
        %gather3A_2608 = tpu.vector_load_idx %arg6[%min3A_2607, %min3A_2571] : memref<48x224xf32, #tpu.memory_space<vmem>>[vector<16xi32>, vector<16xi32>], vector<16xf32>,
        %swap3A_2609 = arith.index_cast %scan3A_1803 : i32 to index
        %swap3A_2610 = arith.constant 160 : index
        %swap3A_2611 = tpu.vector_load %arg9[%swap3A_2609, %swap3A_2610] {strides = array<i32>} : memref<32x224xf32, #tpu.memory_space<vmem>>, vector<16xf32>,
        tpu.vector_store %arg9[%swap3A_2609, %swap3A_2610], %gather3A_2608 {strides = array<i32>} : memref<32x224xf32, #tpu.memory_space<vmem>>, vector<16xf32>,
        %gather3A_2612 = tpu.vector_load_idx %arg7[%min3A_2607, %min3A_2571] : memref<48x224xf32, #tpu.memory_space<vmem>>[vector<16xi32>, vector<16xi32>], vector<16xf32>,
        %swap3A_2613 = arith.index_cast %scan3A_1803 : i32 to index
        %swap3A_2614 = arith.constant 160 : index
        %swap3A_2615 = tpu.vector_load %arg10[%swap3A_2613, %swap3A_2614] {strides = array<i32>} : memref<32x224xf32, #tpu.memory_space<vmem>>, vector<16xf32>,
        tpu.vector_store %arg10[%swap3A_2613, %swap3A_2614], %gather3A_2612 {strides = array<i32>} : memref<32x224xf32, #tpu.memory_space<vmem>>, vector<16xf32>,
        %gather3A_2616 = tpu.vector_load_idx %arg8[%min3A_2607, %min3A_2571] : memref<48x224xf32, #tpu.memory_space<vmem>>[vector<16xi32>, vector<16xi32>], vector<16xf32>,
        %swap3A_2617 = arith.index_cast %scan3A_1803 : i32 to index
        %swap3A_2618 = arith.constant 160 : index
        %swap3A_2619 = tpu.vector_load %arg11[%swap3A_2617, %swap3A_2618] {strides = array<i32>} : memref<32x224xf32, #tpu.memory_space<vmem>>, vector<16xf32>,
        tpu.vector_store %arg11[%swap3A_2617, %swap3A_2618], %gather3A_2616 {strides = array<i32>} : memref<32x224xf32, #tpu.memory_space<vmem>>, vector<16xf32>,
        %add3A_2620 = arith.constant 176 : i32
        %add3A_2621 = vector.broadcast %add3A_2620 : i32 to vector<16xi32>
        %add3A_2622 = arith.addi %add3A_2621, %iota3A : vector<16xi32>
        %get3A_2623 = arith.index_cast %scan3A_1803 : i32 to index
        %get3A_2624 = arith.constant 176 : index
        %get3A_2625 = tpu.vector_load %arg4[%get3A_2623, %get3A_2624] {strides = array<i32>} : memref<32x224xf32, #tpu.memory_space<vmem>>, vector<16xf32>,
        %get3A_2626 = arith.index_cast %scan3A_1803 : i32 to index
        %get3A_2627 = arith.constant 176 : index
        %get3A_2628 = tpu.vector_load %arg5[%get3A_2626, %get3A_2627] {strides = array<i32>} : memref<32x224xf32, #tpu.memory_space<vmem>>, vector<16xf32>,
        %convert_element_type3A_2629 = arith.sitofp %add3A_2622 : vector<16xi32> to vector<16xf32>
        %add3A_2630 = arith.addf %convert_element_type3A_2629, %get3A_2625 : vector<16xf32>
        %lt3A_2631 = arith.constant 0.000000e+00 : f32
        %lt3A_2632 = vector.broadcast %lt3A_2631 : f32 to vector<16xf32>
        %lt3A_2633 = arith.cmpf olt, %add3A_2630, %lt3A_2632 : vector<16xf32>
        %add3A_2634 = vector.broadcast %scan3A_720 : f32 to vector<16xf32>
        %add3A_2635 = arith.addf %add3A_2630, %add3A_2634 : vector<16xf32>
        %ge3A_2636 = vector.broadcast %scan3A_720 : f32 to vector<16xf32>
        %ge3A_2637 = arith.cmpf oge, %add3A_2630, %ge3A_2636 : vector<16xf32>
        %sub3A_2638 = vector.broadcast %scan3A_720 : f32 to vector<16xf32>
        %sub3A_2639 = arith.subf %add3A_2630, %sub3A_2638 : vector<16xf32>
        %select_n3A_2640 = arith.select %ge3A_2637, %sub3A_2639, %add3A_2630 : vector<16xi1>, vector<16xf32>
        %select_n3A_2641 = arith.select %lt3A_2633, %add3A_2635, %select_n3A_2640 : vector<16xi1>, vector<16xf32>
        %convert_element_type3A_2642 = arith.fptosi %select_n3A_2641 : vector<16xf32> to vector<16xi32>
        %min3A_2643 = arith.constant 223 : i32
        %min3A_2644 = vector.broadcast %min3A_2643 : i32 to vector<16xi32>
        %min3A_2645 = arith.minsi %convert_element_type3A_2642, %min3A_2644 : vector<16xi32>
        %add3A_2646 = vector.broadcast %convert_element_type3A_1805 : f32 to vector<16xf32>
        %add3A_2647 = arith.addf %add3A_2646, %get3A_2628 : vector<16xf32>
        %lt3A_2648 = arith.constant 0.000000e+00 : f32
        %lt3A_2649 = vector.broadcast %lt3A_2648 : f32 to vector<16xf32>
        %lt3A_2650 = arith.cmpf olt, %add3A_2647, %lt3A_2649 : vector<16xf32>
        %add3A_2651 = vector.broadcast %scan3A_720 : f32 to vector<16xf32>
        %add3A_2652 = arith.addf %add3A_2647, %add3A_2651 : vector<16xf32>
        %ge3A_2653 = vector.broadcast %scan3A_720 : f32 to vector<16xf32>
        %ge3A_2654 = arith.cmpf oge, %add3A_2647, %ge3A_2653 : vector<16xf32>
        %sub3A_2655 = vector.broadcast %scan3A_720 : f32 to vector<16xf32>
        %sub3A_2656 = arith.subf %add3A_2647, %sub3A_2655 : vector<16xf32>
        %select_n3A_2657 = arith.select %ge3A_2654, %sub3A_2656, %add3A_2647 : vector<16xi1>, vector<16xf32>
        %select_n3A_2658 = arith.select %lt3A_2650, %add3A_2652, %select_n3A_2657 : vector<16xi1>, vector<16xf32>
        %convert_element_type3A_2659 = arith.fptosi %select_n3A_2658 : vector<16xf32> to vector<16xi32>
        %min3A_2660 = arith.constant 223 : i32
        %min3A_2661 = vector.broadcast %min3A_2660 : i32 to vector<16xi32>
        %min3A_2662 = arith.minsi %convert_element_type3A_2659, %min3A_2661 : vector<16xi32>
        %add3A_2663 = vector.broadcast %sub3A_472 : i32 to vector<16xi32>
        %add3A_2664 = arith.addi %min3A_2662, %add3A_2663 : vector<16xi32>
        %lt3A_2665 = arith.constant 0 : i32
        %lt3A_2666 = vector.broadcast %lt3A_2665 : i32 to vector<16xi32>
        %lt3A_2667 = arith.cmpi slt, %add3A_2664, %lt3A_2666 : vector<16xi32>
        %add3A_2668 = arith.constant 224 : i32
        %add3A_2669 = vector.broadcast %add3A_2668 : i32 to vector<16xi32>
        %add3A_2670 = arith.addi %add3A_2664, %add3A_2669 : vector<16xi32>
        %select_n3A_2671 = arith.select %lt3A_2667, %add3A_2670, %add3A_2664 : vector<16xi1>, vector<16xi32>
        %ge3A_2672 = arith.constant 224 : i32
        %ge3A_2673 = vector.broadcast %ge3A_2672 : i32 to vector<16xi32>
        %ge3A_2674 = arith.cmpi sge, %select_n3A_2671, %ge3A_2673 : vector<16xi32>
        %sub3A_2675 = arith.constant 224 : i32
        %sub3A_2676 = vector.broadcast %sub3A_2675 : i32 to vector<16xi32>
        %sub3A_2677 = arith.subi %select_n3A_2671, %sub3A_2676 : vector<16xi32>
        %select_n3A_2678 = arith.select %ge3A_2674, %sub3A_2677, %select_n3A_2671 : vector<16xi1>, vector<16xi32>
        %min3A_2679 = arith.constant 47 : i32
        %min3A_2680 = vector.broadcast %min3A_2679 : i32 to vector<16xi32>
        %min3A_2681 = arith.minsi %select_n3A_2678, %min3A_2680 : vector<16xi32>
        %gather3A_2682 = tpu.vector_load_idx %arg6[%min3A_2681, %min3A_2645] : memref<48x224xf32, #tpu.memory_space<vmem>>[vector<16xi32>, vector<16xi32>], vector<16xf32>,
        %swap3A_2683 = arith.index_cast %scan3A_1803 : i32 to index
        %swap3A_2684 = arith.constant 176 : index
        %swap3A_2685 = tpu.vector_load %arg9[%swap3A_2683, %swap3A_2684] {strides = array<i32>} : memref<32x224xf32, #tpu.memory_space<vmem>>, vector<16xf32>,
        tpu.vector_store %arg9[%swap3A_2683, %swap3A_2684], %gather3A_2682 {strides = array<i32>} : memref<32x224xf32, #tpu.memory_space<vmem>>, vector<16xf32>,
        %gather3A_2686 = tpu.vector_load_idx %arg7[%min3A_2681, %min3A_2645] : memref<48x224xf32, #tpu.memory_space<vmem>>[vector<16xi32>, vector<16xi32>], vector<16xf32>,
        %swap3A_2687 = arith.index_cast %scan3A_1803 : i32 to index
        %swap3A_2688 = arith.constant 176 : index
        %swap3A_2689 = tpu.vector_load %arg10[%swap3A_2687, %swap3A_2688] {strides = array<i32>} : memref<32x224xf32, #tpu.memory_space<vmem>>, vector<16xf32>,
        tpu.vector_store %arg10[%swap3A_2687, %swap3A_2688], %gather3A_2686 {strides = array<i32>} : memref<32x224xf32, #tpu.memory_space<vmem>>, vector<16xf32>,
        %gather3A_2690 = tpu.vector_load_idx %arg8[%min3A_2681, %min3A_2645] : memref<48x224xf32, #tpu.memory_space<vmem>>[vector<16xi32>, vector<16xi32>], vector<16xf32>,
        %swap3A_2691 = arith.index_cast %scan3A_1803 : i32 to index
        %swap3A_2692 = arith.constant 176 : index
        %swap3A_2693 = tpu.vector_load %arg11[%swap3A_2691, %swap3A_2692] {strides = array<i32>} : memref<32x224xf32, #tpu.memory_space<vmem>>, vector<16xf32>,
        tpu.vector_store %arg11[%swap3A_2691, %swap3A_2692], %gather3A_2690 {strides = array<i32>} : memref<32x224xf32, #tpu.memory_space<vmem>>, vector<16xf32>,
        %add3A_2694 = arith.constant 192 : i32
        %add3A_2695 = vector.broadcast %add3A_2694 : i32 to vector<16xi32>
        %add3A_2696 = arith.addi %add3A_2695, %iota3A : vector<16xi32>
        %get3A_2697 = arith.index_cast %scan3A_1803 : i32 to index
        %get3A_2698 = arith.constant 192 : index
        %get3A_2699 = tpu.vector_load %arg4[%get3A_2697, %get3A_2698] {strides = array<i32>} : memref<32x224xf32, #tpu.memory_space<vmem>>, vector<16xf32>,
        %get3A_2700 = arith.index_cast %scan3A_1803 : i32 to index
        %get3A_2701 = arith.constant 192 : index
        %get3A_2702 = tpu.vector_load %arg5[%get3A_2700, %get3A_2701] {strides = array<i32>} : memref<32x224xf32, #tpu.memory_space<vmem>>, vector<16xf32>,
        %convert_element_type3A_2703 = arith.sitofp %add3A_2696 : vector<16xi32> to vector<16xf32>
        %add3A_2704 = arith.addf %convert_element_type3A_2703, %get3A_2699 : vector<16xf32>
        %lt3A_2705 = arith.constant 0.000000e+00 : f32
        %lt3A_2706 = vector.broadcast %lt3A_2705 : f32 to vector<16xf32>
        %lt3A_2707 = arith.cmpf olt, %add3A_2704, %lt3A_2706 : vector<16xf32>
        %add3A_2708 = vector.broadcast %scan3A_720 : f32 to vector<16xf32>
        %add3A_2709 = arith.addf %add3A_2704, %add3A_2708 : vector<16xf32>
        %ge3A_2710 = vector.broadcast %scan3A_720 : f32 to vector<16xf32>
        %ge3A_2711 = arith.cmpf oge, %add3A_2704, %ge3A_2710 : vector<16xf32>
        %sub3A_2712 = vector.broadcast %scan3A_720 : f32 to vector<16xf32>
        %sub3A_2713 = arith.subf %add3A_2704, %sub3A_2712 : vector<16xf32>
        %select_n3A_2714 = arith.select %ge3A_2711, %sub3A_2713, %add3A_2704 : vector<16xi1>, vector<16xf32>
        %select_n3A_2715 = arith.select %lt3A_2707, %add3A_2709, %select_n3A_2714 : vector<16xi1>, vector<16xf32>
        %convert_element_type3A_2716 = arith.fptosi %select_n3A_2715 : vector<16xf32> to vector<16xi32>
        %min3A_2717 = arith.constant 223 : i32
        %min3A_2718 = vector.broadcast %min3A_2717 : i32 to vector<16xi32>
        %min3A_2719 = arith.minsi %convert_element_type3A_2716, %min3A_2718 : vector<16xi32>
        %add3A_2720 = vector.broadcast %convert_element_type3A_1805 : f32 to vector<16xf32>
        %add3A_2721 = arith.addf %add3A_2720, %get3A_2702 : vector<16xf32>
        %lt3A_2722 = arith.constant 0.000000e+00 : f32
        %lt3A_2723 = vector.broadcast %lt3A_2722 : f32 to vector<16xf32>
        %lt3A_2724 = arith.cmpf olt, %add3A_2721, %lt3A_2723 : vector<16xf32>
        %add3A_2725 = vector.broadcast %scan3A_720 : f32 to vector<16xf32>
        %add3A_2726 = arith.addf %add3A_2721, %add3A_2725 : vector<16xf32>
        %ge3A_2727 = vector.broadcast %scan3A_720 : f32 to vector<16xf32>
        %ge3A_2728 = arith.cmpf oge, %add3A_2721, %ge3A_2727 : vector<16xf32>
        %sub3A_2729 = vector.broadcast %scan3A_720 : f32 to vector<16xf32>
        %sub3A_2730 = arith.subf %add3A_2721, %sub3A_2729 : vector<16xf32>
        %select_n3A_2731 = arith.select %ge3A_2728, %sub3A_2730, %add3A_2721 : vector<16xi1>, vector<16xf32>
        %select_n3A_2732 = arith.select %lt3A_2724, %add3A_2726, %select_n3A_2731 : vector<16xi1>, vector<16xf32>
        %convert_element_type3A_2733 = arith.fptosi %select_n3A_2732 : vector<16xf32> to vector<16xi32>
        %min3A_2734 = arith.constant 223 : i32
        %min3A_2735 = vector.broadcast %min3A_2734 : i32 to vector<16xi32>
        %min3A_2736 = arith.minsi %convert_element_type3A_2733, %min3A_2735 : vector<16xi32>
        %add3A_2737 = vector.broadcast %sub3A_472 : i32 to vector<16xi32>
        %add3A_2738 = arith.addi %min3A_2736, %add3A_2737 : vector<16xi32>
        %lt3A_2739 = arith.constant 0 : i32
        %lt3A_2740 = vector.broadcast %lt3A_2739 : i32 to vector<16xi32>
        %lt3A_2741 = arith.cmpi slt, %add3A_2738, %lt3A_2740 : vector<16xi32>
        %add3A_2742 = arith.constant 224 : i32
        %add3A_2743 = vector.broadcast %add3A_2742 : i32 to vector<16xi32>
        %add3A_2744 = arith.addi %add3A_2738, %add3A_2743 : vector<16xi32>
        %select_n3A_2745 = arith.select %lt3A_2741, %add3A_2744, %add3A_2738 : vector<16xi1>, vector<16xi32>
        %ge3A_2746 = arith.constant 224 : i32
        %ge3A_2747 = vector.broadcast %ge3A_2746 : i32 to vector<16xi32>
        %ge3A_2748 = arith.cmpi sge, %select_n3A_2745, %ge3A_2747 : vector<16xi32>
        %sub3A_2749 = arith.constant 224 : i32
        %sub3A_2750 = vector.broadcast %sub3A_2749 : i32 to vector<16xi32>
        %sub3A_2751 = arith.subi %select_n3A_2745, %sub3A_2750 : vector<16xi32>
        %select_n3A_2752 = arith.select %ge3A_2748, %sub3A_2751, %select_n3A_2745 : vector<16xi1>, vector<16xi32>
        %min3A_2753 = arith.constant 47 : i32
        %min3A_2754 = vector.broadcast %min3A_2753 : i32 to vector<16xi32>
        %min3A_2755 = arith.minsi %select_n3A_2752, %min3A_2754 : vector<16xi32>
        %gather3A_2756 = tpu.vector_load_idx %arg6[%min3A_2755, %min3A_2719] : memref<48x224xf32, #tpu.memory_space<vmem>>[vector<16xi32>, vector<16xi32>], vector<16xf32>,
        %swap3A_2757 = arith.index_cast %scan3A_1803 : i32 to index
        %swap3A_2758 = arith.constant 192 : index
        %swap3A_2759 = tpu.vector_load %arg9[%swap3A_2757, %swap3A_2758] {strides = array<i32>} : memref<32x224xf32, #tpu.memory_space<vmem>>, vector<16xf32>,
        tpu.vector_store %arg9[%swap3A_2757, %swap3A_2758], %gather3A_2756 {strides = array<i32>} : memref<32x224xf32, #tpu.memory_space<vmem>>, vector<16xf32>,
        %gather3A_2760 = tpu.vector_load_idx %arg7[%min3A_2755, %min3A_2719] : memref<48x224xf32, #tpu.memory_space<vmem>>[vector<16xi32>, vector<16xi32>], vector<16xf32>,
        %swap3A_2761 = arith.index_cast %scan3A_1803 : i32 to index
        %swap3A_2762 = arith.constant 192 : index
        %swap3A_2763 = tpu.vector_load %arg10[%swap3A_2761, %swap3A_2762] {strides = array<i32>} : memref<32x224xf32, #tpu.memory_space<vmem>>, vector<16xf32>,
        tpu.vector_store %arg10[%swap3A_2761, %swap3A_2762], %gather3A_2760 {strides = array<i32>} : memref<32x224xf32, #tpu.memory_space<vmem>>, vector<16xf32>,
        %gather3A_2764 = tpu.vector_load_idx %arg8[%min3A_2755, %min3A_2719] : memref<48x224xf32, #tpu.memory_space<vmem>>[vector<16xi32>, vector<16xi32>], vector<16xf32>,
        %swap3A_2765 = arith.index_cast %scan3A_1803 : i32 to index
        %swap3A_2766 = arith.constant 192 : index
        %swap3A_2767 = tpu.vector_load %arg11[%swap3A_2765, %swap3A_2766] {strides = array<i32>} : memref<32x224xf32, #tpu.memory_space<vmem>>, vector<16xf32>,
        tpu.vector_store %arg11[%swap3A_2765, %swap3A_2766], %gather3A_2764 {strides = array<i32>} : memref<32x224xf32, #tpu.memory_space<vmem>>, vector<16xf32>,
        %add3A_2768 = arith.constant 208 : i32
        %add3A_2769 = vector.broadcast %add3A_2768 : i32 to vector<16xi32>
        %add3A_2770 = arith.addi %add3A_2769, %iota3A : vector<16xi32>
        %get3A_2771 = arith.index_cast %scan3A_1803 : i32 to index
        %get3A_2772 = arith.constant 208 : index
        %get3A_2773 = tpu.vector_load %arg4[%get3A_2771, %get3A_2772] {strides = array<i32>} : memref<32x224xf32, #tpu.memory_space<vmem>>, vector<16xf32>,
        %get3A_2774 = arith.index_cast %scan3A_1803 : i32 to index
        %get3A_2775 = arith.constant 208 : index
        %get3A_2776 = tpu.vector_load %arg5[%get3A_2774, %get3A_2775] {strides = array<i32>} : memref<32x224xf32, #tpu.memory_space<vmem>>, vector<16xf32>,
        %convert_element_type3A_2777 = arith.sitofp %add3A_2770 : vector<16xi32> to vector<16xf32>
        %add3A_2778 = arith.addf %convert_element_type3A_2777, %get3A_2773 : vector<16xf32>
        %lt3A_2779 = arith.constant 0.000000e+00 : f32
        %lt3A_2780 = vector.broadcast %lt3A_2779 : f32 to vector<16xf32>
        %lt3A_2781 = arith.cmpf olt, %add3A_2778, %lt3A_2780 : vector<16xf32>
        %add3A_2782 = vector.broadcast %scan3A_720 : f32 to vector<16xf32>
        %add3A_2783 = arith.addf %add3A_2778, %add3A_2782 : vector<16xf32>
        %ge3A_2784 = vector.broadcast %scan3A_720 : f32 to vector<16xf32>
        %ge3A_2785 = arith.cmpf oge, %add3A_2778, %ge3A_2784 : vector<16xf32>
        %sub3A_2786 = vector.broadcast %scan3A_720 : f32 to vector<16xf32>
        %sub3A_2787 = arith.subf %add3A_2778, %sub3A_2786 : vector<16xf32>
        %select_n3A_2788 = arith.select %ge3A_2785, %sub3A_2787, %add3A_2778 : vector<16xi1>, vector<16xf32>
        %select_n3A_2789 = arith.select %lt3A_2781, %add3A_2783, %select_n3A_2788 : vector<16xi1>, vector<16xf32>
        %convert_element_type3A_2790 = arith.fptosi %select_n3A_2789 : vector<16xf32> to vector<16xi32>
        %min3A_2791 = arith.constant 223 : i32
        %min3A_2792 = vector.broadcast %min3A_2791 : i32 to vector<16xi32>
        %min3A_2793 = arith.minsi %convert_element_type3A_2790, %min3A_2792 : vector<16xi32>
        %add3A_2794 = vector.broadcast %convert_element_type3A_1805 : f32 to vector<16xf32>
        %add3A_2795 = arith.addf %add3A_2794, %get3A_2776 : vector<16xf32>
        %lt3A_2796 = arith.constant 0.000000e+00 : f32
        %lt3A_2797 = vector.broadcast %lt3A_2796 : f32 to vector<16xf32>
        %lt3A_2798 = arith.cmpf olt, %add3A_2795, %lt3A_2797 : vector<16xf32>
        %add3A_2799 = vector.broadcast %scan3A_720 : f32 to vector<16xf32>
        %add3A_2800 = arith.addf %add3A_2795, %add3A_2799 : vector<16xf32>
        %ge3A_2801 = vector.broadcast %scan3A_720 : f32 to vector<16xf32>
        %ge3A_2802 = arith.cmpf oge, %add3A_2795, %ge3A_2801 : vector<16xf32>
        %sub3A_2803 = vector.broadcast %scan3A_720 : f32 to vector<16xf32>
        %sub3A_2804 = arith.subf %add3A_2795, %sub3A_2803 : vector<16xf32>
        %select_n3A_2805 = arith.select %ge3A_2802, %sub3A_2804, %add3A_2795 : vector<16xi1>, vector<16xf32>
        %select_n3A_2806 = arith.select %lt3A_2798, %add3A_2800, %select_n3A_2805 : vector<16xi1>, vector<16xf32>
        %convert_element_type3A_2807 = arith.fptosi %select_n3A_2806 : vector<16xf32> to vector<16xi32>
        %min3A_2808 = arith.constant 223 : i32
        %min3A_2809 = vector.broadcast %min3A_2808 : i32 to vector<16xi32>
        %min3A_2810 = arith.minsi %convert_element_type3A_2807, %min3A_2809 : vector<16xi32>
        %add3A_2811 = vector.broadcast %sub3A_472 : i32 to vector<16xi32>
        %add3A_2812 = arith.addi %min3A_2810, %add3A_2811 : vector<16xi32>
        %lt3A_2813 = arith.constant 0 : i32
        %lt3A_2814 = vector.broadcast %lt3A_2813 : i32 to vector<16xi32>
        %lt3A_2815 = arith.cmpi slt, %add3A_2812, %lt3A_2814 : vector<16xi32>
        %add3A_2816 = arith.constant 224 : i32
        %add3A_2817 = vector.broadcast %add3A_2816 : i32 to vector<16xi32>
        %add3A_2818 = arith.addi %add3A_2812, %add3A_2817 : vector<16xi32>
        %select_n3A_2819 = arith.select %lt3A_2815, %add3A_2818, %add3A_2812 : vector<16xi1>, vector<16xi32>
        %ge3A_2820 = arith.constant 224 : i32
        %ge3A_2821 = vector.broadcast %ge3A_2820 : i32 to vector<16xi32>
        %ge3A_2822 = arith.cmpi sge, %select_n3A_2819, %ge3A_2821 : vector<16xi32>
        %sub3A_2823 = arith.constant 224 : i32
        %sub3A_2824 = vector.broadcast %sub3A_2823 : i32 to vector<16xi32>
        %sub3A_2825 = arith.subi %select_n3A_2819, %sub3A_2824 : vector<16xi32>
        %select_n3A_2826 = arith.select %ge3A_2822, %sub3A_2825, %select_n3A_2819 : vector<16xi1>, vector<16xi32>
        %min3A_2827 = arith.constant 47 : i32
        %min3A_2828 = vector.broadcast %min3A_2827 : i32 to vector<16xi32>
        %min3A_2829 = arith.minsi %select_n3A_2826, %min3A_2828 : vector<16xi32>
        %gather3A_2830 = tpu.vector_load_idx %arg6[%min3A_2829, %min3A_2793] : memref<48x224xf32, #tpu.memory_space<vmem>>[vector<16xi32>, vector<16xi32>], vector<16xf32>,
        %swap3A_2831 = arith.index_cast %scan3A_1803 : i32 to index
        %swap3A_2832 = arith.constant 208 : index
        %swap3A_2833 = tpu.vector_load %arg9[%swap3A_2831, %swap3A_2832] {strides = array<i32>} : memref<32x224xf32, #tpu.memory_space<vmem>>, vector<16xf32>,
        tpu.vector_store %arg9[%swap3A_2831, %swap3A_2832], %gather3A_2830 {strides = array<i32>} : memref<32x224xf32, #tpu.memory_space<vmem>>, vector<16xf32>,
        %gather3A_2834 = tpu.vector_load_idx %arg7[%min3A_2829, %min3A_2793] : memref<48x224xf32, #tpu.memory_space<vmem>>[vector<16xi32>, vector<16xi32>], vector<16xf32>,
        %swap3A_2835 = arith.index_cast %scan3A_1803 : i32 to index
        %swap3A_2836 = arith.constant 208 : index
        %swap3A_2837 = tpu.vector_load %arg10[%swap3A_2835, %swap3A_2836] {strides = array<i32>} : memref<32x224xf32, #tpu.memory_space<vmem>>, vector<16xf32>,
        tpu.vector_store %arg10[%swap3A_2835, %swap3A_2836], %gather3A_2834 {strides = array<i32>} : memref<32x224xf32, #tpu.memory_space<vmem>>, vector<16xf32>,
        %gather3A_2838 = tpu.vector_load_idx %arg8[%min3A_2829, %min3A_2793] : memref<48x224xf32, #tpu.memory_space<vmem>>[vector<16xi32>, vector<16xi32>], vector<16xf32>,
        %swap3A_2839 = arith.index_cast %scan3A_1803 : i32 to index
        %swap3A_2840 = arith.constant 208 : index
        %swap3A_2841 = tpu.vector_load %arg11[%swap3A_2839, %swap3A_2840] {strides = array<i32>} : memref<32x224xf32, #tpu.memory_space<vmem>>, vector<16xf32>,
        tpu.vector_store %arg11[%swap3A_2839, %swap3A_2840], %gather3A_2838 {strides = array<i32>} : memref<32x224xf32, #tpu.memory_space<vmem>>, vector<16xf32>,
      }
      %scan3A_725 = arith.constant 32 : i32
      %dma_start3A_726 = arith.constant 0 : i32
      %dma_start3A_727 = arith.constant 0 : i32
      %dma_start3A_728 = tpu.memref_slice %arg3[%select_n3A, %dma_start3A_726, %mul3A_35, %dma_start3A_727] : memref<4x3x224x224xf32, #tpu.memory_space<hbm>> -> memref<1x1x32x224xf32, #tpu.memory_space<hbm>>
      %dma_start3A_729 = tpu.memref_squeeze %dma_start3A_728 : memref<1x1x32x224xf32, #tpu.memory_space<hbm>> -> memref<32x224xf32, #tpu.memory_space<hbm>>
      %dma_start3A_730 = arith.constant 0 : i32
      %dma_start3A_731 = tpu.memref_slice %arg3[%select_n3A, %dma_start3A_726, %mul3A_35, %dma_start3A_730] : memref<4x3x224x224xf32, #tpu.memory_space<hbm>> -> memref<1x1x32x224xf32, #tpu.memory_space<hbm>>
      %dma_start3A_732 = tpu.memref_squeeze %dma_start3A_731 : memref<1x1x32x224xf32, #tpu.memory_space<hbm>> -> memref<32x224xf32, #tpu.memory_space<hbm>>
      tpu.enqueue_dma source(%arg9 : memref<32x224xf32, #tpu.memory_space<vmem>>) target(%dma_start3A_732 : memref<32x224xf32, #tpu.memory_space<hbm>>) target_semaphore(%arg14 : memref<!tpu.dma_semaphore, #tpu.memory_space<semaphore_mem>>)
      %dma_start3A_733 = arith.constant 1 : i32
      %dma_start3A_734 = arith.constant 0 : i32
      %dma_start3A_735 = tpu.memref_slice %arg3[%select_n3A, %dma_start3A_733, %mul3A_35, %dma_start3A_734] : memref<4x3x224x224xf32, #tpu.memory_space<hbm>> -> memref<1x1x32x224xf32, #tpu.memory_space<hbm>>
      %dma_start3A_736 = tpu.memref_squeeze %dma_start3A_735 : memref<1x1x32x224xf32, #tpu.memory_space<hbm>> -> memref<32x224xf32, #tpu.memory_space<hbm>>
      %dma_start3A_737 = arith.constant 0 : i32
      %dma_start3A_738 = tpu.memref_slice %arg3[%select_n3A, %dma_start3A_733, %mul3A_35, %dma_start3A_737] : memref<4x3x224x224xf32, #tpu.memory_space<hbm>> -> memref<1x1x32x224xf32, #tpu.memory_space<hbm>>
      %dma_start3A_739 = tpu.memref_squeeze %dma_start3A_738 : memref<1x1x32x224xf32, #tpu.memory_space<hbm>> -> memref<32x224xf32, #tpu.memory_space<hbm>>
      tpu.enqueue_dma source(%arg10 : memref<32x224xf32, #tpu.memory_space<vmem>>) target(%dma_start3A_739 : memref<32x224xf32, #tpu.memory_space<hbm>>) target_semaphore(%arg14 : memref<!tpu.dma_semaphore, #tpu.memory_space<semaphore_mem>>)
      %dma_start3A_740 = arith.constant 2 : i32
      %dma_start3A_741 = arith.constant 0 : i32
      %dma_start3A_742 = tpu.memref_slice %arg3[%select_n3A, %dma_start3A_740, %mul3A_35, %dma_start3A_741] : memref<4x3x224x224xf32, #tpu.memory_space<hbm>> -> memref<1x1x32x224xf32, #tpu.memory_space<hbm>>
      %dma_start3A_743 = tpu.memref_squeeze %dma_start3A_742 : memref<1x1x32x224xf32, #tpu.memory_space<hbm>> -> memref<32x224xf32, #tpu.memory_space<hbm>>
      %dma_start3A_744 = arith.constant 0 : i32
      %dma_start3A_745 = tpu.memref_slice %arg3[%select_n3A, %dma_start3A_740, %mul3A_35, %dma_start3A_744] : memref<4x3x224x224xf32, #tpu.memory_space<hbm>> -> memref<1x1x32x224xf32, #tpu.memory_space<hbm>>
      %dma_start3A_746 = tpu.memref_squeeze %dma_start3A_745 : memref<1x1x32x224xf32, #tpu.memory_space<hbm>> -> memref<32x224xf32, #tpu.memory_space<hbm>>
      tpu.enqueue_dma source(%arg11 : memref<32x224xf32, #tpu.memory_space<vmem>>) target(%dma_start3A_746 : memref<32x224xf32, #tpu.memory_space<hbm>>) target_semaphore(%arg14 : memref<!tpu.dma_semaphore, #tpu.memory_space<semaphore_mem>>)
      %dma_wait3A_747 = arith.constant 0 : i32
      %dma_wait3A_748 = arith.constant 0 : i32
      %dma_wait3A_749 = tpu.memref_slice %arg3[%select_n3A, %dma_wait3A_747, %mul3A_35, %dma_wait3A_748] : memref<4x3x224x224xf32, #tpu.memory_space<hbm>> -> memref<1x1x32x224xf32, #tpu.memory_space<hbm>>
      %dma_wait3A_750 = tpu.memref_squeeze %dma_wait3A_749 : memref<1x1x32x224xf32, #tpu.memory_space<hbm>> -> memref<32x224xf32, #tpu.memory_space<hbm>>
      %dma_wait3A_751 = arith.constant 0 : i32
      %dma_wait3A_752 = tpu.memref_slice %arg3[%select_n3A, %dma_wait3A_747, %mul3A_35, %dma_wait3A_751] : memref<4x3x224x224xf32, #tpu.memory_space<hbm>> -> memref<1x1x32x224xf32, #tpu.memory_space<hbm>>
      %dma_wait3A_753 = tpu.memref_squeeze %dma_wait3A_752 : memref<1x1x32x224xf32, #tpu.memory_space<hbm>> -> memref<32x224xf32, #tpu.memory_space<hbm>>
      tpu.wait_dma2 semaphore(%arg14 : memref<!tpu.dma_semaphore, #tpu.memory_space<semaphore_mem>>) src(%arg9 : memref<32x224xf32, #tpu.memory_space<vmem>>) dst(%dma_wait3A_753 : memref<32x224xf32, #tpu.memory_space<hbm>>)
      %dma_wait3A_754 = arith.constant 1 : i32
      %dma_wait3A_755 = arith.constant 0 : i32
      %dma_wait3A_756 = tpu.memref_slice %arg3[%select_n3A, %dma_wait3A_754, %mul3A_35, %dma_wait3A_755] : memref<4x3x224x224xf32, #tpu.memory_space<hbm>> -> memref<1x1x32x224xf32, #tpu.memory_space<hbm>>
      %dma_wait3A_757 = tpu.memref_squeeze %dma_wait3A_756 : memref<1x1x32x224xf32, #tpu.memory_space<hbm>> -> memref<32x224xf32, #tpu.memory_space<hbm>>
      %dma_wait3A_758 = arith.constant 0 : i32
      %dma_wait3A_759 = tpu.memref_slice %arg3[%select_n3A, %dma_wait3A_754, %mul3A_35, %dma_wait3A_758] : memref<4x3x224x224xf32, #tpu.memory_space<hbm>> -> memref<1x1x32x224xf32, #tpu.memory_space<hbm>>
      %dma_wait3A_760 = tpu.memref_squeeze %dma_wait3A_759 : memref<1x1x32x224xf32, #tpu.memory_space<hbm>> -> memref<32x224xf32, #tpu.memory_space<hbm>>
      tpu.wait_dma2 semaphore(%arg14 : memref<!tpu.dma_semaphore, #tpu.memory_space<semaphore_mem>>) src(%arg10 : memref<32x224xf32, #tpu.memory_space<vmem>>) dst(%dma_wait3A_760 : memref<32x224xf32, #tpu.memory_space<hbm>>)
      %dma_wait3A_761 = arith.constant 2 : i32
      %dma_wait3A_762 = arith.constant 0 : i32
      %dma_wait3A_763 = tpu.memref_slice %arg3[%select_n3A, %dma_wait3A_761, %mul3A_35, %dma_wait3A_762] : memref<4x3x224x224xf32, #tpu.memory_space<hbm>> -> memref<1x1x32x224xf32, #tpu.memory_space<hbm>>
      %dma_wait3A_764 = tpu.memref_squeeze %dma_wait3A_763 : memref<1x1x32x224xf32, #tpu.memory_space<hbm>> -> memref<32x224xf32, #tpu.memory_space<hbm>>
      %dma_wait3A_765 = arith.constant 0 : i32
      %dma_wait3A_766 = tpu.memref_slice %arg3[%select_n3A, %dma_wait3A_761, %mul3A_35, %dma_wait3A_765] : memref<4x3x224x224xf32, #tpu.memory_space<hbm>> -> memref<1x1x32x224xf32, #tpu.memory_space<hbm>>
      %dma_wait3A_767 = tpu.memref_squeeze %dma_wait3A_766 : memref<1x1x32x224xf32, #tpu.memory_space<hbm>> -> memref<32x224xf32, #tpu.memory_space<hbm>>
      tpu.wait_dma2 semaphore(%arg14 : memref<!tpu.dma_semaphore, #tpu.memory_space<semaphore_mem>>) src(%arg11 : memref<32x224xf32, #tpu.memory_space<vmem>>) dst(%dma_wait3A_767 : memref<32x224xf32, #tpu.memory_space<hbm>>)
    } else {
    }
    return
  }
}

</mosaic_0001>

<sc_bundles>
// kernel: _warp.3.cloned.1.call-start
scs
__scs_entry_jumppad:
0x0: {  	(pc) =	sbr.rel $0x88, $3  }
0x1: {  	(tag) =	ssettag $0x0;
	lr =	simm.s32 $0x1  }
0x2: {  	[smem:$0x3FA0] =	sst lr;
	_ =	strace $0xD0000000  }
0x3: {  	_ = 	snop  }
0x4: {  	_ = 	snop  }
0x5: {  	_ = 	snop  }
0x6: {  	_ = 	snop  }
0x7: {  	_ = 	snop  }
__scs_overlays_trampoline_lowered:
0x8: {  	[smem:$0x3FAF] =	sst s0  }
0x9: {  	[smem:$0x3FB0] =	sst s1  }
0xa: {  	[smem:$0x3FB1] =	sst s2  }
0xb: {  	[smem:$0x3FB2] =	sst s3  }
0xc: {  	[smem:$0x3FB3] =	sst s4  }
0xd: {  	[smem:$0x3FB4] =	sst s5  }
0xe: {  	[smem:$0x3FB5] =	sst s6  }
0xf: {  	[smem:$0x3FB6] =	sst s7  }
0x10: {  	[smem:$0x3FB7] =	sst s8  }
0x11: {  	[smem:$0x3FB8] =	sst s9;
	s0 =	simm.s32 @!p0 $0x0  }
0x12: {  	s1 =	sld [smem:$0x3F9E];
	s0 =	simm.s32 @p0 $0x1  }
0x13: {  	[smem:$0x3FB9] =	sst s0;
	s0 =	simm.s32 @!p1 $0x0  }
0x14: {  	s2 =	sld [smem:$0x3F9D];
	s0 =	simm.s32 @p1 $0x1  }
0x15: {  	[smem:$0x3FBA] =	sst s0;
	s0 =	simm.s32 @!p2 $0x0  }
0x16: {  	s3 =	sld [smem:$0x3FDB];
	s0 =	simm.s32 @p2 $0x1  }
0x17: {  	s4 =	simm.s32 $0x1BF5;
	[smem:$0x3FBC] =	sst s0  }
0x18: {  	s0 =	sld [smem:$0x3F9F];
	_ =	swait.ge [sflag:s4], $0x0  }
0x19: {  	s7 =	sld [smem:$0x3FA0]  }
0x1a: {  	s8 =	sadd.s32 $0xFFFFE003, lr  }
0x1b: {  	s9 =	sadd.s32 $0xFFFFFEF7, lr;
	s5 =	simm.s32 $0xFFFFFFFF;
	p2 =	slt.u32 s8, $0xFFFFF086  }
0x1c: {  	p1 =	slt.u32 s9, $0xF7A;
	s5 =	simm.s32 @!p2 $0x0  }
0x1d: {  	s5 =	simm.s32 @p1 $0x1;
	p0 =	seq.s32 s7, s2  }
0x1e: {  	s7 =	smul.u32 @!p0 $0xF7A, s2;
	p2 =	seq.s32 @!p0 s5, $0x0  }
0x1f: {  	s9 =	smul.u32 $0xF7A, s1;
	s8 =	simm.s32 @!p0 $0x1BF5;
	p2 =	por !p2, p0  }
0x20: {  	[sflag:s8] =	ssyncset.s32 @!p0 $0xFFFFF086;
	s6 =	sadd.s32 @!p0 s3, s7;
	s7 =	simm.s32 @!p0 $0x108  }
0x21: {  	s3 =	sadd.s32 s3, s9;
	s6 =	sadd.s32 @!p0 $0x88, s6;
	s7 =	simm.s32 @p2 $0x1082  }
0x22: {  	[simem:s7], [sflag:s8] =	dma.local @!p0 [hbm:s6], $0xF7A  }
0x23: {  	s9 =	sor.u32 $0xD0000000, s2;
	s6 =	simm.s32 $0x108;
	_ =	swait.ge @!p0 [sflag:s8], $0x0  }
0x24: {  	s3 =	sadd.s32 $0x88, s3;
	s6 =	simm.s32 @!p1 $0x1082;
	[sflag:s4] =	ssyncset.s32 $0xFFFFF086  }
0x25: {  	[simem:s6], [sflag:s4] =	dma.local [hbm:s3], $0xF7A  }
0x26: {  	[smem:$0x3FA0] =	sst s1;
	(tag) =	ssettag s2;
	_ =	strace s9  }
0x27: {  	s1 =	sld [smem:$0x3FB0]  }
0x28: {  	s2 =	sld [smem:$0x3FB1]  }
0x29: {  	s4 =	sld [smem:$0x3FB3]  }
0x2a: {  	p0 =	seq.s32 s5, $0x0;
	s5 =	sld [smem:$0x3FB4]  }
0x2b: {  	s6 =	sld [smem:$0x3FB5]  }
0x2c: {  	s7 =	sld [smem:$0x3FB6]  }
0x2d: {  	s3 =	simm.s32 $0x108;
	s8 =	sld [smem:$0x3FB7]  }
0x2e: {  	s3 =	simm.s32 @!p0 $0x1082;
	s9 =	sld [smem:$0x3FB8]  }
0x2f: {  	lr =	sadd.s32 s0, s3;
	s0 =	sld [smem:$0x3FAF]  }
0x30: {  	s3 =	sld [smem:$0x3FB2]  }
0x31: {  	[smem:$0x3FBB] =	sst s10  }
0x32: {  	s10 =	sld [smem:$0x3FB9];
	_ =	sdelay $0x3  }
0x33: {  	p0 =	seq.s32 s10, $0x1;
	s10 =	sld [smem:$0x3FBB];
	_ =	sdelay $0x3  }
0x34: {  	[smem:$0x3FBB] =	sst s10  }
0x35: {  	s10 =	sld [smem:$0x3FBA];
	_ =	sdelay $0x3  }
0x36: {  	p1 =	seq.s32 s10, $0x1;
	s10 =	sld [smem:$0x3FBB];
	_ =	sdelay $0x3  }
0x37: {  	[smem:$0x3FBB] =	sst s10  }
0x38: {  	s10 =	sld [smem:$0x3FBC]  }
0x39: {  	_ = 	snop;
	(pc) =	sbr.ind lr, $3  }
0x3a: {  	_ = 	snop  }
0x3b: {  	_ = 	snop  }
0x3c: {  	p2 =	seq.s32 s10, $0x1;
	s10 =	sld [smem:$0x3FBB]  }
0x3d: {  	_ =	shalt  }
0x3e: {  	_ =	shalt  }
0x3f: {  	_ =	shalt  }
0x40: {  	_ =	shalt  }
0x41: {  	_ =	shalt  }
0x42: {  	_ =	shalt  }
0x43: {  	_ =	shalt  }
0x44: {  	_ =	shalt  }
0x45: {  	_ =	shalt  }
0x46: {  	_ =	shalt  }
0x47: {  	_ =	shalt  }
0x48: {  	_ =	shalt  }
0x49: {  	_ =	shalt  }
0x4a: {  	_ =	shalt  }
0x4b: {  	_ =	shalt  }
0x4c: {  	_ =	shalt  }
0x4d: {  	_ =	shalt  }
0x4e: {  	_ =	shalt  }
0x4f: {  	_ =	shalt  }
0x50: {  	_ =	shalt  }
0x51: {  	_ =	shalt  }
0x52: {  	_ =	shalt  }
0x53: {  	_ =	shalt  }
0x54: {  	_ =	shalt  }
0x55: {  	_ =	shalt  }
0x56: {  	_ =	shalt  }
0x57: {  	_ =	shalt  }
0x58: {  	_ =	shalt  }
0x59: {  	_ =	shalt  }
0x5a: {  	_ =	shalt  }
0x5b: {  	_ =	shalt  }
0x5c: {  	_ =	shalt  }
0x5d: {  	_ =	shalt  }
0x5e: {  	_ =	shalt  }
0x5f: {  	_ =	shalt  }
0x60: {  	_ =	shalt  }
0x61: {  	_ =	shalt  }
0x62: {  	_ =	shalt  }
0x63: {  	_ =	shalt  }
0x64: {  	_ =	shalt  }
0x65: {  	_ =	shalt  }
0x66: {  	_ =	shalt  }
0x67: {  	_ =	shalt  }
0x68: {  	_ =	shalt  }
0x69: {  	_ =	shalt  }
0x6a: {  	_ =	shalt  }
0x6b: {  	_ =	shalt  }
0x6c: {  	_ =	shalt  }
0x6d: {  	_ =	shalt  }
0x6e: {  	_ =	shalt  }
0x6f: {  	_ =	shalt  }
0x70: {  	_ =	shalt  }
0x71: {  	_ =	shalt  }
0x72: {  	_ =	shalt  }
0x73: {  	_ =	shalt  }
0x74: {  	_ =	shalt  }
0x75: {  	_ =	shalt  }
0x76: {  	_ =	shalt  }
0x77: {  	_ =	shalt  }
0x78: {  	_ =	shalt  }
0x79: {  	_ =	shalt  }
0x7a: {  	_ =	shalt  }
0x7b: {  	_ =	shalt  }
0x7c: {  	_ =	shalt  }
0x7d: {  	_ =	shalt  }
0x7e: {  	_ =	shalt  }
0x7f: {  	_ =	shalt  }
0x80: {  	_ =	shalt  }
0x81: {  	_ =	shalt  }
0x82: {  	_ =	shalt  }
0x83: {  	_ =	shalt  }
0x84: {  	_ =	shalt  }
0x85: {  	_ =	shalt  }
0x86: {  	_ =	shalt  }
0x87: {  	_ =	shalt  }
.Lfunc_end0:
.L_simem_size_0:
called_computation_lowered:
.L_overlay_start_0:
0x88: {  	s2 =	sld [smem:$0x3FD9]  }
0x89: {  	s3 =	sld [smem:$0x3FFE];
	_ =	sdelay $0x1  }
0x8a: {  	s1 =	srdreg.scid  }
0x8b: {  	s0 =	sand.u32 $0x1, s1  }
0x8c: {  	s18 =	sshll.u32 s0, $0xA;
	s2 =	sadd.s32 s3, s2  }
0x8d: {  	s2 =	sadd.s32 s2, s18  }
0x8e: {  	[smem:$0x3FC7] =	sst s2  }
0x8f: {  	_ = 	snop  }
0x90: {  	s2 =	sld [smem:$0x3FC9]  }
0x91: {  	s19 =	sld [smem:$0x3FD0];
	(tm) =	ssettm $0x1  }
0x92: {  	s4 =	sld [smem:$0x3FFB];
	_ =	sdelay $0x3  }
0x93: {  	_ =	strace s4  }
0x94: {  	s4 =	sld [smem:$0x3FFC];
	_ =	sdelay $0x3  }
0x95: {  	_ =	strace s4  }
0x96: {  	s4 =	sld [smem:$0x3FFD];
	_ =	sdelay $0x3  }
0x97: {  	_ =	strace s4  }
0x98: {  	_ =	strace $0x8FFFFFFF  }
0x99: {  	s20 =	sld [smem:$0x3FDB];
	_ =	sdelay $0x1  }
0x9a: {  	s5 =	simm.s32 $_scs_section_size  }
0x9b: {  	s6 =	simm.s32 $_size__tile_overlayer_lowered;
	s7 =	simm.s32 $_tile_overlayer_lowered  }
0x9c: {  	s23 =	simm.s32 $0x1BFF;
	s22 =	sshll.u32 s7, $0x1;
	s4 =	sadd.s32 s5, s20  }
0x9d: {  	s8 =	simm.s32 $0x0;
	s21 =	sshll.u32 s6, $0x1;
	s6 =	sadd.s32 s22, s4  }
0x9e: {  	[timem:s8], [sflag:s23] =	dma.local [hbm:s6], s21  }
0x9f: {  	_ =	swait.ge [sflag:s23], s21  }
0xa0: {  	s5 =	ssub.s32 $0x0, s21;
	[sflag:s23] =	ssyncset.done $0x0  }
0xa1: {  	[sflag:s23] =	ssyncadd.s32 s5;
	_ =	sdelay $0x1  }
0xa2: {  	s24 =	simm.s32 $0x1B8B  }
0xa3: {  	_ =	swait.ge [sflag:s24], $0x1  }
0xa4: {  	[sflag:s24] =	ssyncset.done $0x0  }
0xa5: {  	s25 =	simm.s32 $0x1B8E;
	[sflag:s24] =	ssyncadd.s32 $0xFFFFFFFF  }
0xa6: {  	s26 =	simm.s32 $execute0_lowered;
	[smem:$0x3FD2] =	sst s25  }
0xa7: {  	s5 =	sshll.u32 s26, $0x1;
	_ =	strace $0x80000046;
	[dreg:$0x1] =	wrdreg $0xFFFFFFFF  }
0xa8: {  	s28 =	simm.s32 $_size_execute0_lowered;
	s4 =	sadd.s32 s4, s5;
	[dreg:$0x0] =	wrdreg $0x0  }
0xa9: {  	s5 =	sshll.u32 s28, $0x1;
	[dreg:$0x2] =	wrdreg s4  }
0xaa: {  	[dreg:$0x3] =	wrdreg s5  }
0xab: {  	[dreg:$0x4] =	wrdreg $0xC0  }
0xac: {  	_ =	task [dreg:s8], $0x5FFFF  }
0xad: {  	[dreg:$0x1] =	wrdreg $0xFFFFFFFF  }
0xae: {  	[dreg:$0x0] =	wrdreg $0x60  }
0xaf: {  	[dreg:$0x2] =	wrdreg s2  }
0xb0: {  	[dreg:$0x3] =	wrdreg s19  }
0xb1: {  	[dreg:$0x4] =	wrdreg $0x9  }
0xb2: {  	_ =	task.clear_ibuf [dreg:s8], $0x5FFFF;
	_ =	strace $0x90000046  }
0xb3: {  	s29 =	simm.s32 $0x9;
	_ =	strace $0x80000048  }
0xb4: {  	_ =	swait.ge [sflag:s29], $0x1  }
0xb5: {  	[sflag:s29] =	ssyncadd.s32 $0xFFFFFFFF  }
0xb6: {  	_ =	strace $0x90000048  }
0xb7: {  	_ =	sfence  }
0xb8: {  	s30 =	sld [smem:$0x0];
	_ =	sdelay $0x2  }
0xb9: {  	s31 =	sshll.u32 s1, $0xD;
	s1 =	sshrl.u32 s1, $0x2  }
0xba: {  	s3 =	sand.u32 $0x4000, s31;
	s1 =	sadd.s32 s1, s30  }
0xbb: {  	s0 =	sor.u32 s3, s0;
	s1 =	sshll.u32 s1, $0x11  }
0xbc: {  	s0 =	sor.u32 s1, s0  }
0xbd: {  	s0 =	sadd.s32 $0x8F2B, s0  }
0xbe: {  	[sflag:s0] =	ssyncadd.remote.s32 $0x1  }
0xbf: {  	_ =	sfence.sel $0xFFFF  }
0xc0: {  	[dreg:$0x0] =	wrdreg $0xFFFFFFFF;
	(pc) =	sbr.abs _section_cstart, $3  }
0xc1: {  	[dreg:$0x1] =	wrdreg $0xFFFFFFFF  }
0xc2: {  	_ =	task.clear_ibuf [dreg:s8], $0x2FFFF;
	_ =	strace $0x9FFFFFFF  }
0xc3: {  	(tm) =	ssettm $0x7FFFFFFF  }
tec
execute0_lowered:
.L_overlay_start_1:
0x0: {  	(tag) =	ssettag $0x1  }
0x1: {  	s1 =	srdreg.scid  }
0x2: {  	s5 =	sand.u32 $0x1, s1  }
0x3: {  	s3 =	stileid.u32;
	s1 =	sshll.u32 s5, $0x4  }
0x4: {  	s1 =	sor.u32 s3, s1  }
0x5: {  	p0 =	sgt.s32 s1, $0x1B  }
.Ltmp0:
0x6: {  	_ = 	snop;
	(pc) =	sbr.rel @p0 .LBB2_5-.Ltmp0, $4  }
0x7: {  	_ = 	snop  }
0x8: {  	s0 =	rddreg [dreg:$0x0];
	s2 =	simm.s32 $0x0  }
0x9: {  	[smem:$0x7FF] =	sst s2  }
0xa: {  	s4 =	rddreg [dreg:$0x1];
	_ =	strace $0x80000047  }
0xb: {  	v0 =	vimm.f32 $1.500000000e+01;
	vm14 =	vcmask $0x300;
	v1 =	vimm.f32 $3.100000000e+01  }
0xc: {  	vm13 =	vcmask $0x704;
	vm12 =	vcmask $0xB08;
	vm11 =	vcmask $0xF0C  }
0xd: {  	vm10 =	vcmask $0x1310;
	vm9 =	vcmask $0x1714;
	vm7 =	vcmask $0x1B18  }
0xe: {  	vm8 =	vcmask $0x1F1C;
	vm6 =	vcmask $0x2320;
	vm5 =	vcmask $0x2724  }
0xf: {  	vm4 =	vcmask $0x2B28;
	vm3 =	vcmask $0x2F2C;
	vm2 =	vcmask $0x3330  }
0x10: {  	vm1 =	vcmask $0x3734;
	vm0 =	vcmask $0x3B38;
	v4 =	vimm.f32 $6.300000000e+01  }
0x11: {  	v5 =	vimm.f32 $7.900000000e+01;
	v6 =	vimm.f32 $9.500000000e+01;
	v7 =	vimm.f32 $1.110000000e+02  }
0x12: {  	v8 =	vimm.f32 $1.270000000e+02;
	v9 =	vimm.f32 $1.430000000e+02;
	v10 =	vimm.f32 $1.590000000e+02  }
0x13: {  	v11 =	vimm.f32 $1.750000000e+02;
	v12 =	vimm.f32 $1.910000000e+02;
	v13 =	vimm.f32 $2.070000000e+02  }
0x14: {  	v14 =	vimm.f32 $2.230000000e+02;
	v0 =	vsel vm14, $0x0, v0;
	v1 =	vsel vm14, $0x41800000, v1  }
0x15: {  	v4 =	vsel vm14, $0x42400000, v4;
	v5 =	vsel vm14, $0x42800000, v5;
	v6 =	vsel vm14, $0x42A00000, v6  }
0x16: {  	v7 =	vsel vm14, $0x42C00000, v7;
	v8 =	vsel vm14, $0x42E00000, v8;
	v9 =	vsel vm14, $0x43000000, v9  }
0x17: {  	v10 =	vsel vm14, $0x43100000, v10;
	v11 =	vsel vm14, $0x43200000, v11;
	v12 =	vsel vm14, $0x43300000, v12  }
0x18: {  	v13 =	vsel vm14, $0x43400000, v13;
	v14 =	vsel vm14, $0x43500000, v14;
	v0 =	vsel vm13, $0x3F800000, v0  }
0x19: {  	v1 =	vsel vm13, $0x41880000, v1;
	v4 =	vsel vm13, $0x42440000, v4;
	v5 =	vsel vm13, $0x42820000, v5  }
0x1a: {  	v6 =	vsel vm13, $0x42A20000, v6;
	v7 =	vsel vm13, $0x42C20000, v7;
	v8 =	vsel vm13, $0x42E20000, v8  }
0x1b: {  	v9 =	vsel vm13, $0x43010000, v9;
	v10 =	vsel vm13, $0x43110000, v10;
	v11 =	vsel vm13, $0x43210000, v11  }
0x1c: {  	v12 =	vsel vm13, $0x43310000, v12;
	v13 =	vsel vm13, $0x43410000, v13;
	v14 =	vsel vm13, $0x43510000, v14  }
0x1d: {  	v0 =	vsel vm12, $0x40000000, v0;
	v1 =	vsel vm12, $0x41900000, v1;
	v4 =	vsel vm12, $0x42480000, v4  }
0x1e: {  	v5 =	vsel vm12, $0x42840000, v5;
	v6 =	vsel vm12, $0x42A40000, v6;
	v7 =	vsel vm12, $0x42C40000, v7  }
0x1f: {  	v8 =	vsel vm12, $0x42E40000, v8;
	v9 =	vsel vm12, $0x43020000, v9;
	v10 =	vsel vm12, $0x43120000, v10  }
0x20: {  	v11 =	vsel vm12, $0x43220000, v11;
	v12 =	vsel vm12, $0x43320000, v12;
	v13 =	vsel vm12, $0x43420000, v13  }
0x21: {  	v14 =	vsel vm12, $0x43520000, v14;
	v0 =	vsel vm11, $0x40400000, v0;
	v1 =	vsel vm11, $0x41980000, v1  }
0x22: {  	v4 =	vsel vm11, $0x424C0000, v4;
	v5 =	vsel vm11, $0x42860000, v5;
	v6 =	vsel vm11, $0x42A60000, v6  }
0x23: {  	v7 =	vsel vm11, $0x42C60000, v7;
	v8 =	vsel vm11, $0x42E60000, v8;
	v9 =	vsel vm11, $0x43030000, v9  }
0x24: {  	v10 =	vsel vm11, $0x43130000, v10;
	v11 =	vsel vm11, $0x43230000, v11;
	v12 =	vsel vm11, $0x43330000, v12  }
0x25: {  	v13 =	vsel vm11, $0x43430000, v13;
	v14 =	vsel vm11, $0x43530000, v14;
	v0 =	vsel vm10, $0x40800000, v0  }
0x26: {  	v1 =	vsel vm10, $0x41A00000, v1;
	v4 =	vsel vm10, $0x42500000, v4;
	v5 =	vsel vm10, $0x42880000, v5  }
0x27: {  	s3 =	smulhi.u32 $0x24924925, s1;
	v6 =	vsel vm10, $0x42A80000, v6;
	v7 =	vsel vm10, $0x42C80000, v7;
	v8 =	vsel vm10, $0x42E80000, v8  }
0x28: {  	v9 =	vsel vm10, $0x43040000, v9;
	v10 =	vsel vm10, $0x43140000, v10;
	v11 =	vsel vm10, $0x43240000, v11  }
0x29: {  	s6 =	ssub.s32 s1, s3;
	v12 =	vsel vm10, $0x43340000, v12;
	v13 =	vsel vm10, $0x43440000, v13;
	v14 =	vsel vm10, $0x43540000, v14  }
0x2a: {  	s6 =	sshrl.u32 s6, $0x1;
	v0 =	vsel vm9, $0x40A00000, v0;
	v1 =	vsel vm9, $0x41A80000, v1;
	v4 =	vsel vm9, $0x42540000, v4  }
0x2b: {  	s3 =	sadd.s32 s3, s6;
	v5 =	vsel vm9, $0x428A0000, v5;
	v6 =	vsel vm9, $0x42AA0000, v6;
	v7 =	vsel vm9, $0x42CA0000, v7  }
0x2c: {  	s7 =	sshrl.u32 s3, $0x2;
	v8 =	vsel vm9, $0x42EA0000, v8;
	v9 =	vsel vm9, $0x43050000, v9;
	v10 =	vsel vm9, $0x43150000, v10  }
0x2d: {  	s3 =	smul.u32 $0x7, s7;
	v11 =	vsel vm9, $0x43250000, v11;
	v12 =	vsel vm9, $0x43350000, v12;
	v13 =	vsel vm9, $0x43450000, v13  }
0x2e: {  	v14 =	vsel vm9, $0x43550000, v14;
	v0 =	vsel vm7, $0x40C00000, v0;
	v1 =	vsel vm7, $0x41B00000, v1  }
0x2f: {  	p0 =	slt.s32 s1, $0x1;
	s11 =	simm.s32 $0x5;
	v4 =	vsel vm7, $0x42580000, v4;
	v5 =	vsel vm7, $0x428C0000, v5;
	v6 =	vsel vm7, $0x42AC0000, v6;
	s19 =	ssub.s32 s1, s3  }
0x30: {  	s5 =	ssub.s32 $0x2, s5;
	s28 =	simm.s32 $0x1;
	v7 =	vsel vm7, $0x42CC0000, v7;
	v8 =	vsel vm7, $0x42EC0000, v8;
	v9 =	vsel vm7, $0x43060000, v9;
	p1 =	sne.s32 s19, $0x0  }
0x31: {  	s30 =	simm.s32 $0x3;
	s31 =	simm.s32 $0x2;
	v10 =	vsel vm7, $0x43160000, v10;
	v11 =	vsel vm7, $0x43260000, v11;
	v0 =	vsel vm8, $0x40E00000, v0;
	p0 =	por !p0, !p1  }
0x32: {  	s25 =	sshrl.u32 s5, $0x1;
	v12 =	vsel vm7, $0x43360000, v12;
	v13 =	vsel vm7, $0x43460000, v13;
	s1 =	simm.s32 $0x1;
	v0 =	vsel vm6, $0x41000000, v0;
	p0 =	por !p0, !p0  }
0x33: {  	v14 =	vsel vm7, $0x43560000, v14;
	v1 =	vsel vm8, $0x41B80000, v1;
	s3 =	sshll.u32 s19, $0x5;
	s9 =	sshll.u32 s19, $0x2;
	v0 =	vsel vm5, $0x41100000, v0;
	s1 =	simm.s32 @!p0 $0x0  }
0x34: {  	v4 =	vsel vm8, $0x425C0000, v4;
	v5 =	vsel vm8, $0x428E0000, v5;
	s6 =	sadd.s32 $0xFFFFFFFF, s9;
	v0 =	vsel vm4, $0x41200000, v0;
	p0 =	seq.s32 s19, $0x0;
	s7 =	ssub.s32 s7, s1  }
0x35: {  	v6 =	vsel vm8, $0x42AE0000, v6;
	v7 =	vsel vm8, $0x42CE0000, v7;
	s8 =	ssub.s32 $0x8, s3;
	v0 =	vsel vm3, $0x41300000, v0;
	s6 =	simm.s32 @p0 $0x1B;
	s20 =	smul.u32 $0x2A000, s7  }
0x36: {  	v8 =	vsel vm8, $0x42EE0000, v8;
	v9 =	vsel vm8, $0x43070000, v9;
	v0 =	vsel vm2, $0x41400000, v0;
	s1 =	sshll.u32 s19, $0xD;
	p0 =	slt.s32 s6, $0x17;
	s7 =	smul.u32 $0x46000, s7  }
0x37: {  	v10 =	vsel vm8, $0x43170000, v10;
	v2 =	vsel vm1, $0x41500000, v0;
	v0 =	vmov s8;
	s11 =	simm.s32 @!p0 $0xFFFFFFE9;
	p0 =	slt.s32 s6, $0x18;
	s8 =	sadd.s32 s1, s20  }
0x38: {  	v11 =	vsel vm8, $0x43270000, v11;
	v12 =	vsel vm8, $0x43370000, v12;
	v13 =	vsel vm8, $0x43470000, v13;
	s23 =	sadd.s32 s11, s6;
	s1 =	sadd.s32 s1, s7;
	s21 =	sshrl.u32 s8, $0x3  }
0x39: {  	v14 =	vsel vm8, $0x43570000, v14;
	v1 =	vsel vm6, $0x41C00000, v1;
	v4 =	vsel vm6, $0x42600000, v4;
	s10 =	sadd.s32 $0xE000, s8;
	s8 =	sadd.s32 $0x1C000, s8;
	s9 =	sadd.s32 s4, s21  }
0x3a: {  	v5 =	vsel vm6, $0x42900000, v5;
	v6 =	vsel vm6, $0x42B00000, v6;
	v7 =	vsel vm6, $0x42D00000, v7;
	s10 =	sshrl.u32 s10, $0x3;
	s8 =	sshrl.u32 s8, $0x3;
	[dreg:$0x3] =	wrdreg s9  }
0x3b: {  	v8 =	vsel vm6, $0x42F00000, v8;
	v9 =	vsel vm6, $0x43080000, v9;
	v10 =	vsel vm6, $0x43180000, v10;
	s22 =	sadd.s32 s4, s10;
	s9 =	sshll.u32 s23, $0xB;
	s24 =	sadd.s32 s4, s8  }
0x3c: {  	v11 =	vsel vm6, $0x43280000, v11;
	v12 =	vsel vm6, $0x43380000, v12;
	v13 =	vsel vm6, $0x43480000, v13;
	s10 =	simm.s32 $0x4;
	s4 =	ssub.s32 s5, s25;
	[dreg:$0x4] =	wrdreg s22  }
0x3d: {  	v14 =	vsel vm6, $0x43580000, v14;
	v1 =	vsel vm5, $0x41C80000, v1;
	v4 =	vsel vm5, $0x42640000, v4;
	[dreg:$0x5] =	wrdreg s24;
	s26 =	sadd.s32 s7, s9;
	s10 =	simm.s32 @!p0 $0xFFFFFFE8  }
0x3e: {  	v5 =	vsel vm5, $0x42920000, v5;
	v6 =	vsel vm5, $0x42B20000, v6;
	v7 =	vsel vm5, $0x42D20000, v7;
	p0 =	slt.s32 s6, $0x19;
	s29 =	smax.u32 s4, $0x1;
	s4 =	simm.s32 $0xA000  }
0x3f: {  	v8 =	vsel vm5, $0x42F20000, v8;
	v9 =	vsel vm5, $0x43090000, v9;
	v10 =	vsel vm5, $0x43190000, v10;
	s9 =	sadd.s32 $0x1C000, s26;
	s12 =	sadd.s32 $0xE000, s26;
	s13 =	sadd.s32 s10, s6  }
0x40: {  	v11 =	vsel vm5, $0x43290000, v11;
	v12 =	vsel vm5, $0x43390000, v12;
	v13 =	vsel vm5, $0x43490000, v13;
	s8 =	sshrl.u32 s26, $0x3;
	s26 =	sadd.s32 $0x1, s6;
	s11 =	sshrl.u32 s9, $0x3  }
0x41: {  	v14 =	vsel vm5, $0x43590000, v14;
	v1 =	vsel vm4, $0x41D00000, v1;
	v4 =	vsel vm4, $0x42680000, v4;
	s9 =	sshll.u32 s13, $0xB;
	s14 =	sadd.s32 s0, s8;
	s5 =	sadd.s32 s0, s11  }
0x42: {  	v5 =	vsel vm4, $0x42940000, v5;
	v6 =	vsel vm4, $0x42B40000, v6;
	v7 =	vsel vm4, $0x42D40000, v7;
	[dreg:$0x8] =	wrdreg s14;
	s15 =	sadd.s32 s7, s9;
	s9 =	simm.s32 $0x3  }
0x43: {  	v8 =	vsel vm4, $0x42F40000, v8;
	v9 =	vsel vm4, $0x430A0000, v9;
	v10 =	vsel vm4, $0x431A0000, v10;
	[dreg:$0x6] =	wrdreg s5;
	s5 =	sshrl.u32 s12, $0x3;
	s16 =	sadd.s32 $0x1C000, s15  }
0x44: {  	v11 =	vsel vm4, $0x432A0000, v11;
	v12 =	vsel vm4, $0x433A0000, v12;
	v13 =	vsel vm4, $0x434A0000, v13;
	s17 =	sadd.s32 $0xE000, s15;
	s9 =	simm.s32 @!p0 $0xFFFFFFE7;
	p0 =	slt.s32 s6, $0x1A  }
0x45: {  	v14 =	vsel vm4, $0x435A0000, v14;
	v1 =	vsel vm3, $0x41D80000, v1;
	v4 =	vsel vm3, $0x426C0000, v4;
	s5 =	sadd.s32 s0, s5;
	s8 =	sshrl.u32 s16, $0x3;
	s18 =	sshrl.u32 s17, $0x3  }
0x46: {  	v5 =	vsel vm3, $0x42960000, v5;
	v6 =	vsel vm3, $0x42B60000, v6;
	v7 =	vsel vm3, $0x42D60000, v7;
	s9 =	sadd.s32 s9, s6;
	[dreg:$0x7] =	wrdreg s5;
	s8 =	sadd.s32 s0, s8  }
0x47: {  	v8 =	vsel vm3, $0x42F60000, v8;
	v9 =	vsel vm3, $0x430B0000, v9;
	v10 =	vsel vm3, $0x431B0000, v10;
	s5 =	sshrl.u32 s15, $0x3;
	s19 =	sshll.u32 s9, $0xB;
	s9 =	simm.s32 $0x2  }
0x48: {  	v11 =	vsel vm3, $0x432B0000, v11;
	v12 =	vsel vm3, $0x433B0000, v12;
	v13 =	vsel vm3, $0x434B0000, v13;
	[dreg:$0x9] =	wrdreg s8;
	s8 =	sadd.s32 s0, s18;
	s5 =	sadd.s32 s0, s5  }
0x49: {  	v14 =	vsel vm3, $0x435B0000, v14;
	v1 =	vsel vm2, $0x41E00000, v1;
	v4 =	vsel vm2, $0x42700000, v4;
	s9 =	simm.s32 @!p0 $0xFFFFFFE6;
	p0 =	seq.s32 s26, $0x1C;
	[dreg:$0xa] =	wrdreg s8  }
0x4a: {  	v5 =	vsel vm2, $0x42980000, v5;
	v6 =	vsel vm2, $0x42B80000, v6;
	v3 =	vsel vm1, $0x41E80000, v1;
	s8 =	sadd.s32 s7, s19;
	[dreg:$0xb] =	wrdreg s5;
	s9 =	sadd.s32 s9, s6  }
0x4b: {  	v1 =	vsel vm0, $0x41600000, v2;
	v2 =	vsel vm0, $0x41F00000, v3;
	v3 =	vimm.f32 $4.700000000e+01;
	s6 =	sshll.u32 s6, $0xB;
	s20 =	sadd.s32 $0x1C000, s8;
	s21 =	sadd.s32 $0xE000, s8  }
0x4c: {  	v7 =	vsel vm2, $0x42D80000, v7;
	v8 =	vsel vm2, $0x42F80000, v8;
	v3 =	vsel vm14, $0x42000000, v3;
	s9 =	sshll.u32 s9, $0xB;
	s23 =	sshrl.u32 s8, $0x3;
	s6 =	sadd.s32 s6, s7  }
0x4d: {  	v9 =	vsel vm2, $0x430C0000, v9;
	v10 =	vsel vm2, $0x431C0000, v10;
	v3 =	vsel vm13, $0x42040000, v3;
	s5 =	sshrl.u32 s20, $0x3;
	s22 =	sshrl.u32 s21, $0x3;
	s24 =	sadd.s32 s7, s9  }
0x4e: {  	v11 =	vsel vm2, $0x432C0000, v11;
	v12 =	vsel vm2, $0x433C0000, v12;
	v3 =	vsel vm12, $0x42080000, v3;
	s15 =	sadd.s32 s0, s23;
	s9 =	sshll.u32 s26, $0xB;
	s26 =	sadd.s32 $0x38000, s1  }
0x4f: {  	v13 =	vsel vm2, $0x434C0000, v13;
	v14 =	vsel vm2, $0x435C0000, v14;
	v3 =	vsel vm11, $0x420C0000, v3;
	s1 =	sadd.s32 $0x2A000, s1;
	s13 =	sadd.s32 s0, s5;
	s14 =	sadd.s32 s0, s22  }
0x50: {  	v4 =	vsel vm1, $0x42740000, v4;
	v5 =	vsel vm1, $0x429A0000, v5;
	v3 =	vsel vm10, $0x42100000, v3;
	s25 =	sadd.s32 $0x1C000, s24;
	s10 =	sadd.s32 $0xE000, s24;
	s9 =	simm.s32 @p0 $0x0  }
0x51: {  	v6 =	vsel vm1, $0x42BA0000, v6;
	v7 =	vsel vm1, $0x42DA0000, v7;
	v3 =	vsel vm9, $0x42140000, v3;
	s8 =	sshrl.u32 s24, $0x3;
	s22 =	sadd.s32 $0x1C000, s6;
	s24 =	sadd.s32 $0xE000, s6  }
0x52: {  	v8 =	vsel vm1, $0x42FA0000, v8;
	v9 =	vsel vm1, $0x430D0000, v9;
	v3 =	vsel vm7, $0x42180000, v3;
	s6 =	sshrl.u32 s6, $0x3;
	s1 =	sshrl.u32 s1, $0x3;
	s5 =	sshrl.u32 s25, $0x3  }
0x53: {  	v10 =	vsel vm1, $0x431D0000, v10;
	v11 =	vsel vm1, $0x432D0000, v11;
	v3 =	vsel vm8, $0x421C0000, v3;
	s9 =	sadd.s32 s7, s9;
	s18 =	sadd.s32 s0, s8;
	s23 =	sshrl.u32 s22, $0x3  }
0x54: {  	v12 =	vsel vm1, $0x433D0000, v12;
	v13 =	vsel vm1, $0x434D0000, v13;
	v3 =	vsel vm6, $0x42200000, v3;
	s25 =	sshrl.u32 s24, $0x3;
	s24 =	sadd.s32 s0, s6;
	s16 =	sadd.s32 s0, s5  }
0x55: {  	v14 =	vsel vm1, $0x435D0000, v14;
	v4 =	vsel vm0, $0x42780000, v4;
	v3 =	vsel vm5, $0x42240000, v3;
	s5 =	sshrl.u32 s10, $0x3;
	s11 =	sadd.s32 $0x1C000, s9;
	s12 =	sadd.s32 $0xE000, s9  }
0x56: {  	v5 =	vsel vm0, $0x429C0000, v5;
	v6 =	vsel vm0, $0x42BC0000, v6;
	v3 =	vsel vm4, $0x42280000, v3;
	s21 =	sshrl.u32 s9, $0x3;
	s22 =	sadd.s32 s0, s23;
	s23 =	sadd.s32 s0, s25  }
0x57: {  	v7 =	vsel vm0, $0x42DC0000, v7;
	v8 =	vsel vm0, $0x42FC0000, v8;
	v3 =	vsel vm3, $0x422C0000, v3;
	s17 =	sadd.s32 s0, s5;
	s5 =	sshrl.u32 s11, $0x3;
	s20 =	sshrl.u32 s12, $0x3  }
0x58: {  	v9 =	vsel vm0, $0x430E0000, v9;
	v10 =	vsel vm0, $0x431E0000, v10;
	v3 =	vsel vm2, $0x42300000, v3;
	s21 =	sadd.s32 s0, s21;
	s19 =	sadd.s32 s0, s5;
	s20 =	sadd.s32 s0, s20  }
0x59: {  	v11 =	vsel vm0, $0x432E0000, v11;
	v12 =	vsel vm0, $0x433E0000, v12;
	v3 =	vsel vm1, $0x42340000, v3;
	s5 =	sshrl.u32 s26, $0x3;
	s26 =	sadd.s32 s0, s1;
	s1 =	simm.s32 $0x4000  }
0x5a: {  	v13 =	vsel vm0, $0x434E0000, v13;
	v14 =	vsel vm0, $0x435E0000, v14;
	v3 =	vsel vm0, $0x42380000, v3;
	s25 =	sadd.s32 s0, s5;
	s0 =	simm.s32 $0x7000;
	s5 =	simm.s32 $0x0  }
.LBB2_2:
0x5b: {  	s6 =	simm.s32 $0x0  }
0x5c: {  	[tilespmem:s6], [sflag:$0x1] =	stream.linear.gather [hbm4b:s26+s6], $0x2000, $0x38;
	[tilespmem:$0x13000] =	vst v63  }
0x5d: {  	s7 =	simm.s32 $0x2000  }
0x5e: {  	[tilespmem:s7], [sflag:$0x1] =	stream.linear.gather [hbm4b:s25+s6], $0x2000, $0x38;
	[tilespmem:$0x13000] =	vst v63  }
0x5f: {  	_ = 	snop  }
0x60: {  	[tilespmem:s1], [sflag:$0x1] =	stream.linear.gather [hbm4b:s24+s6], $0x800, $0x38;
	[tilespmem:$0x13000] =	vst v63  }
0x61: {  	_ = 	snop  }
0x62: {  	[tilespmem:s0], [sflag:$0x1] =	stream.linear.gather [hbm4b:s23+s6], $0x800, $0x38;
	[tilespmem:$0x13000] =	vst v63  }
0x63: {  	_ = 	snop  }
0x64: {  	[tilespmem:s4], [sflag:$0x1] =	stream.linear.gather [hbm4b:s22+s6], $0x800, $0x38;
	[tilespmem:$0x13000] =	vst v63  }
0x65: {  	s11 =	simm.s32 $0x4800  }
0x66: {  	[tilespmem:s11], [sflag:$0x1] =	stream.linear.gather [hbm4b:s21+s6], $0x800, $0x38;
	[tilespmem:$0x13000] =	vst v63  }
0x67: {  	s12 =	simm.s32 $0x7800  }
0x68: {  	[tilespmem:s12], [sflag:$0x1] =	stream.linear.gather [hbm4b:s20+s6], $0x800, $0x38;
	[tilespmem:$0x13000] =	vst v63  }
0x69: {  	s8 =	simm.s32 $0xA800  }
0x6a: {  	[tilespmem:s8], [sflag:$0x1] =	stream.linear.gather [hbm4b:s19+s6], $0x800, $0x38;
	[tilespmem:$0x13000] =	vst v63  }
0x6b: {  	s9 =	simm.s32 $0x5000  }
0x6c: {  	[tilespmem:s9], [sflag:$0x1] =	stream.linear.gather [hbm4b:s18+s6], $0x800, $0x38;
	[tilespmem:$0x13000] =	vst v63  }
0x6d: {  	s10 =	simm.s32 $0x8000  }
0x6e: {  	[tilespmem:s10], [sflag:$0x1] =	stream.linear.gather [hbm4b:s17+s6], $0x800, $0x38;
	[tilespmem:$0x13000] =	vst v63  }
0x6f: {  	s11 =	simm.s32 $0xB000  }
0x70: {  	[tilespmem:s11], [sflag:$0x1] =	stream.linear.gather [hbm4b:s16+s6], $0x800, $0x38;
	[tilespmem:$0x13000] =	vst v63  }
0x71: {  	s12 =	simm.s32 $0x5800  }
0x72: {  	[tilespmem:s12], [sflag:$0x2] =	stream.linear.gather [hbm4b:s15+s6], $0x800, $0x38;
	[tilespmem:$0x13000] =	vst v63  }
0x73: {  	s8 =	simm.s32 $0x8800  }
0x74: {  	[tilespmem:s8], [sflag:$0x2] =	stream.linear.gather [hbm4b:s14+s6], $0x800, $0x38;
	[tilespmem:$0x13000] =	vst v63  }
0x75: {  	s9 =	simm.s32 $0xB800  }
0x76: {  	[tilespmem:s9], [sflag:$0x2] =	stream.linear.gather [hbm4b:s13+s6], $0x800, $0x38;
	[tilespmem:$0x13000] =	vst v63  }
0x77: {  	s10 =	rddreg [dreg:$0xb];
	s8 =	simm.s32 $0x6000  }
0x78: {  	[tilespmem:s8], [sflag:$0x2] =	stream.linear.gather [hbm4b:s10+s6], $0x800, $0x38;
	[tilespmem:$0x13000] =	vst v63  }
0x79: {  	s11 =	rddreg [dreg:$0xa];
	s12 =	simm.s32 $0x9000  }
0x7a: {  	[tilespmem:s12], [sflag:$0x2] =	stream.linear.gather [hbm4b:s11+s6], $0x800, $0x38;
	[tilespmem:$0x13000] =	vst v63  }
0x7b: {  	s9 =	rddreg [dreg:$0x9];
	s10 =	simm.s32 $0xC000  }
0x7c: {  	[tilespmem:s10], [sflag:$0x2] =	stream.linear.gather [hbm4b:s9+s6], $0x800, $0x38;
	[tilespmem:$0x13000] =	vst v63  }
0x7d: {  	s11 =	rddreg [dreg:$0x8];
	s12 =	simm.s32 $0x6800  }
0x7e: {  	[tilespmem:s12], [sflag:$0x2] =	stream.linear.gather [hbm4b:s11+s6], $0x800, $0x38;
	[tilespmem:$0x13000] =	vst v63  }
0x7f: {  	s9 =	rddreg [dreg:$0x7];
	s10 =	simm.s32 $0x9800  }
0x80: {  	[tilespmem:s10], [sflag:$0x2] =	stream.linear.gather [hbm4b:s9+s6], $0x800, $0x38;
	[tilespmem:$0x13000] =	vst v63  }
0x81: {  	s11 =	rddreg [dreg:$0x6];
	s12 =	simm.s32 $0xC800  }
0x82: {  	[tilespmem:s12], [sflag:$0x2] =	stream.linear.gather [hbm4b:s11+s6], $0x800, $0x38;
	[tilespmem:$0x13000] =	vst v63  }
0x83: {  	_ =	swait.ge [sflag:s28], $0x2000  }
0x84: {  	[sflag:s28] =	ssyncset.done $0x0  }
0x85: {  	[sflag:s28] =	ssyncadd.s32 $0xFFFFE000  }
0x86: {  	_ =	swait.ge [sflag:s28], $0x2000  }
0x87: {  	[sflag:s28] =	ssyncset.done $0x0  }
0x88: {  	[sflag:s28] =	ssyncadd.s32 $0xFFFFE000  }
0x89: {  	_ =	swait.ge [sflag:s28], $0x800  }
0x8a: {  	[sflag:s28] =	ssyncset.done $0x0  }
0x8b: {  	[sflag:s28] =	ssyncadd.s32 $0xFFFFF800  }
0x8c: {  	_ =	swait.ge [sflag:s28], $0x800  }
0x8d: {  	[sflag:s28] =	ssyncset.done $0x0  }
0x8e: {  	[sflag:s28] =	ssyncadd.s32 $0xFFFFF800  }
0x8f: {  	_ =	swait.ge [sflag:s28], $0x800  }
0x90: {  	[sflag:s28] =	ssyncset.done $0x0  }
0x91: {  	[sflag:s28] =	ssyncadd.s32 $0xFFFFF800  }
0x92: {  	_ =	swait.ge [sflag:s28], $0x800  }
0x93: {  	[sflag:s28] =	ssyncset.done $0x0  }
0x94: {  	[sflag:s28] =	ssyncadd.s32 $0xFFFFF800  }
0x95: {  	_ =	swait.ge [sflag:s28], $0x800  }
0x96: {  	[sflag:s28] =	ssyncset.done $0x0  }
0x97: {  	[sflag:s28] =	ssyncadd.s32 $0xFFFFF800  }
0x98: {  	_ =	swait.ge [sflag:s28], $0x800  }
0x99: {  	[sflag:s28] =	ssyncset.done $0x0  }
0x9a: {  	[sflag:s28] =	ssyncadd.s32 $0xFFFFF800  }
0x9b: {  	_ =	swait.ge [sflag:s28], $0x800  }
0x9c: {  	[sflag:s28] =	ssyncset.done $0x0  }
0x9d: {  	[sflag:s28] =	ssyncadd.s32 $0xFFFFF800  }
0x9e: {  	_ =	swait.ge [sflag:s28], $0x800  }
0x9f: {  	[sflag:s28] =	ssyncset.done $0x0  }
0xa0: {  	[sflag:s28] =	ssyncadd.s32 $0xFFFFF800  }
0xa1: {  	_ =	swait.ge [sflag:s28], $0x800  }
0xa2: {  	[sflag:s28] =	ssyncset.done $0x0  }
0xa3: {  	[sflag:s28] =	ssyncadd.s32 $0xFFFFF800  }
0xa4: {  	_ =	swait.ge [sflag:s31], $0x800  }
0xa5: {  	[sflag:s31] =	ssyncset.done $0x0  }
0xa6: {  	[sflag:s31] =	ssyncadd.s32 $0xFFFFF800  }
0xa7: {  	_ =	swait.ge [sflag:s31], $0x800  }
0xa8: {  	[sflag:s31] =	ssyncset.done $0x0  }
0xa9: {  	[sflag:s31] =	ssyncadd.s32 $0xFFFFF800  }
0xaa: {  	_ =	swait.ge [sflag:s31], $0x800  }
0xab: {  	[sflag:s31] =	ssyncset.done $0x0  }
0xac: {  	[sflag:s31] =	ssyncadd.s32 $0xFFFFF800  }
0xad: {  	_ =	swait.ge [sflag:s31], $0x800  }
0xae: {  	[sflag:s31] =	ssyncset.done $0x0  }
0xaf: {  	[sflag:s31] =	ssyncadd.s32 $0xFFFFF800  }
0xb0: {  	_ =	swait.ge [sflag:s31], $0x800  }
0xb1: {  	[sflag:s31] =	ssyncset.done $0x0  }
0xb2: {  	[sflag:s31] =	ssyncadd.s32 $0xFFFFF800  }
0xb3: {  	_ =	swait.ge [sflag:s31], $0x800  }
0xb4: {  	[sflag:s31] =	ssyncset.done $0x0  }
0xb5: {  	[sflag:s31] =	ssyncadd.s32 $0xFFFFF800  }
0xb6: {  	_ =	swait.ge [sflag:s31], $0x800  }
0xb7: {  	[sflag:s31] =	ssyncset.done $0x0  }
0xb8: {  	[sflag:s31] =	ssyncadd.s32 $0xFFFFF800  }
0xb9: {  	_ =	swait.ge [sflag:s31], $0x800  }
0xba: {  	[sflag:s31] =	ssyncset.done $0x0  }
0xbb: {  	[sflag:s31] =	ssyncadd.s32 $0xFFFFF800  }
0xbc: {  	_ =	swait.ge [sflag:s31], $0x800  }
0xbd: {  	[sflag:s31] =	ssyncset.done $0x0  }
0xbe: {  	s7 =	simm.s32 $0xFFFFFFFE;
	s8 =	simm.s32 $0x80;
	[sflag:s31] =	ssyncadd.s32 $0xFFFFF800  }
.LBB2_3:
0xbf: {  	s10 =	sadd.s32 $0xFFFFFF80, s8  }
0xc0: {  	s9 =	sand.u32 $0x1800, s6;
	s10 =	sand.u32 $0x300, s10  }
0xc1: {  	s11 =	sor.u32 s10, s9  }
0xc2: {  	v15 =	vld [tilespmem:s11+$0x2000]  }
0xc3: {  	s10 =	sadd.s32 s7, s3  }
0xc4: {  	s12 =	sadd.s32 $0x2, s10  }
0xc5: {  	s12 =	scvt.s32.f32 s12;
	_ =	sdelay $0x1  }
0xc6: {  	v15 =	vadd.f32 s12, v15;
	_ =	sdelay $0x1  }
0xc7: {  	v16 =	vld [tilespmem:s11+$0x0];
	v17 =	vadd.f32 $-2.240000000e+02, v15  }
0xc8: {  	v18 =	vadd.f32 $2.240000000e+02, v15;
	vm0 =	vge.f32 v15, $2.240000000e+02  }
0xc9: {  	vm1 =	vlt.f32 v15, $0.0e+00;
	v15 =	vsel vm0, v17, v15  }
0xca: {  	v15 =	vsel vm1, v18, v15  }
0xcb: {  	v15 =	vtrunc.f32 v15  }
0xcc: {  	v16 =	vadd.f32 v1, v16;
	v15 =	vcvt.f32.s32 v15;
	_ =	sdelay $0x1  }
0xcd: {  	v33 =	vadd.f32 $-2.240000000e+02, v16;
	vm13 =	vlt.s32 v15, $0xDF  }
0xce: {  	v34 =	vadd.f32 $2.240000000e+02, v16;
	vm12 =	vge.f32 v16, $2.240000000e+02;
	v15 =	vnsel vm13, $0xDF, v15  }
0xcf: {  	vm14 =	vlt.f32 v16, $0.0e+00;
	v17 =	vsel vm12, v33, v16;
	v15 =	vadd.s32 v0, v15  }
0xd0: {  	v36 =	vld [tilespmem:s11+$0x2010];
	v16 =	vsel vm14, v34, v17;
	vm15 =	vlt.s32 v15, $0x0;
	v35 =	vadd.s32 $0xE0, v15  }
0xd1: {  	v16 =	vtrunc.f32 v16;
	v15 =	vsel vm15, v35, v15  }
0xd2: {  	v16 =	vcvt.f32.s32 v16;
	vm0 =	vgt.s32 v15, $0xDF;
	v37 =	vadd.s32 $0xFFFFFF20, v15  }
0xd3: {  	v15 =	vsel vm0, v37, v15  }
0xd4: {  	vm4 =	vlt.s32 v16, $0xDF;
	vm0 =	vlt.s32 v15, $0x2F  }
0xd5: {  	v17 =	vadd.f32 s12, v36;
	v16 =	vnsel vm4, $0xDF, v16;
	v15 =	vnsel vm0, $0x2F, v15  }
0xd6: {  	v38 =	vand.u32 $0x7F, v16;
	v16 =	vshll.u32 v16, $0x3;
	v19 =	vshll.u32 v15, $0x8  }
0xd7: {  	v16 =	vand.u32 $0xFFFFFC00, v16;
	v15 =	vshll.u32 v15, $0x7;
	v19 =	vand.u32 $0xFFFFF800, v19  }
0xd8: {  	v20 =	vld [tilespmem:s11+$0x10];
	v39 =	vadd.f32 $-2.240000000e+02, v17;
	v15 =	vand.u32 $0x380, v15;
	v16 =	vadd.s32 v16, v19  }
0xd9: {  	v40 =	vadd.f32 $2.240000000e+02, v17;
	vm5 =	vge.f32 v17, $2.240000000e+02;
	v15 =	vor.u32 v15, v16  }
0xda: {  	vm6 =	vlt.f32 v17, $0.0e+00;
	v17 =	vsel vm5, v39, v17;
	v15 =	vor.u32 v38, v15  }
0xdb: {  	v16 =	vsel vm6, v40, v17  }
0xdc: {  	v16 =	vtrunc.f32 v16  }
0xdd: {  	v41 =	vadd.f32 v2, v20;
	v16 =	vcvt.f32.s32 v16;
	_ =	sdelay $0x1  }
0xde: {  	v42 =	vadd.f32 $-2.240000000e+02, v41;
	vm8 =	vlt.s32 v16, $0xDF;
	v43 =	vld.idx.msk [tilespmem:v15+s1+$0x0], $0xffff  }
0xdf: {  	v20 =	vadd.f32 $2.240000000e+02, v41;
	vm7 =	vge.f32 v41, $2.240000000e+02;
	v16 =	vnsel vm8, $0xDF, v16  }
0xe0: {  	vm9 =	vlt.f32 v41, $0.0e+00;
	v18 =	vsel vm7, v42, v41;
	v16 =	vadd.s32 v0, v16  }
0xe1: {  	v45 =	vld [tilespmem:s11+$0x2020];
	v17 =	vsel vm9, v20, v18;
	vm10 =	vlt.s32 v16, $0x0;
	v44 =	vadd.s32 $0xE0, v16  }
0xe2: {  	v17 =	vtrunc.f32 v17;
	v16 =	vsel vm10, v44, v16  }
0xe3: {  	v17 =	vcvt.f32.s32 v17;
	vm0 =	vgt.s32 v16, $0xDF;
	v46 =	vadd.s32 $0xFFFFFF20, v16;
	[tilespmem:s11+$0xD000] =	vst v43  }
0xe4: {  	v16 =	vsel vm0, v46, v16;
	v47 =	vld.idx.msk [tilespmem:v15+s0+$0x0], $0xffff  }
0xe5: {  	vm11 =	vlt.s32 v17, $0xDF;
	vm0 =	vlt.s32 v16, $0x2F  }
0xe6: {  	v18 =	vadd.f32 s12, v45;
	v17 =	vnsel vm11, $0xDF, v17;
	v16 =	vnsel vm0, $0x2F, v16  }
0xe7: {  	v48 =	vand.u32 $0x7F, v17;
	v17 =	vshll.u32 v17, $0x3;
	v21 =	vshll.u32 v16, $0x8  }
0xe8: {  	v17 =	vand.u32 $0xFFFFFC00, v17;
	v16 =	vshll.u32 v16, $0x7;
	v21 =	vand.u32 $0xFFFFF800, v21  }
0xe9: {  	v22 =	vld [tilespmem:s11+$0x20];
	v49 =	vadd.f32 $-2.240000000e+02, v18;
	v16 =	vand.u32 $0x380, v16;
	v17 =	vadd.s32 v17, v21;
	[tilespmem:s11+$0xF000] =	vst v47  }
0xea: {  	v50 =	vadd.f32 $2.240000000e+02, v18;
	vm12 =	vge.f32 v18, $2.240000000e+02;
	v16 =	vor.u32 v16, v17;
	v15 =	vld.idx.msk [tilespmem:v15+s4+$0x0], $0xffff  }
0xeb: {  	vm13 =	vlt.f32 v18, $0.0e+00;
	v18 =	vsel vm12, v49, v18;
	v16 =	vor.u32 v48, v16  }
0xec: {  	v17 =	vsel vm13, v50, v18  }
0xed: {  	v17 =	vtrunc.f32 v17  }
0xee: {  	v51 =	vadd.f32 v3, v22;
	v17 =	vcvt.f32.s32 v17  }
0xef: {  	[tilespmem:s11+$0x11000] =	vst v15  }
0xf0: {  	vm15 =	vlt.s32 v17, $0xDF;
	v15 =	vadd.f32 $-2.240000000e+02, v51;
	v19 =	vld.idx.msk [tilespmem:v16+s1+$0x0], $0xffff  }
0xf1: {  	v52 =	vadd.f32 $2.240000000e+02, v51;
	vm14 =	vge.f32 v51, $2.240000000e+02;
	v17 =	vnsel vm15, $0xDF, v17  }
0xf2: {  	vm4 =	vlt.f32 v51, $0.0e+00;
	v17 =	vadd.s32 v0, v17;
	v15 =	vsel vm14, v15, v51  }
0xf3: {  	v54 =	vld [tilespmem:s11+$0x2030];
	vm5 =	vlt.s32 v17, $0x0;
	v53 =	vadd.s32 $0xE0, v17;
	v15 =	vsel vm4, v52, v15  }
0xf4: {  	v17 =	vsel vm5, v53, v17;
	v15 =	vtrunc.f32 v15  }
0xf5: {  	vm0 =	vgt.s32 v17, $0xDF;
	v55 =	vadd.s32 $0xFFFFFF20, v17;
	v15 =	vcvt.f32.s32 v15;
	[tilespmem:s11+$0xD010] =	vst v19  }
0xf6: {  	v17 =	vsel vm0, v55, v17;
	v56 =	vld.idx.msk [tilespmem:v16+s0+$0x0], $0xffff  }
0xf7: {  	vm0 =	vlt.s32 v17, $0x2F;
	vm6 =	vlt.s32 v15, $0xDF  }
0xf8: {  	v18 =	vadd.f32 s12, v54;
	v17 =	vnsel vm0, $0x2F, v17;
	v15 =	vnsel vm6, $0xDF, v15  }
0xf9: {  	v58 =	vshll.u32 v17, $0x8;
	v57 =	vand.u32 $0x7F, v15;
	v15 =	vshll.u32 v15, $0x3  }
0xfa: {  	v17 =	vshll.u32 v17, $0x7;
	v21 =	vand.u32 $0xFFFFF800, v58;
	v15 =	vand.u32 $0xFFFFFC00, v15  }
0xfb: {  	v59 =	vld [tilespmem:s11+$0x30];
	v60 =	vadd.f32 $-2.240000000e+02, v18;
	v17 =	vand.u32 $0x380, v17;
	v15 =	vadd.s32 v15, v21;
	[tilespmem:s11+$0xF010] =	vst v56  }
0xfc: {  	v61 =	vadd.f32 $2.240000000e+02, v18;
	vm7 =	vge.f32 v18, $2.240000000e+02;
	v15 =	vor.u32 v17, v15;
	v16 =	vld.idx.msk [tilespmem:v16+s4+$0x0], $0xffff  }
0xfd: {  	vm8 =	vlt.f32 v18, $0.0e+00;
	v18 =	vsel vm7, v60, v18;
	v15 =	vor.u32 v57, v15  }
0xfe: {  	v17 =	vsel vm8, v61, v18  }
0xff: {  	v17 =	vtrunc.f32 v17  }
0x100: {  	v62 =	vadd.f32 v4, v59;
	v17 =	vcvt.f32.s32 v17  }
0x101: {  	[tilespmem:s11+$0x11010] =	vst v16  }
0x102: {  	v63 =	vadd.f32 $-2.240000000e+02, v62;
	vm10 =	vlt.s32 v17, $0xDF;
	v19 =	vld.idx.msk [tilespmem:v15+s1+$0x0], $0xffff  }
0x103: {  	v24 =	vadd.f32 $2.240000000e+02, v62;
	vm9 =	vge.f32 v62, $2.240000000e+02;
	v17 =	vnsel vm10, $0xDF, v17  }
0x104: {  	vm11 =	vlt.f32 v62, $0.0e+00;
	v16 =	vsel vm9, v63, v62;
	v17 =	vadd.s32 v0, v17  }
0x105: {  	v26 =	vld [tilespmem:s11+$0x2040];
	v16 =	vsel vm11, v24, v16;
	vm12 =	vlt.s32 v17, $0x0;
	v25 =	vadd.s32 $0xE0, v17  }
0x106: {  	v16 =	vtrunc.f32 v16;
	v17 =	vsel vm12, v25, v17  }
0x107: {  	v16 =	vcvt.f32.s32 v16;
	vm0 =	vgt.s32 v17, $0xDF;
	v27 =	vadd.s32 $0xFFFFFF20, v17;
	[tilespmem:s11+$0xD020] =	vst v19  }
0x108: {  	v17 =	vsel vm0, v27, v17;
	v28 =	vld.idx.msk [tilespmem:v15+s0+$0x0], $0xffff  }
0x109: {  	vm13 =	vlt.s32 v16, $0xDF;
	vm0 =	vlt.s32 v17, $0x2F  }
0x10a: {  	v18 =	vadd.f32 s12, v26;
	v16 =	vnsel vm13, $0xDF, v16;
	v17 =	vnsel vm0, $0x2F, v17  }
0x10b: {  	v29 =	vand.u32 $0x7F, v16;
	v30 =	vshll.u32 v17, $0x8;
	v16 =	vshll.u32 v16, $0x3  }
0x10c: {  	v17 =	vshll.u32 v17, $0x7;
	v21 =	vand.u32 $0xFFFFF800, v30;
	v16 =	vand.u32 $0xFFFFFC00, v16  }
0x10d: {  	v31 =	vld [tilespmem:s11+$0x40];
	v32 =	vadd.f32 $-2.240000000e+02, v18;
	v17 =	vand.u32 $0x380, v17;
	v16 =	vadd.s32 v16, v21;
	[tilespmem:s11+$0xF020] =	vst v28  }
0x10e: {  	v33 =	vadd.f32 $2.240000000e+02, v18;
	vm14 =	vge.f32 v18, $2.240000000e+02;
	v16 =	vor.u32 v17, v16;
	v15 =	vld.idx.msk [tilespmem:v15+s4+$0x0], $0xffff  }
0x10f: {  	vm15 =	vlt.f32 v18, $0.0e+00;
	v18 =	vsel vm14, v32, v18;
	v16 =	vor.u32 v29, v16  }
0x110: {  	v17 =	vsel vm15, v33, v18  }
0x111: {  	v17 =	vtrunc.f32 v17  }
0x112: {  	v34 =	vadd.f32 v5, v31;
	v17 =	vcvt.f32.s32 v17  }
0x113: {  	[tilespmem:s11+$0x11020] =	vst v15  }
0x114: {  	vm5 =	vlt.s32 v17, $0xDF;
	v15 =	vadd.f32 $-2.240000000e+02, v34;
	v19 =	vld.idx.msk [tilespmem:v16+s1+$0x0], $0xffff  }
0x115: {  	v35 =	vadd.f32 $2.240000000e+02, v34;
	vm4 =	vge.f32 v34, $2.240000000e+02;
	v17 =	vnsel vm5, $0xDF, v17  }
0x116: {  	vm6 =	vlt.f32 v34, $0.0e+00;
	v17 =	vadd.s32 v0, v17;
	v15 =	vsel vm4, v15, v34  }
0x117: {  	v37 =	vld [tilespmem:s11+$0x2050];
	vm7 =	vlt.s32 v17, $0x0;
	v36 =	vadd.s32 $0xE0, v17;
	v15 =	vsel vm6, v35, v15  }
0x118: {  	v17 =	vsel vm7, v36, v17;
	v15 =	vtrunc.f32 v15  }
0x119: {  	vm0 =	vgt.s32 v17, $0xDF;
	v38 =	vadd.s32 $0xFFFFFF20, v17;
	v15 =	vcvt.f32.s32 v15;
	[tilespmem:s11+$0xD030] =	vst v19  }
0x11a: {  	v17 =	vsel vm0, v38, v17;
	v39 =	vld.idx.msk [tilespmem:v16+s0+$0x0], $0xffff  }
0x11b: {  	vm0 =	vlt.s32 v17, $0x2F;
	vm8 =	vlt.s32 v15, $0xDF  }
0x11c: {  	v18 =	vadd.f32 s12, v37;
	v17 =	vnsel vm0, $0x2F, v17;
	v15 =	vnsel vm8, $0xDF, v15  }
0x11d: {  	v41 =	vshll.u32 v17, $0x8;
	v40 =	vand.u32 $0x7F, v15;
	v15 =	vshll.u32 v15, $0x3  }
0x11e: {  	v17 =	vshll.u32 v17, $0x7;
	v21 =	vand.u32 $0xFFFFF800, v41;
	v15 =	vand.u32 $0xFFFFFC00, v15  }
0x11f: {  	v42 =	vld [tilespmem:s11+$0x50];
	v43 =	vadd.f32 $-2.240000000e+02, v18;
	v17 =	vand.u32 $0x380, v17;
	v15 =	vadd.s32 v15, v21;
	[tilespmem:s11+$0xF030] =	vst v39  }
0x120: {  	v44 =	vadd.f32 $2.240000000e+02, v18;
	vm9 =	vge.f32 v18, $2.240000000e+02;
	v15 =	vor.u32 v17, v15;
	v16 =	vld.idx.msk [tilespmem:v16+s4+$0x0], $0xffff  }
0x121: {  	vm10 =	vlt.f32 v18, $0.0e+00;
	v18 =	vsel vm9, v43, v18;
	v15 =	vor.u32 v40, v15  }
0x122: {  	v17 =	vsel vm10, v44, v18  }
0x123: {  	v17 =	vtrunc.f32 v17  }
0x124: {  	v45 =	vadd.f32 v6, v42;
	v17 =	vcvt.f32.s32 v17  }
0x125: {  	[tilespmem:s11+$0x11030] =	vst v16  }
0x126: {  	v46 =	vadd.f32 $-2.240000000e+02, v45;
	vm12 =	vlt.s32 v17, $0xDF;
	v19 =	vld.idx.msk [tilespmem:v15+s1+$0x0], $0xffff  }
0x127: {  	v47 =	vadd.f32 $2.240000000e+02, v45;
	vm11 =	vge.f32 v45, $2.240000000e+02;
	v17 =	vnsel vm12, $0xDF, v17  }
0x128: {  	vm13 =	vlt.f32 v45, $0.0e+00;
	v16 =	vsel vm11, v46, v45;
	v17 =	vadd.s32 v0, v17  }
0x129: {  	v49 =	vld [tilespmem:s11+$0x2060];
	v16 =	vsel vm13, v47, v16;
	vm14 =	vlt.s32 v17, $0x0;
	v48 =	vadd.s32 $0xE0, v17  }
0x12a: {  	v16 =	vtrunc.f32 v16;
	v17 =	vsel vm14, v48, v17  }
0x12b: {  	v16 =	vcvt.f32.s32 v16;
	vm0 =	vgt.s32 v17, $0xDF;
	v50 =	vadd.s32 $0xFFFFFF20, v17;
	[tilespmem:s11+$0xD040] =	vst v19  }
0x12c: {  	v17 =	vsel vm0, v50, v17;
	v51 =	vld.idx.msk [tilespmem:v15+s0+$0x0], $0xffff  }
0x12d: {  	vm15 =	vlt.s32 v16, $0xDF;
	vm0 =	vlt.s32 v17, $0x2F  }
0x12e: {  	v18 =	vadd.f32 s12, v49;
	v16 =	vnsel vm15, $0xDF, v16;
	v17 =	vnsel vm0, $0x2F, v17  }
0x12f: {  	v52 =	vand.u32 $0x7F, v16;
	v53 =	vshll.u32 v17, $0x8;
	v16 =	vshll.u32 v16, $0x3  }
0x130: {  	v17 =	vshll.u32 v17, $0x7;
	v21 =	vand.u32 $0xFFFFF800, v53;
	v16 =	vand.u32 $0xFFFFFC00, v16  }
0x131: {  	v54 =	vld [tilespmem:s11+$0x60];
	v55 =	vadd.f32 $-2.240000000e+02, v18;
	v17 =	vand.u32 $0x380, v17;
	v16 =	vadd.s32 v16, v21;
	[tilespmem:s11+$0xF040] =	vst v51  }
0x132: {  	v56 =	vadd.f32 $2.240000000e+02, v18;
	vm4 =	vge.f32 v18, $2.240000000e+02;
	v16 =	vor.u32 v17, v16;
	v15 =	vld.idx.msk [tilespmem:v15+s4+$0x0], $0xffff  }
0x133: {  	vm5 =	vlt.f32 v18, $0.0e+00;
	v18 =	vsel vm4, v55, v18;
	v16 =	vor.u32 v52, v16  }
0x134: {  	v17 =	vsel vm5, v56, v18  }
0x135: {  	v17 =	vtrunc.f32 v17  }
0x136: {  	v57 =	vadd.f32 v7, v54;
	v17 =	vcvt.f32.s32 v17  }
0x137: {  	[tilespmem:s11+$0x11040] =	vst v15  }
0x138: {  	vm7 =	vlt.s32 v17, $0xDF;
	v15 =	vadd.f32 $-2.240000000e+02, v57;
	v19 =	vld.idx.msk [tilespmem:v16+s1+$0x0], $0xffff  }
0x139: {  	v58 =	vadd.f32 $2.240000000e+02, v57;
	vm6 =	vge.f32 v57, $2.240000000e+02;
	v17 =	vnsel vm7, $0xDF, v17  }
0x13a: {  	vm8 =	vlt.f32 v57, $0.0e+00;
	v17 =	vadd.s32 v0, v17;
	v15 =	vsel vm6, v15, v57  }
0x13b: {  	v60 =	vld [tilespmem:s11+$0x2070];
	vm9 =	vlt.s32 v17, $0x0;
	v59 =	vadd.s32 $0xE0, v17;
	v15 =	vsel vm8, v58, v15  }
0x13c: {  	v17 =	vsel vm9, v59, v17;
	v15 =	vtrunc.f32 v15  }
0x13d: {  	vm0 =	vgt.s32 v17, $0xDF;
	v61 =	vadd.s32 $0xFFFFFF20, v17;
	v15 =	vcvt.f32.s32 v15;
	[tilespmem:s11+$0xD050] =	vst v19  }
0x13e: {  	v17 =	vsel vm0, v61, v17;
	v62 =	vld.idx.msk [tilespmem:v16+s0+$0x0], $0xffff  }
0x13f: {  	vm0 =	vlt.s32 v17, $0x2F;
	vm10 =	vlt.s32 v15, $0xDF  }
0x140: {  	v18 =	vadd.f32 s12, v60;
	v17 =	vnsel vm0, $0x2F, v17;
	v15 =	vnsel vm10, $0xDF, v15  }
0x141: {  	v24 =	vshll.u32 v17, $0x8;
	v63 =	vand.u32 $0x7F, v15;
	v15 =	vshll.u32 v15, $0x3  }
0x142: {  	v17 =	vshll.u32 v17, $0x7;
	v21 =	vand.u32 $0xFFFFF800, v24;
	v15 =	vand.u32 $0xFFFFFC00, v15  }
0x143: {  	v25 =	vld [tilespmem:s11+$0x70];
	v26 =	vadd.f32 $-2.240000000e+02, v18;
	v17 =	vand.u32 $0x380, v17;
	v15 =	vadd.s32 v15, v21;
	[tilespmem:s11+$0xF050] =	vst v62  }
0x144: {  	v27 =	vadd.f32 $2.240000000e+02, v18;
	vm11 =	vge.f32 v18, $2.240000000e+02;
	v15 =	vor.u32 v17, v15;
	v16 =	vld.idx.msk [tilespmem:v16+s4+$0x0], $0xffff  }
0x145: {  	vm12 =	vlt.f32 v18, $0.0e+00;
	v18 =	vsel vm11, v26, v18;
	v15 =	vor.u32 v63, v15  }
0x146: {  	v17 =	vsel vm12, v27, v18  }
0x147: {  	v17 =	vtrunc.f32 v17  }
0x148: {  	v28 =	vadd.f32 v8, v25;
	v17 =	vcvt.f32.s32 v17  }
0x149: {  	[tilespmem:s11+$0x11050] =	vst v16  }
0x14a: {  	v29 =	vadd.f32 $-2.240000000e+02, v28;
	vm14 =	vlt.s32 v17, $0xDF;
	v19 =	vld.idx.msk [tilespmem:v15+s1+$0x0], $0xffff  }
0x14b: {  	v30 =	vadd.f32 $2.240000000e+02, v28;
	vm13 =	vge.f32 v28, $2.240000000e+02;
	v17 =	vnsel vm14, $0xDF, v17  }
0x14c: {  	vm15 =	vlt.f32 v28, $0.0e+00;
	v16 =	vsel vm13, v29, v28;
	v17 =	vadd.s32 v0, v17  }
0x14d: {  	v32 =	vld [tilespmem:s11+$0x2400];
	v16 =	vsel vm15, v30, v16;
	vm4 =	vlt.s32 v17, $0x0;
	v31 =	vadd.s32 $0xE0, v17  }
0x14e: {  	v16 =	vtrunc.f32 v16;
	v17 =	vsel vm4, v31, v17  }
0x14f: {  	v16 =	vcvt.f32.s32 v16;
	vm0 =	vgt.s32 v17, $0xDF;
	v33 =	vadd.s32 $0xFFFFFF20, v17;
	[tilespmem:s11+$0xD060] =	vst v19  }
0x150: {  	v17 =	vsel vm0, v33, v17;
	v34 =	vld.idx.msk [tilespmem:v15+s0+$0x0], $0xffff  }
0x151: {  	vm5 =	vlt.s32 v16, $0xDF;
	vm0 =	vlt.s32 v17, $0x2F  }
0x152: {  	v18 =	vadd.f32 s12, v32;
	v16 =	vnsel vm5, $0xDF, v16;
	v17 =	vnsel vm0, $0x2F, v17  }
0x153: {  	v35 =	vand.u32 $0x7F, v16;
	v36 =	vshll.u32 v17, $0x8;
	v16 =	vshll.u32 v16, $0x3  }
0x154: {  	v17 =	vshll.u32 v17, $0x7;
	v21 =	vand.u32 $0xFFFFF800, v36;
	v16 =	vand.u32 $0xFFFFFC00, v16  }
0x155: {  	v37 =	vld [tilespmem:s11+$0x400];
	v38 =	vadd.f32 $-2.240000000e+02, v18;
	v17 =	vand.u32 $0x380, v17;
	v16 =	vadd.s32 v16, v21;
	[tilespmem:s11+$0xF060] =	vst v34  }
0x156: {  	v39 =	vadd.f32 $2.240000000e+02, v18;
	vm6 =	vge.f32 v18, $2.240000000e+02;
	v16 =	vor.u32 v17, v16;
	v15 =	vld.idx.msk [tilespmem:v15+s4+$0x0], $0xffff  }
0x157: {  	vm7 =	vlt.f32 v18, $0.0e+00;
	v18 =	vsel vm6, v38, v18;
	v16 =	vor.u32 v35, v16  }
0x158: {  	v17 =	vsel vm7, v39, v18  }
0x159: {  	v17 =	vtrunc.f32 v17  }
0x15a: {  	v40 =	vadd.f32 v9, v37;
	v17 =	vcvt.f32.s32 v17  }
0x15b: {  	[tilespmem:s11+$0x11060] =	vst v15  }
0x15c: {  	vm9 =	vlt.s32 v17, $0xDF;
	v15 =	vadd.f32 $-2.240000000e+02, v40;
	v19 =	vld.idx.msk [tilespmem:v16+s1+$0x0], $0xffff  }
0x15d: {  	v41 =	vadd.f32 $2.240000000e+02, v40;
	vm8 =	vge.f32 v40, $2.240000000e+02;
	v17 =	vnsel vm9, $0xDF, v17  }
0x15e: {  	vm10 =	vlt.f32 v40, $0.0e+00;
	v17 =	vadd.s32 v0, v17;
	v15 =	vsel vm8, v15, v40  }
0x15f: {  	v43 =	vld [tilespmem:s11+$0x2410];
	vm11 =	vlt.s32 v17, $0x0;
	v42 =	vadd.s32 $0xE0, v17;
	v15 =	vsel vm10, v41, v15  }
0x160: {  	v17 =	vsel vm11, v42, v17;
	v15 =	vtrunc.f32 v15  }
0x161: {  	vm0 =	vgt.s32 v17, $0xDF;
	v44 =	vadd.s32 $0xFFFFFF20, v17;
	v15 =	vcvt.f32.s32 v15;
	[tilespmem:s11+$0xD070] =	vst v19  }
0x162: {  	v17 =	vsel vm0, v44, v17;
	v45 =	vld.idx.msk [tilespmem:v16+s0+$0x0], $0xffff  }
0x163: {  	vm0 =	vlt.s32 v17, $0x2F;
	vm12 =	vlt.s32 v15, $0xDF  }
0x164: {  	v18 =	vadd.f32 s12, v43;
	v17 =	vnsel vm0, $0x2F, v17;
	v15 =	vnsel vm12, $0xDF, v15  }
0x165: {  	v47 =	vshll.u32 v17, $0x8;
	v46 =	vand.u32 $0x7F, v15;
	v15 =	vshll.u32 v15, $0x3  }
0x166: {  	v17 =	vshll.u32 v17, $0x7;
	v21 =	vand.u32 $0xFFFFF800, v47;
	v15 =	vand.u32 $0xFFFFFC00, v15  }
0x167: {  	v48 =	vld [tilespmem:s11+$0x410];
	v49 =	vadd.f32 $-2.240000000e+02, v18;
	v17 =	vand.u32 $0x380, v17;
	v15 =	vadd.s32 v15, v21;
	[tilespmem:s11+$0xF070] =	vst v45  }
0x168: {  	v50 =	vadd.f32 $2.240000000e+02, v18;
	vm13 =	vge.f32 v18, $2.240000000e+02;
	v15 =	vor.u32 v17, v15;
	v16 =	vld.idx.msk [tilespmem:v16+s4+$0x0], $0xffff  }
0x169: {  	vm14 =	vlt.f32 v18, $0.0e+00;
	v18 =	vsel vm13, v49, v18;
	v15 =	vor.u32 v46, v15  }
0x16a: {  	v17 =	vsel vm14, v50, v18  }
0x16b: {  	v17 =	vtrunc.f32 v17  }
0x16c: {  	v51 =	vadd.f32 v10, v48;
	v17 =	vcvt.f32.s32 v17  }
0x16d: {  	[tilespmem:s11+$0x11070] =	vst v16  }
0x16e: {  	v52 =	vadd.f32 $-2.240000000e+02, v51;
	vm4 =	vlt.s32 v17, $0xDF;
	v19 =	vld.idx.msk [tilespmem:v15+s1+$0x0], $0xffff  }
0x16f: {  	v53 =	vadd.f32 $2.240000000e+02, v51;
	vm15 =	vge.f32 v51, $2.240000000e+02;
	v17 =	vnsel vm4, $0xDF, v17  }
0x170: {  	vm5 =	vlt.f32 v51, $0.0e+00;
	v16 =	vsel vm15, v52, v51;
	v17 =	vadd.s32 v0, v17  }
0x171: {  	v55 =	vld [tilespmem:s11+$0x2420];
	v16 =	vsel vm5, v53, v16;
	vm6 =	vlt.s32 v17, $0x0;
	v54 =	vadd.s32 $0xE0, v17  }
0x172: {  	v16 =	vtrunc.f32 v16;
	v17 =	vsel vm6, v54, v17  }
0x173: {  	v16 =	vcvt.f32.s32 v16;
	vm0 =	vgt.s32 v17, $0xDF;
	v56 =	vadd.s32 $0xFFFFFF20, v17;
	[tilespmem:s11+$0xD400] =	vst v19  }
0x174: {  	v17 =	vsel vm0, v56, v17;
	v57 =	vld.idx.msk [tilespmem:v15+s0+$0x0], $0xffff  }
0x175: {  	vm7 =	vlt.s32 v16, $0xDF;
	vm0 =	vlt.s32 v17, $0x2F  }
0x176: {  	v18 =	vadd.f32 s12, v55;
	v16 =	vnsel vm7, $0xDF, v16;
	v17 =	vnsel vm0, $0x2F, v17  }
0x177: {  	v58 =	vand.u32 $0x7F, v16;
	v59 =	vshll.u32 v17, $0x8;
	v16 =	vshll.u32 v16, $0x3  }
0x178: {  	v17 =	vshll.u32 v17, $0x7;
	v21 =	vand.u32 $0xFFFFF800, v59;
	v16 =	vand.u32 $0xFFFFFC00, v16  }
0x179: {  	v60 =	vld [tilespmem:s11+$0x420];
	v61 =	vadd.f32 $-2.240000000e+02, v18;
	v17 =	vand.u32 $0x380, v17;
	v16 =	vadd.s32 v16, v21;
	[tilespmem:s11+$0xF400] =	vst v57  }
0x17a: {  	v62 =	vadd.f32 $2.240000000e+02, v18;
	vm8 =	vge.f32 v18, $2.240000000e+02;
	v16 =	vor.u32 v17, v16;
	v15 =	vld.idx.msk [tilespmem:v15+s4+$0x0], $0xffff  }
0x17b: {  	vm9 =	vlt.f32 v18, $0.0e+00;
	v18 =	vsel vm8, v61, v18;
	v16 =	vor.u32 v58, v16  }
0x17c: {  	v17 =	vsel vm9, v62, v18  }
0x17d: {  	v17 =	vtrunc.f32 v17  }
0x17e: {  	v63 =	vadd.f32 v11, v60;
	v17 =	vcvt.f32.s32 v17  }
0x17f: {  	[tilespmem:s11+$0x11400] =	vst v15  }
0x180: {  	vm11 =	vlt.s32 v17, $0xDF;
	v15 =	vadd.f32 $-2.240000000e+02, v63;
	v19 =	vld.idx.msk [tilespmem:v16+s1+$0x0], $0xffff  }
0x181: {  	v24 =	vadd.f32 $2.240000000e+02, v63;
	vm10 =	vge.f32 v63, $2.240000000e+02;
	v17 =	vnsel vm11, $0xDF, v17  }
0x182: {  	vm12 =	vlt.f32 v63, $0.0e+00;
	v17 =	vadd.s32 v0, v17;
	v15 =	vsel vm10, v15, v63  }
0x183: {  	v26 =	vld [tilespmem:s11+$0x2430];
	vm13 =	vlt.s32 v17, $0x0;
	v25 =	vadd.s32 $0xE0, v17;
	v15 =	vsel vm12, v24, v15  }
0x184: {  	v17 =	vsel vm13, v25, v17;
	v15 =	vtrunc.f32 v15  }
0x185: {  	vm0 =	vgt.s32 v17, $0xDF;
	v27 =	vadd.s32 $0xFFFFFF20, v17;
	v15 =	vcvt.f32.s32 v15;
	[tilespmem:s11+$0xD410] =	vst v19  }
0x186: {  	v17 =	vsel vm0, v27, v17;
	v28 =	vld.idx.msk [tilespmem:v16+s0+$0x0], $0xffff  }
0x187: {  	vm0 =	vlt.s32 v17, $0x2F;
	vm14 =	vlt.s32 v15, $0xDF  }
0x188: {  	v18 =	vadd.f32 s12, v26;
	v17 =	vnsel vm0, $0x2F, v17;
	v15 =	vnsel vm14, $0xDF, v15  }
0x189: {  	v30 =	vshll.u32 v17, $0x8;
	v29 =	vand.u32 $0x7F, v15;
	v15 =	vshll.u32 v15, $0x3  }
0x18a: {  	v17 =	vshll.u32 v17, $0x7;
	v21 =	vand.u32 $0xFFFFF800, v30;
	v15 =	vand.u32 $0xFFFFFC00, v15  }
0x18b: {  	v31 =	vld [tilespmem:s11+$0x430];
	v32 =	vadd.f32 $-2.240000000e+02, v18;
	v17 =	vand.u32 $0x380, v17;
	v15 =	vadd.s32 v15, v21;
	[tilespmem:s11+$0xF410] =	vst v28  }
0x18c: {  	v33 =	vadd.f32 $2.240000000e+02, v18;
	vm15 =	vge.f32 v18, $2.240000000e+02;
	v15 =	vor.u32 v17, v15;
	v16 =	vld.idx.msk [tilespmem:v16+s4+$0x0], $0xffff  }
0x18d: {  	vm4 =	vlt.f32 v18, $0.0e+00;
	v18 =	vsel vm15, v32, v18;
	v15 =	vor.u32 v29, v15  }
0x18e: {  	v17 =	vsel vm4, v33, v18  }
0x18f: {  	v17 =	vtrunc.f32 v17  }
0x190: {  	v34 =	vadd.f32 v12, v31;
	v17 =	vcvt.f32.s32 v17  }
0x191: {  	[tilespmem:s11+$0x11410] =	vst v16  }
0x192: {  	v35 =	vadd.f32 $-2.240000000e+02, v34;
	vm6 =	vlt.s32 v17, $0xDF;
	v19 =	vld.idx.msk [tilespmem:v15+s1+$0x0], $0xffff  }
0x193: {  	v36 =	vadd.f32 $2.240000000e+02, v34;
	vm5 =	vge.f32 v34, $2.240000000e+02;
	v17 =	vnsel vm6, $0xDF, v17  }
0x194: {  	vm7 =	vlt.f32 v34, $0.0e+00;
	v16 =	vsel vm5, v35, v34;
	v17 =	vadd.s32 v0, v17  }
0x195: {  	v38 =	vld [tilespmem:s11+$0x2440];
	v16 =	vsel vm7, v36, v16;
	vm8 =	vlt.s32 v17, $0x0;
	v37 =	vadd.s32 $0xE0, v17  }
0x196: {  	v16 =	vtrunc.f32 v16;
	v17 =	vsel vm8, v37, v17  }
0x197: {  	v16 =	vcvt.f32.s32 v16;
	vm0 =	vgt.s32 v17, $0xDF;
	v39 =	vadd.s32 $0xFFFFFF20, v17;
	[tilespmem:s11+$0xD420] =	vst v19  }
0x198: {  	v17 =	vsel vm0, v39, v17;
	v40 =	vld.idx.msk [tilespmem:v15+s0+$0x0], $0xffff  }
0x199: {  	vm9 =	vlt.s32 v16, $0xDF;
	vm0 =	vlt.s32 v17, $0x2F  }
0x19a: {  	v18 =	vadd.f32 s12, v38;
	v16 =	vnsel vm9, $0xDF, v16;
	v17 =	vnsel vm0, $0x2F, v17  }
0x19b: {  	v41 =	vand.u32 $0x7F, v16;
	v42 =	vshll.u32 v17, $0x8;
	v16 =	vshll.u32 v16, $0x3  }
0x19c: {  	v17 =	vshll.u32 v17, $0x7;
	v21 =	vand.u32 $0xFFFFF800, v42;
	v16 =	vand.u32 $0xFFFFFC00, v16  }
0x19d: {  	v43 =	vld [tilespmem:s11+$0x440];
	v44 =	vadd.f32 $-2.240000000e+02, v18;
	v17 =	vand.u32 $0x380, v17;
	v16 =	vadd.s32 v16, v21;
	[tilespmem:s11+$0xF420] =	vst v40  }
0x19e: {  	v45 =	vadd.f32 $2.240000000e+02, v18;
	vm10 =	vge.f32 v18, $2.240000000e+02;
	v16 =	vor.u32 v17, v16;
	v15 =	vld.idx.msk [tilespmem:v15+s4+$0x0], $0xffff  }
0x19f: {  	vm11 =	vlt.f32 v18, $0.0e+00;
	v18 =	vsel vm10, v44, v18;
	v16 =	vor.u32 v41, v16  }
0x1a0: {  	v17 =	vsel vm11, v45, v18  }
0x1a1: {  	v17 =	vtrunc.f32 v17  }
0x1a2: {  	v46 =	vadd.f32 v13, v43;
	v17 =	vcvt.f32.s32 v17  }
0x1a3: {  	[tilespmem:s11+$0x11420] =	vst v15  }
0x1a4: {  	vm13 =	vlt.s32 v17, $0xDF;
	v15 =	vadd.f32 $-2.240000000e+02, v46;
	v19 =	vld.idx.msk [tilespmem:v16+s1+$0x0], $0xffff  }
0x1a5: {  	v47 =	vadd.f32 $2.240000000e+02, v46;
	vm12 =	vge.f32 v46, $2.240000000e+02;
	v17 =	vnsel vm13, $0xDF, v17  }
0x1a6: {  	vm14 =	vlt.f32 v46, $0.0e+00;
	v17 =	vadd.s32 v0, v17;
	v15 =	vsel vm12, v15, v46  }
0x1a7: {  	v49 =	vld [tilespmem:s11+$0x2450];
	vm15 =	vlt.s32 v17, $0x0;
	v48 =	vadd.s32 $0xE0, v17;
	v15 =	vsel vm14, v47, v15  }
0x1a8: {  	v17 =	vsel vm15, v48, v17;
	v15 =	vtrunc.f32 v15  }
0x1a9: {  	vm0 =	vgt.s32 v17, $0xDF;
	v50 =	vadd.s32 $0xFFFFFF20, v17;
	v15 =	vcvt.f32.s32 v15;
	[tilespmem:s11+$0xD430] =	vst v19  }
0x1aa: {  	v17 =	vsel vm0, v50, v17;
	v51 =	vld.idx.msk [tilespmem:v16+s0+$0x0], $0xffff  }
0x1ab: {  	vm0 =	vlt.s32 v17, $0x2F;
	vm4 =	vlt.s32 v15, $0xDF  }
0x1ac: {  	v18 =	vadd.f32 s12, v49;
	v17 =	vnsel vm0, $0x2F, v17;
	v15 =	vnsel vm4, $0xDF, v15  }
0x1ad: {  	v53 =	vshll.u32 v17, $0x8;
	v52 =	vand.u32 $0x7F, v15;
	v15 =	vshll.u32 v15, $0x3  }
0x1ae: {  	v17 =	vshll.u32 v17, $0x7;
	v21 =	vand.u32 $0xFFFFF800, v53;
	v15 =	vand.u32 $0xFFFFFC00, v15  }
0x1af: {  	v54 =	vld [tilespmem:s11+$0x450];
	v55 =	vadd.f32 $-2.240000000e+02, v18;
	v17 =	vand.u32 $0x380, v17;
	v15 =	vadd.s32 v15, v21;
	[tilespmem:s11+$0xF430] =	vst v51  }
0x1b0: {  	v56 =	vadd.f32 $2.240000000e+02, v18;
	vm5 =	vge.f32 v18, $2.240000000e+02;
	v15 =	vor.u32 v17, v15;
	v16 =	vld.idx.msk [tilespmem:v16+s4+$0x0], $0xffff  }
0x1b1: {  	vm6 =	vlt.f32 v18, $0.0e+00;
	v18 =	vsel vm5, v55, v18;
	v15 =	vor.u32 v52, v15  }
0x1b2: {  	v17 =	vsel vm6, v56, v18  }
0x1b3: {  	v17 =	vtrunc.f32 v17  }
0x1b4: {  	v57 =	vadd.f32 v14, v54;
	v17 =	vcvt.f32.s32 v17  }
0x1b5: {  	[tilespmem:s11+$0x11430] =	vst v16  }
0x1b6: {  	v58 =	vadd.f32 $-2.240000000e+02, v57;
	vm7 =	vlt.s32 v17, $0xDF;
	v16 =	vld.idx.msk [tilespmem:v15+s1+$0x0], $0xffff  }
0x1b7: {  	v20 =	vadd.f32 $2.240000000e+02, v57;
	vm8 =	vge.f32 v57, $2.240000000e+02;
	v17 =	vnsel vm7, $0xDF, v17  }
0x1b8: {  	vm9 =	vlt.f32 v57, $0.0e+00;
	v18 =	vsel vm8, v58, v57;
	v17 =	vadd.s32 v0, v17  }
0x1b9: {  	v18 =	vsel vm9, v20, v18;
	vm10 =	vlt.s32 v17, $0x0;
	v59 =	vadd.s32 $0xE0, v17  }
0x1ba: {  	v18 =	vtrunc.f32 v18;
	v17 =	vsel vm10, v59, v17  }
0x1bb: {  	v60 =	vcvt.f32.s32 v18;
	vm0 =	vgt.s32 v17, $0xDF;
	v61 =	vadd.s32 $0xFFFFFF20, v17;
	[tilespmem:s11+$0xD440] =	vst v16  }
0x1bc: {  	v17 =	vsel vm0, v61, v17;
	v62 =	vld.idx.msk [tilespmem:v15+s0+$0x0], $0xffff  }
0x1bd: {  	vm11 =	vlt.s32 v60, $0xDF;
	vm12 =	vlt.s32 v17, $0x2F  }
0x1be: {  	v16 =	vnsel vm11, $0xDF, v60;
	v17 =	vnsel vm12, $0x2F, v17  }
0x1bf: {  	v63 =	vshll.u32 v17, $0x8;
	v24 =	vshll.u32 v16, $0x3  }
0x1c0: {  	v17 =	vshll.u32 v17, $0x7;
	v18 =	vand.u32 $0xFFFFF800, v63;
	v20 =	vand.u32 $0xFFFFFC00, v24  }
0x1c1: {  	v17 =	vand.u32 $0x380, v17;
	v18 =	vadd.s32 v20, v18;
	[tilespmem:s11+$0xF440] =	vst v62  }
0x1c2: {  	v16 =	vand.u32 $0x7F, v16;
	v17 =	vor.u32 v17, v18;
	v15 =	vld.idx.msk [tilespmem:v15+s4+$0x0], $0xffff  }
0x1c3: {  	v16 =	vor.u32 v16, v17;
	_ =	sdelay $0x3  }
0x1c4: {  	[tilespmem:s11+$0x11440] =	vst v15  }
0x1c5: {  	v15 =	vld.idx.msk [tilespmem:v16+s1+$0x0], $0xffff;
	_ =	sdelay $0x4  }
0x1c6: {  	[tilespmem:s11+$0xD450] =	vst v15  }
0x1c7: {  	v15 =	vld.idx.msk [tilespmem:v16+s0+$0x0], $0xffff;
	_ =	sdelay $0x4  }
0x1c8: {  	[tilespmem:s11+$0xF450] =	vst v15  }
0x1c9: {  	v15 =	vld.idx.msk [tilespmem:v16+s4+$0x0], $0xffff;
	_ =	sdelay $0x3  }
0x1ca: {  	s12 =	sand.u32 $0x380, s8  }
0x1cb: {  	s9 =	sor.u32 s9, s12;
	[tilespmem:s11+$0x11450] =	vst v15  }
0x1cc: {  	v15 =	vld [tilespmem:s9+$0x2000];
	_ =	sdelay $0x1  }
0x1cd: {  	s10 =	sadd.s32 $0x3, s10  }
0x1ce: {  	s10 =	scvt.s32.f32 s10;
	_ =	sdelay $0x1  }
0x1cf: {  	v15 =	vadd.f32 s10, v15;
	_ =	sdelay $0x1  }
0x1d0: {  	v25 =	vld [tilespmem:s9+$0x0];
	v26 =	vadd.f32 $-2.240000000e+02, v15  }
0x1d1: {  	v27 =	vadd.f32 $2.240000000e+02, v15;
	vm13 =	vge.f32 v15, $2.240000000e+02  }
0x1d2: {  	vm14 =	vlt.f32 v15, $0.0e+00;
	v15 =	vsel vm13, v26, v15  }
0x1d3: {  	v15 =	vsel vm14, v27, v15  }
0x1d4: {  	v15 =	vtrunc.f32 v15  }
0x1d5: {  	v16 =	vadd.f32 v1, v25;
	v15 =	vcvt.f32.s32 v15;
	_ =	sdelay $0x1  }
0x1d6: {  	v28 =	vadd.f32 $-2.240000000e+02, v16;
	vm4 =	vlt.s32 v15, $0xDF  }
0x1d7: {  	v29 =	vadd.f32 $2.240000000e+02, v16;
	vm15 =	vge.f32 v16, $2.240000000e+02;
	v15 =	vnsel vm4, $0xDF, v15  }
0x1d8: {  	vm5 =	vlt.f32 v16, $0.0e+00;
	v17 =	vsel vm15, v28, v16;
	v15 =	vadd.s32 v0, v15  }
0x1d9: {  	v31 =	vld [tilespmem:s9+$0x2010];
	v16 =	vsel vm5, v29, v17;
	vm6 =	vlt.s32 v15, $0x0;
	v30 =	vadd.s32 $0xE0, v15  }
0x1da: {  	v16 =	vtrunc.f32 v16;
	v15 =	vsel vm6, v30, v15  }
0x1db: {  	v16 =	vcvt.f32.s32 v16;
	vm0 =	vgt.s32 v15, $0xDF;
	v32 =	vadd.s32 $0xFFFFFF20, v15  }
0x1dc: {  	v15 =	vsel vm0, v32, v15  }
0x1dd: {  	vm7 =	vlt.s32 v16, $0xDF;
	vm0 =	vlt.s32 v15, $0x2F  }
0x1de: {  	v17 =	vadd.f32 s10, v31;
	v16 =	vnsel vm7, $0xDF, v16;
	v15 =	vnsel vm0, $0x2F, v15  }
0x1df: {  	v33 =	vand.u32 $0x7F, v16;
	v16 =	vshll.u32 v16, $0x3;
	v34 =	vshll.u32 v15, $0x8  }
0x1e0: {  	v16 =	vand.u32 $0xFFFFFC00, v16;
	v15 =	vshll.u32 v15, $0x7;
	v19 =	vand.u32 $0xFFFFF800, v34  }
0x1e1: {  	v35 =	vld [tilespmem:s9+$0x10];
	v36 =	vadd.f32 $-2.240000000e+02, v17;
	v15 =	vand.u32 $0x380, v15;
	v16 =	vadd.s32 v16, v19  }
0x1e2: {  	v37 =	vadd.f32 $2.240000000e+02, v17;
	vm8 =	vge.f32 v17, $2.240000000e+02;
	v15 =	vor.u32 v15, v16  }
0x1e3: {  	vm9 =	vlt.f32 v17, $0.0e+00;
	v17 =	vsel vm8, v36, v17;
	v15 =	vor.u32 v33, v15  }
0x1e4: {  	v16 =	vsel vm9, v37, v17  }
0x1e5: {  	v16 =	vtrunc.f32 v16  }
0x1e6: {  	v38 =	vadd.f32 v2, v35;
	v16 =	vcvt.f32.s32 v16;
	_ =	sdelay $0x1  }
0x1e7: {  	v39 =	vadd.f32 $-2.240000000e+02, v38;
	vm11 =	vlt.s32 v16, $0xDF;
	v40 =	vld.idx.msk [tilespmem:v15+s1+$0x0], $0xffff  }
0x1e8: {  	v20 =	vadd.f32 $2.240000000e+02, v38;
	vm10 =	vge.f32 v38, $2.240000000e+02;
	v16 =	vnsel vm11, $0xDF, v16  }
0x1e9: {  	vm12 =	vlt.f32 v38, $0.0e+00;
	v18 =	vsel vm10, v39, v38;
	v16 =	vadd.s32 v0, v16  }
0x1ea: {  	v42 =	vld [tilespmem:s9+$0x2020];
	v17 =	vsel vm12, v20, v18;
	vm13 =	vlt.s32 v16, $0x0;
	v41 =	vadd.s32 $0xE0, v16  }
0x1eb: {  	v17 =	vtrunc.f32 v17;
	v16 =	vsel vm13, v41, v16  }
0x1ec: {  	v17 =	vcvt.f32.s32 v17;
	vm0 =	vgt.s32 v16, $0xDF;
	v43 =	vadd.s32 $0xFFFFFF20, v16;
	[tilespmem:s9+$0xD000] =	vst v40  }
0x1ed: {  	v16 =	vsel vm0, v43, v16;
	v44 =	vld.idx.msk [tilespmem:v15+s0+$0x0], $0xffff  }
0x1ee: {  	vm14 =	vlt.s32 v17, $0xDF;
	vm0 =	vlt.s32 v16, $0x2F  }
0x1ef: {  	v18 =	vadd.f32 s10, v42;
	v17 =	vnsel vm14, $0xDF, v17;
	v16 =	vnsel vm0, $0x2F, v16  }
0x1f0: {  	v45 =	vand.u32 $0x7F, v17;
	v17 =	vshll.u32 v17, $0x3;
	v46 =	vshll.u32 v16, $0x8  }
0x1f1: {  	v17 =	vand.u32 $0xFFFFFC00, v17;
	v16 =	vshll.u32 v16, $0x7;
	v21 =	vand.u32 $0xFFFFF800, v46  }
0x1f2: {  	v47 =	vld [tilespmem:s9+$0x20];
	v48 =	vadd.f32 $-2.240000000e+02, v18;
	v16 =	vand.u32 $0x380, v16;
	v17 =	vadd.s32 v17, v21;
	[tilespmem:s9+$0xF000] =	vst v44  }
0x1f3: {  	v49 =	vadd.f32 $2.240000000e+02, v18;
	vm15 =	vge.f32 v18, $2.240000000e+02;
	v16 =	vor.u32 v16, v17;
	v15 =	vld.idx.msk [tilespmem:v15+s4+$0x0], $0xffff  }
0x1f4: {  	vm4 =	vlt.f32 v18, $0.0e+00;
	v18 =	vsel vm15, v48, v18;
	v16 =	vor.u32 v45, v16  }
0x1f5: {  	v17 =	vsel vm4, v49, v18  }
0x1f6: {  	v17 =	vtrunc.f32 v17  }
0x1f7: {  	v50 =	vadd.f32 v3, v47;
	v17 =	vcvt.f32.s32 v17  }
0x1f8: {  	[tilespmem:s9+$0x11000] =	vst v15  }
0x1f9: {  	vm6 =	vlt.s32 v17, $0xDF;
	v15 =	vadd.f32 $-2.240000000e+02, v50;
	v19 =	vld.idx.msk [tilespmem:v16+s1+$0x0], $0xffff  }
0x1fa: {  	v51 =	vadd.f32 $2.240000000e+02, v50;
	vm5 =	vge.f32 v50, $2.240000000e+02;
	v17 =	vnsel vm6, $0xDF, v17  }
0x1fb: {  	vm7 =	vlt.f32 v50, $0.0e+00;
	v17 =	vadd.s32 v0, v17;
	v15 =	vsel vm5, v15, v50  }
0x1fc: {  	v53 =	vld [tilespmem:s9+$0x2030];
	vm8 =	vlt.s32 v17, $0x0;
	v52 =	vadd.s32 $0xE0, v17;
	v15 =	vsel vm7, v51, v15  }
0x1fd: {  	v17 =	vsel vm8, v52, v17;
	v15 =	vtrunc.f32 v15  }
0x1fe: {  	vm0 =	vgt.s32 v17, $0xDF;
	v54 =	vadd.s32 $0xFFFFFF20, v17;
	v15 =	vcvt.f32.s32 v15;
	[tilespmem:s9+$0xD010] =	vst v19  }
0x1ff: {  	v17 =	vsel vm0, v54, v17;
	v55 =	vld.idx.msk [tilespmem:v16+s0+$0x0], $0xffff  }
0x200: {  	vm0 =	vlt.s32 v17, $0x2F;
	vm9 =	vlt.s32 v15, $0xDF  }
0x201: {  	v18 =	vadd.f32 s10, v53;
	v17 =	vnsel vm0, $0x2F, v17;
	v15 =	vnsel vm9, $0xDF, v15  }
0x202: {  	v57 =	vshll.u32 v17, $0x8;
	v56 =	vand.u32 $0x7F, v15;
	v15 =	vshll.u32 v15, $0x3  }
0x203: {  	v17 =	vshll.u32 v17, $0x7;
	v21 =	vand.u32 $0xFFFFF800, v57;
	v15 =	vand.u32 $0xFFFFFC00, v15  }
0x204: {  	v58 =	vld [tilespmem:s9+$0x30];
	v59 =	vadd.f32 $-2.240000000e+02, v18;
	v17 =	vand.u32 $0x380, v17;
	v15 =	vadd.s32 v15, v21;
	[tilespmem:s9+$0xF010] =	vst v55  }
0x205: {  	v60 =	vadd.f32 $2.240000000e+02, v18;
	vm10 =	vge.f32 v18, $2.240000000e+02;
	v15 =	vor.u32 v17, v15;
	v16 =	vld.idx.msk [tilespmem:v16+s4+$0x0], $0xffff  }
0x206: {  	vm11 =	vlt.f32 v18, $0.0e+00;
	v18 =	vsel vm10, v59, v18;
	v15 =	vor.u32 v56, v15  }
0x207: {  	v17 =	vsel vm11, v60, v18  }
0x208: {  	v17 =	vtrunc.f32 v17  }
0x209: {  	v61 =	vadd.f32 v4, v58;
	v17 =	vcvt.f32.s32 v17  }
0x20a: {  	[tilespmem:s9+$0x11010] =	vst v16  }
0x20b: {  	v62 =	vadd.f32 $-2.240000000e+02, v61;
	vm13 =	vlt.s32 v17, $0xDF;
	v19 =	vld.idx.msk [tilespmem:v15+s1+$0x0], $0xffff  }
0x20c: {  	v63 =	vadd.f32 $2.240000000e+02, v61;
	vm12 =	vge.f32 v61, $2.240000000e+02;
	v17 =	vnsel vm13, $0xDF, v17  }
0x20d: {  	vm14 =	vlt.f32 v61, $0.0e+00;
	v16 =	vsel vm12, v62, v61;
	v17 =	vadd.s32 v0, v17  }
0x20e: {  	v25 =	vld [tilespmem:s9+$0x2040];
	v16 =	vsel vm14, v63, v16;
	vm15 =	vlt.s32 v17, $0x0;
	v24 =	vadd.s32 $0xE0, v17  }
0x20f: {  	v16 =	vtrunc.f32 v16;
	v17 =	vsel vm15, v24, v17  }
0x210: {  	v16 =	vcvt.f32.s32 v16;
	vm0 =	vgt.s32 v17, $0xDF;
	v26 =	vadd.s32 $0xFFFFFF20, v17;
	[tilespmem:s9+$0xD020] =	vst v19  }
0x211: {  	v17 =	vsel vm0, v26, v17;
	v27 =	vld.idx.msk [tilespmem:v15+s0+$0x0], $0xffff  }
0x212: {  	vm4 =	vlt.s32 v16, $0xDF;
	vm0 =	vlt.s32 v17, $0x2F  }
0x213: {  	v18 =	vadd.f32 s10, v25;
	v16 =	vnsel vm4, $0xDF, v16;
	v17 =	vnsel vm0, $0x2F, v17  }
0x214: {  	v28 =	vand.u32 $0x7F, v16;
	v29 =	vshll.u32 v17, $0x8;
	v16 =	vshll.u32 v16, $0x3  }
0x215: {  	v17 =	vshll.u32 v17, $0x7;
	v21 =	vand.u32 $0xFFFFF800, v29;
	v16 =	vand.u32 $0xFFFFFC00, v16  }
0x216: {  	v30 =	vld [tilespmem:s9+$0x40];
	v31 =	vadd.f32 $-2.240000000e+02, v18;
	v17 =	vand.u32 $0x380, v17;
	v16 =	vadd.s32 v16, v21;
	[tilespmem:s9+$0xF020] =	vst v27  }
0x217: {  	v32 =	vadd.f32 $2.240000000e+02, v18;
	vm5 =	vge.f32 v18, $2.240000000e+02;
	v16 =	vor.u32 v17, v16;
	v15 =	vld.idx.msk [tilespmem:v15+s4+$0x0], $0xffff  }
0x218: {  	vm6 =	vlt.f32 v18, $0.0e+00;
	v18 =	vsel vm5, v31, v18;
	v16 =	vor.u32 v28, v16  }
0x219: {  	v17 =	vsel vm6, v32, v18  }
0x21a: {  	v17 =	vtrunc.f32 v17  }
0x21b: {  	v33 =	vadd.f32 v5, v30;
	v17 =	vcvt.f32.s32 v17  }
0x21c: {  	[tilespmem:s9+$0x11020] =	vst v15  }
0x21d: {  	vm8 =	vlt.s32 v17, $0xDF;
	v15 =	vadd.f32 $-2.240000000e+02, v33;
	v19 =	vld.idx.msk [tilespmem:v16+s1+$0x0], $0xffff  }
0x21e: {  	v34 =	vadd.f32 $2.240000000e+02, v33;
	vm7 =	vge.f32 v33, $2.240000000e+02;
	v17 =	vnsel vm8, $0xDF, v17  }
0x21f: {  	vm9 =	vlt.f32 v33, $0.0e+00;
	v17 =	vadd.s32 v0, v17;
	v15 =	vsel vm7, v15, v33  }
0x220: {  	v36 =	vld [tilespmem:s9+$0x2050];
	vm10 =	vlt.s32 v17, $0x0;
	v35 =	vadd.s32 $0xE0, v17;
	v15 =	vsel vm9, v34, v15  }
0x221: {  	v17 =	vsel vm10, v35, v17;
	v15 =	vtrunc.f32 v15  }
0x222: {  	vm0 =	vgt.s32 v17, $0xDF;
	v37 =	vadd.s32 $0xFFFFFF20, v17;
	v15 =	vcvt.f32.s32 v15;
	[tilespmem:s9+$0xD030] =	vst v19  }
0x223: {  	v17 =	vsel vm0, v37, v17;
	v38 =	vld.idx.msk [tilespmem:v16+s0+$0x0], $0xffff  }
0x224: {  	vm0 =	vlt.s32 v17, $0x2F;
	vm11 =	vlt.s32 v15, $0xDF  }
0x225: {  	v18 =	vadd.f32 s10, v36;
	v17 =	vnsel vm0, $0x2F, v17;
	v15 =	vnsel vm11, $0xDF, v15  }
0x226: {  	v40 =	vshll.u32 v17, $0x8;
	v39 =	vand.u32 $0x7F, v15;
	v15 =	vshll.u32 v15, $0x3  }
0x227: {  	v17 =	vshll.u32 v17, $0x7;
	v21 =	vand.u32 $0xFFFFF800, v40;
	v15 =	vand.u32 $0xFFFFFC00, v15  }
0x228: {  	v41 =	vld [tilespmem:s9+$0x50];
	v42 =	vadd.f32 $-2.240000000e+02, v18;
	v17 =	vand.u32 $0x380, v17;
	v15 =	vadd.s32 v15, v21;
	[tilespmem:s9+$0xF030] =	vst v38  }
0x229: {  	v43 =	vadd.f32 $2.240000000e+02, v18;
	vm12 =	vge.f32 v18, $2.240000000e+02;
	v15 =	vor.u32 v17, v15;
	v16 =	vld.idx.msk [tilespmem:v16+s4+$0x0], $0xffff  }
0x22a: {  	vm13 =	vlt.f32 v18, $0.0e+00;
	v18 =	vsel vm12, v42, v18;
	v15 =	vor.u32 v39, v15  }
0x22b: {  	v17 =	vsel vm13, v43, v18  }
0x22c: {  	v17 =	vtrunc.f32 v17  }
0x22d: {  	v44 =	vadd.f32 v6, v41;
	v17 =	vcvt.f32.s32 v17  }
0x22e: {  	[tilespmem:s9+$0x11030] =	vst v16  }
0x22f: {  	v45 =	vadd.f32 $-2.240000000e+02, v44;
	vm15 =	vlt.s32 v17, $0xDF;
	v19 =	vld.idx.msk [tilespmem:v15+s1+$0x0], $0xffff  }
0x230: {  	v46 =	vadd.f32 $2.240000000e+02, v44;
	vm14 =	vge.f32 v44, $2.240000000e+02;
	v17 =	vnsel vm15, $0xDF, v17  }
0x231: {  	vm4 =	vlt.f32 v44, $0.0e+00;
	v16 =	vsel vm14, v45, v44;
	v17 =	vadd.s32 v0, v17  }
0x232: {  	v48 =	vld [tilespmem:s9+$0x2060];
	v16 =	vsel vm4, v46, v16;
	vm5 =	vlt.s32 v17, $0x0;
	v47 =	vadd.s32 $0xE0, v17  }
0x233: {  	v16 =	vtrunc.f32 v16;
	v17 =	vsel vm5, v47, v17  }
0x234: {  	v16 =	vcvt.f32.s32 v16;
	vm0 =	vgt.s32 v17, $0xDF;
	v49 =	vadd.s32 $0xFFFFFF20, v17;
	[tilespmem:s9+$0xD040] =	vst v19  }
0x235: {  	v17 =	vsel vm0, v49, v17;
	v50 =	vld.idx.msk [tilespmem:v15+s0+$0x0], $0xffff  }
0x236: {  	vm6 =	vlt.s32 v16, $0xDF;
	vm0 =	vlt.s32 v17, $0x2F  }
0x237: {  	v18 =	vadd.f32 s10, v48;
	v16 =	vnsel vm6, $0xDF, v16;
	v17 =	vnsel vm0, $0x2F, v17  }
0x238: {  	v51 =	vand.u32 $0x7F, v16;
	v52 =	vshll.u32 v17, $0x8;
	v16 =	vshll.u32 v16, $0x3  }
0x239: {  	v17 =	vshll.u32 v17, $0x7;
	v21 =	vand.u32 $0xFFFFF800, v52;
	v16 =	vand.u32 $0xFFFFFC00, v16  }
0x23a: {  	v53 =	vld [tilespmem:s9+$0x60];
	v54 =	vadd.f32 $-2.240000000e+02, v18;
	v17 =	vand.u32 $0x380, v17;
	v16 =	vadd.s32 v16, v21;
	[tilespmem:s9+$0xF040] =	vst v50  }
0x23b: {  	v55 =	vadd.f32 $2.240000000e+02, v18;
	vm7 =	vge.f32 v18, $2.240000000e+02;
	v16 =	vor.u32 v17, v16;
	v15 =	vld.idx.msk [tilespmem:v15+s4+$0x0], $0xffff  }
0x23c: {  	vm8 =	vlt.f32 v18, $0.0e+00;
	v18 =	vsel vm7, v54, v18;
	v16 =	vor.u32 v51, v16  }
0x23d: {  	v17 =	vsel vm8, v55, v18  }
0x23e: {  	v17 =	vtrunc.f32 v17  }
0x23f: {  	v56 =	vadd.f32 v7, v53;
	v17 =	vcvt.f32.s32 v17  }
0x240: {  	[tilespmem:s9+$0x11040] =	vst v15  }
0x241: {  	vm10 =	vlt.s32 v17, $0xDF;
	v15 =	vadd.f32 $-2.240000000e+02, v56;
	v19 =	vld.idx.msk [tilespmem:v16+s1+$0x0], $0xffff  }
0x242: {  	v57 =	vadd.f32 $2.240000000e+02, v56;
	vm9 =	vge.f32 v56, $2.240000000e+02;
	v17 =	vnsel vm10, $0xDF, v17  }
0x243: {  	vm11 =	vlt.f32 v56, $0.0e+00;
	v17 =	vadd.s32 v0, v17;
	v15 =	vsel vm9, v15, v56  }
0x244: {  	v59 =	vld [tilespmem:s9+$0x2070];
	vm12 =	vlt.s32 v17, $0x0;
	v58 =	vadd.s32 $0xE0, v17;
	v15 =	vsel vm11, v57, v15  }
0x245: {  	v17 =	vsel vm12, v58, v17;
	v15 =	vtrunc.f32 v15  }
0x246: {  	vm0 =	vgt.s32 v17, $0xDF;
	v60 =	vadd.s32 $0xFFFFFF20, v17;
	v15 =	vcvt.f32.s32 v15;
	[tilespmem:s9+$0xD050] =	vst v19  }
0x247: {  	v17 =	vsel vm0, v60, v17;
	v61 =	vld.idx.msk [tilespmem:v16+s0+$0x0], $0xffff  }
0x248: {  	vm0 =	vlt.s32 v17, $0x2F;
	vm13 =	vlt.s32 v15, $0xDF  }
0x249: {  	v18 =	vadd.f32 s10, v59;
	v17 =	vnsel vm0, $0x2F, v17;
	v15 =	vnsel vm13, $0xDF, v15  }
0x24a: {  	v63 =	vshll.u32 v17, $0x8;
	v62 =	vand.u32 $0x7F, v15;
	v15 =	vshll.u32 v15, $0x3  }
0x24b: {  	v17 =	vshll.u32 v17, $0x7;
	v21 =	vand.u32 $0xFFFFF800, v63;
	v15 =	vand.u32 $0xFFFFFC00, v15  }
0x24c: {  	v24 =	vld [tilespmem:s9+$0x70];
	v25 =	vadd.f32 $-2.240000000e+02, v18;
	v17 =	vand.u32 $0x380, v17;
	v15 =	vadd.s32 v15, v21;
	[tilespmem:s9+$0xF050] =	vst v61  }
0x24d: {  	v26 =	vadd.f32 $2.240000000e+02, v18;
	vm14 =	vge.f32 v18, $2.240000000e+02;
	v15 =	vor.u32 v17, v15;
	v16 =	vld.idx.msk [tilespmem:v16+s4+$0x0], $0xffff  }
0x24e: {  	vm15 =	vlt.f32 v18, $0.0e+00;
	v18 =	vsel vm14, v25, v18;
	v15 =	vor.u32 v62, v15  }
0x24f: {  	v17 =	vsel vm15, v26, v18  }
0x250: {  	v17 =	vtrunc.f32 v17  }
0x251: {  	v27 =	vadd.f32 v8, v24;
	v17 =	vcvt.f32.s32 v17  }
0x252: {  	[tilespmem:s9+$0x11050] =	vst v16  }
0x253: {  	v28 =	vadd.f32 $-2.240000000e+02, v27;
	vm5 =	vlt.s32 v17, $0xDF;
	v19 =	vld.idx.msk [tilespmem:v15+s1+$0x0], $0xffff  }
0x254: {  	v29 =	vadd.f32 $2.240000000e+02, v27;
	vm4 =	vge.f32 v27, $2.240000000e+02;
	v17 =	vnsel vm5, $0xDF, v17  }
0x255: {  	vm6 =	vlt.f32 v27, $0.0e+00;
	v16 =	vsel vm4, v28, v27;
	v17 =	vadd.s32 v0, v17  }
0x256: {  	v31 =	vld [tilespmem:s9+$0x2400];
	v16 =	vsel vm6, v29, v16;
	vm7 =	vlt.s32 v17, $0x0;
	v30 =	vadd.s32 $0xE0, v17  }
0x257: {  	v16 =	vtrunc.f32 v16;
	v17 =	vsel vm7, v30, v17  }
0x258: {  	v16 =	vcvt.f32.s32 v16;
	vm0 =	vgt.s32 v17, $0xDF;
	v32 =	vadd.s32 $0xFFFFFF20, v17;
	[tilespmem:s9+$0xD060] =	vst v19  }
0x259: {  	v17 =	vsel vm0, v32, v17;
	v33 =	vld.idx.msk [tilespmem:v15+s0+$0x0], $0xffff  }
0x25a: {  	vm8 =	vlt.s32 v16, $0xDF;
	vm0 =	vlt.s32 v17, $0x2F  }
0x25b: {  	v18 =	vadd.f32 s10, v31;
	v16 =	vnsel vm8, $0xDF, v16;
	v17 =	vnsel vm0, $0x2F, v17  }
0x25c: {  	v34 =	vand.u32 $0x7F, v16;
	v35 =	vshll.u32 v17, $0x8;
	v16 =	vshll.u32 v16, $0x3  }
0x25d: {  	v17 =	vshll.u32 v17, $0x7;
	v21 =	vand.u32 $0xFFFFF800, v35;
	v16 =	vand.u32 $0xFFFFFC00, v16  }
0x25e: {  	v36 =	vld [tilespmem:s9+$0x400];
	v37 =	vadd.f32 $-2.240000000e+02, v18;
	v17 =	vand.u32 $0x380, v17;
	v16 =	vadd.s32 v16, v21;
	[tilespmem:s9+$0xF060] =	vst v33  }
0x25f: {  	v38 =	vadd.f32 $2.240000000e+02, v18;
	vm9 =	vge.f32 v18, $2.240000000e+02;
	v16 =	vor.u32 v17, v16;
	v15 =	vld.idx.msk [tilespmem:v15+s4+$0x0], $0xffff  }
0x260: {  	vm10 =	vlt.f32 v18, $0.0e+00;
	v18 =	vsel vm9, v37, v18;
	v16 =	vor.u32 v34, v16  }
0x261: {  	v17 =	vsel vm10, v38, v18  }
0x262: {  	v17 =	vtrunc.f32 v17  }
0x263: {  	v39 =	vadd.f32 v9, v36;
	v17 =	vcvt.f32.s32 v17  }
0x264: {  	[tilespmem:s9+$0x11060] =	vst v15  }
0x265: {  	vm12 =	vlt.s32 v17, $0xDF;
	v15 =	vadd.f32 $-2.240000000e+02, v39;
	v19 =	vld.idx.msk [tilespmem:v16+s1+$0x0], $0xffff  }
0x266: {  	v40 =	vadd.f32 $2.240000000e+02, v39;
	vm11 =	vge.f32 v39, $2.240000000e+02;
	v17 =	vnsel vm12, $0xDF, v17  }
0x267: {  	vm13 =	vlt.f32 v39, $0.0e+00;
	v17 =	vadd.s32 v0, v17;
	v15 =	vsel vm11, v15, v39  }
0x268: {  	v42 =	vld [tilespmem:s9+$0x2410];
	vm14 =	vlt.s32 v17, $0x0;
	v41 =	vadd.s32 $0xE0, v17;
	v15 =	vsel vm13, v40, v15  }
0x269: {  	v17 =	vsel vm14, v41, v17;
	v15 =	vtrunc.f32 v15  }
0x26a: {  	vm0 =	vgt.s32 v17, $0xDF;
	v43 =	vadd.s32 $0xFFFFFF20, v17;
	v15 =	vcvt.f32.s32 v15;
	[tilespmem:s9+$0xD070] =	vst v19  }
0x26b: {  	v17 =	vsel vm0, v43, v17;
	v44 =	vld.idx.msk [tilespmem:v16+s0+$0x0], $0xffff  }
0x26c: {  	vm0 =	vlt.s32 v17, $0x2F;
	vm15 =	vlt.s32 v15, $0xDF  }
0x26d: {  	v18 =	vadd.f32 s10, v42;
	v17 =	vnsel vm0, $0x2F, v17;
	v15 =	vnsel vm15, $0xDF, v15  }
0x26e: {  	v46 =	vshll.u32 v17, $0x8;
	v45 =	vand.u32 $0x7F, v15;
	v15 =	vshll.u32 v15, $0x3  }
0x26f: {  	v17 =	vshll.u32 v17, $0x7;
	v21 =	vand.u32 $0xFFFFF800, v46;
	v15 =	vand.u32 $0xFFFFFC00, v15  }
0x270: {  	v47 =	vld [tilespmem:s9+$0x410];
	v48 =	vadd.f32 $-2.240000000e+02, v18;
	v17 =	vand.u32 $0x380, v17;
	v15 =	vadd.s32 v15, v21;
	[tilespmem:s9+$0xF070] =	vst v44  }
0x271: {  	v49 =	vadd.f32 $2.240000000e+02, v18;
	vm4 =	vge.f32 v18, $2.240000000e+02;
	v15 =	vor.u32 v17, v15;
	v16 =	vld.idx.msk [tilespmem:v16+s4+$0x0], $0xffff  }
0x272: {  	vm5 =	vlt.f32 v18, $0.0e+00;
	v18 =	vsel vm4, v48, v18;
	v15 =	vor.u32 v45, v15  }
0x273: {  	v17 =	vsel vm5, v49, v18  }
0x274: {  	v17 =	vtrunc.f32 v17  }
0x275: {  	v50 =	vadd.f32 v10, v47;
	v17 =	vcvt.f32.s32 v17  }
0x276: {  	[tilespmem:s9+$0x11070] =	vst v16  }
0x277: {  	v51 =	vadd.f32 $-2.240000000e+02, v50;
	vm7 =	vlt.s32 v17, $0xDF;
	v19 =	vld.idx.msk [tilespmem:v15+s1+$0x0], $0xffff  }
0x278: {  	v52 =	vadd.f32 $2.240000000e+02, v50;
	vm6 =	vge.f32 v50, $2.240000000e+02;
	v17 =	vnsel vm7, $0xDF, v17  }
0x279: {  	vm8 =	vlt.f32 v50, $0.0e+00;
	v16 =	vsel vm6, v51, v50;
	v17 =	vadd.s32 v0, v17  }
0x27a: {  	v54 =	vld [tilespmem:s9+$0x2420];
	v16 =	vsel vm8, v52, v16;
	vm9 =	vlt.s32 v17, $0x0;
	v53 =	vadd.s32 $0xE0, v17  }
0x27b: {  	v16 =	vtrunc.f32 v16;
	v17 =	vsel vm9, v53, v17  }
0x27c: {  	v16 =	vcvt.f32.s32 v16;
	vm0 =	vgt.s32 v17, $0xDF;
	v55 =	vadd.s32 $0xFFFFFF20, v17;
	[tilespmem:s9+$0xD400] =	vst v19  }
0x27d: {  	v17 =	vsel vm0, v55, v17;
	v56 =	vld.idx.msk [tilespmem:v15+s0+$0x0], $0xffff  }
0x27e: {  	vm10 =	vlt.s32 v16, $0xDF;
	vm0 =	vlt.s32 v17, $0x2F  }
0x27f: {  	v18 =	vadd.f32 s10, v54;
	v16 =	vnsel vm10, $0xDF, v16;
	v17 =	vnsel vm0, $0x2F, v17  }
0x280: {  	v57 =	vand.u32 $0x7F, v16;
	v58 =	vshll.u32 v17, $0x8;
	v16 =	vshll.u32 v16, $0x3  }
0x281: {  	v17 =	vshll.u32 v17, $0x7;
	v21 =	vand.u32 $0xFFFFF800, v58;
	v16 =	vand.u32 $0xFFFFFC00, v16  }
0x282: {  	v59 =	vld [tilespmem:s9+$0x420];
	v60 =	vadd.f32 $-2.240000000e+02, v18;
	v17 =	vand.u32 $0x380, v17;
	v16 =	vadd.s32 v16, v21;
	[tilespmem:s9+$0xF400] =	vst v56  }
0x283: {  	v61 =	vadd.f32 $2.240000000e+02, v18;
	vm11 =	vge.f32 v18, $2.240000000e+02;
	v16 =	vor.u32 v17, v16;
	v15 =	vld.idx.msk [tilespmem:v15+s4+$0x0], $0xffff  }
0x284: {  	vm12 =	vlt.f32 v18, $0.0e+00;
	v18 =	vsel vm11, v60, v18;
	v16 =	vor.u32 v57, v16  }
0x285: {  	v17 =	vsel vm12, v61, v18  }
0x286: {  	v17 =	vtrunc.f32 v17  }
0x287: {  	v62 =	vadd.f32 v11, v59;
	v17 =	vcvt.f32.s32 v17  }
0x288: {  	[tilespmem:s9+$0x11400] =	vst v15  }
0x289: {  	vm14 =	vlt.s32 v17, $0xDF;
	v15 =	vadd.f32 $-2.240000000e+02, v62;
	v19 =	vld.idx.msk [tilespmem:v16+s1+$0x0], $0xffff  }
0x28a: {  	v63 =	vadd.f32 $2.240000000e+02, v62;
	vm13 =	vge.f32 v62, $2.240000000e+02;
	v17 =	vnsel vm14, $0xDF, v17  }
0x28b: {  	vm15 =	vlt.f32 v62, $0.0e+00;
	v17 =	vadd.s32 v0, v17;
	v15 =	vsel vm13, v15, v62  }
0x28c: {  	v24 =	vld [tilespmem:s9+$0x2430];
	vm4 =	vlt.s32 v17, $0x0;
	v23 =	vadd.s32 $0xE0, v17;
	v15 =	vsel vm15, v63, v15  }
0x28d: {  	v17 =	vsel vm4, v23, v17;
	v15 =	vtrunc.f32 v15  }
0x28e: {  	vm0 =	vgt.s32 v17, $0xDF;
	v25 =	vadd.s32 $0xFFFFFF20, v17;
	v15 =	vcvt.f32.s32 v15;
	[tilespmem:s9+$0xD410] =	vst v19  }
0x28f: {  	v17 =	vsel vm0, v25, v17;
	v26 =	vld.idx.msk [tilespmem:v16+s0+$0x0], $0xffff  }
0x290: {  	vm0 =	vlt.s32 v17, $0x2F;
	vm5 =	vlt.s32 v15, $0xDF  }
0x291: {  	v18 =	vadd.f32 s10, v24;
	v17 =	vnsel vm0, $0x2F, v17;
	v15 =	vnsel vm5, $0xDF, v15  }
0x292: {  	v28 =	vshll.u32 v17, $0x8;
	v27 =	vand.u32 $0x7F, v15;
	v15 =	vshll.u32 v15, $0x3  }
0x293: {  	v17 =	vshll.u32 v17, $0x7;
	v21 =	vand.u32 $0xFFFFF800, v28;
	v15 =	vand.u32 $0xFFFFFC00, v15  }
0x294: {  	v29 =	vld [tilespmem:s9+$0x430];
	v30 =	vadd.f32 $-2.240000000e+02, v18;
	v17 =	vand.u32 $0x380, v17;
	v15 =	vadd.s32 v15, v21;
	[tilespmem:s9+$0xF410] =	vst v26  }
0x295: {  	v31 =	vadd.f32 $2.240000000e+02, v18;
	vm6 =	vge.f32 v18, $2.240000000e+02;
	v15 =	vor.u32 v17, v15;
	v16 =	vld.idx.msk [tilespmem:v16+s4+$0x0], $0xffff  }
0x296: {  	vm7 =	vlt.f32 v18, $0.0e+00;
	v18 =	vsel vm6, v30, v18;
	v15 =	vor.u32 v27, v15  }
0x297: {  	v17 =	vsel vm7, v31, v18  }
0x298: {  	v17 =	vtrunc.f32 v17  }
0x299: {  	v32 =	vadd.f32 v12, v29;
	v17 =	vcvt.f32.s32 v17  }
0x29a: {  	[tilespmem:s9+$0x11410] =	vst v16  }
0x29b: {  	v33 =	vadd.f32 $-2.240000000e+02, v32;
	vm9 =	vlt.s32 v17, $0xDF;
	v19 =	vld.idx.msk [tilespmem:v15+s1+$0x0], $0xffff  }
0x29c: {  	v34 =	vadd.f32 $2.240000000e+02, v32;
	vm8 =	vge.f32 v32, $2.240000000e+02;
	v17 =	vnsel vm9, $0xDF, v17  }
0x29d: {  	vm10 =	vlt.f32 v32, $0.0e+00;
	v16 =	vsel vm8, v33, v32;
	v17 =	vadd.s32 v0, v17  }
0x29e: {  	v36 =	vld [tilespmem:s9+$0x2440];
	v16 =	vsel vm10, v34, v16;
	vm11 =	vlt.s32 v17, $0x0;
	v35 =	vadd.s32 $0xE0, v17  }
0x29f: {  	v16 =	vtrunc.f32 v16;
	v17 =	vsel vm11, v35, v17  }
0x2a0: {  	v16 =	vcvt.f32.s32 v16;
	vm0 =	vgt.s32 v17, $0xDF;
	v37 =	vadd.s32 $0xFFFFFF20, v17;
	[tilespmem:s9+$0xD420] =	vst v19  }
0x2a1: {  	v17 =	vsel vm0, v37, v17;
	v38 =	vld.idx.msk [tilespmem:v15+s0+$0x0], $0xffff  }
0x2a2: {  	vm12 =	vlt.s32 v16, $0xDF;
	vm0 =	vlt.s32 v17, $0x2F  }
0x2a3: {  	v18 =	vadd.f32 s10, v36;
	v16 =	vnsel vm12, $0xDF, v16;
	v17 =	vnsel vm0, $0x2F, v17  }
0x2a4: {  	v39 =	vand.u32 $0x7F, v16;
	v40 =	vshll.u32 v17, $0x8;
	v16 =	vshll.u32 v16, $0x3  }
0x2a5: {  	v17 =	vshll.u32 v17, $0x7;
	v21 =	vand.u32 $0xFFFFF800, v40;
	v16 =	vand.u32 $0xFFFFFC00, v16  }
0x2a6: {  	v41 =	vld [tilespmem:s9+$0x440];
	v42 =	vadd.f32 $-2.240000000e+02, v18;
	v17 =	vand.u32 $0x380, v17;
	v16 =	vadd.s32 v16, v21;
	[tilespmem:s9+$0xF420] =	vst v38  }
0x2a7: {  	v43 =	vadd.f32 $2.240000000e+02, v18;
	vm13 =	vge.f32 v18, $2.240000000e+02;
	v16 =	vor.u32 v17, v16;
	v15 =	vld.idx.msk [tilespmem:v15+s4+$0x0], $0xffff  }
0x2a8: {  	vm14 =	vlt.f32 v18, $0.0e+00;
	v18 =	vsel vm13, v42, v18;
	v16 =	vor.u32 v39, v16  }
0x2a9: {  	v17 =	vsel vm14, v43, v18  }
0x2aa: {  	v17 =	vtrunc.f32 v17  }
0x2ab: {  	v44 =	vadd.f32 v13, v41;
	v17 =	vcvt.f32.s32 v17  }
0x2ac: {  	[tilespmem:s9+$0x11420] =	vst v15  }
0x2ad: {  	vm4 =	vlt.s32 v17, $0xDF;
	v15 =	vadd.f32 $-2.240000000e+02, v44;
	v19 =	vld.idx.msk [tilespmem:v16+s1+$0x0], $0xffff  }
0x2ae: {  	v45 =	vadd.f32 $2.240000000e+02, v44;
	vm15 =	vge.f32 v44, $2.240000000e+02;
	v17 =	vnsel vm4, $0xDF, v17  }
0x2af: {  	vm5 =	vlt.f32 v44, $0.0e+00;
	v17 =	vadd.s32 v0, v17;
	v15 =	vsel vm15, v15, v44  }
0x2b0: {  	v47 =	vld [tilespmem:s9+$0x2450];
	vm6 =	vlt.s32 v17, $0x0;
	v46 =	vadd.s32 $0xE0, v17;
	v15 =	vsel vm5, v45, v15  }
0x2b1: {  	v17 =	vsel vm6, v46, v17;
	v15 =	vtrunc.f32 v15  }
0x2b2: {  	vm0 =	vgt.s32 v17, $0xDF;
	v48 =	vadd.s32 $0xFFFFFF20, v17;
	v15 =	vcvt.f32.s32 v15;
	[tilespmem:s9+$0xD430] =	vst v19  }
0x2b3: {  	v17 =	vsel vm0, v48, v17;
	v49 =	vld.idx.msk [tilespmem:v16+s0+$0x0], $0xffff  }
0x2b4: {  	vm0 =	vlt.s32 v17, $0x2F;
	vm7 =	vlt.s32 v15, $0xDF  }
0x2b5: {  	v18 =	vadd.f32 s10, v47;
	v17 =	vnsel vm0, $0x2F, v17;
	v15 =	vnsel vm7, $0xDF, v15  }
0x2b6: {  	v51 =	vshll.u32 v17, $0x8;
	v50 =	vand.u32 $0x7F, v15;
	v15 =	vshll.u32 v15, $0x3  }
0x2b7: {  	v17 =	vshll.u32 v17, $0x7;
	v21 =	vand.u32 $0xFFFFF800, v51;
	v15 =	vand.u32 $0xFFFFFC00, v15  }
0x2b8: {  	v52 =	vld [tilespmem:s9+$0x450];
	v53 =	vadd.f32 $-2.240000000e+02, v18;
	v17 =	vand.u32 $0x380, v17;
	v15 =	vadd.s32 v15, v21;
	[tilespmem:s9+$0xF430] =	vst v49  }
0x2b9: {  	v54 =	vadd.f32 $2.240000000e+02, v18;
	vm8 =	vge.f32 v18, $2.240000000e+02;
	v15 =	vor.u32 v17, v15;
	v16 =	vld.idx.msk [tilespmem:v16+s4+$0x0], $0xffff  }
0x2ba: {  	vm9 =	vlt.f32 v18, $0.0e+00;
	v55 =	vsel vm8, v53, v18;
	v15 =	vor.u32 v50, v15  }
0x2bb: {  	v17 =	vsel vm9, v54, v55  }
0x2bc: {  	v17 =	vtrunc.f32 v17  }
0x2bd: {  	v56 =	vadd.f32 v14, v52;
	v17 =	vcvt.f32.s32 v17  }
0x2be: {  	[tilespmem:s9+$0x11430] =	vst v16  }
0x2bf: {  	v57 =	vadd.f32 $-2.240000000e+02, v56;
	vm10 =	vlt.s32 v17, $0xDF;
	v16 =	vld.idx.msk [tilespmem:v15+s1+$0x0], $0xffff  }
0x2c0: {  	v20 =	vadd.f32 $2.240000000e+02, v56;
	vm11 =	vge.f32 v56, $2.240000000e+02;
	v17 =	vnsel vm10, $0xDF, v17  }
0x2c1: {  	vm12 =	vlt.f32 v56, $0.0e+00;
	v19 =	vsel vm11, v57, v56;
	v17 =	vadd.s32 v0, v17  }
0x2c2: {  	v18 =	vsel vm12, v20, v19;
	vm13 =	vlt.s32 v17, $0x0;
	v58 =	vadd.s32 $0xE0, v17  }
0x2c3: {  	v18 =	vtrunc.f32 v18;
	v17 =	vsel vm13, v58, v17  }
0x2c4: {  	v59 =	vcvt.f32.s32 v18;
	vm0 =	vgt.s32 v17, $0xDF;
	v60 =	vadd.s32 $0xFFFFFF20, v17;
	[tilespmem:s9+$0xD440] =	vst v16  }
0x2c5: {  	v17 =	vsel vm0, v60, v17;
	v61 =	vld.idx.msk [tilespmem:v15+s0+$0x0], $0xffff  }
0x2c6: {  	vm14 =	vlt.s32 v59, $0xDF;
	vm15 =	vlt.s32 v17, $0x2F  }
0x2c7: {  	v16 =	vnsel vm14, $0xDF, v59;
	v17 =	vnsel vm15, $0x2F, v17  }
0x2c8: {  	v62 =	vshll.u32 v17, $0x8;
	v63 =	vshll.u32 v16, $0x3  }
0x2c9: {  	v17 =	vshll.u32 v17, $0x7;
	v18 =	vand.u32 $0xFFFFF800, v62;
	v20 =	vand.u32 $0xFFFFFC00, v63  }
0x2ca: {  	v17 =	vand.u32 $0x380, v17;
	v18 =	vadd.s32 v20, v18;
	[tilespmem:s9+$0xF440] =	vst v61  }
0x2cb: {  	v16 =	vand.u32 $0x7F, v16;
	v17 =	vor.u32 v17, v18;
	v15 =	vld.idx.msk [tilespmem:v15+s4+$0x0], $0xffff  }
0x2cc: {  	v16 =	vor.u32 v16, v17;
	_ =	sdelay $0x3  }
0x2cd: {  	[tilespmem:s9+$0x11440] =	vst v15  }
0x2ce: {  	v15 =	vld.idx.msk [tilespmem:v16+s1+$0x0], $0xffff;
	_ =	sdelay $0x4  }
0x2cf: {  	[tilespmem:s9+$0xD450] =	vst v15  }
0x2d0: {  	v15 =	vld.idx.msk [tilespmem:v16+s0+$0x0], $0xffff;
	_ =	sdelay $0x4  }
0x2d1: {  	s7 =	sadd.s32 $0x2, s7;
	[tilespmem:s9+$0xF450] =	vst v15  }
0x2d2: {  	p0 =	slt.u32 s7, $0x1E;
	v15 =	vld.idx.msk [tilespmem:v16+s4+$0x0], $0xffff  }
.Ltmp1:
0x2d3: {  	_ = 	snop;
	(pc) =	sbr.rel @p0 .LBB2_3-.Ltmp1, $2  }
0x2d4: {  	_ =	sdelay $0x2  }
0x2d5: {  	s6 =	sadd.s32 $0x200, s6;
	s8 =	sadd.s32 $0x100, s8;
	[tilespmem:s9+$0x11450] =	vst v15  }
0x2d6: {  	s6 =	rddreg [dreg:$0x3];
	s7 =	simm.s32 $0xD000  }
0x2d7: {  	[hbm4b:s6+s2] =	stream.linear.scatter [tilespmem:s7], [sflag:$0x3], $0x2000, $0x38;
	[tilespmem:$0x13000] =	vst v63  }
0x2d8: {  	s9 =	rddreg [dreg:$0x4];
	s10 =	simm.s32 $0xF000  }
0x2d9: {  	[hbm4b:s9+s2] =	stream.linear.scatter [tilespmem:s10], [sflag:$0x3], $0x2000, $0x38;
	[tilespmem:$0x13000] =	vst v63  }
0x2da: {  	s11 =	rddreg [dreg:$0x5];
	s12 =	simm.s32 $0x11000  }
0x2db: {  	[hbm4b:s11+s2] =	stream.linear.scatter [tilespmem:s12], [sflag:$0x3], $0x2000, $0x38;
	[tilespmem:$0x13000] =	vst v63  }
0x2dc: {  	_ =	swait.ge [sflag:s30], $0x2000  }
0x2dd: {  	[sflag:s30] =	ssyncset.done $0x0  }
0x2de: {  	s5 =	sadd.s32 $0x1, s5;
	[sflag:s30] =	ssyncadd.s32 $0xFFFFE000  }
0x2df: {  	p0 =	sne.s32 s5, s29;
	_ =	swait.ge [sflag:s30], $0x2000  }
.Ltmp2:
0x2e0: {  	[sflag:s30] =	ssyncset.done $0x0;
	(pc) =	sbr.rel @p0 .LBB2_2-.Ltmp2, $4  }
0x2e1: {  	[sflag:s30] =	ssyncadd.s32 $0xFFFFE000  }
0x2e2: {  	_ =	swait.ge [sflag:s30], $0x2000  }
0x2e3: {  	[sflag:s30] =	ssyncset.done $0x0  }
0x2e4: {  	[sflag:s30] =	ssyncadd.s32 $0xFFFFE000  }
.LBB2_5:
0x2e5: {  	_ =	sfence.sel $0x180000  }
0x2e6: {  	[bflag:$0x0] =	sbarrier.arrive $0xFFFF  }
0x2e7: {  	_ =	strace $0x90000047  }
0x2e8: {  	s0 =	stileid.u32;
	[bflag:$0x2] =	sbarrier.arrive $0xFFFF  }
0x2e9: {  	p0 =	sne.s32 s0, $0x0;
	s0 =	rddreg [dreg:$0x2]  }
0x2ea: {  	s0 =	sadd.s32 @!p0 $0x100000, s0  }
0x2eb: {  	[sflag:s0] =	ssyncadd.tile.s32 @!p0 $0x1;
	_ =	shalt  }
.Lfunc_end2:
_tile_overlayer_lowered:
.L_overlay_start_2:
0x2ec: {  	(tag) =	ssettag $0x2  }
0x2ed: {  	s0 =	rddreg [dreg:$0x0];
	s2 =	stileid.u32  }
0x2ee: {  	s1 =	rddreg [dreg:$0x1];
	p0 =	sne.s32 s2, $0x0  }
0x2ef: {  	s3 =	rddreg [dreg:$0x2];
	[bflag:$0x3] =	sbarrier.arrive $0xFFFF;
	s2 =	simm.s32 @!p0 $0x1C04  }
0x2f0: {  	[timem:s3], [sflag:s2] =	dma.local @!p0 [hbm:s0], s1  }
0x2f1: {  	s0 =	simm.s32 @!p0 $0x4  }
0x2f2: {  	_ =	swait.ge @!p0 [sflag:s0], s1  }
0x2f3: {  	s1 =	ssub.s32 @!p0 $0x0, s1;
	[sflag:s0] =	ssyncset.done @!p0 $0x0  }
0x2f4: {  	[sflag:s0] =	ssyncadd.s32 @!p0 s1  }
0x2f5: {  	[bflag:$0x3] =	sbarrier.arrive $0xFFFF  }
0x2f6: {  	_ =	shalt  }

</sc_bundles>
